<compile_context>
chip_gen: v7x
topology: tpu7x:2x2x1
jax: 0.10.2.dev20260603
libtpu: 0.0.44.dev20260713+nightly
codegen_flags: <defaults>
</compile_context>

<pallas_src>
import functools

import jax
import jax.numpy as jnp
from jax import lax
from jax.experimental import pallas as pl
from jax.experimental.pallas import tpu as pltpu
from jax.experimental.pallas import tpu_sc as plsc

B = 16384
D = 64
NA = 100000
NW = 32
BPW = B // NW
CH = 128
HALF = BPW // 2
NCHH = HALF // CH
NVEC = HALF // 16

_mesh = plsc.VectorSubcoreMesh(core_axis_name="c", subcore_axis_name="s")


@functools.partial(
    pl.kernel,
    out_type=jax.ShapeDtypeStruct((B,), jnp.float32),
    mesh=_mesh,
    compiler_params=pltpu.CompilerParams(needs_layout_passes=False,
                                         use_tc_tiling_on_sc=False),
    scratch_types=[
        pltpu.VMEM((BPW,), jnp.int32),
        pltpu.VMEM((BPW,), jnp.int32),
        pltpu.VMEM((HALF, D), jnp.float32),
        pltpu.VMEM((HALF, D), jnp.float32),
        pltpu.VMEM((BPW,), jnp.float32),
        pltpu.VMEM((BPW,), jnp.float32),
        pltpu.VMEM((BPW,), jnp.float32),
        pltpu.SemaphoreType.DMA,
        pltpu.SemaphoreType.DMA,
        pltpu.SemaphoreType.DMA,
    ],
)
def _sc_kernel(users_hbm, artists_hbm, u_hbm, a_hbm, ub_hbm, ab_hbm,
               out_hbm, uidx, aidx, urows, arows, ubv, abv,
               outv, usem, asem, bsem):
    wid = lax.axis_index("s") * 2 + lax.axis_index("c")
    base = wid * BPW

    pltpu.sync_copy(users_hbm.at[pl.ds(base, BPW)], uidx)
    pltpu.sync_copy(artists_hbm.at[pl.ds(base, BPW)], aidx)

    bias_copies = []
    for k in range(BPW // CH):
        sl = pl.ds(k * CH, CH)
        bias_copies.append(
            pltpu.async_copy(ub_hbm.at[uidx.at[sl]], ubv.at[sl], bsem))
        bias_copies.append(
            pltpu.async_copy(ab_hbm.at[aidx.at[sl]], abv.at[sl], bsem))

    lane = lax.iota(jnp.int32, 16)

    for h in range(2):
        h0 = h * HALF

        row_copies = []
        for k in range(NCHH):
            isl = pl.ds(h0 + k * CH, CH)
            dsl = pl.ds(k * CH, CH)
            row_copies.append(
                pltpu.async_copy(u_hbm.at[uidx.at[isl]], urows.at[dsl], usem))
            row_copies.append(
                pltpu.async_copy(a_hbm.at[aidx.at[isl]], arows.at[dsl], asem))
        for c in row_copies:
            c.wait()
        if h == 0:
            for c in bias_copies:
                c.wait()

        def block_body(b, carry):
            r0 = b * 16
            rowv = r0 + lane
            gsl = pl.ds(h0 + r0, 16)
            acc = ubv[gsl] + abv[gsl]
            for j in range(D):
                fv = jnp.bitwise_and(lane + j, D - 1)
                uv = plsc.load_gather(urows, [rowv, fv])
                av = plsc.load_gather(arows, [rowv, fv])
                acc = acc + uv * av
            outv[gsl] = acc
            return carry

        lax.fori_loop(0, NVEC, block_body, 0)

    pltpu.sync_copy(outv, out_hbm.at[pl.ds(base, BPW)])


def kernel(cats, conts, u, a, ub, ab):
    users = cats[:, 0].astype(jnp.int32)
    artists = cats[:, 1].astype(jnp.int32)
    return _sc_kernel(users, artists, u[:NA], a,
                      ub[:NA].reshape(-1), ab.reshape(-1))

# --- scband reference (transcript-rebuilt; emitter-appended) ---
"""Pipeline reference for scband-recommender-11862699672126 (READ-ONLY COPY).

The authoritative reference and input builder live on the scoring server;
editing this copy changes nothing except your own understanding.
"""

import jax, jax.numpy as jnp
import numpy as np

NUM_USERS = 1000000
NUM_ARTISTS = 100000
NUM_FACTORS = 64
BATCH = 16384


def setup_inputs(seed: int = 0) -> dict:
    key = jax.random.key(seed)
    k1, k2, k3, k4, k5, k6, k7 = jax.random.split(key, 7)
    cats = jax.random.randint(k1, (BATCH, 2), 0, NUM_ARTISTS, dtype=jnp.int64) if jax.config.jax_enable_x64 else jax.random.randint(k1, (BATCH, 2), 0, NUM_ARTISTS).astype(jnp.int32)
    conts = jax.random.normal(k2, (BATCH, 1), dtype=jnp.float32)
    u = jax.random.uniform(k3, (NUM_USERS, NUM_FACTORS), dtype=jnp.float32, minval=-0.01, maxval=0.01)
    a = jax.random.uniform(k4, (NUM_ARTISTS, NUM_FACTORS), dtype=jnp.float32, minval=-0.01, maxval=0.01)
    ub = jax.random.uniform(k5, (NUM_USERS, 1), dtype=jnp.float32, minval=-0.01, maxval=0.01)
    ab = jax.random.uniform(k6, (NUM_ARTISTS, 1), dtype=jnp.float32, minval=-0.01, maxval=0.01)
    return {"cats": cats, "conts": conts, "u": u, "a": a, "ub": ub, "ab": ab}


def reference(cats, conts, u, a, ub, ab):
    users = cats[:, 0]
    artists = cats[:, 1]
    us = jnp.take(u, users, axis=0)
    art = jnp.take(a, artists, axis=0)
    dp = jnp.sum(us * art, axis=1)
    dpb = dp + jnp.take(ub, users, axis=0).squeeze() + jnp.take(ab, artists, axis=0).squeeze()
    return dpb

if __name__ == "__main__":
    import jax
    _d = setup_inputs()
    print(jax.jit(kernel)(*tuple(_d.values())))

</pallas_src>

<mosaic_0001>
#map = affine_map<(d0, d1) -> (0)>
#map1 = affine_map<(d0, d1) -> (0, 0)>
module attributes {stable_mosaic.version = 14 : i64} {
  func.func @_sc_kernel(%arg0: i32, %arg1: i32, %arg2: memref<16384xi32, #tpu.memory_space<hbm>>, %arg3: memref<16384xi32, #tpu.memory_space<hbm>>, %arg4: memref<100000x64xf32, #tpu.memory_space<hbm>>, %arg5: memref<100000x64xf32, #tpu.memory_space<hbm>>, %arg6: memref<100000xf32, #tpu.memory_space<hbm>>, %arg7: memref<100000xf32, #tpu.memory_space<hbm>>, %arg8: memref<16384xf32, #tpu.memory_space<hbm>>, %arg9: memref<512xi32, #tpu.memory_space<vmem>>, %arg10: memref<512xi32, #tpu.memory_space<vmem>>, %arg11: memref<256x64xf32, #tpu.memory_space<vmem>>, %arg12: memref<256x64xf32, #tpu.memory_space<vmem>>, %arg13: memref<512xf32, #tpu.memory_space<vmem>>, %arg14: memref<512xf32, #tpu.memory_space<vmem>>, %arg15: memref<512xf32, #tpu.memory_space<vmem>>, %arg16: memref<!tpu.dma_semaphore, #tpu.memory_space<semaphore_mem>>, %arg17: memref<!tpu.dma_semaphore, #tpu.memory_space<semaphore_mem>>, %arg18: memref<!tpu.dma_semaphore, #tpu.memory_space<semaphore_mem>>) attributes {dimension_semantics = [#tpu.dimension_semantics<core_parallel>, #tpu.dimension_semantics<subcore_parallel>], iteration_bounds = array<i64: 2, 16>, scalar_prefetch = 0 : i64, scratch_operands = 10 : i64, tpu.core_type = #tpu.core_type<sc_vector_subcore>, window_params = [{transform_indices = #map}, {transform_indices = #map}, {transform_indices = #map1}, {transform_indices = #map1}, {transform_indices = #map}, {transform_indices = #map}, {transform_indices = #map}]} {
    %mul3A = arith.constant 2 : i32
    %mul3A_0 = arith.muli %arg1, %mul3A : i32
    %add3A = arith.addi %mul3A_0, %arg0 : i32
    %mul3A_1 = arith.constant 512 : i32
    %mul3A_2 = arith.muli %add3A, %mul3A_1 : i32
    "tpu.region"() ({
      %run_scoped3A = tpu.sem_alloc : memref<!tpu.dma_semaphore, #tpu.memory_space<semaphore_mem>>
      %dma_start3A_236 = tpu.memref_slice %arg2[%mul3A_2] : memref<16384xi32, #tpu.memory_space<hbm>> -> memref<512xi32, #tpu.memory_space<hbm>>
      %dma_start3A_237 = tpu.memref_slice %arg2[%mul3A_2] : memref<16384xi32, #tpu.memory_space<hbm>> -> memref<512xi32, #tpu.memory_space<hbm>>
      tpu.enqueue_dma source(%dma_start3A_237 : memref<512xi32, #tpu.memory_space<hbm>>) target(%arg9 : memref<512xi32, #tpu.memory_space<vmem>>) target_semaphore(%run_scoped3A : memref<!tpu.dma_semaphore, #tpu.memory_space<semaphore_mem>>)
      %dma_wait3A_238 = tpu.memref_slice %arg2[%mul3A_2] : memref<16384xi32, #tpu.memory_space<hbm>> -> memref<512xi32, #tpu.memory_space<hbm>>
      %dma_wait3A_239 = tpu.memref_slice %arg2[%mul3A_2] : memref<16384xi32, #tpu.memory_space<hbm>> -> memref<512xi32, #tpu.memory_space<hbm>>
      tpu.wait_dma2 semaphore(%run_scoped3A : memref<!tpu.dma_semaphore, #tpu.memory_space<semaphore_mem>>) src(%dma_wait3A_239 : memref<512xi32, #tpu.memory_space<hbm>>) dst(%arg9 : memref<512xi32, #tpu.memory_space<vmem>>)
      tpu.yield
    }) : () -> ()
    "tpu.region"() ({
      %run_scoped3A = tpu.sem_alloc : memref<!tpu.dma_semaphore, #tpu.memory_space<semaphore_mem>>
      %dma_start3A_236 = tpu.memref_slice %arg3[%mul3A_2] : memref<16384xi32, #tpu.memory_space<hbm>> -> memref<512xi32, #tpu.memory_space<hbm>>
      %dma_start3A_237 = tpu.memref_slice %arg3[%mul3A_2] : memref<16384xi32, #tpu.memory_space<hbm>> -> memref<512xi32, #tpu.memory_space<hbm>>
      tpu.enqueue_dma source(%dma_start3A_237 : memref<512xi32, #tpu.memory_space<hbm>>) target(%arg10 : memref<512xi32, #tpu.memory_space<vmem>>) target_semaphore(%run_scoped3A : memref<!tpu.dma_semaphore, #tpu.memory_space<semaphore_mem>>)
      %dma_wait3A_238 = tpu.memref_slice %arg3[%mul3A_2] : memref<16384xi32, #tpu.memory_space<hbm>> -> memref<512xi32, #tpu.memory_space<hbm>>
      %dma_wait3A_239 = tpu.memref_slice %arg3[%mul3A_2] : memref<16384xi32, #tpu.memory_space<hbm>> -> memref<512xi32, #tpu.memory_space<hbm>>
      tpu.wait_dma2 semaphore(%run_scoped3A : memref<!tpu.dma_semaphore, #tpu.memory_space<semaphore_mem>>) src(%dma_wait3A_239 : memref<512xi32, #tpu.memory_space<hbm>>) dst(%arg10 : memref<512xi32, #tpu.memory_space<vmem>>)
      tpu.yield
    }) : () -> ()
    %dma_start3A = arith.constant 0 : i32
    %dma_start3A_3 = tpu.memref_slice %arg13[%dma_start3A] : memref<512xf32, #tpu.memory_space<vmem>> -> memref<128xf32, #tpu.memory_space<vmem>>
    %dma_start3A_4 = arith.constant 0 : i32
    %dma_start3A_5 = tpu.memref_slice %arg9[%dma_start3A_4] : memref<512xi32, #tpu.memory_space<vmem>> -> memref<128xi32, #tpu.memory_space<vmem>>
    %dma_start3A_6 = arith.constant 0 : i32
    %dma_start3A_7 = tpu.memref_slice %arg6[%dma_start3A_6] : memref<100000xf32, #tpu.memory_space<hbm>> -> memref<100000xf32, #tpu.memory_space<hbm>>
    tpu.enqueue_indirect_dma source(%dma_start3A_7 : memref<100000xf32, #tpu.memory_space<hbm>>) target(%dma_start3A_3 : memref<128xf32, #tpu.memory_space<vmem>>) offsets(%dma_start3A_5 : memref<128xi32, #tpu.memory_space<vmem>>) semaphore(%arg18 : memref<!tpu.dma_semaphore, #tpu.memory_space<semaphore_mem>>)
    %dma_start3A_8 = arith.constant 0 : i32
    %dma_start3A_9 = tpu.memref_slice %arg14[%dma_start3A_8] : memref<512xf32, #tpu.memory_space<vmem>> -> memref<128xf32, #tpu.memory_space<vmem>>
    %dma_start3A_10 = arith.constant 0 : i32
    %dma_start3A_11 = tpu.memref_slice %arg10[%dma_start3A_10] : memref<512xi32, #tpu.memory_space<vmem>> -> memref<128xi32, #tpu.memory_space<vmem>>
    %dma_start3A_12 = arith.constant 0 : i32
    %dma_start3A_13 = tpu.memref_slice %arg7[%dma_start3A_12] : memref<100000xf32, #tpu.memory_space<hbm>> -> memref<100000xf32, #tpu.memory_space<hbm>>
    tpu.enqueue_indirect_dma source(%dma_start3A_13 : memref<100000xf32, #tpu.memory_space<hbm>>) target(%dma_start3A_9 : memref<128xf32, #tpu.memory_space<vmem>>) offsets(%dma_start3A_11 : memref<128xi32, #tpu.memory_space<vmem>>) semaphore(%arg18 : memref<!tpu.dma_semaphore, #tpu.memory_space<semaphore_mem>>)
    %dma_start3A_14 = arith.constant 128 : i32
    %dma_start3A_15 = tpu.memref_slice %arg13[%dma_start3A_14] : memref<512xf32, #tpu.memory_space<vmem>> -> memref<128xf32, #tpu.memory_space<vmem>>
    %dma_start3A_16 = arith.constant 128 : i32
    %dma_start3A_17 = tpu.memref_slice %arg9[%dma_start3A_16] : memref<512xi32, #tpu.memory_space<vmem>> -> memref<128xi32, #tpu.memory_space<vmem>>
    %dma_start3A_18 = arith.constant 0 : i32
    %dma_start3A_19 = tpu.memref_slice %arg6[%dma_start3A_18] : memref<100000xf32, #tpu.memory_space<hbm>> -> memref<100000xf32, #tpu.memory_space<hbm>>
    tpu.enqueue_indirect_dma source(%dma_start3A_19 : memref<100000xf32, #tpu.memory_space<hbm>>) target(%dma_start3A_15 : memref<128xf32, #tpu.memory_space<vmem>>) offsets(%dma_start3A_17 : memref<128xi32, #tpu.memory_space<vmem>>) semaphore(%arg18 : memref<!tpu.dma_semaphore, #tpu.memory_space<semaphore_mem>>)
    %dma_start3A_20 = arith.constant 128 : i32
    %dma_start3A_21 = tpu.memref_slice %arg14[%dma_start3A_20] : memref<512xf32, #tpu.memory_space<vmem>> -> memref<128xf32, #tpu.memory_space<vmem>>
    %dma_start3A_22 = arith.constant 128 : i32
    %dma_start3A_23 = tpu.memref_slice %arg10[%dma_start3A_22] : memref<512xi32, #tpu.memory_space<vmem>> -> memref<128xi32, #tpu.memory_space<vmem>>
    %dma_start3A_24 = arith.constant 0 : i32
    %dma_start3A_25 = tpu.memref_slice %arg7[%dma_start3A_24] : memref<100000xf32, #tpu.memory_space<hbm>> -> memref<100000xf32, #tpu.memory_space<hbm>>
    tpu.enqueue_indirect_dma source(%dma_start3A_25 : memref<100000xf32, #tpu.memory_space<hbm>>) target(%dma_start3A_21 : memref<128xf32, #tpu.memory_space<vmem>>) offsets(%dma_start3A_23 : memref<128xi32, #tpu.memory_space<vmem>>) semaphore(%arg18 : memref<!tpu.dma_semaphore, #tpu.memory_space<semaphore_mem>>)
    %dma_start3A_26 = arith.constant 256 : i32
    %dma_start3A_27 = tpu.memref_slice %arg13[%dma_start3A_26] : memref<512xf32, #tpu.memory_space<vmem>> -> memref<128xf32, #tpu.memory_space<vmem>>
    %dma_start3A_28 = arith.constant 256 : i32
    %dma_start3A_29 = tpu.memref_slice %arg9[%dma_start3A_28] : memref<512xi32, #tpu.memory_space<vmem>> -> memref<128xi32, #tpu.memory_space<vmem>>
    %dma_start3A_30 = arith.constant 0 : i32
    %dma_start3A_31 = tpu.memref_slice %arg6[%dma_start3A_30] : memref<100000xf32, #tpu.memory_space<hbm>> -> memref<100000xf32, #tpu.memory_space<hbm>>
    tpu.enqueue_indirect_dma source(%dma_start3A_31 : memref<100000xf32, #tpu.memory_space<hbm>>) target(%dma_start3A_27 : memref<128xf32, #tpu.memory_space<vmem>>) offsets(%dma_start3A_29 : memref<128xi32, #tpu.memory_space<vmem>>) semaphore(%arg18 : memref<!tpu.dma_semaphore, #tpu.memory_space<semaphore_mem>>)
    %dma_start3A_32 = arith.constant 256 : i32
    %dma_start3A_33 = tpu.memref_slice %arg14[%dma_start3A_32] : memref<512xf32, #tpu.memory_space<vmem>> -> memref<128xf32, #tpu.memory_space<vmem>>
    %dma_start3A_34 = arith.constant 256 : i32
    %dma_start3A_35 = tpu.memref_slice %arg10[%dma_start3A_34] : memref<512xi32, #tpu.memory_space<vmem>> -> memref<128xi32, #tpu.memory_space<vmem>>
    %dma_start3A_36 = arith.constant 0 : i32
    %dma_start3A_37 = tpu.memref_slice %arg7[%dma_start3A_36] : memref<100000xf32, #tpu.memory_space<hbm>> -> memref<100000xf32, #tpu.memory_space<hbm>>
    tpu.enqueue_indirect_dma source(%dma_start3A_37 : memref<100000xf32, #tpu.memory_space<hbm>>) target(%dma_start3A_33 : memref<128xf32, #tpu.memory_space<vmem>>) offsets(%dma_start3A_35 : memref<128xi32, #tpu.memory_space<vmem>>) semaphore(%arg18 : memref<!tpu.dma_semaphore, #tpu.memory_space<semaphore_mem>>)
    %dma_start3A_38 = arith.constant 384 : i32
    %dma_start3A_39 = tpu.memref_slice %arg13[%dma_start3A_38] : memref<512xf32, #tpu.memory_space<vmem>> -> memref<128xf32, #tpu.memory_space<vmem>>
    %dma_start3A_40 = arith.constant 384 : i32
    %dma_start3A_41 = tpu.memref_slice %arg9[%dma_start3A_40] : memref<512xi32, #tpu.memory_space<vmem>> -> memref<128xi32, #tpu.memory_space<vmem>>
    %dma_start3A_42 = arith.constant 0 : i32
    %dma_start3A_43 = tpu.memref_slice %arg6[%dma_start3A_42] : memref<100000xf32, #tpu.memory_space<hbm>> -> memref<100000xf32, #tpu.memory_space<hbm>>
    tpu.enqueue_indirect_dma source(%dma_start3A_43 : memref<100000xf32, #tpu.memory_space<hbm>>) target(%dma_start3A_39 : memref<128xf32, #tpu.memory_space<vmem>>) offsets(%dma_start3A_41 : memref<128xi32, #tpu.memory_space<vmem>>) semaphore(%arg18 : memref<!tpu.dma_semaphore, #tpu.memory_space<semaphore_mem>>)
    %dma_start3A_44 = arith.constant 384 : i32
    %dma_start3A_45 = tpu.memref_slice %arg14[%dma_start3A_44] : memref<512xf32, #tpu.memory_space<vmem>> -> memref<128xf32, #tpu.memory_space<vmem>>
    %dma_start3A_46 = arith.constant 384 : i32
    %dma_start3A_47 = tpu.memref_slice %arg10[%dma_start3A_46] : memref<512xi32, #tpu.memory_space<vmem>> -> memref<128xi32, #tpu.memory_space<vmem>>
    %dma_start3A_48 = arith.constant 0 : i32
    %dma_start3A_49 = tpu.memref_slice %arg7[%dma_start3A_48] : memref<100000xf32, #tpu.memory_space<hbm>> -> memref<100000xf32, #tpu.memory_space<hbm>>
    tpu.enqueue_indirect_dma source(%dma_start3A_49 : memref<100000xf32, #tpu.memory_space<hbm>>) target(%dma_start3A_45 : memref<128xf32, #tpu.memory_space<vmem>>) offsets(%dma_start3A_47 : memref<128xi32, #tpu.memory_space<vmem>>) semaphore(%arg18 : memref<!tpu.dma_semaphore, #tpu.memory_space<semaphore_mem>>)
    %iota3A = tpu.iota {dimensions = array<i32: 0>} : vector<16xi32>
    %dma_start3A_50 = arith.constant 0 : i32
    %dma_start3A_51 = arith.constant 0 : i32
    %dma_start3A_52 = tpu.memref_slice %arg11[%dma_start3A_50, %dma_start3A_51] : memref<256x64xf32, #tpu.memory_space<vmem>> -> memref<128x64xf32, #tpu.memory_space<vmem>>
    %dma_start3A_53 = arith.constant 0 : i32
    %dma_start3A_54 = tpu.memref_slice %arg9[%dma_start3A_53] : memref<512xi32, #tpu.memory_space<vmem>> -> memref<128xi32, #tpu.memory_space<vmem>>
    %dma_start3A_55 = arith.constant 0 : i32
    %dma_start3A_56 = arith.constant 0 : i32
    %dma_start3A_57 = tpu.memref_slice %arg4[%dma_start3A_55, %dma_start3A_56] : memref<100000x64xf32, #tpu.memory_space<hbm>> -> memref<100000x64xf32, #tpu.memory_space<hbm>>
    tpu.enqueue_indirect_dma source(%dma_start3A_57 : memref<100000x64xf32, #tpu.memory_space<hbm>>) target(%dma_start3A_52 : memref<128x64xf32, #tpu.memory_space<vmem>>) offsets(%dma_start3A_54 : memref<128xi32, #tpu.memory_space<vmem>>) semaphore(%arg16 : memref<!tpu.dma_semaphore, #tpu.memory_space<semaphore_mem>>)
    %dma_start3A_58 = arith.constant 0 : i32
    %dma_start3A_59 = arith.constant 0 : i32
    %dma_start3A_60 = tpu.memref_slice %arg12[%dma_start3A_58, %dma_start3A_59] : memref<256x64xf32, #tpu.memory_space<vmem>> -> memref<128x64xf32, #tpu.memory_space<vmem>>
    %dma_start3A_61 = arith.constant 0 : i32
    %dma_start3A_62 = tpu.memref_slice %arg10[%dma_start3A_61] : memref<512xi32, #tpu.memory_space<vmem>> -> memref<128xi32, #tpu.memory_space<vmem>>
    %dma_start3A_63 = arith.constant 0 : i32
    %dma_start3A_64 = arith.constant 0 : i32
    %dma_start3A_65 = tpu.memref_slice %arg5[%dma_start3A_63, %dma_start3A_64] : memref<100000x64xf32, #tpu.memory_space<hbm>> -> memref<100000x64xf32, #tpu.memory_space<hbm>>
    tpu.enqueue_indirect_dma source(%dma_start3A_65 : memref<100000x64xf32, #tpu.memory_space<hbm>>) target(%dma_start3A_60 : memref<128x64xf32, #tpu.memory_space<vmem>>) offsets(%dma_start3A_62 : memref<128xi32, #tpu.memory_space<vmem>>) semaphore(%arg17 : memref<!tpu.dma_semaphore, #tpu.memory_space<semaphore_mem>>)
    %dma_start3A_66 = arith.constant 128 : i32
    %dma_start3A_67 = arith.constant 0 : i32
    %dma_start3A_68 = tpu.memref_slice %arg11[%dma_start3A_66, %dma_start3A_67] : memref<256x64xf32, #tpu.memory_space<vmem>> -> memref<128x64xf32, #tpu.memory_space<vmem>>
    %dma_start3A_69 = arith.constant 128 : i32
    %dma_start3A_70 = tpu.memref_slice %arg9[%dma_start3A_69] : memref<512xi32, #tpu.memory_space<vmem>> -> memref<128xi32, #tpu.memory_space<vmem>>
    %dma_start3A_71 = arith.constant 0 : i32
    %dma_start3A_72 = arith.constant 0 : i32
    %dma_start3A_73 = tpu.memref_slice %arg4[%dma_start3A_71, %dma_start3A_72] : memref<100000x64xf32, #tpu.memory_space<hbm>> -> memref<100000x64xf32, #tpu.memory_space<hbm>>
    tpu.enqueue_indirect_dma source(%dma_start3A_73 : memref<100000x64xf32, #tpu.memory_space<hbm>>) target(%dma_start3A_68 : memref<128x64xf32, #tpu.memory_space<vmem>>) offsets(%dma_start3A_70 : memref<128xi32, #tpu.memory_space<vmem>>) semaphore(%arg16 : memref<!tpu.dma_semaphore, #tpu.memory_space<semaphore_mem>>)
    %dma_start3A_74 = arith.constant 128 : i32
    %dma_start3A_75 = arith.constant 0 : i32
    %dma_start3A_76 = tpu.memref_slice %arg12[%dma_start3A_74, %dma_start3A_75] : memref<256x64xf32, #tpu.memory_space<vmem>> -> memref<128x64xf32, #tpu.memory_space<vmem>>
    %dma_start3A_77 = arith.constant 128 : i32
    %dma_start3A_78 = tpu.memref_slice %arg10[%dma_start3A_77] : memref<512xi32, #tpu.memory_space<vmem>> -> memref<128xi32, #tpu.memory_space<vmem>>
    %dma_start3A_79 = arith.constant 0 : i32
    %dma_start3A_80 = arith.constant 0 : i32
    %dma_start3A_81 = tpu.memref_slice %arg5[%dma_start3A_79, %dma_start3A_80] : memref<100000x64xf32, #tpu.memory_space<hbm>> -> memref<100000x64xf32, #tpu.memory_space<hbm>>
    tpu.enqueue_indirect_dma source(%dma_start3A_81 : memref<100000x64xf32, #tpu.memory_space<hbm>>) target(%dma_start3A_76 : memref<128x64xf32, #tpu.memory_space<vmem>>) offsets(%dma_start3A_78 : memref<128xi32, #tpu.memory_space<vmem>>) semaphore(%arg17 : memref<!tpu.dma_semaphore, #tpu.memory_space<semaphore_mem>>)
    %dma_wait3A = arith.constant 0 : i32
    %dma_wait3A_82 = arith.constant 0 : i32
    %dma_wait3A_83 = tpu.memref_slice %arg11[%dma_wait3A, %dma_wait3A_82] : memref<256x64xf32, #tpu.memory_space<vmem>> -> memref<128x64xf32, #tpu.memory_space<vmem>>
    %dma_wait3A_84 = arith.constant 0 : i32
    %dma_wait3A_85 = tpu.memref_slice %arg9[%dma_wait3A_84] : memref<512xi32, #tpu.memory_space<vmem>> -> memref<128xi32, #tpu.memory_space<vmem>>
    %dma_wait3A_86 = arith.constant 0 : i32
    %dma_wait3A_87 = arith.constant 0 : i32
    %dma_wait3A_88 = tpu.memref_slice %arg4[%dma_wait3A_86, %dma_wait3A_87] : memref<100000x64xf32, #tpu.memory_space<hbm>> -> memref<100000x64xf32, #tpu.memory_space<hbm>>
    tpu.wait_indirect_dma semaphore(%arg16 : memref<!tpu.dma_semaphore, #tpu.memory_space<semaphore_mem>>) src(%dma_wait3A_88 : memref<100000x64xf32, #tpu.memory_space<hbm>>) dst(%dma_wait3A_83 : memref<128x64xf32, #tpu.memory_space<vmem>>)
    %dma_wait3A_89 = arith.constant 0 : i32
    %dma_wait3A_90 = arith.constant 0 : i32
    %dma_wait3A_91 = tpu.memref_slice %arg12[%dma_wait3A_89, %dma_wait3A_90] : memref<256x64xf32, #tpu.memory_space<vmem>> -> memref<128x64xf32, #tpu.memory_space<vmem>>
    %dma_wait3A_92 = arith.constant 0 : i32
    %dma_wait3A_93 = tpu.memref_slice %arg10[%dma_wait3A_92] : memref<512xi32, #tpu.memory_space<vmem>> -> memref<128xi32, #tpu.memory_space<vmem>>
    %dma_wait3A_94 = arith.constant 0 : i32
    %dma_wait3A_95 = arith.constant 0 : i32
    %dma_wait3A_96 = tpu.memref_slice %arg5[%dma_wait3A_94, %dma_wait3A_95] : memref<100000x64xf32, #tpu.memory_space<hbm>> -> memref<100000x64xf32, #tpu.memory_space<hbm>>
    tpu.wait_indirect_dma semaphore(%arg17 : memref<!tpu.dma_semaphore, #tpu.memory_space<semaphore_mem>>) src(%dma_wait3A_96 : memref<100000x64xf32, #tpu.memory_space<hbm>>) dst(%dma_wait3A_91 : memref<128x64xf32, #tpu.memory_space<vmem>>)
    %dma_wait3A_97 = arith.constant 128 : i32
    %dma_wait3A_98 = arith.constant 0 : i32
    %dma_wait3A_99 = tpu.memref_slice %arg11[%dma_wait3A_97, %dma_wait3A_98] : memref<256x64xf32, #tpu.memory_space<vmem>> -> memref<128x64xf32, #tpu.memory_space<vmem>>
    %dma_wait3A_100 = arith.constant 128 : i32
    %dma_wait3A_101 = tpu.memref_slice %arg9[%dma_wait3A_100] : memref<512xi32, #tpu.memory_space<vmem>> -> memref<128xi32, #tpu.memory_space<vmem>>
    %dma_wait3A_102 = arith.constant 0 : i32
    %dma_wait3A_103 = arith.constant 0 : i32
    %dma_wait3A_104 = tpu.memref_slice %arg4[%dma_wait3A_102, %dma_wait3A_103] : memref<100000x64xf32, #tpu.memory_space<hbm>> -> memref<100000x64xf32, #tpu.memory_space<hbm>>
    tpu.wait_indirect_dma semaphore(%arg16 : memref<!tpu.dma_semaphore, #tpu.memory_space<semaphore_mem>>) src(%dma_wait3A_104 : memref<100000x64xf32, #tpu.memory_space<hbm>>) dst(%dma_wait3A_99 : memref<128x64xf32, #tpu.memory_space<vmem>>)
    %dma_wait3A_105 = arith.constant 128 : i32
    %dma_wait3A_106 = arith.constant 0 : i32
    %dma_wait3A_107 = tpu.memref_slice %arg12[%dma_wait3A_105, %dma_wait3A_106] : memref<256x64xf32, #tpu.memory_space<vmem>> -> memref<128x64xf32, #tpu.memory_space<vmem>>
    %dma_wait3A_108 = arith.constant 128 : i32
    %dma_wait3A_109 = tpu.memref_slice %arg10[%dma_wait3A_108] : memref<512xi32, #tpu.memory_space<vmem>> -> memref<128xi32, #tpu.memory_space<vmem>>
    %dma_wait3A_110 = arith.constant 0 : i32
    %dma_wait3A_111 = arith.constant 0 : i32
    %dma_wait3A_112 = tpu.memref_slice %arg5[%dma_wait3A_110, %dma_wait3A_111] : memref<100000x64xf32, #tpu.memory_space<hbm>> -> memref<100000x64xf32, #tpu.memory_space<hbm>>
    tpu.wait_indirect_dma semaphore(%arg17 : memref<!tpu.dma_semaphore, #tpu.memory_space<semaphore_mem>>) src(%dma_wait3A_112 : memref<100000x64xf32, #tpu.memory_space<hbm>>) dst(%dma_wait3A_107 : memref<128x64xf32, #tpu.memory_space<vmem>>)
    %dma_wait3A_113 = arith.constant 0 : i32
    %dma_wait3A_114 = tpu.memref_slice %arg13[%dma_wait3A_113] : memref<512xf32, #tpu.memory_space<vmem>> -> memref<128xf32, #tpu.memory_space<vmem>>
    %dma_wait3A_115 = arith.constant 0 : i32
    %dma_wait3A_116 = tpu.memref_slice %arg9[%dma_wait3A_115] : memref<512xi32, #tpu.memory_space<vmem>> -> memref<128xi32, #tpu.memory_space<vmem>>
    %dma_wait3A_117 = arith.constant 0 : i32
    %dma_wait3A_118 = tpu.memref_slice %arg6[%dma_wait3A_117] : memref<100000xf32, #tpu.memory_space<hbm>> -> memref<100000xf32, #tpu.memory_space<hbm>>
    tpu.wait_indirect_dma semaphore(%arg18 : memref<!tpu.dma_semaphore, #tpu.memory_space<semaphore_mem>>) src(%dma_wait3A_118 : memref<100000xf32, #tpu.memory_space<hbm>>) dst(%dma_wait3A_114 : memref<128xf32, #tpu.memory_space<vmem>>)
    %dma_wait3A_119 = arith.constant 0 : i32
    %dma_wait3A_120 = tpu.memref_slice %arg14[%dma_wait3A_119] : memref<512xf32, #tpu.memory_space<vmem>> -> memref<128xf32, #tpu.memory_space<vmem>>
    %dma_wait3A_121 = arith.constant 0 : i32
    %dma_wait3A_122 = tpu.memref_slice %arg10[%dma_wait3A_121] : memref<512xi32, #tpu.memory_space<vmem>> -> memref<128xi32, #tpu.memory_space<vmem>>
    %dma_wait3A_123 = arith.constant 0 : i32
    %dma_wait3A_124 = tpu.memref_slice %arg7[%dma_wait3A_123] : memref<100000xf32, #tpu.memory_space<hbm>> -> memref<100000xf32, #tpu.memory_space<hbm>>
    tpu.wait_indirect_dma semaphore(%arg18 : memref<!tpu.dma_semaphore, #tpu.memory_space<semaphore_mem>>) src(%dma_wait3A_124 : memref<100000xf32, #tpu.memory_space<hbm>>) dst(%dma_wait3A_120 : memref<128xf32, #tpu.memory_space<vmem>>)
    %dma_wait3A_125 = arith.constant 128 : i32
    %dma_wait3A_126 = tpu.memref_slice %arg13[%dma_wait3A_125] : memref<512xf32, #tpu.memory_space<vmem>> -> memref<128xf32, #tpu.memory_space<vmem>>
    %dma_wait3A_127 = arith.constant 128 : i32
    %dma_wait3A_128 = tpu.memref_slice %arg9[%dma_wait3A_127] : memref<512xi32, #tpu.memory_space<vmem>> -> memref<128xi32, #tpu.memory_space<vmem>>
    %dma_wait3A_129 = arith.constant 0 : i32
    %dma_wait3A_130 = tpu.memref_slice %arg6[%dma_wait3A_129] : memref<100000xf32, #tpu.memory_space<hbm>> -> memref<100000xf32, #tpu.memory_space<hbm>>
    tpu.wait_indirect_dma semaphore(%arg18 : memref<!tpu.dma_semaphore, #tpu.memory_space<semaphore_mem>>) src(%dma_wait3A_130 : memref<100000xf32, #tpu.memory_space<hbm>>) dst(%dma_wait3A_126 : memref<128xf32, #tpu.memory_space<vmem>>)
    %dma_wait3A_131 = arith.constant 128 : i32
    %dma_wait3A_132 = tpu.memref_slice %arg14[%dma_wait3A_131] : memref<512xf32, #tpu.memory_space<vmem>> -> memref<128xf32, #tpu.memory_space<vmem>>
    %dma_wait3A_133 = arith.constant 128 : i32
    %dma_wait3A_134 = tpu.memref_slice %arg10[%dma_wait3A_133] : memref<512xi32, #tpu.memory_space<vmem>> -> memref<128xi32, #tpu.memory_space<vmem>>
    %dma_wait3A_135 = arith.constant 0 : i32
    %dma_wait3A_136 = tpu.memref_slice %arg7[%dma_wait3A_135] : memref<100000xf32, #tpu.memory_space<hbm>> -> memref<100000xf32, #tpu.memory_space<hbm>>
    tpu.wait_indirect_dma semaphore(%arg18 : memref<!tpu.dma_semaphore, #tpu.memory_space<semaphore_mem>>) src(%dma_wait3A_136 : memref<100000xf32, #tpu.memory_space<hbm>>) dst(%dma_wait3A_132 : memref<128xf32, #tpu.memory_space<vmem>>)
    %dma_wait3A_137 = arith.constant 256 : i32
    %dma_wait3A_138 = tpu.memref_slice %arg13[%dma_wait3A_137] : memref<512xf32, #tpu.memory_space<vmem>> -> memref<128xf32, #tpu.memory_space<vmem>>
    %dma_wait3A_139 = arith.constant 256 : i32
    %dma_wait3A_140 = tpu.memref_slice %arg9[%dma_wait3A_139] : memref<512xi32, #tpu.memory_space<vmem>> -> memref<128xi32, #tpu.memory_space<vmem>>
    %dma_wait3A_141 = arith.constant 0 : i32
    %dma_wait3A_142 = tpu.memref_slice %arg6[%dma_wait3A_141] : memref<100000xf32, #tpu.memory_space<hbm>> -> memref<100000xf32, #tpu.memory_space<hbm>>
    tpu.wait_indirect_dma semaphore(%arg18 : memref<!tpu.dma_semaphore, #tpu.memory_space<semaphore_mem>>) src(%dma_wait3A_142 : memref<100000xf32, #tpu.memory_space<hbm>>) dst(%dma_wait3A_138 : memref<128xf32, #tpu.memory_space<vmem>>)
    %dma_wait3A_143 = arith.constant 256 : i32
    %dma_wait3A_144 = tpu.memref_slice %arg14[%dma_wait3A_143] : memref<512xf32, #tpu.memory_space<vmem>> -> memref<128xf32, #tpu.memory_space<vmem>>
    %dma_wait3A_145 = arith.constant 256 : i32
    %dma_wait3A_146 = tpu.memref_slice %arg10[%dma_wait3A_145] : memref<512xi32, #tpu.memory_space<vmem>> -> memref<128xi32, #tpu.memory_space<vmem>>
    %dma_wait3A_147 = arith.constant 0 : i32
    %dma_wait3A_148 = tpu.memref_slice %arg7[%dma_wait3A_147] : memref<100000xf32, #tpu.memory_space<hbm>> -> memref<100000xf32, #tpu.memory_space<hbm>>
    tpu.wait_indirect_dma semaphore(%arg18 : memref<!tpu.dma_semaphore, #tpu.memory_space<semaphore_mem>>) src(%dma_wait3A_148 : memref<100000xf32, #tpu.memory_space<hbm>>) dst(%dma_wait3A_144 : memref<128xf32, #tpu.memory_space<vmem>>)
    %dma_wait3A_149 = arith.constant 384 : i32
    %dma_wait3A_150 = tpu.memref_slice %arg13[%dma_wait3A_149] : memref<512xf32, #tpu.memory_space<vmem>> -> memref<128xf32, #tpu.memory_space<vmem>>
    %dma_wait3A_151 = arith.constant 384 : i32
    %dma_wait3A_152 = tpu.memref_slice %arg9[%dma_wait3A_151] : memref<512xi32, #tpu.memory_space<vmem>> -> memref<128xi32, #tpu.memory_space<vmem>>
    %dma_wait3A_153 = arith.constant 0 : i32
    %dma_wait3A_154 = tpu.memref_slice %arg6[%dma_wait3A_153] : memref<100000xf32, #tpu.memory_space<hbm>> -> memref<100000xf32, #tpu.memory_space<hbm>>
    tpu.wait_indirect_dma semaphore(%arg18 : memref<!tpu.dma_semaphore, #tpu.memory_space<semaphore_mem>>) src(%dma_wait3A_154 : memref<100000xf32, #tpu.memory_space<hbm>>) dst(%dma_wait3A_150 : memref<128xf32, #tpu.memory_space<vmem>>)
    %dma_wait3A_155 = arith.constant 384 : i32
    %dma_wait3A_156 = tpu.memref_slice %arg14[%dma_wait3A_155] : memref<512xf32, #tpu.memory_space<vmem>> -> memref<128xf32, #tpu.memory_space<vmem>>
    %dma_wait3A_157 = arith.constant 384 : i32
    %dma_wait3A_158 = tpu.memref_slice %arg10[%dma_wait3A_157] : memref<512xi32, #tpu.memory_space<vmem>> -> memref<128xi32, #tpu.memory_space<vmem>>
    %dma_wait3A_159 = arith.constant 0 : i32
    %dma_wait3A_160 = tpu.memref_slice %arg7[%dma_wait3A_159] : memref<100000xf32, #tpu.memory_space<hbm>> -> memref<100000xf32, #tpu.memory_space<hbm>>
    tpu.wait_indirect_dma semaphore(%arg18 : memref<!tpu.dma_semaphore, #tpu.memory_space<semaphore_mem>>) src(%dma_wait3A_160 : memref<100000xf32, #tpu.memory_space<hbm>>) dst(%dma_wait3A_156 : memref<128xf32, #tpu.memory_space<vmem>>)
    %scan3A = arith.constant 0 : i32
    %scan3A_161 = arith.constant 0 : i32
    %scan3A_162 = arith.constant 16 : i32
    %scan3A_163 = arith.addi %scan3A_161, %scan3A_162 : i32
    %scan3A_164 = arith.constant 1 : i32
    scf.for %scan3A_236 = %scan3A_161 to %scan3A_163 step %scan3A_164  : i32 {
      %mul3A_237 = arith.constant 16 : i32
      %mul3A_238 = arith.muli %scan3A_236, %mul3A_237 : i32
      %add3A_239 = vector.broadcast %mul3A_238 : i32 to vector<16xi32>
      %add3A_240 = arith.addi %add3A_239, %iota3A : vector<16xi32>
      %add3A_241 = arith.constant 0 : i32
      %add3A_242 = arith.addi %add3A_241, %mul3A_238 : i32
      %get3A = arith.index_cast %add3A_242 : i32 to index
      %get3A_243 = tpu.vector_load %arg13[%get3A] {strides = array<i32>} : memref<512xf32, #tpu.memory_space<vmem>>, vector<16xf32>,
      %get3A_244 = arith.index_cast %add3A_242 : i32 to index
      %get3A_245 = tpu.vector_load %arg14[%get3A_244] {strides = array<i32>} : memref<512xf32, #tpu.memory_space<vmem>>, vector<16xf32>,
      %add3A_246 = arith.addf %get3A_243, %get3A_245 : vector<16xf32>
      %add3A_247 = arith.constant 0 : i32
      %add3A_248 = vector.broadcast %add3A_247 : i32 to vector<16xi32>
      %add3A_249 = arith.addi %iota3A, %add3A_248 : vector<16xi32>
      %and3A = arith.constant 63 : i32
      %and3A_250 = vector.broadcast %and3A : i32 to vector<16xi32>
      %and3A_251 = arith.andi %add3A_249, %and3A_250 : vector<16xi32>
      %gather3A = tpu.vector_load_idx %arg11[%add3A_240, %and3A_251] : memref<256x64xf32, #tpu.memory_space<vmem>>[vector<16xi32>, vector<16xi32>], vector<16xf32>,
      %gather3A_252 = tpu.vector_load_idx %arg12[%add3A_240, %and3A_251] : memref<256x64xf32, #tpu.memory_space<vmem>>[vector<16xi32>, vector<16xi32>], vector<16xf32>,
      %mul3A_253 = arith.mulf %gather3A, %gather3A_252 : vector<16xf32>
      %add3A_254 = arith.addf %add3A_246, %mul3A_253 : vector<16xf32>
      %add3A_255 = arith.constant 1 : i32
      %add3A_256 = vector.broadcast %add3A_255 : i32 to vector<16xi32>
      %add3A_257 = arith.addi %iota3A, %add3A_256 : vector<16xi32>
      %and3A_258 = arith.constant 63 : i32
      %and3A_259 = vector.broadcast %and3A_258 : i32 to vector<16xi32>
      %and3A_260 = arith.andi %add3A_257, %and3A_259 : vector<16xi32>
      %gather3A_261 = tpu.vector_load_idx %arg11[%add3A_240, %and3A_260] : memref<256x64xf32, #tpu.memory_space<vmem>>[vector<16xi32>, vector<16xi32>], vector<16xf32>,
      %gather3A_262 = tpu.vector_load_idx %arg12[%add3A_240, %and3A_260] : memref<256x64xf32, #tpu.memory_space<vmem>>[vector<16xi32>, vector<16xi32>], vector<16xf32>,
      %mul3A_263 = arith.mulf %gather3A_261, %gather3A_262 : vector<16xf32>
      %add3A_264 = arith.addf %add3A_254, %mul3A_263 : vector<16xf32>
      %add3A_265 = arith.constant 2 : i32
      %add3A_266 = vector.broadcast %add3A_265 : i32 to vector<16xi32>
      %add3A_267 = arith.addi %iota3A, %add3A_266 : vector<16xi32>
      %and3A_268 = arith.constant 63 : i32
      %and3A_269 = vector.broadcast %and3A_268 : i32 to vector<16xi32>
      %and3A_270 = arith.andi %add3A_267, %and3A_269 : vector<16xi32>
      %gather3A_271 = tpu.vector_load_idx %arg11[%add3A_240, %and3A_270] : memref<256x64xf32, #tpu.memory_space<vmem>>[vector<16xi32>, vector<16xi32>], vector<16xf32>,
      %gather3A_272 = tpu.vector_load_idx %arg12[%add3A_240, %and3A_270] : memref<256x64xf32, #tpu.memory_space<vmem>>[vector<16xi32>, vector<16xi32>], vector<16xf32>,
      %mul3A_273 = arith.mulf %gather3A_271, %gather3A_272 : vector<16xf32>
      %add3A_274 = arith.addf %add3A_264, %mul3A_273 : vector<16xf32>
      %add3A_275 = arith.constant 3 : i32
      %add3A_276 = vector.broadcast %add3A_275 : i32 to vector<16xi32>
      %add3A_277 = arith.addi %iota3A, %add3A_276 : vector<16xi32>
      %and3A_278 = arith.constant 63 : i32
      %and3A_279 = vector.broadcast %and3A_278 : i32 to vector<16xi32>
      %and3A_280 = arith.andi %add3A_277, %and3A_279 : vector<16xi32>
      %gather3A_281 = tpu.vector_load_idx %arg11[%add3A_240, %and3A_280] : memref<256x64xf32, #tpu.memory_space<vmem>>[vector<16xi32>, vector<16xi32>], vector<16xf32>,
      %gather3A_282 = tpu.vector_load_idx %arg12[%add3A_240, %and3A_280] : memref<256x64xf32, #tpu.memory_space<vmem>>[vector<16xi32>, vector<16xi32>], vector<16xf32>,
      %mul3A_283 = arith.mulf %gather3A_281, %gather3A_282 : vector<16xf32>
      %add3A_284 = arith.addf %add3A_274, %mul3A_283 : vector<16xf32>
      %add3A_285 = arith.constant 4 : i32
      %add3A_286 = vector.broadcast %add3A_285 : i32 to vector<16xi32>
      %add3A_287 = arith.addi %iota3A, %add3A_286 : vector<16xi32>
      %and3A_288 = arith.constant 63 : i32
      %and3A_289 = vector.broadcast %and3A_288 : i32 to vector<16xi32>
      %and3A_290 = arith.andi %add3A_287, %and3A_289 : vector<16xi32>
      %gather3A_291 = tpu.vector_load_idx %arg11[%add3A_240, %and3A_290] : memref<256x64xf32, #tpu.memory_space<vmem>>[vector<16xi32>, vector<16xi32>], vector<16xf32>,
      %gather3A_292 = tpu.vector_load_idx %arg12[%add3A_240, %and3A_290] : memref<256x64xf32, #tpu.memory_space<vmem>>[vector<16xi32>, vector<16xi32>], vector<16xf32>,
      %mul3A_293 = arith.mulf %gather3A_291, %gather3A_292 : vector<16xf32>
      %add3A_294 = arith.addf %add3A_284, %mul3A_293 : vector<16xf32>
      %add3A_295 = arith.constant 5 : i32
      %add3A_296 = vector.broadcast %add3A_295 : i32 to vector<16xi32>
      %add3A_297 = arith.addi %iota3A, %add3A_296 : vector<16xi32>
      %and3A_298 = arith.constant 63 : i32
      %and3A_299 = vector.broadcast %and3A_298 : i32 to vector<16xi32>
      %and3A_300 = arith.andi %add3A_297, %and3A_299 : vector<16xi32>
      %gather3A_301 = tpu.vector_load_idx %arg11[%add3A_240, %and3A_300] : memref<256x64xf32, #tpu.memory_space<vmem>>[vector<16xi32>, vector<16xi32>], vector<16xf32>,
      %gather3A_302 = tpu.vector_load_idx %arg12[%add3A_240, %and3A_300] : memref<256x64xf32, #tpu.memory_space<vmem>>[vector<16xi32>, vector<16xi32>], vector<16xf32>,
      %mul3A_303 = arith.mulf %gather3A_301, %gather3A_302 : vector<16xf32>
      %add3A_304 = arith.addf %add3A_294, %mul3A_303 : vector<16xf32>
      %add3A_305 = arith.constant 6 : i32
      %add3A_306 = vector.broadcast %add3A_305 : i32 to vector<16xi32>
      %add3A_307 = arith.addi %iota3A, %add3A_306 : vector<16xi32>
      %and3A_308 = arith.constant 63 : i32
      %and3A_309 = vector.broadcast %and3A_308 : i32 to vector<16xi32>
      %and3A_310 = arith.andi %add3A_307, %and3A_309 : vector<16xi32>
      %gather3A_311 = tpu.vector_load_idx %arg11[%add3A_240, %and3A_310] : memref<256x64xf32, #tpu.memory_space<vmem>>[vector<16xi32>, vector<16xi32>], vector<16xf32>,
      %gather3A_312 = tpu.vector_load_idx %arg12[%add3A_240, %and3A_310] : memref<256x64xf32, #tpu.memory_space<vmem>>[vector<16xi32>, vector<16xi32>], vector<16xf32>,
      %mul3A_313 = arith.mulf %gather3A_311, %gather3A_312 : vector<16xf32>
      %add3A_314 = arith.addf %add3A_304, %mul3A_313 : vector<16xf32>
      %add3A_315 = arith.constant 7 : i32
      %add3A_316 = vector.broadcast %add3A_315 : i32 to vector<16xi32>
      %add3A_317 = arith.addi %iota3A, %add3A_316 : vector<16xi32>
      %and3A_318 = arith.constant 63 : i32
      %and3A_319 = vector.broadcast %and3A_318 : i32 to vector<16xi32>
      %and3A_320 = arith.andi %add3A_317, %and3A_319 : vector<16xi32>
      %gather3A_321 = tpu.vector_load_idx %arg11[%add3A_240, %and3A_320] : memref<256x64xf32, #tpu.memory_space<vmem>>[vector<16xi32>, vector<16xi32>], vector<16xf32>,
      %gather3A_322 = tpu.vector_load_idx %arg12[%add3A_240, %and3A_320] : memref<256x64xf32, #tpu.memory_space<vmem>>[vector<16xi32>, vector<16xi32>], vector<16xf32>,
      %mul3A_323 = arith.mulf %gather3A_321, %gather3A_322 : vector<16xf32>
      %add3A_324 = arith.addf %add3A_314, %mul3A_323 : vector<16xf32>
      %add3A_325 = arith.constant 8 : i32
      %add3A_326 = vector.broadcast %add3A_325 : i32 to vector<16xi32>
      %add3A_327 = arith.addi %iota3A, %add3A_326 : vector<16xi32>
      %and3A_328 = arith.constant 63 : i32
      %and3A_329 = vector.broadcast %and3A_328 : i32 to vector<16xi32>
      %and3A_330 = arith.andi %add3A_327, %and3A_329 : vector<16xi32>
      %gather3A_331 = tpu.vector_load_idx %arg11[%add3A_240, %and3A_330] : memref<256x64xf32, #tpu.memory_space<vmem>>[vector<16xi32>, vector<16xi32>], vector<16xf32>,
      %gather3A_332 = tpu.vector_load_idx %arg12[%add3A_240, %and3A_330] : memref<256x64xf32, #tpu.memory_space<vmem>>[vector<16xi32>, vector<16xi32>], vector<16xf32>,
      %mul3A_333 = arith.mulf %gather3A_331, %gather3A_332 : vector<16xf32>
      %add3A_334 = arith.addf %add3A_324, %mul3A_333 : vector<16xf32>
      %add3A_335 = arith.constant 9 : i32
      %add3A_336 = vector.broadcast %add3A_335 : i32 to vector<16xi32>
      %add3A_337 = arith.addi %iota3A, %add3A_336 : vector<16xi32>
      %and3A_338 = arith.constant 63 : i32
      %and3A_339 = vector.broadcast %and3A_338 : i32 to vector<16xi32>
      %and3A_340 = arith.andi %add3A_337, %and3A_339 : vector<16xi32>
      %gather3A_341 = tpu.vector_load_idx %arg11[%add3A_240, %and3A_340] : memref<256x64xf32, #tpu.memory_space<vmem>>[vector<16xi32>, vector<16xi32>], vector<16xf32>,
      %gather3A_342 = tpu.vector_load_idx %arg12[%add3A_240, %and3A_340] : memref<256x64xf32, #tpu.memory_space<vmem>>[vector<16xi32>, vector<16xi32>], vector<16xf32>,
      %mul3A_343 = arith.mulf %gather3A_341, %gather3A_342 : vector<16xf32>
      %add3A_344 = arith.addf %add3A_334, %mul3A_343 : vector<16xf32>
      %add3A_345 = arith.constant 10 : i32
      %add3A_346 = vector.broadcast %add3A_345 : i32 to vector<16xi32>
      %add3A_347 = arith.addi %iota3A, %add3A_346 : vector<16xi32>
      %and3A_348 = arith.constant 63 : i32
      %and3A_349 = vector.broadcast %and3A_348 : i32 to vector<16xi32>
      %and3A_350 = arith.andi %add3A_347, %and3A_349 : vector<16xi32>
      %gather3A_351 = tpu.vector_load_idx %arg11[%add3A_240, %and3A_350] : memref<256x64xf32, #tpu.memory_space<vmem>>[vector<16xi32>, vector<16xi32>], vector<16xf32>,
      %gather3A_352 = tpu.vector_load_idx %arg12[%add3A_240, %and3A_350] : memref<256x64xf32, #tpu.memory_space<vmem>>[vector<16xi32>, vector<16xi32>], vector<16xf32>,
      %mul3A_353 = arith.mulf %gather3A_351, %gather3A_352 : vector<16xf32>
      %add3A_354 = arith.addf %add3A_344, %mul3A_353 : vector<16xf32>
      %add3A_355 = arith.constant 11 : i32
      %add3A_356 = vector.broadcast %add3A_355 : i32 to vector<16xi32>
      %add3A_357 = arith.addi %iota3A, %add3A_356 : vector<16xi32>
      %and3A_358 = arith.constant 63 : i32
      %and3A_359 = vector.broadcast %and3A_358 : i32 to vector<16xi32>
      %and3A_360 = arith.andi %add3A_357, %and3A_359 : vector<16xi32>
      %gather3A_361 = tpu.vector_load_idx %arg11[%add3A_240, %and3A_360] : memref<256x64xf32, #tpu.memory_space<vmem>>[vector<16xi32>, vector<16xi32>], vector<16xf32>,
      %gather3A_362 = tpu.vector_load_idx %arg12[%add3A_240, %and3A_360] : memref<256x64xf32, #tpu.memory_space<vmem>>[vector<16xi32>, vector<16xi32>], vector<16xf32>,
      %mul3A_363 = arith.mulf %gather3A_361, %gather3A_362 : vector<16xf32>
      %add3A_364 = arith.addf %add3A_354, %mul3A_363 : vector<16xf32>
      %add3A_365 = arith.constant 12 : i32
      %add3A_366 = vector.broadcast %add3A_365 : i32 to vector<16xi32>
      %add3A_367 = arith.addi %iota3A, %add3A_366 : vector<16xi32>
      %and3A_368 = arith.constant 63 : i32
      %and3A_369 = vector.broadcast %and3A_368 : i32 to vector<16xi32>
      %and3A_370 = arith.andi %add3A_367, %and3A_369 : vector<16xi32>
      %gather3A_371 = tpu.vector_load_idx %arg11[%add3A_240, %and3A_370] : memref<256x64xf32, #tpu.memory_space<vmem>>[vector<16xi32>, vector<16xi32>], vector<16xf32>,
      %gather3A_372 = tpu.vector_load_idx %arg12[%add3A_240, %and3A_370] : memref<256x64xf32, #tpu.memory_space<vmem>>[vector<16xi32>, vector<16xi32>], vector<16xf32>,
      %mul3A_373 = arith.mulf %gather3A_371, %gather3A_372 : vector<16xf32>
      %add3A_374 = arith.addf %add3A_364, %mul3A_373 : vector<16xf32>
      %add3A_375 = arith.constant 13 : i32
      %add3A_376 = vector.broadcast %add3A_375 : i32 to vector<16xi32>
      %add3A_377 = arith.addi %iota3A, %add3A_376 : vector<16xi32>
      %and3A_378 = arith.constant 63 : i32
      %and3A_379 = vector.broadcast %and3A_378 : i32 to vector<16xi32>
      %and3A_380 = arith.andi %add3A_377, %and3A_379 : vector<16xi32>
      %gather3A_381 = tpu.vector_load_idx %arg11[%add3A_240, %and3A_380] : memref<256x64xf32, #tpu.memory_space<vmem>>[vector<16xi32>, vector<16xi32>], vector<16xf32>,
      %gather3A_382 = tpu.vector_load_idx %arg12[%add3A_240, %and3A_380] : memref<256x64xf32, #tpu.memory_space<vmem>>[vector<16xi32>, vector<16xi32>], vector<16xf32>,
      %mul3A_383 = arith.mulf %gather3A_381, %gather3A_382 : vector<16xf32>
      %add3A_384 = arith.addf %add3A_374, %mul3A_383 : vector<16xf32>
      %add3A_385 = arith.constant 14 : i32
      %add3A_386 = vector.broadcast %add3A_385 : i32 to vector<16xi32>
      %add3A_387 = arith.addi %iota3A, %add3A_386 : vector<16xi32>
      %and3A_388 = arith.constant 63 : i32
      %and3A_389 = vector.broadcast %and3A_388 : i32 to vector<16xi32>
      %and3A_390 = arith.andi %add3A_387, %and3A_389 : vector<16xi32>
      %gather3A_391 = tpu.vector_load_idx %arg11[%add3A_240, %and3A_390] : memref<256x64xf32, #tpu.memory_space<vmem>>[vector<16xi32>, vector<16xi32>], vector<16xf32>,
      %gather3A_392 = tpu.vector_load_idx %arg12[%add3A_240, %and3A_390] : memref<256x64xf32, #tpu.memory_space<vmem>>[vector<16xi32>, vector<16xi32>], vector<16xf32>,
      %mul3A_393 = arith.mulf %gather3A_391, %gather3A_392 : vector<16xf32>
      %add3A_394 = arith.addf %add3A_384, %mul3A_393 : vector<16xf32>
      %add3A_395 = arith.constant 15 : i32
      %add3A_396 = vector.broadcast %add3A_395 : i32 to vector<16xi32>
      %add3A_397 = arith.addi %iota3A, %add3A_396 : vector<16xi32>
      %and3A_398 = arith.constant 63 : i32
      %and3A_399 = vector.broadcast %and3A_398 : i32 to vector<16xi32>
      %and3A_400 = arith.andi %add3A_397, %and3A_399 : vector<16xi32>
      %gather3A_401 = tpu.vector_load_idx %arg11[%add3A_240, %and3A_400] : memref<256x64xf32, #tpu.memory_space<vmem>>[vector<16xi32>, vector<16xi32>], vector<16xf32>,
      %gather3A_402 = tpu.vector_load_idx %arg12[%add3A_240, %and3A_400] : memref<256x64xf32, #tpu.memory_space<vmem>>[vector<16xi32>, vector<16xi32>], vector<16xf32>,
      %mul3A_403 = arith.mulf %gather3A_401, %gather3A_402 : vector<16xf32>
      %add3A_404 = arith.addf %add3A_394, %mul3A_403 : vector<16xf32>
      %add3A_405 = arith.constant 16 : i32
      %add3A_406 = vector.broadcast %add3A_405 : i32 to vector<16xi32>
      %add3A_407 = arith.addi %iota3A, %add3A_406 : vector<16xi32>
      %and3A_408 = arith.constant 63 : i32
      %and3A_409 = vector.broadcast %and3A_408 : i32 to vector<16xi32>
      %and3A_410 = arith.andi %add3A_407, %and3A_409 : vector<16xi32>
      %gather3A_411 = tpu.vector_load_idx %arg11[%add3A_240, %and3A_410] : memref<256x64xf32, #tpu.memory_space<vmem>>[vector<16xi32>, vector<16xi32>], vector<16xf32>,
      %gather3A_412 = tpu.vector_load_idx %arg12[%add3A_240, %and3A_410] : memref<256x64xf32, #tpu.memory_space<vmem>>[vector<16xi32>, vector<16xi32>], vector<16xf32>,
      %mul3A_413 = arith.mulf %gather3A_411, %gather3A_412 : vector<16xf32>
      %add3A_414 = arith.addf %add3A_404, %mul3A_413 : vector<16xf32>
      %add3A_415 = arith.constant 17 : i32
      %add3A_416 = vector.broadcast %add3A_415 : i32 to vector<16xi32>
      %add3A_417 = arith.addi %iota3A, %add3A_416 : vector<16xi32>
      %and3A_418 = arith.constant 63 : i32
      %and3A_419 = vector.broadcast %and3A_418 : i32 to vector<16xi32>
      %and3A_420 = arith.andi %add3A_417, %and3A_419 : vector<16xi32>
      %gather3A_421 = tpu.vector_load_idx %arg11[%add3A_240, %and3A_420] : memref<256x64xf32, #tpu.memory_space<vmem>>[vector<16xi32>, vector<16xi32>], vector<16xf32>,
      %gather3A_422 = tpu.vector_load_idx %arg12[%add3A_240, %and3A_420] : memref<256x64xf32, #tpu.memory_space<vmem>>[vector<16xi32>, vector<16xi32>], vector<16xf32>,
      %mul3A_423 = arith.mulf %gather3A_421, %gather3A_422 : vector<16xf32>
      %add3A_424 = arith.addf %add3A_414, %mul3A_423 : vector<16xf32>
      %add3A_425 = arith.constant 18 : i32
      %add3A_426 = vector.broadcast %add3A_425 : i32 to vector<16xi32>
      %add3A_427 = arith.addi %iota3A, %add3A_426 : vector<16xi32>
      %and3A_428 = arith.constant 63 : i32
      %and3A_429 = vector.broadcast %and3A_428 : i32 to vector<16xi32>
      %and3A_430 = arith.andi %add3A_427, %and3A_429 : vector<16xi32>
      %gather3A_431 = tpu.vector_load_idx %arg11[%add3A_240, %and3A_430] : memref<256x64xf32, #tpu.memory_space<vmem>>[vector<16xi32>, vector<16xi32>], vector<16xf32>,
      %gather3A_432 = tpu.vector_load_idx %arg12[%add3A_240, %and3A_430] : memref<256x64xf32, #tpu.memory_space<vmem>>[vector<16xi32>, vector<16xi32>], vector<16xf32>,
      %mul3A_433 = arith.mulf %gather3A_431, %gather3A_432 : vector<16xf32>
      %add3A_434 = arith.addf %add3A_424, %mul3A_433 : vector<16xf32>
      %add3A_435 = arith.constant 19 : i32
      %add3A_436 = vector.broadcast %add3A_435 : i32 to vector<16xi32>
      %add3A_437 = arith.addi %iota3A, %add3A_436 : vector<16xi32>
      %and3A_438 = arith.constant 63 : i32
      %and3A_439 = vector.broadcast %and3A_438 : i32 to vector<16xi32>
      %and3A_440 = arith.andi %add3A_437, %and3A_439 : vector<16xi32>
      %gather3A_441 = tpu.vector_load_idx %arg11[%add3A_240, %and3A_440] : memref<256x64xf32, #tpu.memory_space<vmem>>[vector<16xi32>, vector<16xi32>], vector<16xf32>,
      %gather3A_442 = tpu.vector_load_idx %arg12[%add3A_240, %and3A_440] : memref<256x64xf32, #tpu.memory_space<vmem>>[vector<16xi32>, vector<16xi32>], vector<16xf32>,
      %mul3A_443 = arith.mulf %gather3A_441, %gather3A_442 : vector<16xf32>
      %add3A_444 = arith.addf %add3A_434, %mul3A_443 : vector<16xf32>
      %add3A_445 = arith.constant 20 : i32
      %add3A_446 = vector.broadcast %add3A_445 : i32 to vector<16xi32>
      %add3A_447 = arith.addi %iota3A, %add3A_446 : vector<16xi32>
      %and3A_448 = arith.constant 63 : i32
      %and3A_449 = vector.broadcast %and3A_448 : i32 to vector<16xi32>
      %and3A_450 = arith.andi %add3A_447, %and3A_449 : vector<16xi32>
      %gather3A_451 = tpu.vector_load_idx %arg11[%add3A_240, %and3A_450] : memref<256x64xf32, #tpu.memory_space<vmem>>[vector<16xi32>, vector<16xi32>], vector<16xf32>,
      %gather3A_452 = tpu.vector_load_idx %arg12[%add3A_240, %and3A_450] : memref<256x64xf32, #tpu.memory_space<vmem>>[vector<16xi32>, vector<16xi32>], vector<16xf32>,
      %mul3A_453 = arith.mulf %gather3A_451, %gather3A_452 : vector<16xf32>
      %add3A_454 = arith.addf %add3A_444, %mul3A_453 : vector<16xf32>
      %add3A_455 = arith.constant 21 : i32
      %add3A_456 = vector.broadcast %add3A_455 : i32 to vector<16xi32>
      %add3A_457 = arith.addi %iota3A, %add3A_456 : vector<16xi32>
      %and3A_458 = arith.constant 63 : i32
      %and3A_459 = vector.broadcast %and3A_458 : i32 to vector<16xi32>
      %and3A_460 = arith.andi %add3A_457, %and3A_459 : vector<16xi32>
      %gather3A_461 = tpu.vector_load_idx %arg11[%add3A_240, %and3A_460] : memref<256x64xf32, #tpu.memory_space<vmem>>[vector<16xi32>, vector<16xi32>], vector<16xf32>,
      %gather3A_462 = tpu.vector_load_idx %arg12[%add3A_240, %and3A_460] : memref<256x64xf32, #tpu.memory_space<vmem>>[vector<16xi32>, vector<16xi32>], vector<16xf32>,
      %mul3A_463 = arith.mulf %gather3A_461, %gather3A_462 : vector<16xf32>
      %add3A_464 = arith.addf %add3A_454, %mul3A_463 : vector<16xf32>
      %add3A_465 = arith.constant 22 : i32
      %add3A_466 = vector.broadcast %add3A_465 : i32 to vector<16xi32>
      %add3A_467 = arith.addi %iota3A, %add3A_466 : vector<16xi32>
      %and3A_468 = arith.constant 63 : i32
      %and3A_469 = vector.broadcast %and3A_468 : i32 to vector<16xi32>
      %and3A_470 = arith.andi %add3A_467, %and3A_469 : vector<16xi32>
      %gather3A_471 = tpu.vector_load_idx %arg11[%add3A_240, %and3A_470] : memref<256x64xf32, #tpu.memory_space<vmem>>[vector<16xi32>, vector<16xi32>], vector<16xf32>,
      %gather3A_472 = tpu.vector_load_idx %arg12[%add3A_240, %and3A_470] : memref<256x64xf32, #tpu.memory_space<vmem>>[vector<16xi32>, vector<16xi32>], vector<16xf32>,
      %mul3A_473 = arith.mulf %gather3A_471, %gather3A_472 : vector<16xf32>
      %add3A_474 = arith.addf %add3A_464, %mul3A_473 : vector<16xf32>
      %add3A_475 = arith.constant 23 : i32
      %add3A_476 = vector.broadcast %add3A_475 : i32 to vector<16xi32>
      %add3A_477 = arith.addi %iota3A, %add3A_476 : vector<16xi32>
      %and3A_478 = arith.constant 63 : i32
      %and3A_479 = vector.broadcast %and3A_478 : i32 to vector<16xi32>
      %and3A_480 = arith.andi %add3A_477, %and3A_479 : vector<16xi32>
      %gather3A_481 = tpu.vector_load_idx %arg11[%add3A_240, %and3A_480] : memref<256x64xf32, #tpu.memory_space<vmem>>[vector<16xi32>, vector<16xi32>], vector<16xf32>,
      %gather3A_482 = tpu.vector_load_idx %arg12[%add3A_240, %and3A_480] : memref<256x64xf32, #tpu.memory_space<vmem>>[vector<16xi32>, vector<16xi32>], vector<16xf32>,
      %mul3A_483 = arith.mulf %gather3A_481, %gather3A_482 : vector<16xf32>
      %add3A_484 = arith.addf %add3A_474, %mul3A_483 : vector<16xf32>
      %add3A_485 = arith.constant 24 : i32
      %add3A_486 = vector.broadcast %add3A_485 : i32 to vector<16xi32>
      %add3A_487 = arith.addi %iota3A, %add3A_486 : vector<16xi32>
      %and3A_488 = arith.constant 63 : i32
      %and3A_489 = vector.broadcast %and3A_488 : i32 to vector<16xi32>
      %and3A_490 = arith.andi %add3A_487, %and3A_489 : vector<16xi32>
      %gather3A_491 = tpu.vector_load_idx %arg11[%add3A_240, %and3A_490] : memref<256x64xf32, #tpu.memory_space<vmem>>[vector<16xi32>, vector<16xi32>], vector<16xf32>,
      %gather3A_492 = tpu.vector_load_idx %arg12[%add3A_240, %and3A_490] : memref<256x64xf32, #tpu.memory_space<vmem>>[vector<16xi32>, vector<16xi32>], vector<16xf32>,
      %mul3A_493 = arith.mulf %gather3A_491, %gather3A_492 : vector<16xf32>
      %add3A_494 = arith.addf %add3A_484, %mul3A_493 : vector<16xf32>
      %add3A_495 = arith.constant 25 : i32
      %add3A_496 = vector.broadcast %add3A_495 : i32 to vector<16xi32>
      %add3A_497 = arith.addi %iota3A, %add3A_496 : vector<16xi32>
      %and3A_498 = arith.constant 63 : i32
      %and3A_499 = vector.broadcast %and3A_498 : i32 to vector<16xi32>
      %and3A_500 = arith.andi %add3A_497, %and3A_499 : vector<16xi32>
      %gather3A_501 = tpu.vector_load_idx %arg11[%add3A_240, %and3A_500] : memref<256x64xf32, #tpu.memory_space<vmem>>[vector<16xi32>, vector<16xi32>], vector<16xf32>,
      %gather3A_502 = tpu.vector_load_idx %arg12[%add3A_240, %and3A_500] : memref<256x64xf32, #tpu.memory_space<vmem>>[vector<16xi32>, vector<16xi32>], vector<16xf32>,
      %mul3A_503 = arith.mulf %gather3A_501, %gather3A_502 : vector<16xf32>
      %add3A_504 = arith.addf %add3A_494, %mul3A_503 : vector<16xf32>
      %add3A_505 = arith.constant 26 : i32
      %add3A_506 = vector.broadcast %add3A_505 : i32 to vector<16xi32>
      %add3A_507 = arith.addi %iota3A, %add3A_506 : vector<16xi32>
      %and3A_508 = arith.constant 63 : i32
      %and3A_509 = vector.broadcast %and3A_508 : i32 to vector<16xi32>
      %and3A_510 = arith.andi %add3A_507, %and3A_509 : vector<16xi32>
      %gather3A_511 = tpu.vector_load_idx %arg11[%add3A_240, %and3A_510] : memref<256x64xf32, #tpu.memory_space<vmem>>[vector<16xi32>, vector<16xi32>], vector<16xf32>,
      %gather3A_512 = tpu.vector_load_idx %arg12[%add3A_240, %and3A_510] : memref<256x64xf32, #tpu.memory_space<vmem>>[vector<16xi32>, vector<16xi32>], vector<16xf32>,
      %mul3A_513 = arith.mulf %gather3A_511, %gather3A_512 : vector<16xf32>
      %add3A_514 = arith.addf %add3A_504, %mul3A_513 : vector<16xf32>
      %add3A_515 = arith.constant 27 : i32
      %add3A_516 = vector.broadcast %add3A_515 : i32 to vector<16xi32>
      %add3A_517 = arith.addi %iota3A, %add3A_516 : vector<16xi32>
      %and3A_518 = arith.constant 63 : i32
      %and3A_519 = vector.broadcast %and3A_518 : i32 to vector<16xi32>
      %and3A_520 = arith.andi %add3A_517, %and3A_519 : vector<16xi32>
      %gather3A_521 = tpu.vector_load_idx %arg11[%add3A_240, %and3A_520] : memref<256x64xf32, #tpu.memory_space<vmem>>[vector<16xi32>, vector<16xi32>], vector<16xf32>,
      %gather3A_522 = tpu.vector_load_idx %arg12[%add3A_240, %and3A_520] : memref<256x64xf32, #tpu.memory_space<vmem>>[vector<16xi32>, vector<16xi32>], vector<16xf32>,
      %mul3A_523 = arith.mulf %gather3A_521, %gather3A_522 : vector<16xf32>
      %add3A_524 = arith.addf %add3A_514, %mul3A_523 : vector<16xf32>
      %add3A_525 = arith.constant 28 : i32
      %add3A_526 = vector.broadcast %add3A_525 : i32 to vector<16xi32>
      %add3A_527 = arith.addi %iota3A, %add3A_526 : vector<16xi32>
      %and3A_528 = arith.constant 63 : i32
      %and3A_529 = vector.broadcast %and3A_528 : i32 to vector<16xi32>
      %and3A_530 = arith.andi %add3A_527, %and3A_529 : vector<16xi32>
      %gather3A_531 = tpu.vector_load_idx %arg11[%add3A_240, %and3A_530] : memref<256x64xf32, #tpu.memory_space<vmem>>[vector<16xi32>, vector<16xi32>], vector<16xf32>,
      %gather3A_532 = tpu.vector_load_idx %arg12[%add3A_240, %and3A_530] : memref<256x64xf32, #tpu.memory_space<vmem>>[vector<16xi32>, vector<16xi32>], vector<16xf32>,
      %mul3A_533 = arith.mulf %gather3A_531, %gather3A_532 : vector<16xf32>
      %add3A_534 = arith.addf %add3A_524, %mul3A_533 : vector<16xf32>
      %add3A_535 = arith.constant 29 : i32
      %add3A_536 = vector.broadcast %add3A_535 : i32 to vector<16xi32>
      %add3A_537 = arith.addi %iota3A, %add3A_536 : vector<16xi32>
      %and3A_538 = arith.constant 63 : i32
      %and3A_539 = vector.broadcast %and3A_538 : i32 to vector<16xi32>
      %and3A_540 = arith.andi %add3A_537, %and3A_539 : vector<16xi32>
      %gather3A_541 = tpu.vector_load_idx %arg11[%add3A_240, %and3A_540] : memref<256x64xf32, #tpu.memory_space<vmem>>[vector<16xi32>, vector<16xi32>], vector<16xf32>,
      %gather3A_542 = tpu.vector_load_idx %arg12[%add3A_240, %and3A_540] : memref<256x64xf32, #tpu.memory_space<vmem>>[vector<16xi32>, vector<16xi32>], vector<16xf32>,
      %mul3A_543 = arith.mulf %gather3A_541, %gather3A_542 : vector<16xf32>
      %add3A_544 = arith.addf %add3A_534, %mul3A_543 : vector<16xf32>
      %add3A_545 = arith.constant 30 : i32
      %add3A_546 = vector.broadcast %add3A_545 : i32 to vector<16xi32>
      %add3A_547 = arith.addi %iota3A, %add3A_546 : vector<16xi32>
      %and3A_548 = arith.constant 63 : i32
      %and3A_549 = vector.broadcast %and3A_548 : i32 to vector<16xi32>
      %and3A_550 = arith.andi %add3A_547, %and3A_549 : vector<16xi32>
      %gather3A_551 = tpu.vector_load_idx %arg11[%add3A_240, %and3A_550] : memref<256x64xf32, #tpu.memory_space<vmem>>[vector<16xi32>, vector<16xi32>], vector<16xf32>,
      %gather3A_552 = tpu.vector_load_idx %arg12[%add3A_240, %and3A_550] : memref<256x64xf32, #tpu.memory_space<vmem>>[vector<16xi32>, vector<16xi32>], vector<16xf32>,
      %mul3A_553 = arith.mulf %gather3A_551, %gather3A_552 : vector<16xf32>
      %add3A_554 = arith.addf %add3A_544, %mul3A_553 : vector<16xf32>
      %add3A_555 = arith.constant 31 : i32
      %add3A_556 = vector.broadcast %add3A_555 : i32 to vector<16xi32>
      %add3A_557 = arith.addi %iota3A, %add3A_556 : vector<16xi32>
      %and3A_558 = arith.constant 63 : i32
      %and3A_559 = vector.broadcast %and3A_558 : i32 to vector<16xi32>
      %and3A_560 = arith.andi %add3A_557, %and3A_559 : vector<16xi32>
      %gather3A_561 = tpu.vector_load_idx %arg11[%add3A_240, %and3A_560] : memref<256x64xf32, #tpu.memory_space<vmem>>[vector<16xi32>, vector<16xi32>], vector<16xf32>,
      %gather3A_562 = tpu.vector_load_idx %arg12[%add3A_240, %and3A_560] : memref<256x64xf32, #tpu.memory_space<vmem>>[vector<16xi32>, vector<16xi32>], vector<16xf32>,
      %mul3A_563 = arith.mulf %gather3A_561, %gather3A_562 : vector<16xf32>
      %add3A_564 = arith.addf %add3A_554, %mul3A_563 : vector<16xf32>
      %add3A_565 = arith.constant 32 : i32
      %add3A_566 = vector.broadcast %add3A_565 : i32 to vector<16xi32>
      %add3A_567 = arith.addi %iota3A, %add3A_566 : vector<16xi32>
      %and3A_568 = arith.constant 63 : i32
      %and3A_569 = vector.broadcast %and3A_568 : i32 to vector<16xi32>
      %and3A_570 = arith.andi %add3A_567, %and3A_569 : vector<16xi32>
      %gather3A_571 = tpu.vector_load_idx %arg11[%add3A_240, %and3A_570] : memref<256x64xf32, #tpu.memory_space<vmem>>[vector<16xi32>, vector<16xi32>], vector<16xf32>,
      %gather3A_572 = tpu.vector_load_idx %arg12[%add3A_240, %and3A_570] : memref<256x64xf32, #tpu.memory_space<vmem>>[vector<16xi32>, vector<16xi32>], vector<16xf32>,
      %mul3A_573 = arith.mulf %gather3A_571, %gather3A_572 : vector<16xf32>
      %add3A_574 = arith.addf %add3A_564, %mul3A_573 : vector<16xf32>
      %add3A_575 = arith.constant 33 : i32
      %add3A_576 = vector.broadcast %add3A_575 : i32 to vector<16xi32>
      %add3A_577 = arith.addi %iota3A, %add3A_576 : vector<16xi32>
      %and3A_578 = arith.constant 63 : i32
      %and3A_579 = vector.broadcast %and3A_578 : i32 to vector<16xi32>
      %and3A_580 = arith.andi %add3A_577, %and3A_579 : vector<16xi32>
      %gather3A_581 = tpu.vector_load_idx %arg11[%add3A_240, %and3A_580] : memref<256x64xf32, #tpu.memory_space<vmem>>[vector<16xi32>, vector<16xi32>], vector<16xf32>,
      %gather3A_582 = tpu.vector_load_idx %arg12[%add3A_240, %and3A_580] : memref<256x64xf32, #tpu.memory_space<vmem>>[vector<16xi32>, vector<16xi32>], vector<16xf32>,
      %mul3A_583 = arith.mulf %gather3A_581, %gather3A_582 : vector<16xf32>
      %add3A_584 = arith.addf %add3A_574, %mul3A_583 : vector<16xf32>
      %add3A_585 = arith.constant 34 : i32
      %add3A_586 = vector.broadcast %add3A_585 : i32 to vector<16xi32>
      %add3A_587 = arith.addi %iota3A, %add3A_586 : vector<16xi32>
      %and3A_588 = arith.constant 63 : i32
      %and3A_589 = vector.broadcast %and3A_588 : i32 to vector<16xi32>
      %and3A_590 = arith.andi %add3A_587, %and3A_589 : vector<16xi32>
      %gather3A_591 = tpu.vector_load_idx %arg11[%add3A_240, %and3A_590] : memref<256x64xf32, #tpu.memory_space<vmem>>[vector<16xi32>, vector<16xi32>], vector<16xf32>,
      %gather3A_592 = tpu.vector_load_idx %arg12[%add3A_240, %and3A_590] : memref<256x64xf32, #tpu.memory_space<vmem>>[vector<16xi32>, vector<16xi32>], vector<16xf32>,
      %mul3A_593 = arith.mulf %gather3A_591, %gather3A_592 : vector<16xf32>
      %add3A_594 = arith.addf %add3A_584, %mul3A_593 : vector<16xf32>
      %add3A_595 = arith.constant 35 : i32
      %add3A_596 = vector.broadcast %add3A_595 : i32 to vector<16xi32>
      %add3A_597 = arith.addi %iota3A, %add3A_596 : vector<16xi32>
      %and3A_598 = arith.constant 63 : i32
      %and3A_599 = vector.broadcast %and3A_598 : i32 to vector<16xi32>
      %and3A_600 = arith.andi %add3A_597, %and3A_599 : vector<16xi32>
      %gather3A_601 = tpu.vector_load_idx %arg11[%add3A_240, %and3A_600] : memref<256x64xf32, #tpu.memory_space<vmem>>[vector<16xi32>, vector<16xi32>], vector<16xf32>,
      %gather3A_602 = tpu.vector_load_idx %arg12[%add3A_240, %and3A_600] : memref<256x64xf32, #tpu.memory_space<vmem>>[vector<16xi32>, vector<16xi32>], vector<16xf32>,
      %mul3A_603 = arith.mulf %gather3A_601, %gather3A_602 : vector<16xf32>
      %add3A_604 = arith.addf %add3A_594, %mul3A_603 : vector<16xf32>
      %add3A_605 = arith.constant 36 : i32
      %add3A_606 = vector.broadcast %add3A_605 : i32 to vector<16xi32>
      %add3A_607 = arith.addi %iota3A, %add3A_606 : vector<16xi32>
      %and3A_608 = arith.constant 63 : i32
      %and3A_609 = vector.broadcast %and3A_608 : i32 to vector<16xi32>
      %and3A_610 = arith.andi %add3A_607, %and3A_609 : vector<16xi32>
      %gather3A_611 = tpu.vector_load_idx %arg11[%add3A_240, %and3A_610] : memref<256x64xf32, #tpu.memory_space<vmem>>[vector<16xi32>, vector<16xi32>], vector<16xf32>,
      %gather3A_612 = tpu.vector_load_idx %arg12[%add3A_240, %and3A_610] : memref<256x64xf32, #tpu.memory_space<vmem>>[vector<16xi32>, vector<16xi32>], vector<16xf32>,
      %mul3A_613 = arith.mulf %gather3A_611, %gather3A_612 : vector<16xf32>
      %add3A_614 = arith.addf %add3A_604, %mul3A_613 : vector<16xf32>
      %add3A_615 = arith.constant 37 : i32
      %add3A_616 = vector.broadcast %add3A_615 : i32 to vector<16xi32>
      %add3A_617 = arith.addi %iota3A, %add3A_616 : vector<16xi32>
      %and3A_618 = arith.constant 63 : i32
      %and3A_619 = vector.broadcast %and3A_618 : i32 to vector<16xi32>
      %and3A_620 = arith.andi %add3A_617, %and3A_619 : vector<16xi32>
      %gather3A_621 = tpu.vector_load_idx %arg11[%add3A_240, %and3A_620] : memref<256x64xf32, #tpu.memory_space<vmem>>[vector<16xi32>, vector<16xi32>], vector<16xf32>,
      %gather3A_622 = tpu.vector_load_idx %arg12[%add3A_240, %and3A_620] : memref<256x64xf32, #tpu.memory_space<vmem>>[vector<16xi32>, vector<16xi32>], vector<16xf32>,
      %mul3A_623 = arith.mulf %gather3A_621, %gather3A_622 : vector<16xf32>
      %add3A_624 = arith.addf %add3A_614, %mul3A_623 : vector<16xf32>
      %add3A_625 = arith.constant 38 : i32
      %add3A_626 = vector.broadcast %add3A_625 : i32 to vector<16xi32>
      %add3A_627 = arith.addi %iota3A, %add3A_626 : vector<16xi32>
      %and3A_628 = arith.constant 63 : i32
      %and3A_629 = vector.broadcast %and3A_628 : i32 to vector<16xi32>
      %and3A_630 = arith.andi %add3A_627, %and3A_629 : vector<16xi32>
      %gather3A_631 = tpu.vector_load_idx %arg11[%add3A_240, %and3A_630] : memref<256x64xf32, #tpu.memory_space<vmem>>[vector<16xi32>, vector<16xi32>], vector<16xf32>,
      %gather3A_632 = tpu.vector_load_idx %arg12[%add3A_240, %and3A_630] : memref<256x64xf32, #tpu.memory_space<vmem>>[vector<16xi32>, vector<16xi32>], vector<16xf32>,
      %mul3A_633 = arith.mulf %gather3A_631, %gather3A_632 : vector<16xf32>
      %add3A_634 = arith.addf %add3A_624, %mul3A_633 : vector<16xf32>
      %add3A_635 = arith.constant 39 : i32
      %add3A_636 = vector.broadcast %add3A_635 : i32 to vector<16xi32>
      %add3A_637 = arith.addi %iota3A, %add3A_636 : vector<16xi32>
      %and3A_638 = arith.constant 63 : i32
      %and3A_639 = vector.broadcast %and3A_638 : i32 to vector<16xi32>
      %and3A_640 = arith.andi %add3A_637, %and3A_639 : vector<16xi32>
      %gather3A_641 = tpu.vector_load_idx %arg11[%add3A_240, %and3A_640] : memref<256x64xf32, #tpu.memory_space<vmem>>[vector<16xi32>, vector<16xi32>], vector<16xf32>,
      %gather3A_642 = tpu.vector_load_idx %arg12[%add3A_240, %and3A_640] : memref<256x64xf32, #tpu.memory_space<vmem>>[vector<16xi32>, vector<16xi32>], vector<16xf32>,
      %mul3A_643 = arith.mulf %gather3A_641, %gather3A_642 : vector<16xf32>
      %add3A_644 = arith.addf %add3A_634, %mul3A_643 : vector<16xf32>
      %add3A_645 = arith.constant 40 : i32
      %add3A_646 = vector.broadcast %add3A_645 : i32 to vector<16xi32>
      %add3A_647 = arith.addi %iota3A, %add3A_646 : vector<16xi32>
      %and3A_648 = arith.constant 63 : i32
      %and3A_649 = vector.broadcast %and3A_648 : i32 to vector<16xi32>
      %and3A_650 = arith.andi %add3A_647, %and3A_649 : vector<16xi32>
      %gather3A_651 = tpu.vector_load_idx %arg11[%add3A_240, %and3A_650] : memref<256x64xf32, #tpu.memory_space<vmem>>[vector<16xi32>, vector<16xi32>], vector<16xf32>,
      %gather3A_652 = tpu.vector_load_idx %arg12[%add3A_240, %and3A_650] : memref<256x64xf32, #tpu.memory_space<vmem>>[vector<16xi32>, vector<16xi32>], vector<16xf32>,
      %mul3A_653 = arith.mulf %gather3A_651, %gather3A_652 : vector<16xf32>
      %add3A_654 = arith.addf %add3A_644, %mul3A_653 : vector<16xf32>
      %add3A_655 = arith.constant 41 : i32
      %add3A_656 = vector.broadcast %add3A_655 : i32 to vector<16xi32>
      %add3A_657 = arith.addi %iota3A, %add3A_656 : vector<16xi32>
      %and3A_658 = arith.constant 63 : i32
      %and3A_659 = vector.broadcast %and3A_658 : i32 to vector<16xi32>
      %and3A_660 = arith.andi %add3A_657, %and3A_659 : vector<16xi32>
      %gather3A_661 = tpu.vector_load_idx %arg11[%add3A_240, %and3A_660] : memref<256x64xf32, #tpu.memory_space<vmem>>[vector<16xi32>, vector<16xi32>], vector<16xf32>,
      %gather3A_662 = tpu.vector_load_idx %arg12[%add3A_240, %and3A_660] : memref<256x64xf32, #tpu.memory_space<vmem>>[vector<16xi32>, vector<16xi32>], vector<16xf32>,
      %mul3A_663 = arith.mulf %gather3A_661, %gather3A_662 : vector<16xf32>
      %add3A_664 = arith.addf %add3A_654, %mul3A_663 : vector<16xf32>
      %add3A_665 = arith.constant 42 : i32
      %add3A_666 = vector.broadcast %add3A_665 : i32 to vector<16xi32>
      %add3A_667 = arith.addi %iota3A, %add3A_666 : vector<16xi32>
      %and3A_668 = arith.constant 63 : i32
      %and3A_669 = vector.broadcast %and3A_668 : i32 to vector<16xi32>
      %and3A_670 = arith.andi %add3A_667, %and3A_669 : vector<16xi32>
      %gather3A_671 = tpu.vector_load_idx %arg11[%add3A_240, %and3A_670] : memref<256x64xf32, #tpu.memory_space<vmem>>[vector<16xi32>, vector<16xi32>], vector<16xf32>,
      %gather3A_672 = tpu.vector_load_idx %arg12[%add3A_240, %and3A_670] : memref<256x64xf32, #tpu.memory_space<vmem>>[vector<16xi32>, vector<16xi32>], vector<16xf32>,
      %mul3A_673 = arith.mulf %gather3A_671, %gather3A_672 : vector<16xf32>
      %add3A_674 = arith.addf %add3A_664, %mul3A_673 : vector<16xf32>
      %add3A_675 = arith.constant 43 : i32
      %add3A_676 = vector.broadcast %add3A_675 : i32 to vector<16xi32>
      %add3A_677 = arith.addi %iota3A, %add3A_676 : vector<16xi32>
      %and3A_678 = arith.constant 63 : i32
      %and3A_679 = vector.broadcast %and3A_678 : i32 to vector<16xi32>
      %and3A_680 = arith.andi %add3A_677, %and3A_679 : vector<16xi32>
      %gather3A_681 = tpu.vector_load_idx %arg11[%add3A_240, %and3A_680] : memref<256x64xf32, #tpu.memory_space<vmem>>[vector<16xi32>, vector<16xi32>], vector<16xf32>,
      %gather3A_682 = tpu.vector_load_idx %arg12[%add3A_240, %and3A_680] : memref<256x64xf32, #tpu.memory_space<vmem>>[vector<16xi32>, vector<16xi32>], vector<16xf32>,
      %mul3A_683 = arith.mulf %gather3A_681, %gather3A_682 : vector<16xf32>
      %add3A_684 = arith.addf %add3A_674, %mul3A_683 : vector<16xf32>
      %add3A_685 = arith.constant 44 : i32
      %add3A_686 = vector.broadcast %add3A_685 : i32 to vector<16xi32>
      %add3A_687 = arith.addi %iota3A, %add3A_686 : vector<16xi32>
      %and3A_688 = arith.constant 63 : i32
      %and3A_689 = vector.broadcast %and3A_688 : i32 to vector<16xi32>
      %and3A_690 = arith.andi %add3A_687, %and3A_689 : vector<16xi32>
      %gather3A_691 = tpu.vector_load_idx %arg11[%add3A_240, %and3A_690] : memref<256x64xf32, #tpu.memory_space<vmem>>[vector<16xi32>, vector<16xi32>], vector<16xf32>,
      %gather3A_692 = tpu.vector_load_idx %arg12[%add3A_240, %and3A_690] : memref<256x64xf32, #tpu.memory_space<vmem>>[vector<16xi32>, vector<16xi32>], vector<16xf32>,
      %mul3A_693 = arith.mulf %gather3A_691, %gather3A_692 : vector<16xf32>
      %add3A_694 = arith.addf %add3A_684, %mul3A_693 : vector<16xf32>
      %add3A_695 = arith.constant 45 : i32
      %add3A_696 = vector.broadcast %add3A_695 : i32 to vector<16xi32>
      %add3A_697 = arith.addi %iota3A, %add3A_696 : vector<16xi32>
      %and3A_698 = arith.constant 63 : i32
      %and3A_699 = vector.broadcast %and3A_698 : i32 to vector<16xi32>
      %and3A_700 = arith.andi %add3A_697, %and3A_699 : vector<16xi32>
      %gather3A_701 = tpu.vector_load_idx %arg11[%add3A_240, %and3A_700] : memref<256x64xf32, #tpu.memory_space<vmem>>[vector<16xi32>, vector<16xi32>], vector<16xf32>,
      %gather3A_702 = tpu.vector_load_idx %arg12[%add3A_240, %and3A_700] : memref<256x64xf32, #tpu.memory_space<vmem>>[vector<16xi32>, vector<16xi32>], vector<16xf32>,
      %mul3A_703 = arith.mulf %gather3A_701, %gather3A_702 : vector<16xf32>
      %add3A_704 = arith.addf %add3A_694, %mul3A_703 : vector<16xf32>
      %add3A_705 = arith.constant 46 : i32
      %add3A_706 = vector.broadcast %add3A_705 : i32 to vector<16xi32>
      %add3A_707 = arith.addi %iota3A, %add3A_706 : vector<16xi32>
      %and3A_708 = arith.constant 63 : i32
      %and3A_709 = vector.broadcast %and3A_708 : i32 to vector<16xi32>
      %and3A_710 = arith.andi %add3A_707, %and3A_709 : vector<16xi32>
      %gather3A_711 = tpu.vector_load_idx %arg11[%add3A_240, %and3A_710] : memref<256x64xf32, #tpu.memory_space<vmem>>[vector<16xi32>, vector<16xi32>], vector<16xf32>,
      %gather3A_712 = tpu.vector_load_idx %arg12[%add3A_240, %and3A_710] : memref<256x64xf32, #tpu.memory_space<vmem>>[vector<16xi32>, vector<16xi32>], vector<16xf32>,
      %mul3A_713 = arith.mulf %gather3A_711, %gather3A_712 : vector<16xf32>
      %add3A_714 = arith.addf %add3A_704, %mul3A_713 : vector<16xf32>
      %add3A_715 = arith.constant 47 : i32
      %add3A_716 = vector.broadcast %add3A_715 : i32 to vector<16xi32>
      %add3A_717 = arith.addi %iota3A, %add3A_716 : vector<16xi32>
      %and3A_718 = arith.constant 63 : i32
      %and3A_719 = vector.broadcast %and3A_718 : i32 to vector<16xi32>
      %and3A_720 = arith.andi %add3A_717, %and3A_719 : vector<16xi32>
      %gather3A_721 = tpu.vector_load_idx %arg11[%add3A_240, %and3A_720] : memref<256x64xf32, #tpu.memory_space<vmem>>[vector<16xi32>, vector<16xi32>], vector<16xf32>,
      %gather3A_722 = tpu.vector_load_idx %arg12[%add3A_240, %and3A_720] : memref<256x64xf32, #tpu.memory_space<vmem>>[vector<16xi32>, vector<16xi32>], vector<16xf32>,
      %mul3A_723 = arith.mulf %gather3A_721, %gather3A_722 : vector<16xf32>
      %add3A_724 = arith.addf %add3A_714, %mul3A_723 : vector<16xf32>
      %add3A_725 = arith.constant 48 : i32
      %add3A_726 = vector.broadcast %add3A_725 : i32 to vector<16xi32>
      %add3A_727 = arith.addi %iota3A, %add3A_726 : vector<16xi32>
      %and3A_728 = arith.constant 63 : i32
      %and3A_729 = vector.broadcast %and3A_728 : i32 to vector<16xi32>
      %and3A_730 = arith.andi %add3A_727, %and3A_729 : vector<16xi32>
      %gather3A_731 = tpu.vector_load_idx %arg11[%add3A_240, %and3A_730] : memref<256x64xf32, #tpu.memory_space<vmem>>[vector<16xi32>, vector<16xi32>], vector<16xf32>,
      %gather3A_732 = tpu.vector_load_idx %arg12[%add3A_240, %and3A_730] : memref<256x64xf32, #tpu.memory_space<vmem>>[vector<16xi32>, vector<16xi32>], vector<16xf32>,
      %mul3A_733 = arith.mulf %gather3A_731, %gather3A_732 : vector<16xf32>
      %add3A_734 = arith.addf %add3A_724, %mul3A_733 : vector<16xf32>
      %add3A_735 = arith.constant 49 : i32
      %add3A_736 = vector.broadcast %add3A_735 : i32 to vector<16xi32>
      %add3A_737 = arith.addi %iota3A, %add3A_736 : vector<16xi32>
      %and3A_738 = arith.constant 63 : i32
      %and3A_739 = vector.broadcast %and3A_738 : i32 to vector<16xi32>
      %and3A_740 = arith.andi %add3A_737, %and3A_739 : vector<16xi32>
      %gather3A_741 = tpu.vector_load_idx %arg11[%add3A_240, %and3A_740] : memref<256x64xf32, #tpu.memory_space<vmem>>[vector<16xi32>, vector<16xi32>], vector<16xf32>,
      %gather3A_742 = tpu.vector_load_idx %arg12[%add3A_240, %and3A_740] : memref<256x64xf32, #tpu.memory_space<vmem>>[vector<16xi32>, vector<16xi32>], vector<16xf32>,
      %mul3A_743 = arith.mulf %gather3A_741, %gather3A_742 : vector<16xf32>
      %add3A_744 = arith.addf %add3A_734, %mul3A_743 : vector<16xf32>
      %add3A_745 = arith.constant 50 : i32
      %add3A_746 = vector.broadcast %add3A_745 : i32 to vector<16xi32>
      %add3A_747 = arith.addi %iota3A, %add3A_746 : vector<16xi32>
      %and3A_748 = arith.constant 63 : i32
      %and3A_749 = vector.broadcast %and3A_748 : i32 to vector<16xi32>
      %and3A_750 = arith.andi %add3A_747, %and3A_749 : vector<16xi32>
      %gather3A_751 = tpu.vector_load_idx %arg11[%add3A_240, %and3A_750] : memref<256x64xf32, #tpu.memory_space<vmem>>[vector<16xi32>, vector<16xi32>], vector<16xf32>,
      %gather3A_752 = tpu.vector_load_idx %arg12[%add3A_240, %and3A_750] : memref<256x64xf32, #tpu.memory_space<vmem>>[vector<16xi32>, vector<16xi32>], vector<16xf32>,
      %mul3A_753 = arith.mulf %gather3A_751, %gather3A_752 : vector<16xf32>
      %add3A_754 = arith.addf %add3A_744, %mul3A_753 : vector<16xf32>
      %add3A_755 = arith.constant 51 : i32
      %add3A_756 = vector.broadcast %add3A_755 : i32 to vector<16xi32>
      %add3A_757 = arith.addi %iota3A, %add3A_756 : vector<16xi32>
      %and3A_758 = arith.constant 63 : i32
      %and3A_759 = vector.broadcast %and3A_758 : i32 to vector<16xi32>
      %and3A_760 = arith.andi %add3A_757, %and3A_759 : vector<16xi32>
      %gather3A_761 = tpu.vector_load_idx %arg11[%add3A_240, %and3A_760] : memref<256x64xf32, #tpu.memory_space<vmem>>[vector<16xi32>, vector<16xi32>], vector<16xf32>,
      %gather3A_762 = tpu.vector_load_idx %arg12[%add3A_240, %and3A_760] : memref<256x64xf32, #tpu.memory_space<vmem>>[vector<16xi32>, vector<16xi32>], vector<16xf32>,
      %mul3A_763 = arith.mulf %gather3A_761, %gather3A_762 : vector<16xf32>
      %add3A_764 = arith.addf %add3A_754, %mul3A_763 : vector<16xf32>
      %add3A_765 = arith.constant 52 : i32
      %add3A_766 = vector.broadcast %add3A_765 : i32 to vector<16xi32>
      %add3A_767 = arith.addi %iota3A, %add3A_766 : vector<16xi32>
      %and3A_768 = arith.constant 63 : i32
      %and3A_769 = vector.broadcast %and3A_768 : i32 to vector<16xi32>
      %and3A_770 = arith.andi %add3A_767, %and3A_769 : vector<16xi32>
      %gather3A_771 = tpu.vector_load_idx %arg11[%add3A_240, %and3A_770] : memref<256x64xf32, #tpu.memory_space<vmem>>[vector<16xi32>, vector<16xi32>], vector<16xf32>,
      %gather3A_772 = tpu.vector_load_idx %arg12[%add3A_240, %and3A_770] : memref<256x64xf32, #tpu.memory_space<vmem>>[vector<16xi32>, vector<16xi32>], vector<16xf32>,
      %mul3A_773 = arith.mulf %gather3A_771, %gather3A_772 : vector<16xf32>
      %add3A_774 = arith.addf %add3A_764, %mul3A_773 : vector<16xf32>
      %add3A_775 = arith.constant 53 : i32
      %add3A_776 = vector.broadcast %add3A_775 : i32 to vector<16xi32>
      %add3A_777 = arith.addi %iota3A, %add3A_776 : vector<16xi32>
      %and3A_778 = arith.constant 63 : i32
      %and3A_779 = vector.broadcast %and3A_778 : i32 to vector<16xi32>
      %and3A_780 = arith.andi %add3A_777, %and3A_779 : vector<16xi32>
      %gather3A_781 = tpu.vector_load_idx %arg11[%add3A_240, %and3A_780] : memref<256x64xf32, #tpu.memory_space<vmem>>[vector<16xi32>, vector<16xi32>], vector<16xf32>,
      %gather3A_782 = tpu.vector_load_idx %arg12[%add3A_240, %and3A_780] : memref<256x64xf32, #tpu.memory_space<vmem>>[vector<16xi32>, vector<16xi32>], vector<16xf32>,
      %mul3A_783 = arith.mulf %gather3A_781, %gather3A_782 : vector<16xf32>
      %add3A_784 = arith.addf %add3A_774, %mul3A_783 : vector<16xf32>
      %add3A_785 = arith.constant 54 : i32
      %add3A_786 = vector.broadcast %add3A_785 : i32 to vector<16xi32>
      %add3A_787 = arith.addi %iota3A, %add3A_786 : vector<16xi32>
      %and3A_788 = arith.constant 63 : i32
      %and3A_789 = vector.broadcast %and3A_788 : i32 to vector<16xi32>
      %and3A_790 = arith.andi %add3A_787, %and3A_789 : vector<16xi32>
      %gather3A_791 = tpu.vector_load_idx %arg11[%add3A_240, %and3A_790] : memref<256x64xf32, #tpu.memory_space<vmem>>[vector<16xi32>, vector<16xi32>], vector<16xf32>,
      %gather3A_792 = tpu.vector_load_idx %arg12[%add3A_240, %and3A_790] : memref<256x64xf32, #tpu.memory_space<vmem>>[vector<16xi32>, vector<16xi32>], vector<16xf32>,
      %mul3A_793 = arith.mulf %gather3A_791, %gather3A_792 : vector<16xf32>
      %add3A_794 = arith.addf %add3A_784, %mul3A_793 : vector<16xf32>
      %add3A_795 = arith.constant 55 : i32
      %add3A_796 = vector.broadcast %add3A_795 : i32 to vector<16xi32>
      %add3A_797 = arith.addi %iota3A, %add3A_796 : vector<16xi32>
      %and3A_798 = arith.constant 63 : i32
      %and3A_799 = vector.broadcast %and3A_798 : i32 to vector<16xi32>
      %and3A_800 = arith.andi %add3A_797, %and3A_799 : vector<16xi32>
      %gather3A_801 = tpu.vector_load_idx %arg11[%add3A_240, %and3A_800] : memref<256x64xf32, #tpu.memory_space<vmem>>[vector<16xi32>, vector<16xi32>], vector<16xf32>,
      %gather3A_802 = tpu.vector_load_idx %arg12[%add3A_240, %and3A_800] : memref<256x64xf32, #tpu.memory_space<vmem>>[vector<16xi32>, vector<16xi32>], vector<16xf32>,
      %mul3A_803 = arith.mulf %gather3A_801, %gather3A_802 : vector<16xf32>
      %add3A_804 = arith.addf %add3A_794, %mul3A_803 : vector<16xf32>
      %add3A_805 = arith.constant 56 : i32
      %add3A_806 = vector.broadcast %add3A_805 : i32 to vector<16xi32>
      %add3A_807 = arith.addi %iota3A, %add3A_806 : vector<16xi32>
      %and3A_808 = arith.constant 63 : i32
      %and3A_809 = vector.broadcast %and3A_808 : i32 to vector<16xi32>
      %and3A_810 = arith.andi %add3A_807, %and3A_809 : vector<16xi32>
      %gather3A_811 = tpu.vector_load_idx %arg11[%add3A_240, %and3A_810] : memref<256x64xf32, #tpu.memory_space<vmem>>[vector<16xi32>, vector<16xi32>], vector<16xf32>,
      %gather3A_812 = tpu.vector_load_idx %arg12[%add3A_240, %and3A_810] : memref<256x64xf32, #tpu.memory_space<vmem>>[vector<16xi32>, vector<16xi32>], vector<16xf32>,
      %mul3A_813 = arith.mulf %gather3A_811, %gather3A_812 : vector<16xf32>
      %add3A_814 = arith.addf %add3A_804, %mul3A_813 : vector<16xf32>
      %add3A_815 = arith.constant 57 : i32
      %add3A_816 = vector.broadcast %add3A_815 : i32 to vector<16xi32>
      %add3A_817 = arith.addi %iota3A, %add3A_816 : vector<16xi32>
      %and3A_818 = arith.constant 63 : i32
      %and3A_819 = vector.broadcast %and3A_818 : i32 to vector<16xi32>
      %and3A_820 = arith.andi %add3A_817, %and3A_819 : vector<16xi32>
      %gather3A_821 = tpu.vector_load_idx %arg11[%add3A_240, %and3A_820] : memref<256x64xf32, #tpu.memory_space<vmem>>[vector<16xi32>, vector<16xi32>], vector<16xf32>,
      %gather3A_822 = tpu.vector_load_idx %arg12[%add3A_240, %and3A_820] : memref<256x64xf32, #tpu.memory_space<vmem>>[vector<16xi32>, vector<16xi32>], vector<16xf32>,
      %mul3A_823 = arith.mulf %gather3A_821, %gather3A_822 : vector<16xf32>
      %add3A_824 = arith.addf %add3A_814, %mul3A_823 : vector<16xf32>
      %add3A_825 = arith.constant 58 : i32
      %add3A_826 = vector.broadcast %add3A_825 : i32 to vector<16xi32>
      %add3A_827 = arith.addi %iota3A, %add3A_826 : vector<16xi32>
      %and3A_828 = arith.constant 63 : i32
      %and3A_829 = vector.broadcast %and3A_828 : i32 to vector<16xi32>
      %and3A_830 = arith.andi %add3A_827, %and3A_829 : vector<16xi32>
      %gather3A_831 = tpu.vector_load_idx %arg11[%add3A_240, %and3A_830] : memref<256x64xf32, #tpu.memory_space<vmem>>[vector<16xi32>, vector<16xi32>], vector<16xf32>,
      %gather3A_832 = tpu.vector_load_idx %arg12[%add3A_240, %and3A_830] : memref<256x64xf32, #tpu.memory_space<vmem>>[vector<16xi32>, vector<16xi32>], vector<16xf32>,
      %mul3A_833 = arith.mulf %gather3A_831, %gather3A_832 : vector<16xf32>
      %add3A_834 = arith.addf %add3A_824, %mul3A_833 : vector<16xf32>
      %add3A_835 = arith.constant 59 : i32
      %add3A_836 = vector.broadcast %add3A_835 : i32 to vector<16xi32>
      %add3A_837 = arith.addi %iota3A, %add3A_836 : vector<16xi32>
      %and3A_838 = arith.constant 63 : i32
      %and3A_839 = vector.broadcast %and3A_838 : i32 to vector<16xi32>
      %and3A_840 = arith.andi %add3A_837, %and3A_839 : vector<16xi32>
      %gather3A_841 = tpu.vector_load_idx %arg11[%add3A_240, %and3A_840] : memref<256x64xf32, #tpu.memory_space<vmem>>[vector<16xi32>, vector<16xi32>], vector<16xf32>,
      %gather3A_842 = tpu.vector_load_idx %arg12[%add3A_240, %and3A_840] : memref<256x64xf32, #tpu.memory_space<vmem>>[vector<16xi32>, vector<16xi32>], vector<16xf32>,
      %mul3A_843 = arith.mulf %gather3A_841, %gather3A_842 : vector<16xf32>
      %add3A_844 = arith.addf %add3A_834, %mul3A_843 : vector<16xf32>
      %add3A_845 = arith.constant 60 : i32
      %add3A_846 = vector.broadcast %add3A_845 : i32 to vector<16xi32>
      %add3A_847 = arith.addi %iota3A, %add3A_846 : vector<16xi32>
      %and3A_848 = arith.constant 63 : i32
      %and3A_849 = vector.broadcast %and3A_848 : i32 to vector<16xi32>
      %and3A_850 = arith.andi %add3A_847, %and3A_849 : vector<16xi32>
      %gather3A_851 = tpu.vector_load_idx %arg11[%add3A_240, %and3A_850] : memref<256x64xf32, #tpu.memory_space<vmem>>[vector<16xi32>, vector<16xi32>], vector<16xf32>,
      %gather3A_852 = tpu.vector_load_idx %arg12[%add3A_240, %and3A_850] : memref<256x64xf32, #tpu.memory_space<vmem>>[vector<16xi32>, vector<16xi32>], vector<16xf32>,
      %mul3A_853 = arith.mulf %gather3A_851, %gather3A_852 : vector<16xf32>
      %add3A_854 = arith.addf %add3A_844, %mul3A_853 : vector<16xf32>
      %add3A_855 = arith.constant 61 : i32
      %add3A_856 = vector.broadcast %add3A_855 : i32 to vector<16xi32>
      %add3A_857 = arith.addi %iota3A, %add3A_856 : vector<16xi32>
      %and3A_858 = arith.constant 63 : i32
      %and3A_859 = vector.broadcast %and3A_858 : i32 to vector<16xi32>
      %and3A_860 = arith.andi %add3A_857, %and3A_859 : vector<16xi32>
      %gather3A_861 = tpu.vector_load_idx %arg11[%add3A_240, %and3A_860] : memref<256x64xf32, #tpu.memory_space<vmem>>[vector<16xi32>, vector<16xi32>], vector<16xf32>,
      %gather3A_862 = tpu.vector_load_idx %arg12[%add3A_240, %and3A_860] : memref<256x64xf32, #tpu.memory_space<vmem>>[vector<16xi32>, vector<16xi32>], vector<16xf32>,
      %mul3A_863 = arith.mulf %gather3A_861, %gather3A_862 : vector<16xf32>
      %add3A_864 = arith.addf %add3A_854, %mul3A_863 : vector<16xf32>
      %add3A_865 = arith.constant 62 : i32
      %add3A_866 = vector.broadcast %add3A_865 : i32 to vector<16xi32>
      %add3A_867 = arith.addi %iota3A, %add3A_866 : vector<16xi32>
      %and3A_868 = arith.constant 63 : i32
      %and3A_869 = vector.broadcast %and3A_868 : i32 to vector<16xi32>
      %and3A_870 = arith.andi %add3A_867, %and3A_869 : vector<16xi32>
      %gather3A_871 = tpu.vector_load_idx %arg11[%add3A_240, %and3A_870] : memref<256x64xf32, #tpu.memory_space<vmem>>[vector<16xi32>, vector<16xi32>], vector<16xf32>,
      %gather3A_872 = tpu.vector_load_idx %arg12[%add3A_240, %and3A_870] : memref<256x64xf32, #tpu.memory_space<vmem>>[vector<16xi32>, vector<16xi32>], vector<16xf32>,
      %mul3A_873 = arith.mulf %gather3A_871, %gather3A_872 : vector<16xf32>
      %add3A_874 = arith.addf %add3A_864, %mul3A_873 : vector<16xf32>
      %add3A_875 = arith.constant 63 : i32
      %add3A_876 = vector.broadcast %add3A_875 : i32 to vector<16xi32>
      %add3A_877 = arith.addi %iota3A, %add3A_876 : vector<16xi32>
      %and3A_878 = arith.constant 63 : i32
      %and3A_879 = vector.broadcast %and3A_878 : i32 to vector<16xi32>
      %and3A_880 = arith.andi %add3A_877, %and3A_879 : vector<16xi32>
      %gather3A_881 = tpu.vector_load_idx %arg11[%add3A_240, %and3A_880] : memref<256x64xf32, #tpu.memory_space<vmem>>[vector<16xi32>, vector<16xi32>], vector<16xf32>,
      %gather3A_882 = tpu.vector_load_idx %arg12[%add3A_240, %and3A_880] : memref<256x64xf32, #tpu.memory_space<vmem>>[vector<16xi32>, vector<16xi32>], vector<16xf32>,
      %mul3A_883 = arith.mulf %gather3A_881, %gather3A_882 : vector<16xf32>
      %add3A_884 = arith.addf %add3A_874, %mul3A_883 : vector<16xf32>
      %swap3A = arith.index_cast %add3A_242 : i32 to index
      %swap3A_885 = tpu.vector_load %arg15[%swap3A] {strides = array<i32>} : memref<512xf32, #tpu.memory_space<vmem>>, vector<16xf32>,
      tpu.vector_store %arg15[%swap3A], %add3A_884 {strides = array<i32>} : memref<512xf32, #tpu.memory_space<vmem>>, vector<16xf32>,
    }
    %scan3A_165 = arith.constant 16 : i32
    %dma_start3A_166 = arith.constant 0 : i32
    %dma_start3A_167 = arith.constant 0 : i32
    %dma_start3A_168 = tpu.memref_slice %arg11[%dma_start3A_166, %dma_start3A_167] : memref<256x64xf32, #tpu.memory_space<vmem>> -> memref<128x64xf32, #tpu.memory_space<vmem>>
    %dma_start3A_169 = arith.constant 256 : i32
    %dma_start3A_170 = tpu.memref_slice %arg9[%dma_start3A_169] : memref<512xi32, #tpu.memory_space<vmem>> -> memref<128xi32, #tpu.memory_space<vmem>>
    %dma_start3A_171 = arith.constant 0 : i32
    %dma_start3A_172 = arith.constant 0 : i32
    %dma_start3A_173 = tpu.memref_slice %arg4[%dma_start3A_171, %dma_start3A_172] : memref<100000x64xf32, #tpu.memory_space<hbm>> -> memref<100000x64xf32, #tpu.memory_space<hbm>>
    tpu.enqueue_indirect_dma source(%dma_start3A_173 : memref<100000x64xf32, #tpu.memory_space<hbm>>) target(%dma_start3A_168 : memref<128x64xf32, #tpu.memory_space<vmem>>) offsets(%dma_start3A_170 : memref<128xi32, #tpu.memory_space<vmem>>) semaphore(%arg16 : memref<!tpu.dma_semaphore, #tpu.memory_space<semaphore_mem>>)
    %dma_start3A_174 = arith.constant 0 : i32
    %dma_start3A_175 = arith.constant 0 : i32
    %dma_start3A_176 = tpu.memref_slice %arg12[%dma_start3A_174, %dma_start3A_175] : memref<256x64xf32, #tpu.memory_space<vmem>> -> memref<128x64xf32, #tpu.memory_space<vmem>>
    %dma_start3A_177 = arith.constant 256 : i32
    %dma_start3A_178 = tpu.memref_slice %arg10[%dma_start3A_177] : memref<512xi32, #tpu.memory_space<vmem>> -> memref<128xi32, #tpu.memory_space<vmem>>
    %dma_start3A_179 = arith.constant 0 : i32
    %dma_start3A_180 = arith.constant 0 : i32
    %dma_start3A_181 = tpu.memref_slice %arg5[%dma_start3A_179, %dma_start3A_180] : memref<100000x64xf32, #tpu.memory_space<hbm>> -> memref<100000x64xf32, #tpu.memory_space<hbm>>
    tpu.enqueue_indirect_dma source(%dma_start3A_181 : memref<100000x64xf32, #tpu.memory_space<hbm>>) target(%dma_start3A_176 : memref<128x64xf32, #tpu.memory_space<vmem>>) offsets(%dma_start3A_178 : memref<128xi32, #tpu.memory_space<vmem>>) semaphore(%arg17 : memref<!tpu.dma_semaphore, #tpu.memory_space<semaphore_mem>>)
    %dma_start3A_182 = arith.constant 128 : i32
    %dma_start3A_183 = arith.constant 0 : i32
    %dma_start3A_184 = tpu.memref_slice %arg11[%dma_start3A_182, %dma_start3A_183] : memref<256x64xf32, #tpu.memory_space<vmem>> -> memref<128x64xf32, #tpu.memory_space<vmem>>
    %dma_start3A_185 = arith.constant 384 : i32
    %dma_start3A_186 = tpu.memref_slice %arg9[%dma_start3A_185] : memref<512xi32, #tpu.memory_space<vmem>> -> memref<128xi32, #tpu.memory_space<vmem>>
    %dma_start3A_187 = arith.constant 0 : i32
    %dma_start3A_188 = arith.constant 0 : i32
    %dma_start3A_189 = tpu.memref_slice %arg4[%dma_start3A_187, %dma_start3A_188] : memref<100000x64xf32, #tpu.memory_space<hbm>> -> memref<100000x64xf32, #tpu.memory_space<hbm>>
    tpu.enqueue_indirect_dma source(%dma_start3A_189 : memref<100000x64xf32, #tpu.memory_space<hbm>>) target(%dma_start3A_184 : memref<128x64xf32, #tpu.memory_space<vmem>>) offsets(%dma_start3A_186 : memref<128xi32, #tpu.memory_space<vmem>>) semaphore(%arg16 : memref<!tpu.dma_semaphore, #tpu.memory_space<semaphore_mem>>)
    %dma_start3A_190 = arith.constant 128 : i32
    %dma_start3A_191 = arith.constant 0 : i32
    %dma_start3A_192 = tpu.memref_slice %arg12[%dma_start3A_190, %dma_start3A_191] : memref<256x64xf32, #tpu.memory_space<vmem>> -> memref<128x64xf32, #tpu.memory_space<vmem>>
    %dma_start3A_193 = arith.constant 384 : i32
    %dma_start3A_194 = tpu.memref_slice %arg10[%dma_start3A_193] : memref<512xi32, #tpu.memory_space<vmem>> -> memref<128xi32, #tpu.memory_space<vmem>>
    %dma_start3A_195 = arith.constant 0 : i32
    %dma_start3A_196 = arith.constant 0 : i32
    %dma_start3A_197 = tpu.memref_slice %arg5[%dma_start3A_195, %dma_start3A_196] : memref<100000x64xf32, #tpu.memory_space<hbm>> -> memref<100000x64xf32, #tpu.memory_space<hbm>>
    tpu.enqueue_indirect_dma source(%dma_start3A_197 : memref<100000x64xf32, #tpu.memory_space<hbm>>) target(%dma_start3A_192 : memref<128x64xf32, #tpu.memory_space<vmem>>) offsets(%dma_start3A_194 : memref<128xi32, #tpu.memory_space<vmem>>) semaphore(%arg17 : memref<!tpu.dma_semaphore, #tpu.memory_space<semaphore_mem>>)
    %dma_wait3A_198 = arith.constant 0 : i32
    %dma_wait3A_199 = arith.constant 0 : i32
    %dma_wait3A_200 = tpu.memref_slice %arg11[%dma_wait3A_198, %dma_wait3A_199] : memref<256x64xf32, #tpu.memory_space<vmem>> -> memref<128x64xf32, #tpu.memory_space<vmem>>
    %dma_wait3A_201 = arith.constant 256 : i32
    %dma_wait3A_202 = tpu.memref_slice %arg9[%dma_wait3A_201] : memref<512xi32, #tpu.memory_space<vmem>> -> memref<128xi32, #tpu.memory_space<vmem>>
    %dma_wait3A_203 = arith.constant 0 : i32
    %dma_wait3A_204 = arith.constant 0 : i32
    %dma_wait3A_205 = tpu.memref_slice %arg4[%dma_wait3A_203, %dma_wait3A_204] : memref<100000x64xf32, #tpu.memory_space<hbm>> -> memref<100000x64xf32, #tpu.memory_space<hbm>>
    tpu.wait_indirect_dma semaphore(%arg16 : memref<!tpu.dma_semaphore, #tpu.memory_space<semaphore_mem>>) src(%dma_wait3A_205 : memref<100000x64xf32, #tpu.memory_space<hbm>>) dst(%dma_wait3A_200 : memref<128x64xf32, #tpu.memory_space<vmem>>)
    %dma_wait3A_206 = arith.constant 0 : i32
    %dma_wait3A_207 = arith.constant 0 : i32
    %dma_wait3A_208 = tpu.memref_slice %arg12[%dma_wait3A_206, %dma_wait3A_207] : memref<256x64xf32, #tpu.memory_space<vmem>> -> memref<128x64xf32, #tpu.memory_space<vmem>>
    %dma_wait3A_209 = arith.constant 256 : i32
    %dma_wait3A_210 = tpu.memref_slice %arg10[%dma_wait3A_209] : memref<512xi32, #tpu.memory_space<vmem>> -> memref<128xi32, #tpu.memory_space<vmem>>
    %dma_wait3A_211 = arith.constant 0 : i32
    %dma_wait3A_212 = arith.constant 0 : i32
    %dma_wait3A_213 = tpu.memref_slice %arg5[%dma_wait3A_211, %dma_wait3A_212] : memref<100000x64xf32, #tpu.memory_space<hbm>> -> memref<100000x64xf32, #tpu.memory_space<hbm>>
    tpu.wait_indirect_dma semaphore(%arg17 : memref<!tpu.dma_semaphore, #tpu.memory_space<semaphore_mem>>) src(%dma_wait3A_213 : memref<100000x64xf32, #tpu.memory_space<hbm>>) dst(%dma_wait3A_208 : memref<128x64xf32, #tpu.memory_space<vmem>>)
    %dma_wait3A_214 = arith.constant 128 : i32
    %dma_wait3A_215 = arith.constant 0 : i32
    %dma_wait3A_216 = tpu.memref_slice %arg11[%dma_wait3A_214, %dma_wait3A_215] : memref<256x64xf32, #tpu.memory_space<vmem>> -> memref<128x64xf32, #tpu.memory_space<vmem>>
    %dma_wait3A_217 = arith.constant 384 : i32
    %dma_wait3A_218 = tpu.memref_slice %arg9[%dma_wait3A_217] : memref<512xi32, #tpu.memory_space<vmem>> -> memref<128xi32, #tpu.memory_space<vmem>>
    %dma_wait3A_219 = arith.constant 0 : i32
    %dma_wait3A_220 = arith.constant 0 : i32
    %dma_wait3A_221 = tpu.memref_slice %arg4[%dma_wait3A_219, %dma_wait3A_220] : memref<100000x64xf32, #tpu.memory_space<hbm>> -> memref<100000x64xf32, #tpu.memory_space<hbm>>
    tpu.wait_indirect_dma semaphore(%arg16 : memref<!tpu.dma_semaphore, #tpu.memory_space<semaphore_mem>>) src(%dma_wait3A_221 : memref<100000x64xf32, #tpu.memory_space<hbm>>) dst(%dma_wait3A_216 : memref<128x64xf32, #tpu.memory_space<vmem>>)
    %dma_wait3A_222 = arith.constant 128 : i32
    %dma_wait3A_223 = arith.constant 0 : i32
    %dma_wait3A_224 = tpu.memref_slice %arg12[%dma_wait3A_222, %dma_wait3A_223] : memref<256x64xf32, #tpu.memory_space<vmem>> -> memref<128x64xf32, #tpu.memory_space<vmem>>
    %dma_wait3A_225 = arith.constant 384 : i32
    %dma_wait3A_226 = tpu.memref_slice %arg10[%dma_wait3A_225] : memref<512xi32, #tpu.memory_space<vmem>> -> memref<128xi32, #tpu.memory_space<vmem>>
    %dma_wait3A_227 = arith.constant 0 : i32
    %dma_wait3A_228 = arith.constant 0 : i32
    %dma_wait3A_229 = tpu.memref_slice %arg5[%dma_wait3A_227, %dma_wait3A_228] : memref<100000x64xf32, #tpu.memory_space<hbm>> -> memref<100000x64xf32, #tpu.memory_space<hbm>>
    tpu.wait_indirect_dma semaphore(%arg17 : memref<!tpu.dma_semaphore, #tpu.memory_space<semaphore_mem>>) src(%dma_wait3A_229 : memref<100000x64xf32, #tpu.memory_space<hbm>>) dst(%dma_wait3A_224 : memref<128x64xf32, #tpu.memory_space<vmem>>)
    %scan3A_230 = arith.constant 0 : i32
    %scan3A_231 = arith.constant 0 : i32
    %scan3A_232 = arith.constant 16 : i32
    %scan3A_233 = arith.addi %scan3A_231, %scan3A_232 : i32
    %scan3A_234 = arith.constant 1 : i32
    scf.for %scan3A_236 = %scan3A_231 to %scan3A_233 step %scan3A_234  : i32 {
      %mul3A_237 = arith.constant 16 : i32
      %mul3A_238 = arith.muli %scan3A_236, %mul3A_237 : i32
      %add3A_239 = vector.broadcast %mul3A_238 : i32 to vector<16xi32>
      %add3A_240 = arith.addi %add3A_239, %iota3A : vector<16xi32>
      %add3A_241 = arith.constant 256 : i32
      %add3A_242 = arith.addi %add3A_241, %mul3A_238 : i32
      %get3A = arith.index_cast %add3A_242 : i32 to index
      %get3A_243 = tpu.vector_load %arg13[%get3A] {strides = array<i32>} : memref<512xf32, #tpu.memory_space<vmem>>, vector<16xf32>,
      %get3A_244 = arith.index_cast %add3A_242 : i32 to index
      %get3A_245 = tpu.vector_load %arg14[%get3A_244] {strides = array<i32>} : memref<512xf32, #tpu.memory_space<vmem>>, vector<16xf32>,
      %add3A_246 = arith.addf %get3A_243, %get3A_245 : vector<16xf32>
      %add3A_247 = arith.constant 0 : i32
      %add3A_248 = vector.broadcast %add3A_247 : i32 to vector<16xi32>
      %add3A_249 = arith.addi %iota3A, %add3A_248 : vector<16xi32>
      %and3A = arith.constant 63 : i32
      %and3A_250 = vector.broadcast %and3A : i32 to vector<16xi32>
      %and3A_251 = arith.andi %add3A_249, %and3A_250 : vector<16xi32>
      %gather3A = tpu.vector_load_idx %arg11[%add3A_240, %and3A_251] : memref<256x64xf32, #tpu.memory_space<vmem>>[vector<16xi32>, vector<16xi32>], vector<16xf32>,
      %gather3A_252 = tpu.vector_load_idx %arg12[%add3A_240, %and3A_251] : memref<256x64xf32, #tpu.memory_space<vmem>>[vector<16xi32>, vector<16xi32>], vector<16xf32>,
      %mul3A_253 = arith.mulf %gather3A, %gather3A_252 : vector<16xf32>
      %add3A_254 = arith.addf %add3A_246, %mul3A_253 : vector<16xf32>
      %add3A_255 = arith.constant 1 : i32
      %add3A_256 = vector.broadcast %add3A_255 : i32 to vector<16xi32>
      %add3A_257 = arith.addi %iota3A, %add3A_256 : vector<16xi32>
      %and3A_258 = arith.constant 63 : i32
      %and3A_259 = vector.broadcast %and3A_258 : i32 to vector<16xi32>
      %and3A_260 = arith.andi %add3A_257, %and3A_259 : vector<16xi32>
      %gather3A_261 = tpu.vector_load_idx %arg11[%add3A_240, %and3A_260] : memref<256x64xf32, #tpu.memory_space<vmem>>[vector<16xi32>, vector<16xi32>], vector<16xf32>,
      %gather3A_262 = tpu.vector_load_idx %arg12[%add3A_240, %and3A_260] : memref<256x64xf32, #tpu.memory_space<vmem>>[vector<16xi32>, vector<16xi32>], vector<16xf32>,
      %mul3A_263 = arith.mulf %gather3A_261, %gather3A_262 : vector<16xf32>
      %add3A_264 = arith.addf %add3A_254, %mul3A_263 : vector<16xf32>
      %add3A_265 = arith.constant 2 : i32
      %add3A_266 = vector.broadcast %add3A_265 : i32 to vector<16xi32>
      %add3A_267 = arith.addi %iota3A, %add3A_266 : vector<16xi32>
      %and3A_268 = arith.constant 63 : i32
      %and3A_269 = vector.broadcast %and3A_268 : i32 to vector<16xi32>
      %and3A_270 = arith.andi %add3A_267, %and3A_269 : vector<16xi32>
      %gather3A_271 = tpu.vector_load_idx %arg11[%add3A_240, %and3A_270] : memref<256x64xf32, #tpu.memory_space<vmem>>[vector<16xi32>, vector<16xi32>], vector<16xf32>,
      %gather3A_272 = tpu.vector_load_idx %arg12[%add3A_240, %and3A_270] : memref<256x64xf32, #tpu.memory_space<vmem>>[vector<16xi32>, vector<16xi32>], vector<16xf32>,
      %mul3A_273 = arith.mulf %gather3A_271, %gather3A_272 : vector<16xf32>
      %add3A_274 = arith.addf %add3A_264, %mul3A_273 : vector<16xf32>
      %add3A_275 = arith.constant 3 : i32
      %add3A_276 = vector.broadcast %add3A_275 : i32 to vector<16xi32>
      %add3A_277 = arith.addi %iota3A, %add3A_276 : vector<16xi32>
      %and3A_278 = arith.constant 63 : i32
      %and3A_279 = vector.broadcast %and3A_278 : i32 to vector<16xi32>
      %and3A_280 = arith.andi %add3A_277, %and3A_279 : vector<16xi32>
      %gather3A_281 = tpu.vector_load_idx %arg11[%add3A_240, %and3A_280] : memref<256x64xf32, #tpu.memory_space<vmem>>[vector<16xi32>, vector<16xi32>], vector<16xf32>,
      %gather3A_282 = tpu.vector_load_idx %arg12[%add3A_240, %and3A_280] : memref<256x64xf32, #tpu.memory_space<vmem>>[vector<16xi32>, vector<16xi32>], vector<16xf32>,
      %mul3A_283 = arith.mulf %gather3A_281, %gather3A_282 : vector<16xf32>
      %add3A_284 = arith.addf %add3A_274, %mul3A_283 : vector<16xf32>
      %add3A_285 = arith.constant 4 : i32
      %add3A_286 = vector.broadcast %add3A_285 : i32 to vector<16xi32>
      %add3A_287 = arith.addi %iota3A, %add3A_286 : vector<16xi32>
      %and3A_288 = arith.constant 63 : i32
      %and3A_289 = vector.broadcast %and3A_288 : i32 to vector<16xi32>
      %and3A_290 = arith.andi %add3A_287, %and3A_289 : vector<16xi32>
      %gather3A_291 = tpu.vector_load_idx %arg11[%add3A_240, %and3A_290] : memref<256x64xf32, #tpu.memory_space<vmem>>[vector<16xi32>, vector<16xi32>], vector<16xf32>,
      %gather3A_292 = tpu.vector_load_idx %arg12[%add3A_240, %and3A_290] : memref<256x64xf32, #tpu.memory_space<vmem>>[vector<16xi32>, vector<16xi32>], vector<16xf32>,
      %mul3A_293 = arith.mulf %gather3A_291, %gather3A_292 : vector<16xf32>
      %add3A_294 = arith.addf %add3A_284, %mul3A_293 : vector<16xf32>
      %add3A_295 = arith.constant 5 : i32
      %add3A_296 = vector.broadcast %add3A_295 : i32 to vector<16xi32>
      %add3A_297 = arith.addi %iota3A, %add3A_296 : vector<16xi32>
      %and3A_298 = arith.constant 63 : i32
      %and3A_299 = vector.broadcast %and3A_298 : i32 to vector<16xi32>
      %and3A_300 = arith.andi %add3A_297, %and3A_299 : vector<16xi32>
      %gather3A_301 = tpu.vector_load_idx %arg11[%add3A_240, %and3A_300] : memref<256x64xf32, #tpu.memory_space<vmem>>[vector<16xi32>, vector<16xi32>], vector<16xf32>,
      %gather3A_302 = tpu.vector_load_idx %arg12[%add3A_240, %and3A_300] : memref<256x64xf32, #tpu.memory_space<vmem>>[vector<16xi32>, vector<16xi32>], vector<16xf32>,
      %mul3A_303 = arith.mulf %gather3A_301, %gather3A_302 : vector<16xf32>
      %add3A_304 = arith.addf %add3A_294, %mul3A_303 : vector<16xf32>
      %add3A_305 = arith.constant 6 : i32
      %add3A_306 = vector.broadcast %add3A_305 : i32 to vector<16xi32>
      %add3A_307 = arith.addi %iota3A, %add3A_306 : vector<16xi32>
      %and3A_308 = arith.constant 63 : i32
      %and3A_309 = vector.broadcast %and3A_308 : i32 to vector<16xi32>
      %and3A_310 = arith.andi %add3A_307, %and3A_309 : vector<16xi32>
      %gather3A_311 = tpu.vector_load_idx %arg11[%add3A_240, %and3A_310] : memref<256x64xf32, #tpu.memory_space<vmem>>[vector<16xi32>, vector<16xi32>], vector<16xf32>,
      %gather3A_312 = tpu.vector_load_idx %arg12[%add3A_240, %and3A_310] : memref<256x64xf32, #tpu.memory_space<vmem>>[vector<16xi32>, vector<16xi32>], vector<16xf32>,
      %mul3A_313 = arith.mulf %gather3A_311, %gather3A_312 : vector<16xf32>
      %add3A_314 = arith.addf %add3A_304, %mul3A_313 : vector<16xf32>
      %add3A_315 = arith.constant 7 : i32
      %add3A_316 = vector.broadcast %add3A_315 : i32 to vector<16xi32>
      %add3A_317 = arith.addi %iota3A, %add3A_316 : vector<16xi32>
      %and3A_318 = arith.constant 63 : i32
      %and3A_319 = vector.broadcast %and3A_318 : i32 to vector<16xi32>
      %and3A_320 = arith.andi %add3A_317, %and3A_319 : vector<16xi32>
      %gather3A_321 = tpu.vector_load_idx %arg11[%add3A_240, %and3A_320] : memref<256x64xf32, #tpu.memory_space<vmem>>[vector<16xi32>, vector<16xi32>], vector<16xf32>,
      %gather3A_322 = tpu.vector_load_idx %arg12[%add3A_240, %and3A_320] : memref<256x64xf32, #tpu.memory_space<vmem>>[vector<16xi32>, vector<16xi32>], vector<16xf32>,
      %mul3A_323 = arith.mulf %gather3A_321, %gather3A_322 : vector<16xf32>
      %add3A_324 = arith.addf %add3A_314, %mul3A_323 : vector<16xf32>
      %add3A_325 = arith.constant 8 : i32
      %add3A_326 = vector.broadcast %add3A_325 : i32 to vector<16xi32>
      %add3A_327 = arith.addi %iota3A, %add3A_326 : vector<16xi32>
      %and3A_328 = arith.constant 63 : i32
      %and3A_329 = vector.broadcast %and3A_328 : i32 to vector<16xi32>
      %and3A_330 = arith.andi %add3A_327, %and3A_329 : vector<16xi32>
      %gather3A_331 = tpu.vector_load_idx %arg11[%add3A_240, %and3A_330] : memref<256x64xf32, #tpu.memory_space<vmem>>[vector<16xi32>, vector<16xi32>], vector<16xf32>,
      %gather3A_332 = tpu.vector_load_idx %arg12[%add3A_240, %and3A_330] : memref<256x64xf32, #tpu.memory_space<vmem>>[vector<16xi32>, vector<16xi32>], vector<16xf32>,
      %mul3A_333 = arith.mulf %gather3A_331, %gather3A_332 : vector<16xf32>
      %add3A_334 = arith.addf %add3A_324, %mul3A_333 : vector<16xf32>
      %add3A_335 = arith.constant 9 : i32
      %add3A_336 = vector.broadcast %add3A_335 : i32 to vector<16xi32>
      %add3A_337 = arith.addi %iota3A, %add3A_336 : vector<16xi32>
      %and3A_338 = arith.constant 63 : i32
      %and3A_339 = vector.broadcast %and3A_338 : i32 to vector<16xi32>
      %and3A_340 = arith.andi %add3A_337, %and3A_339 : vector<16xi32>
      %gather3A_341 = tpu.vector_load_idx %arg11[%add3A_240, %and3A_340] : memref<256x64xf32, #tpu.memory_space<vmem>>[vector<16xi32>, vector<16xi32>], vector<16xf32>,
      %gather3A_342 = tpu.vector_load_idx %arg12[%add3A_240, %and3A_340] : memref<256x64xf32, #tpu.memory_space<vmem>>[vector<16xi32>, vector<16xi32>], vector<16xf32>,
      %mul3A_343 = arith.mulf %gather3A_341, %gather3A_342 : vector<16xf32>
      %add3A_344 = arith.addf %add3A_334, %mul3A_343 : vector<16xf32>
      %add3A_345 = arith.constant 10 : i32
      %add3A_346 = vector.broadcast %add3A_345 : i32 to vector<16xi32>
      %add3A_347 = arith.addi %iota3A, %add3A_346 : vector<16xi32>
      %and3A_348 = arith.constant 63 : i32
      %and3A_349 = vector.broadcast %and3A_348 : i32 to vector<16xi32>
      %and3A_350 = arith.andi %add3A_347, %and3A_349 : vector<16xi32>
      %gather3A_351 = tpu.vector_load_idx %arg11[%add3A_240, %and3A_350] : memref<256x64xf32, #tpu.memory_space<vmem>>[vector<16xi32>, vector<16xi32>], vector<16xf32>,
      %gather3A_352 = tpu.vector_load_idx %arg12[%add3A_240, %and3A_350] : memref<256x64xf32, #tpu.memory_space<vmem>>[vector<16xi32>, vector<16xi32>], vector<16xf32>,
      %mul3A_353 = arith.mulf %gather3A_351, %gather3A_352 : vector<16xf32>
      %add3A_354 = arith.addf %add3A_344, %mul3A_353 : vector<16xf32>
      %add3A_355 = arith.constant 11 : i32
      %add3A_356 = vector.broadcast %add3A_355 : i32 to vector<16xi32>
      %add3A_357 = arith.addi %iota3A, %add3A_356 : vector<16xi32>
      %and3A_358 = arith.constant 63 : i32
      %and3A_359 = vector.broadcast %and3A_358 : i32 to vector<16xi32>
      %and3A_360 = arith.andi %add3A_357, %and3A_359 : vector<16xi32>
      %gather3A_361 = tpu.vector_load_idx %arg11[%add3A_240, %and3A_360] : memref<256x64xf32, #tpu.memory_space<vmem>>[vector<16xi32>, vector<16xi32>], vector<16xf32>,
      %gather3A_362 = tpu.vector_load_idx %arg12[%add3A_240, %and3A_360] : memref<256x64xf32, #tpu.memory_space<vmem>>[vector<16xi32>, vector<16xi32>], vector<16xf32>,
      %mul3A_363 = arith.mulf %gather3A_361, %gather3A_362 : vector<16xf32>
      %add3A_364 = arith.addf %add3A_354, %mul3A_363 : vector<16xf32>
      %add3A_365 = arith.constant 12 : i32
      %add3A_366 = vector.broadcast %add3A_365 : i32 to vector<16xi32>
      %add3A_367 = arith.addi %iota3A, %add3A_366 : vector<16xi32>
      %and3A_368 = arith.constant 63 : i32
      %and3A_369 = vector.broadcast %and3A_368 : i32 to vector<16xi32>
      %and3A_370 = arith.andi %add3A_367, %and3A_369 : vector<16xi32>
      %gather3A_371 = tpu.vector_load_idx %arg11[%add3A_240, %and3A_370] : memref<256x64xf32, #tpu.memory_space<vmem>>[vector<16xi32>, vector<16xi32>], vector<16xf32>,
      %gather3A_372 = tpu.vector_load_idx %arg12[%add3A_240, %and3A_370] : memref<256x64xf32, #tpu.memory_space<vmem>>[vector<16xi32>, vector<16xi32>], vector<16xf32>,
      %mul3A_373 = arith.mulf %gather3A_371, %gather3A_372 : vector<16xf32>
      %add3A_374 = arith.addf %add3A_364, %mul3A_373 : vector<16xf32>
      %add3A_375 = arith.constant 13 : i32
      %add3A_376 = vector.broadcast %add3A_375 : i32 to vector<16xi32>
      %add3A_377 = arith.addi %iota3A, %add3A_376 : vector<16xi32>
      %and3A_378 = arith.constant 63 : i32
      %and3A_379 = vector.broadcast %and3A_378 : i32 to vector<16xi32>
      %and3A_380 = arith.andi %add3A_377, %and3A_379 : vector<16xi32>
      %gather3A_381 = tpu.vector_load_idx %arg11[%add3A_240, %and3A_380] : memref<256x64xf32, #tpu.memory_space<vmem>>[vector<16xi32>, vector<16xi32>], vector<16xf32>,
      %gather3A_382 = tpu.vector_load_idx %arg12[%add3A_240, %and3A_380] : memref<256x64xf32, #tpu.memory_space<vmem>>[vector<16xi32>, vector<16xi32>], vector<16xf32>,
      %mul3A_383 = arith.mulf %gather3A_381, %gather3A_382 : vector<16xf32>
      %add3A_384 = arith.addf %add3A_374, %mul3A_383 : vector<16xf32>
      %add3A_385 = arith.constant 14 : i32
      %add3A_386 = vector.broadcast %add3A_385 : i32 to vector<16xi32>
      %add3A_387 = arith.addi %iota3A, %add3A_386 : vector<16xi32>
      %and3A_388 = arith.constant 63 : i32
      %and3A_389 = vector.broadcast %and3A_388 : i32 to vector<16xi32>
      %and3A_390 = arith.andi %add3A_387, %and3A_389 : vector<16xi32>
      %gather3A_391 = tpu.vector_load_idx %arg11[%add3A_240, %and3A_390] : memref<256x64xf32, #tpu.memory_space<vmem>>[vector<16xi32>, vector<16xi32>], vector<16xf32>,
      %gather3A_392 = tpu.vector_load_idx %arg12[%add3A_240, %and3A_390] : memref<256x64xf32, #tpu.memory_space<vmem>>[vector<16xi32>, vector<16xi32>], vector<16xf32>,
      %mul3A_393 = arith.mulf %gather3A_391, %gather3A_392 : vector<16xf32>
      %add3A_394 = arith.addf %add3A_384, %mul3A_393 : vector<16xf32>
      %add3A_395 = arith.constant 15 : i32
      %add3A_396 = vector.broadcast %add3A_395 : i32 to vector<16xi32>
      %add3A_397 = arith.addi %iota3A, %add3A_396 : vector<16xi32>
      %and3A_398 = arith.constant 63 : i32
      %and3A_399 = vector.broadcast %and3A_398 : i32 to vector<16xi32>
      %and3A_400 = arith.andi %add3A_397, %and3A_399 : vector<16xi32>
      %gather3A_401 = tpu.vector_load_idx %arg11[%add3A_240, %and3A_400] : memref<256x64xf32, #tpu.memory_space<vmem>>[vector<16xi32>, vector<16xi32>], vector<16xf32>,
      %gather3A_402 = tpu.vector_load_idx %arg12[%add3A_240, %and3A_400] : memref<256x64xf32, #tpu.memory_space<vmem>>[vector<16xi32>, vector<16xi32>], vector<16xf32>,
      %mul3A_403 = arith.mulf %gather3A_401, %gather3A_402 : vector<16xf32>
      %add3A_404 = arith.addf %add3A_394, %mul3A_403 : vector<16xf32>
      %add3A_405 = arith.constant 16 : i32
      %add3A_406 = vector.broadcast %add3A_405 : i32 to vector<16xi32>
      %add3A_407 = arith.addi %iota3A, %add3A_406 : vector<16xi32>
      %and3A_408 = arith.constant 63 : i32
      %and3A_409 = vector.broadcast %and3A_408 : i32 to vector<16xi32>
      %and3A_410 = arith.andi %add3A_407, %and3A_409 : vector<16xi32>
      %gather3A_411 = tpu.vector_load_idx %arg11[%add3A_240, %and3A_410] : memref<256x64xf32, #tpu.memory_space<vmem>>[vector<16xi32>, vector<16xi32>], vector<16xf32>,
      %gather3A_412 = tpu.vector_load_idx %arg12[%add3A_240, %and3A_410] : memref<256x64xf32, #tpu.memory_space<vmem>>[vector<16xi32>, vector<16xi32>], vector<16xf32>,
      %mul3A_413 = arith.mulf %gather3A_411, %gather3A_412 : vector<16xf32>
      %add3A_414 = arith.addf %add3A_404, %mul3A_413 : vector<16xf32>
      %add3A_415 = arith.constant 17 : i32
      %add3A_416 = vector.broadcast %add3A_415 : i32 to vector<16xi32>
      %add3A_417 = arith.addi %iota3A, %add3A_416 : vector<16xi32>
      %and3A_418 = arith.constant 63 : i32
      %and3A_419 = vector.broadcast %and3A_418 : i32 to vector<16xi32>
      %and3A_420 = arith.andi %add3A_417, %and3A_419 : vector<16xi32>
      %gather3A_421 = tpu.vector_load_idx %arg11[%add3A_240, %and3A_420] : memref<256x64xf32, #tpu.memory_space<vmem>>[vector<16xi32>, vector<16xi32>], vector<16xf32>,
      %gather3A_422 = tpu.vector_load_idx %arg12[%add3A_240, %and3A_420] : memref<256x64xf32, #tpu.memory_space<vmem>>[vector<16xi32>, vector<16xi32>], vector<16xf32>,
      %mul3A_423 = arith.mulf %gather3A_421, %gather3A_422 : vector<16xf32>
      %add3A_424 = arith.addf %add3A_414, %mul3A_423 : vector<16xf32>
      %add3A_425 = arith.constant 18 : i32
      %add3A_426 = vector.broadcast %add3A_425 : i32 to vector<16xi32>
      %add3A_427 = arith.addi %iota3A, %add3A_426 : vector<16xi32>
      %and3A_428 = arith.constant 63 : i32
      %and3A_429 = vector.broadcast %and3A_428 : i32 to vector<16xi32>
      %and3A_430 = arith.andi %add3A_427, %and3A_429 : vector<16xi32>
      %gather3A_431 = tpu.vector_load_idx %arg11[%add3A_240, %and3A_430] : memref<256x64xf32, #tpu.memory_space<vmem>>[vector<16xi32>, vector<16xi32>], vector<16xf32>,
      %gather3A_432 = tpu.vector_load_idx %arg12[%add3A_240, %and3A_430] : memref<256x64xf32, #tpu.memory_space<vmem>>[vector<16xi32>, vector<16xi32>], vector<16xf32>,
      %mul3A_433 = arith.mulf %gather3A_431, %gather3A_432 : vector<16xf32>
      %add3A_434 = arith.addf %add3A_424, %mul3A_433 : vector<16xf32>
      %add3A_435 = arith.constant 19 : i32
      %add3A_436 = vector.broadcast %add3A_435 : i32 to vector<16xi32>
      %add3A_437 = arith.addi %iota3A, %add3A_436 : vector<16xi32>
      %and3A_438 = arith.constant 63 : i32
      %and3A_439 = vector.broadcast %and3A_438 : i32 to vector<16xi32>
      %and3A_440 = arith.andi %add3A_437, %and3A_439 : vector<16xi32>
      %gather3A_441 = tpu.vector_load_idx %arg11[%add3A_240, %and3A_440] : memref<256x64xf32, #tpu.memory_space<vmem>>[vector<16xi32>, vector<16xi32>], vector<16xf32>,
      %gather3A_442 = tpu.vector_load_idx %arg12[%add3A_240, %and3A_440] : memref<256x64xf32, #tpu.memory_space<vmem>>[vector<16xi32>, vector<16xi32>], vector<16xf32>,
      %mul3A_443 = arith.mulf %gather3A_441, %gather3A_442 : vector<16xf32>
      %add3A_444 = arith.addf %add3A_434, %mul3A_443 : vector<16xf32>
      %add3A_445 = arith.constant 20 : i32
      %add3A_446 = vector.broadcast %add3A_445 : i32 to vector<16xi32>
      %add3A_447 = arith.addi %iota3A, %add3A_446 : vector<16xi32>
      %and3A_448 = arith.constant 63 : i32
      %and3A_449 = vector.broadcast %and3A_448 : i32 to vector<16xi32>
      %and3A_450 = arith.andi %add3A_447, %and3A_449 : vector<16xi32>
      %gather3A_451 = tpu.vector_load_idx %arg11[%add3A_240, %and3A_450] : memref<256x64xf32, #tpu.memory_space<vmem>>[vector<16xi32>, vector<16xi32>], vector<16xf32>,
      %gather3A_452 = tpu.vector_load_idx %arg12[%add3A_240, %and3A_450] : memref<256x64xf32, #tpu.memory_space<vmem>>[vector<16xi32>, vector<16xi32>], vector<16xf32>,
      %mul3A_453 = arith.mulf %gather3A_451, %gather3A_452 : vector<16xf32>
      %add3A_454 = arith.addf %add3A_444, %mul3A_453 : vector<16xf32>
      %add3A_455 = arith.constant 21 : i32
      %add3A_456 = vector.broadcast %add3A_455 : i32 to vector<16xi32>
      %add3A_457 = arith.addi %iota3A, %add3A_456 : vector<16xi32>
      %and3A_458 = arith.constant 63 : i32
      %and3A_459 = vector.broadcast %and3A_458 : i32 to vector<16xi32>
      %and3A_460 = arith.andi %add3A_457, %and3A_459 : vector<16xi32>
      %gather3A_461 = tpu.vector_load_idx %arg11[%add3A_240, %and3A_460] : memref<256x64xf32, #tpu.memory_space<vmem>>[vector<16xi32>, vector<16xi32>], vector<16xf32>,
      %gather3A_462 = tpu.vector_load_idx %arg12[%add3A_240, %and3A_460] : memref<256x64xf32, #tpu.memory_space<vmem>>[vector<16xi32>, vector<16xi32>], vector<16xf32>,
      %mul3A_463 = arith.mulf %gather3A_461, %gather3A_462 : vector<16xf32>
      %add3A_464 = arith.addf %add3A_454, %mul3A_463 : vector<16xf32>
      %add3A_465 = arith.constant 22 : i32
      %add3A_466 = vector.broadcast %add3A_465 : i32 to vector<16xi32>
      %add3A_467 = arith.addi %iota3A, %add3A_466 : vector<16xi32>
      %and3A_468 = arith.constant 63 : i32
      %and3A_469 = vector.broadcast %and3A_468 : i32 to vector<16xi32>
      %and3A_470 = arith.andi %add3A_467, %and3A_469 : vector<16xi32>
      %gather3A_471 = tpu.vector_load_idx %arg11[%add3A_240, %and3A_470] : memref<256x64xf32, #tpu.memory_space<vmem>>[vector<16xi32>, vector<16xi32>], vector<16xf32>,
      %gather3A_472 = tpu.vector_load_idx %arg12[%add3A_240, %and3A_470] : memref<256x64xf32, #tpu.memory_space<vmem>>[vector<16xi32>, vector<16xi32>], vector<16xf32>,
      %mul3A_473 = arith.mulf %gather3A_471, %gather3A_472 : vector<16xf32>
      %add3A_474 = arith.addf %add3A_464, %mul3A_473 : vector<16xf32>
      %add3A_475 = arith.constant 23 : i32
      %add3A_476 = vector.broadcast %add3A_475 : i32 to vector<16xi32>
      %add3A_477 = arith.addi %iota3A, %add3A_476 : vector<16xi32>
      %and3A_478 = arith.constant 63 : i32
      %and3A_479 = vector.broadcast %and3A_478 : i32 to vector<16xi32>
      %and3A_480 = arith.andi %add3A_477, %and3A_479 : vector<16xi32>
      %gather3A_481 = tpu.vector_load_idx %arg11[%add3A_240, %and3A_480] : memref<256x64xf32, #tpu.memory_space<vmem>>[vector<16xi32>, vector<16xi32>], vector<16xf32>,
      %gather3A_482 = tpu.vector_load_idx %arg12[%add3A_240, %and3A_480] : memref<256x64xf32, #tpu.memory_space<vmem>>[vector<16xi32>, vector<16xi32>], vector<16xf32>,
      %mul3A_483 = arith.mulf %gather3A_481, %gather3A_482 : vector<16xf32>
      %add3A_484 = arith.addf %add3A_474, %mul3A_483 : vector<16xf32>
      %add3A_485 = arith.constant 24 : i32
      %add3A_486 = vector.broadcast %add3A_485 : i32 to vector<16xi32>
      %add3A_487 = arith.addi %iota3A, %add3A_486 : vector<16xi32>
      %and3A_488 = arith.constant 63 : i32
      %and3A_489 = vector.broadcast %and3A_488 : i32 to vector<16xi32>
      %and3A_490 = arith.andi %add3A_487, %and3A_489 : vector<16xi32>
      %gather3A_491 = tpu.vector_load_idx %arg11[%add3A_240, %and3A_490] : memref<256x64xf32, #tpu.memory_space<vmem>>[vector<16xi32>, vector<16xi32>], vector<16xf32>,
      %gather3A_492 = tpu.vector_load_idx %arg12[%add3A_240, %and3A_490] : memref<256x64xf32, #tpu.memory_space<vmem>>[vector<16xi32>, vector<16xi32>], vector<16xf32>,
      %mul3A_493 = arith.mulf %gather3A_491, %gather3A_492 : vector<16xf32>
      %add3A_494 = arith.addf %add3A_484, %mul3A_493 : vector<16xf32>
      %add3A_495 = arith.constant 25 : i32
      %add3A_496 = vector.broadcast %add3A_495 : i32 to vector<16xi32>
      %add3A_497 = arith.addi %iota3A, %add3A_496 : vector<16xi32>
      %and3A_498 = arith.constant 63 : i32
      %and3A_499 = vector.broadcast %and3A_498 : i32 to vector<16xi32>
      %and3A_500 = arith.andi %add3A_497, %and3A_499 : vector<16xi32>
      %gather3A_501 = tpu.vector_load_idx %arg11[%add3A_240, %and3A_500] : memref<256x64xf32, #tpu.memory_space<vmem>>[vector<16xi32>, vector<16xi32>], vector<16xf32>,
      %gather3A_502 = tpu.vector_load_idx %arg12[%add3A_240, %and3A_500] : memref<256x64xf32, #tpu.memory_space<vmem>>[vector<16xi32>, vector<16xi32>], vector<16xf32>,
      %mul3A_503 = arith.mulf %gather3A_501, %gather3A_502 : vector<16xf32>
      %add3A_504 = arith.addf %add3A_494, %mul3A_503 : vector<16xf32>
      %add3A_505 = arith.constant 26 : i32
      %add3A_506 = vector.broadcast %add3A_505 : i32 to vector<16xi32>
      %add3A_507 = arith.addi %iota3A, %add3A_506 : vector<16xi32>
      %and3A_508 = arith.constant 63 : i32
      %and3A_509 = vector.broadcast %and3A_508 : i32 to vector<16xi32>
      %and3A_510 = arith.andi %add3A_507, %and3A_509 : vector<16xi32>
      %gather3A_511 = tpu.vector_load_idx %arg11[%add3A_240, %and3A_510] : memref<256x64xf32, #tpu.memory_space<vmem>>[vector<16xi32>, vector<16xi32>], vector<16xf32>,
      %gather3A_512 = tpu.vector_load_idx %arg12[%add3A_240, %and3A_510] : memref<256x64xf32, #tpu.memory_space<vmem>>[vector<16xi32>, vector<16xi32>], vector<16xf32>,
      %mul3A_513 = arith.mulf %gather3A_511, %gather3A_512 : vector<16xf32>
      %add3A_514 = arith.addf %add3A_504, %mul3A_513 : vector<16xf32>
      %add3A_515 = arith.constant 27 : i32
      %add3A_516 = vector.broadcast %add3A_515 : i32 to vector<16xi32>
      %add3A_517 = arith.addi %iota3A, %add3A_516 : vector<16xi32>
      %and3A_518 = arith.constant 63 : i32
      %and3A_519 = vector.broadcast %and3A_518 : i32 to vector<16xi32>
      %and3A_520 = arith.andi %add3A_517, %and3A_519 : vector<16xi32>
      %gather3A_521 = tpu.vector_load_idx %arg11[%add3A_240, %and3A_520] : memref<256x64xf32, #tpu.memory_space<vmem>>[vector<16xi32>, vector<16xi32>], vector<16xf32>,
      %gather3A_522 = tpu.vector_load_idx %arg12[%add3A_240, %and3A_520] : memref<256x64xf32, #tpu.memory_space<vmem>>[vector<16xi32>, vector<16xi32>], vector<16xf32>,
      %mul3A_523 = arith.mulf %gather3A_521, %gather3A_522 : vector<16xf32>
      %add3A_524 = arith.addf %add3A_514, %mul3A_523 : vector<16xf32>
      %add3A_525 = arith.constant 28 : i32
      %add3A_526 = vector.broadcast %add3A_525 : i32 to vector<16xi32>
      %add3A_527 = arith.addi %iota3A, %add3A_526 : vector<16xi32>
      %and3A_528 = arith.constant 63 : i32
      %and3A_529 = vector.broadcast %and3A_528 : i32 to vector<16xi32>
      %and3A_530 = arith.andi %add3A_527, %and3A_529 : vector<16xi32>
      %gather3A_531 = tpu.vector_load_idx %arg11[%add3A_240, %and3A_530] : memref<256x64xf32, #tpu.memory_space<vmem>>[vector<16xi32>, vector<16xi32>], vector<16xf32>,
      %gather3A_532 = tpu.vector_load_idx %arg12[%add3A_240, %and3A_530] : memref<256x64xf32, #tpu.memory_space<vmem>>[vector<16xi32>, vector<16xi32>], vector<16xf32>,
      %mul3A_533 = arith.mulf %gather3A_531, %gather3A_532 : vector<16xf32>
      %add3A_534 = arith.addf %add3A_524, %mul3A_533 : vector<16xf32>
      %add3A_535 = arith.constant 29 : i32
      %add3A_536 = vector.broadcast %add3A_535 : i32 to vector<16xi32>
      %add3A_537 = arith.addi %iota3A, %add3A_536 : vector<16xi32>
      %and3A_538 = arith.constant 63 : i32
      %and3A_539 = vector.broadcast %and3A_538 : i32 to vector<16xi32>
      %and3A_540 = arith.andi %add3A_537, %and3A_539 : vector<16xi32>
      %gather3A_541 = tpu.vector_load_idx %arg11[%add3A_240, %and3A_540] : memref<256x64xf32, #tpu.memory_space<vmem>>[vector<16xi32>, vector<16xi32>], vector<16xf32>,
      %gather3A_542 = tpu.vector_load_idx %arg12[%add3A_240, %and3A_540] : memref<256x64xf32, #tpu.memory_space<vmem>>[vector<16xi32>, vector<16xi32>], vector<16xf32>,
      %mul3A_543 = arith.mulf %gather3A_541, %gather3A_542 : vector<16xf32>
      %add3A_544 = arith.addf %add3A_534, %mul3A_543 : vector<16xf32>
      %add3A_545 = arith.constant 30 : i32
      %add3A_546 = vector.broadcast %add3A_545 : i32 to vector<16xi32>
      %add3A_547 = arith.addi %iota3A, %add3A_546 : vector<16xi32>
      %and3A_548 = arith.constant 63 : i32
      %and3A_549 = vector.broadcast %and3A_548 : i32 to vector<16xi32>
      %and3A_550 = arith.andi %add3A_547, %and3A_549 : vector<16xi32>
      %gather3A_551 = tpu.vector_load_idx %arg11[%add3A_240, %and3A_550] : memref<256x64xf32, #tpu.memory_space<vmem>>[vector<16xi32>, vector<16xi32>], vector<16xf32>,
      %gather3A_552 = tpu.vector_load_idx %arg12[%add3A_240, %and3A_550] : memref<256x64xf32, #tpu.memory_space<vmem>>[vector<16xi32>, vector<16xi32>], vector<16xf32>,
      %mul3A_553 = arith.mulf %gather3A_551, %gather3A_552 : vector<16xf32>
      %add3A_554 = arith.addf %add3A_544, %mul3A_553 : vector<16xf32>
      %add3A_555 = arith.constant 31 : i32
      %add3A_556 = vector.broadcast %add3A_555 : i32 to vector<16xi32>
      %add3A_557 = arith.addi %iota3A, %add3A_556 : vector<16xi32>
      %and3A_558 = arith.constant 63 : i32
      %and3A_559 = vector.broadcast %and3A_558 : i32 to vector<16xi32>
      %and3A_560 = arith.andi %add3A_557, %and3A_559 : vector<16xi32>
      %gather3A_561 = tpu.vector_load_idx %arg11[%add3A_240, %and3A_560] : memref<256x64xf32, #tpu.memory_space<vmem>>[vector<16xi32>, vector<16xi32>], vector<16xf32>,
      %gather3A_562 = tpu.vector_load_idx %arg12[%add3A_240, %and3A_560] : memref<256x64xf32, #tpu.memory_space<vmem>>[vector<16xi32>, vector<16xi32>], vector<16xf32>,
      %mul3A_563 = arith.mulf %gather3A_561, %gather3A_562 : vector<16xf32>
      %add3A_564 = arith.addf %add3A_554, %mul3A_563 : vector<16xf32>
      %add3A_565 = arith.constant 32 : i32
      %add3A_566 = vector.broadcast %add3A_565 : i32 to vector<16xi32>
      %add3A_567 = arith.addi %iota3A, %add3A_566 : vector<16xi32>
      %and3A_568 = arith.constant 63 : i32
      %and3A_569 = vector.broadcast %and3A_568 : i32 to vector<16xi32>
      %and3A_570 = arith.andi %add3A_567, %and3A_569 : vector<16xi32>
      %gather3A_571 = tpu.vector_load_idx %arg11[%add3A_240, %and3A_570] : memref<256x64xf32, #tpu.memory_space<vmem>>[vector<16xi32>, vector<16xi32>], vector<16xf32>,
      %gather3A_572 = tpu.vector_load_idx %arg12[%add3A_240, %and3A_570] : memref<256x64xf32, #tpu.memory_space<vmem>>[vector<16xi32>, vector<16xi32>], vector<16xf32>,
      %mul3A_573 = arith.mulf %gather3A_571, %gather3A_572 : vector<16xf32>
      %add3A_574 = arith.addf %add3A_564, %mul3A_573 : vector<16xf32>
      %add3A_575 = arith.constant 33 : i32
      %add3A_576 = vector.broadcast %add3A_575 : i32 to vector<16xi32>
      %add3A_577 = arith.addi %iota3A, %add3A_576 : vector<16xi32>
      %and3A_578 = arith.constant 63 : i32
      %and3A_579 = vector.broadcast %and3A_578 : i32 to vector<16xi32>
      %and3A_580 = arith.andi %add3A_577, %and3A_579 : vector<16xi32>
      %gather3A_581 = tpu.vector_load_idx %arg11[%add3A_240, %and3A_580] : memref<256x64xf32, #tpu.memory_space<vmem>>[vector<16xi32>, vector<16xi32>], vector<16xf32>,
      %gather3A_582 = tpu.vector_load_idx %arg12[%add3A_240, %and3A_580] : memref<256x64xf32, #tpu.memory_space<vmem>>[vector<16xi32>, vector<16xi32>], vector<16xf32>,
      %mul3A_583 = arith.mulf %gather3A_581, %gather3A_582 : vector<16xf32>
      %add3A_584 = arith.addf %add3A_574, %mul3A_583 : vector<16xf32>
      %add3A_585 = arith.constant 34 : i32
      %add3A_586 = vector.broadcast %add3A_585 : i32 to vector<16xi32>
      %add3A_587 = arith.addi %iota3A, %add3A_586 : vector<16xi32>
      %and3A_588 = arith.constant 63 : i32
      %and3A_589 = vector.broadcast %and3A_588 : i32 to vector<16xi32>
      %and3A_590 = arith.andi %add3A_587, %and3A_589 : vector<16xi32>
      %gather3A_591 = tpu.vector_load_idx %arg11[%add3A_240, %and3A_590] : memref<256x64xf32, #tpu.memory_space<vmem>>[vector<16xi32>, vector<16xi32>], vector<16xf32>,
      %gather3A_592 = tpu.vector_load_idx %arg12[%add3A_240, %and3A_590] : memref<256x64xf32, #tpu.memory_space<vmem>>[vector<16xi32>, vector<16xi32>], vector<16xf32>,
      %mul3A_593 = arith.mulf %gather3A_591, %gather3A_592 : vector<16xf32>
      %add3A_594 = arith.addf %add3A_584, %mul3A_593 : vector<16xf32>
      %add3A_595 = arith.constant 35 : i32
      %add3A_596 = vector.broadcast %add3A_595 : i32 to vector<16xi32>
      %add3A_597 = arith.addi %iota3A, %add3A_596 : vector<16xi32>
      %and3A_598 = arith.constant 63 : i32
      %and3A_599 = vector.broadcast %and3A_598 : i32 to vector<16xi32>
      %and3A_600 = arith.andi %add3A_597, %and3A_599 : vector<16xi32>
      %gather3A_601 = tpu.vector_load_idx %arg11[%add3A_240, %and3A_600] : memref<256x64xf32, #tpu.memory_space<vmem>>[vector<16xi32>, vector<16xi32>], vector<16xf32>,
      %gather3A_602 = tpu.vector_load_idx %arg12[%add3A_240, %and3A_600] : memref<256x64xf32, #tpu.memory_space<vmem>>[vector<16xi32>, vector<16xi32>], vector<16xf32>,
      %mul3A_603 = arith.mulf %gather3A_601, %gather3A_602 : vector<16xf32>
      %add3A_604 = arith.addf %add3A_594, %mul3A_603 : vector<16xf32>
      %add3A_605 = arith.constant 36 : i32
      %add3A_606 = vector.broadcast %add3A_605 : i32 to vector<16xi32>
      %add3A_607 = arith.addi %iota3A, %add3A_606 : vector<16xi32>
      %and3A_608 = arith.constant 63 : i32
      %and3A_609 = vector.broadcast %and3A_608 : i32 to vector<16xi32>
      %and3A_610 = arith.andi %add3A_607, %and3A_609 : vector<16xi32>
      %gather3A_611 = tpu.vector_load_idx %arg11[%add3A_240, %and3A_610] : memref<256x64xf32, #tpu.memory_space<vmem>>[vector<16xi32>, vector<16xi32>], vector<16xf32>,
      %gather3A_612 = tpu.vector_load_idx %arg12[%add3A_240, %and3A_610] : memref<256x64xf32, #tpu.memory_space<vmem>>[vector<16xi32>, vector<16xi32>], vector<16xf32>,
      %mul3A_613 = arith.mulf %gather3A_611, %gather3A_612 : vector<16xf32>
      %add3A_614 = arith.addf %add3A_604, %mul3A_613 : vector<16xf32>
      %add3A_615 = arith.constant 37 : i32
      %add3A_616 = vector.broadcast %add3A_615 : i32 to vector<16xi32>
      %add3A_617 = arith.addi %iota3A, %add3A_616 : vector<16xi32>
      %and3A_618 = arith.constant 63 : i32
      %and3A_619 = vector.broadcast %and3A_618 : i32 to vector<16xi32>
      %and3A_620 = arith.andi %add3A_617, %and3A_619 : vector<16xi32>
      %gather3A_621 = tpu.vector_load_idx %arg11[%add3A_240, %and3A_620] : memref<256x64xf32, #tpu.memory_space<vmem>>[vector<16xi32>, vector<16xi32>], vector<16xf32>,
      %gather3A_622 = tpu.vector_load_idx %arg12[%add3A_240, %and3A_620] : memref<256x64xf32, #tpu.memory_space<vmem>>[vector<16xi32>, vector<16xi32>], vector<16xf32>,
      %mul3A_623 = arith.mulf %gather3A_621, %gather3A_622 : vector<16xf32>
      %add3A_624 = arith.addf %add3A_614, %mul3A_623 : vector<16xf32>
      %add3A_625 = arith.constant 38 : i32
      %add3A_626 = vector.broadcast %add3A_625 : i32 to vector<16xi32>
      %add3A_627 = arith.addi %iota3A, %add3A_626 : vector<16xi32>
      %and3A_628 = arith.constant 63 : i32
      %and3A_629 = vector.broadcast %and3A_628 : i32 to vector<16xi32>
      %and3A_630 = arith.andi %add3A_627, %and3A_629 : vector<16xi32>
      %gather3A_631 = tpu.vector_load_idx %arg11[%add3A_240, %and3A_630] : memref<256x64xf32, #tpu.memory_space<vmem>>[vector<16xi32>, vector<16xi32>], vector<16xf32>,
      %gather3A_632 = tpu.vector_load_idx %arg12[%add3A_240, %and3A_630] : memref<256x64xf32, #tpu.memory_space<vmem>>[vector<16xi32>, vector<16xi32>], vector<16xf32>,
      %mul3A_633 = arith.mulf %gather3A_631, %gather3A_632 : vector<16xf32>
      %add3A_634 = arith.addf %add3A_624, %mul3A_633 : vector<16xf32>
      %add3A_635 = arith.constant 39 : i32
      %add3A_636 = vector.broadcast %add3A_635 : i32 to vector<16xi32>
      %add3A_637 = arith.addi %iota3A, %add3A_636 : vector<16xi32>
      %and3A_638 = arith.constant 63 : i32
      %and3A_639 = vector.broadcast %and3A_638 : i32 to vector<16xi32>
      %and3A_640 = arith.andi %add3A_637, %and3A_639 : vector<16xi32>
      %gather3A_641 = tpu.vector_load_idx %arg11[%add3A_240, %and3A_640] : memref<256x64xf32, #tpu.memory_space<vmem>>[vector<16xi32>, vector<16xi32>], vector<16xf32>,
      %gather3A_642 = tpu.vector_load_idx %arg12[%add3A_240, %and3A_640] : memref<256x64xf32, #tpu.memory_space<vmem>>[vector<16xi32>, vector<16xi32>], vector<16xf32>,
      %mul3A_643 = arith.mulf %gather3A_641, %gather3A_642 : vector<16xf32>
      %add3A_644 = arith.addf %add3A_634, %mul3A_643 : vector<16xf32>
      %add3A_645 = arith.constant 40 : i32
      %add3A_646 = vector.broadcast %add3A_645 : i32 to vector<16xi32>
      %add3A_647 = arith.addi %iota3A, %add3A_646 : vector<16xi32>
      %and3A_648 = arith.constant 63 : i32
      %and3A_649 = vector.broadcast %and3A_648 : i32 to vector<16xi32>
      %and3A_650 = arith.andi %add3A_647, %and3A_649 : vector<16xi32>
      %gather3A_651 = tpu.vector_load_idx %arg11[%add3A_240, %and3A_650] : memref<256x64xf32, #tpu.memory_space<vmem>>[vector<16xi32>, vector<16xi32>], vector<16xf32>,
      %gather3A_652 = tpu.vector_load_idx %arg12[%add3A_240, %and3A_650] : memref<256x64xf32, #tpu.memory_space<vmem>>[vector<16xi32>, vector<16xi32>], vector<16xf32>,
      %mul3A_653 = arith.mulf %gather3A_651, %gather3A_652 : vector<16xf32>
      %add3A_654 = arith.addf %add3A_644, %mul3A_653 : vector<16xf32>
      %add3A_655 = arith.constant 41 : i32
      %add3A_656 = vector.broadcast %add3A_655 : i32 to vector<16xi32>
      %add3A_657 = arith.addi %iota3A, %add3A_656 : vector<16xi32>
      %and3A_658 = arith.constant 63 : i32
      %and3A_659 = vector.broadcast %and3A_658 : i32 to vector<16xi32>
      %and3A_660 = arith.andi %add3A_657, %and3A_659 : vector<16xi32>
      %gather3A_661 = tpu.vector_load_idx %arg11[%add3A_240, %and3A_660] : memref<256x64xf32, #tpu.memory_space<vmem>>[vector<16xi32>, vector<16xi32>], vector<16xf32>,
      %gather3A_662 = tpu.vector_load_idx %arg12[%add3A_240, %and3A_660] : memref<256x64xf32, #tpu.memory_space<vmem>>[vector<16xi32>, vector<16xi32>], vector<16xf32>,
      %mul3A_663 = arith.mulf %gather3A_661, %gather3A_662 : vector<16xf32>
      %add3A_664 = arith.addf %add3A_654, %mul3A_663 : vector<16xf32>
      %add3A_665 = arith.constant 42 : i32
      %add3A_666 = vector.broadcast %add3A_665 : i32 to vector<16xi32>
      %add3A_667 = arith.addi %iota3A, %add3A_666 : vector<16xi32>
      %and3A_668 = arith.constant 63 : i32
      %and3A_669 = vector.broadcast %and3A_668 : i32 to vector<16xi32>
      %and3A_670 = arith.andi %add3A_667, %and3A_669 : vector<16xi32>
      %gather3A_671 = tpu.vector_load_idx %arg11[%add3A_240, %and3A_670] : memref<256x64xf32, #tpu.memory_space<vmem>>[vector<16xi32>, vector<16xi32>], vector<16xf32>,
      %gather3A_672 = tpu.vector_load_idx %arg12[%add3A_240, %and3A_670] : memref<256x64xf32, #tpu.memory_space<vmem>>[vector<16xi32>, vector<16xi32>], vector<16xf32>,
      %mul3A_673 = arith.mulf %gather3A_671, %gather3A_672 : vector<16xf32>
      %add3A_674 = arith.addf %add3A_664, %mul3A_673 : vector<16xf32>
      %add3A_675 = arith.constant 43 : i32
      %add3A_676 = vector.broadcast %add3A_675 : i32 to vector<16xi32>
      %add3A_677 = arith.addi %iota3A, %add3A_676 : vector<16xi32>
      %and3A_678 = arith.constant 63 : i32
      %and3A_679 = vector.broadcast %and3A_678 : i32 to vector<16xi32>
      %and3A_680 = arith.andi %add3A_677, %and3A_679 : vector<16xi32>
      %gather3A_681 = tpu.vector_load_idx %arg11[%add3A_240, %and3A_680] : memref<256x64xf32, #tpu.memory_space<vmem>>[vector<16xi32>, vector<16xi32>], vector<16xf32>,
      %gather3A_682 = tpu.vector_load_idx %arg12[%add3A_240, %and3A_680] : memref<256x64xf32, #tpu.memory_space<vmem>>[vector<16xi32>, vector<16xi32>], vector<16xf32>,
      %mul3A_683 = arith.mulf %gather3A_681, %gather3A_682 : vector<16xf32>
      %add3A_684 = arith.addf %add3A_674, %mul3A_683 : vector<16xf32>
      %add3A_685 = arith.constant 44 : i32
      %add3A_686 = vector.broadcast %add3A_685 : i32 to vector<16xi32>
      %add3A_687 = arith.addi %iota3A, %add3A_686 : vector<16xi32>
      %and3A_688 = arith.constant 63 : i32
      %and3A_689 = vector.broadcast %and3A_688 : i32 to vector<16xi32>
      %and3A_690 = arith.andi %add3A_687, %and3A_689 : vector<16xi32>
      %gather3A_691 = tpu.vector_load_idx %arg11[%add3A_240, %and3A_690] : memref<256x64xf32, #tpu.memory_space<vmem>>[vector<16xi32>, vector<16xi32>], vector<16xf32>,
      %gather3A_692 = tpu.vector_load_idx %arg12[%add3A_240, %and3A_690] : memref<256x64xf32, #tpu.memory_space<vmem>>[vector<16xi32>, vector<16xi32>], vector<16xf32>,
      %mul3A_693 = arith.mulf %gather3A_691, %gather3A_692 : vector<16xf32>
      %add3A_694 = arith.addf %add3A_684, %mul3A_693 : vector<16xf32>
      %add3A_695 = arith.constant 45 : i32
      %add3A_696 = vector.broadcast %add3A_695 : i32 to vector<16xi32>
      %add3A_697 = arith.addi %iota3A, %add3A_696 : vector<16xi32>
      %and3A_698 = arith.constant 63 : i32
      %and3A_699 = vector.broadcast %and3A_698 : i32 to vector<16xi32>
      %and3A_700 = arith.andi %add3A_697, %and3A_699 : vector<16xi32>
      %gather3A_701 = tpu.vector_load_idx %arg11[%add3A_240, %and3A_700] : memref<256x64xf32, #tpu.memory_space<vmem>>[vector<16xi32>, vector<16xi32>], vector<16xf32>,
      %gather3A_702 = tpu.vector_load_idx %arg12[%add3A_240, %and3A_700] : memref<256x64xf32, #tpu.memory_space<vmem>>[vector<16xi32>, vector<16xi32>], vector<16xf32>,
      %mul3A_703 = arith.mulf %gather3A_701, %gather3A_702 : vector<16xf32>
      %add3A_704 = arith.addf %add3A_694, %mul3A_703 : vector<16xf32>
      %add3A_705 = arith.constant 46 : i32
      %add3A_706 = vector.broadcast %add3A_705 : i32 to vector<16xi32>
      %add3A_707 = arith.addi %iota3A, %add3A_706 : vector<16xi32>
      %and3A_708 = arith.constant 63 : i32
      %and3A_709 = vector.broadcast %and3A_708 : i32 to vector<16xi32>
      %and3A_710 = arith.andi %add3A_707, %and3A_709 : vector<16xi32>
      %gather3A_711 = tpu.vector_load_idx %arg11[%add3A_240, %and3A_710] : memref<256x64xf32, #tpu.memory_space<vmem>>[vector<16xi32>, vector<16xi32>], vector<16xf32>,
      %gather3A_712 = tpu.vector_load_idx %arg12[%add3A_240, %and3A_710] : memref<256x64xf32, #tpu.memory_space<vmem>>[vector<16xi32>, vector<16xi32>], vector<16xf32>,
      %mul3A_713 = arith.mulf %gather3A_711, %gather3A_712 : vector<16xf32>
      %add3A_714 = arith.addf %add3A_704, %mul3A_713 : vector<16xf32>
      %add3A_715 = arith.constant 47 : i32
      %add3A_716 = vector.broadcast %add3A_715 : i32 to vector<16xi32>
      %add3A_717 = arith.addi %iota3A, %add3A_716 : vector<16xi32>
      %and3A_718 = arith.constant 63 : i32
      %and3A_719 = vector.broadcast %and3A_718 : i32 to vector<16xi32>
      %and3A_720 = arith.andi %add3A_717, %and3A_719 : vector<16xi32>
      %gather3A_721 = tpu.vector_load_idx %arg11[%add3A_240, %and3A_720] : memref<256x64xf32, #tpu.memory_space<vmem>>[vector<16xi32>, vector<16xi32>], vector<16xf32>,
      %gather3A_722 = tpu.vector_load_idx %arg12[%add3A_240, %and3A_720] : memref<256x64xf32, #tpu.memory_space<vmem>>[vector<16xi32>, vector<16xi32>], vector<16xf32>,
      %mul3A_723 = arith.mulf %gather3A_721, %gather3A_722 : vector<16xf32>
      %add3A_724 = arith.addf %add3A_714, %mul3A_723 : vector<16xf32>
      %add3A_725 = arith.constant 48 : i32
      %add3A_726 = vector.broadcast %add3A_725 : i32 to vector<16xi32>
      %add3A_727 = arith.addi %iota3A, %add3A_726 : vector<16xi32>
      %and3A_728 = arith.constant 63 : i32
      %and3A_729 = vector.broadcast %and3A_728 : i32 to vector<16xi32>
      %and3A_730 = arith.andi %add3A_727, %and3A_729 : vector<16xi32>
      %gather3A_731 = tpu.vector_load_idx %arg11[%add3A_240, %and3A_730] : memref<256x64xf32, #tpu.memory_space<vmem>>[vector<16xi32>, vector<16xi32>], vector<16xf32>,
      %gather3A_732 = tpu.vector_load_idx %arg12[%add3A_240, %and3A_730] : memref<256x64xf32, #tpu.memory_space<vmem>>[vector<16xi32>, vector<16xi32>], vector<16xf32>,
      %mul3A_733 = arith.mulf %gather3A_731, %gather3A_732 : vector<16xf32>
      %add3A_734 = arith.addf %add3A_724, %mul3A_733 : vector<16xf32>
      %add3A_735 = arith.constant 49 : i32
      %add3A_736 = vector.broadcast %add3A_735 : i32 to vector<16xi32>
      %add3A_737 = arith.addi %iota3A, %add3A_736 : vector<16xi32>
      %and3A_738 = arith.constant 63 : i32
      %and3A_739 = vector.broadcast %and3A_738 : i32 to vector<16xi32>
      %and3A_740 = arith.andi %add3A_737, %and3A_739 : vector<16xi32>
      %gather3A_741 = tpu.vector_load_idx %arg11[%add3A_240, %and3A_740] : memref<256x64xf32, #tpu.memory_space<vmem>>[vector<16xi32>, vector<16xi32>], vector<16xf32>,
      %gather3A_742 = tpu.vector_load_idx %arg12[%add3A_240, %and3A_740] : memref<256x64xf32, #tpu.memory_space<vmem>>[vector<16xi32>, vector<16xi32>], vector<16xf32>,
      %mul3A_743 = arith.mulf %gather3A_741, %gather3A_742 : vector<16xf32>
      %add3A_744 = arith.addf %add3A_734, %mul3A_743 : vector<16xf32>
      %add3A_745 = arith.constant 50 : i32
      %add3A_746 = vector.broadcast %add3A_745 : i32 to vector<16xi32>
      %add3A_747 = arith.addi %iota3A, %add3A_746 : vector<16xi32>
      %and3A_748 = arith.constant 63 : i32
      %and3A_749 = vector.broadcast %and3A_748 : i32 to vector<16xi32>
      %and3A_750 = arith.andi %add3A_747, %and3A_749 : vector<16xi32>
      %gather3A_751 = tpu.vector_load_idx %arg11[%add3A_240, %and3A_750] : memref<256x64xf32, #tpu.memory_space<vmem>>[vector<16xi32>, vector<16xi32>], vector<16xf32>,
      %gather3A_752 = tpu.vector_load_idx %arg12[%add3A_240, %and3A_750] : memref<256x64xf32, #tpu.memory_space<vmem>>[vector<16xi32>, vector<16xi32>], vector<16xf32>,
      %mul3A_753 = arith.mulf %gather3A_751, %gather3A_752 : vector<16xf32>
      %add3A_754 = arith.addf %add3A_744, %mul3A_753 : vector<16xf32>
      %add3A_755 = arith.constant 51 : i32
      %add3A_756 = vector.broadcast %add3A_755 : i32 to vector<16xi32>
      %add3A_757 = arith.addi %iota3A, %add3A_756 : vector<16xi32>
      %and3A_758 = arith.constant 63 : i32
      %and3A_759 = vector.broadcast %and3A_758 : i32 to vector<16xi32>
      %and3A_760 = arith.andi %add3A_757, %and3A_759 : vector<16xi32>
      %gather3A_761 = tpu.vector_load_idx %arg11[%add3A_240, %and3A_760] : memref<256x64xf32, #tpu.memory_space<vmem>>[vector<16xi32>, vector<16xi32>], vector<16xf32>,
      %gather3A_762 = tpu.vector_load_idx %arg12[%add3A_240, %and3A_760] : memref<256x64xf32, #tpu.memory_space<vmem>>[vector<16xi32>, vector<16xi32>], vector<16xf32>,
      %mul3A_763 = arith.mulf %gather3A_761, %gather3A_762 : vector<16xf32>
      %add3A_764 = arith.addf %add3A_754, %mul3A_763 : vector<16xf32>
      %add3A_765 = arith.constant 52 : i32
      %add3A_766 = vector.broadcast %add3A_765 : i32 to vector<16xi32>
      %add3A_767 = arith.addi %iota3A, %add3A_766 : vector<16xi32>
      %and3A_768 = arith.constant 63 : i32
      %and3A_769 = vector.broadcast %and3A_768 : i32 to vector<16xi32>
      %and3A_770 = arith.andi %add3A_767, %and3A_769 : vector<16xi32>
      %gather3A_771 = tpu.vector_load_idx %arg11[%add3A_240, %and3A_770] : memref<256x64xf32, #tpu.memory_space<vmem>>[vector<16xi32>, vector<16xi32>], vector<16xf32>,
      %gather3A_772 = tpu.vector_load_idx %arg12[%add3A_240, %and3A_770] : memref<256x64xf32, #tpu.memory_space<vmem>>[vector<16xi32>, vector<16xi32>], vector<16xf32>,
      %mul3A_773 = arith.mulf %gather3A_771, %gather3A_772 : vector<16xf32>
      %add3A_774 = arith.addf %add3A_764, %mul3A_773 : vector<16xf32>
      %add3A_775 = arith.constant 53 : i32
      %add3A_776 = vector.broadcast %add3A_775 : i32 to vector<16xi32>
      %add3A_777 = arith.addi %iota3A, %add3A_776 : vector<16xi32>
      %and3A_778 = arith.constant 63 : i32
      %and3A_779 = vector.broadcast %and3A_778 : i32 to vector<16xi32>
      %and3A_780 = arith.andi %add3A_777, %and3A_779 : vector<16xi32>
      %gather3A_781 = tpu.vector_load_idx %arg11[%add3A_240, %and3A_780] : memref<256x64xf32, #tpu.memory_space<vmem>>[vector<16xi32>, vector<16xi32>], vector<16xf32>,
      %gather3A_782 = tpu.vector_load_idx %arg12[%add3A_240, %and3A_780] : memref<256x64xf32, #tpu.memory_space<vmem>>[vector<16xi32>, vector<16xi32>], vector<16xf32>,
      %mul3A_783 = arith.mulf %gather3A_781, %gather3A_782 : vector<16xf32>
      %add3A_784 = arith.addf %add3A_774, %mul3A_783 : vector<16xf32>
      %add3A_785 = arith.constant 54 : i32
      %add3A_786 = vector.broadcast %add3A_785 : i32 to vector<16xi32>
      %add3A_787 = arith.addi %iota3A, %add3A_786 : vector<16xi32>
      %and3A_788 = arith.constant 63 : i32
      %and3A_789 = vector.broadcast %and3A_788 : i32 to vector<16xi32>
      %and3A_790 = arith.andi %add3A_787, %and3A_789 : vector<16xi32>
      %gather3A_791 = tpu.vector_load_idx %arg11[%add3A_240, %and3A_790] : memref<256x64xf32, #tpu.memory_space<vmem>>[vector<16xi32>, vector<16xi32>], vector<16xf32>,
      %gather3A_792 = tpu.vector_load_idx %arg12[%add3A_240, %and3A_790] : memref<256x64xf32, #tpu.memory_space<vmem>>[vector<16xi32>, vector<16xi32>], vector<16xf32>,
      %mul3A_793 = arith.mulf %gather3A_791, %gather3A_792 : vector<16xf32>
      %add3A_794 = arith.addf %add3A_784, %mul3A_793 : vector<16xf32>
      %add3A_795 = arith.constant 55 : i32
      %add3A_796 = vector.broadcast %add3A_795 : i32 to vector<16xi32>
      %add3A_797 = arith.addi %iota3A, %add3A_796 : vector<16xi32>
      %and3A_798 = arith.constant 63 : i32
      %and3A_799 = vector.broadcast %and3A_798 : i32 to vector<16xi32>
      %and3A_800 = arith.andi %add3A_797, %and3A_799 : vector<16xi32>
      %gather3A_801 = tpu.vector_load_idx %arg11[%add3A_240, %and3A_800] : memref<256x64xf32, #tpu.memory_space<vmem>>[vector<16xi32>, vector<16xi32>], vector<16xf32>,
      %gather3A_802 = tpu.vector_load_idx %arg12[%add3A_240, %and3A_800] : memref<256x64xf32, #tpu.memory_space<vmem>>[vector<16xi32>, vector<16xi32>], vector<16xf32>,
      %mul3A_803 = arith.mulf %gather3A_801, %gather3A_802 : vector<16xf32>
      %add3A_804 = arith.addf %add3A_794, %mul3A_803 : vector<16xf32>
      %add3A_805 = arith.constant 56 : i32
      %add3A_806 = vector.broadcast %add3A_805 : i32 to vector<16xi32>
      %add3A_807 = arith.addi %iota3A, %add3A_806 : vector<16xi32>
      %and3A_808 = arith.constant 63 : i32
      %and3A_809 = vector.broadcast %and3A_808 : i32 to vector<16xi32>
      %and3A_810 = arith.andi %add3A_807, %and3A_809 : vector<16xi32>
      %gather3A_811 = tpu.vector_load_idx %arg11[%add3A_240, %and3A_810] : memref<256x64xf32, #tpu.memory_space<vmem>>[vector<16xi32>, vector<16xi32>], vector<16xf32>,
      %gather3A_812 = tpu.vector_load_idx %arg12[%add3A_240, %and3A_810] : memref<256x64xf32, #tpu.memory_space<vmem>>[vector<16xi32>, vector<16xi32>], vector<16xf32>,
      %mul3A_813 = arith.mulf %gather3A_811, %gather3A_812 : vector<16xf32>
      %add3A_814 = arith.addf %add3A_804, %mul3A_813 : vector<16xf32>
      %add3A_815 = arith.constant 57 : i32
      %add3A_816 = vector.broadcast %add3A_815 : i32 to vector<16xi32>
      %add3A_817 = arith.addi %iota3A, %add3A_816 : vector<16xi32>
      %and3A_818 = arith.constant 63 : i32
      %and3A_819 = vector.broadcast %and3A_818 : i32 to vector<16xi32>
      %and3A_820 = arith.andi %add3A_817, %and3A_819 : vector<16xi32>
      %gather3A_821 = tpu.vector_load_idx %arg11[%add3A_240, %and3A_820] : memref<256x64xf32, #tpu.memory_space<vmem>>[vector<16xi32>, vector<16xi32>], vector<16xf32>,
      %gather3A_822 = tpu.vector_load_idx %arg12[%add3A_240, %and3A_820] : memref<256x64xf32, #tpu.memory_space<vmem>>[vector<16xi32>, vector<16xi32>], vector<16xf32>,
      %mul3A_823 = arith.mulf %gather3A_821, %gather3A_822 : vector<16xf32>
      %add3A_824 = arith.addf %add3A_814, %mul3A_823 : vector<16xf32>
      %add3A_825 = arith.constant 58 : i32
      %add3A_826 = vector.broadcast %add3A_825 : i32 to vector<16xi32>
      %add3A_827 = arith.addi %iota3A, %add3A_826 : vector<16xi32>
      %and3A_828 = arith.constant 63 : i32
      %and3A_829 = vector.broadcast %and3A_828 : i32 to vector<16xi32>
      %and3A_830 = arith.andi %add3A_827, %and3A_829 : vector<16xi32>
      %gather3A_831 = tpu.vector_load_idx %arg11[%add3A_240, %and3A_830] : memref<256x64xf32, #tpu.memory_space<vmem>>[vector<16xi32>, vector<16xi32>], vector<16xf32>,
      %gather3A_832 = tpu.vector_load_idx %arg12[%add3A_240, %and3A_830] : memref<256x64xf32, #tpu.memory_space<vmem>>[vector<16xi32>, vector<16xi32>], vector<16xf32>,
      %mul3A_833 = arith.mulf %gather3A_831, %gather3A_832 : vector<16xf32>
      %add3A_834 = arith.addf %add3A_824, %mul3A_833 : vector<16xf32>
      %add3A_835 = arith.constant 59 : i32
      %add3A_836 = vector.broadcast %add3A_835 : i32 to vector<16xi32>
      %add3A_837 = arith.addi %iota3A, %add3A_836 : vector<16xi32>
      %and3A_838 = arith.constant 63 : i32
      %and3A_839 = vector.broadcast %and3A_838 : i32 to vector<16xi32>
      %and3A_840 = arith.andi %add3A_837, %and3A_839 : vector<16xi32>
      %gather3A_841 = tpu.vector_load_idx %arg11[%add3A_240, %and3A_840] : memref<256x64xf32, #tpu.memory_space<vmem>>[vector<16xi32>, vector<16xi32>], vector<16xf32>,
      %gather3A_842 = tpu.vector_load_idx %arg12[%add3A_240, %and3A_840] : memref<256x64xf32, #tpu.memory_space<vmem>>[vector<16xi32>, vector<16xi32>], vector<16xf32>,
      %mul3A_843 = arith.mulf %gather3A_841, %gather3A_842 : vector<16xf32>
      %add3A_844 = arith.addf %add3A_834, %mul3A_843 : vector<16xf32>
      %add3A_845 = arith.constant 60 : i32
      %add3A_846 = vector.broadcast %add3A_845 : i32 to vector<16xi32>
      %add3A_847 = arith.addi %iota3A, %add3A_846 : vector<16xi32>
      %and3A_848 = arith.constant 63 : i32
      %and3A_849 = vector.broadcast %and3A_848 : i32 to vector<16xi32>
      %and3A_850 = arith.andi %add3A_847, %and3A_849 : vector<16xi32>
      %gather3A_851 = tpu.vector_load_idx %arg11[%add3A_240, %and3A_850] : memref<256x64xf32, #tpu.memory_space<vmem>>[vector<16xi32>, vector<16xi32>], vector<16xf32>,
      %gather3A_852 = tpu.vector_load_idx %arg12[%add3A_240, %and3A_850] : memref<256x64xf32, #tpu.memory_space<vmem>>[vector<16xi32>, vector<16xi32>], vector<16xf32>,
      %mul3A_853 = arith.mulf %gather3A_851, %gather3A_852 : vector<16xf32>
      %add3A_854 = arith.addf %add3A_844, %mul3A_853 : vector<16xf32>
      %add3A_855 = arith.constant 61 : i32
      %add3A_856 = vector.broadcast %add3A_855 : i32 to vector<16xi32>
      %add3A_857 = arith.addi %iota3A, %add3A_856 : vector<16xi32>
      %and3A_858 = arith.constant 63 : i32
      %and3A_859 = vector.broadcast %and3A_858 : i32 to vector<16xi32>
      %and3A_860 = arith.andi %add3A_857, %and3A_859 : vector<16xi32>
      %gather3A_861 = tpu.vector_load_idx %arg11[%add3A_240, %and3A_860] : memref<256x64xf32, #tpu.memory_space<vmem>>[vector<16xi32>, vector<16xi32>], vector<16xf32>,
      %gather3A_862 = tpu.vector_load_idx %arg12[%add3A_240, %and3A_860] : memref<256x64xf32, #tpu.memory_space<vmem>>[vector<16xi32>, vector<16xi32>], vector<16xf32>,
      %mul3A_863 = arith.mulf %gather3A_861, %gather3A_862 : vector<16xf32>
      %add3A_864 = arith.addf %add3A_854, %mul3A_863 : vector<16xf32>
      %add3A_865 = arith.constant 62 : i32
      %add3A_866 = vector.broadcast %add3A_865 : i32 to vector<16xi32>
      %add3A_867 = arith.addi %iota3A, %add3A_866 : vector<16xi32>
      %and3A_868 = arith.constant 63 : i32
      %and3A_869 = vector.broadcast %and3A_868 : i32 to vector<16xi32>
      %and3A_870 = arith.andi %add3A_867, %and3A_869 : vector<16xi32>
      %gather3A_871 = tpu.vector_load_idx %arg11[%add3A_240, %and3A_870] : memref<256x64xf32, #tpu.memory_space<vmem>>[vector<16xi32>, vector<16xi32>], vector<16xf32>,
      %gather3A_872 = tpu.vector_load_idx %arg12[%add3A_240, %and3A_870] : memref<256x64xf32, #tpu.memory_space<vmem>>[vector<16xi32>, vector<16xi32>], vector<16xf32>,
      %mul3A_873 = arith.mulf %gather3A_871, %gather3A_872 : vector<16xf32>
      %add3A_874 = arith.addf %add3A_864, %mul3A_873 : vector<16xf32>
      %add3A_875 = arith.constant 63 : i32
      %add3A_876 = vector.broadcast %add3A_875 : i32 to vector<16xi32>
      %add3A_877 = arith.addi %iota3A, %add3A_876 : vector<16xi32>
      %and3A_878 = arith.constant 63 : i32
      %and3A_879 = vector.broadcast %and3A_878 : i32 to vector<16xi32>
      %and3A_880 = arith.andi %add3A_877, %and3A_879 : vector<16xi32>
      %gather3A_881 = tpu.vector_load_idx %arg11[%add3A_240, %and3A_880] : memref<256x64xf32, #tpu.memory_space<vmem>>[vector<16xi32>, vector<16xi32>], vector<16xf32>,
      %gather3A_882 = tpu.vector_load_idx %arg12[%add3A_240, %and3A_880] : memref<256x64xf32, #tpu.memory_space<vmem>>[vector<16xi32>, vector<16xi32>], vector<16xf32>,
      %mul3A_883 = arith.mulf %gather3A_881, %gather3A_882 : vector<16xf32>
      %add3A_884 = arith.addf %add3A_874, %mul3A_883 : vector<16xf32>
      %swap3A = arith.index_cast %add3A_242 : i32 to index
      %swap3A_885 = tpu.vector_load %arg15[%swap3A] {strides = array<i32>} : memref<512xf32, #tpu.memory_space<vmem>>, vector<16xf32>,
      tpu.vector_store %arg15[%swap3A], %add3A_884 {strides = array<i32>} : memref<512xf32, #tpu.memory_space<vmem>>, vector<16xf32>,
    }
    %scan3A_235 = arith.constant 16 : i32
    "tpu.region"() ({
      %run_scoped3A = tpu.sem_alloc : memref<!tpu.dma_semaphore, #tpu.memory_space<semaphore_mem>>
      %dma_start3A_236 = tpu.memref_slice %arg8[%mul3A_2] : memref<16384xf32, #tpu.memory_space<hbm>> -> memref<512xf32, #tpu.memory_space<hbm>>
      %dma_start3A_237 = tpu.memref_slice %arg8[%mul3A_2] : memref<16384xf32, #tpu.memory_space<hbm>> -> memref<512xf32, #tpu.memory_space<hbm>>
      tpu.enqueue_dma source(%arg15 : memref<512xf32, #tpu.memory_space<vmem>>) target(%dma_start3A_237 : memref<512xf32, #tpu.memory_space<hbm>>) target_semaphore(%run_scoped3A : memref<!tpu.dma_semaphore, #tpu.memory_space<semaphore_mem>>)
      %dma_wait3A_238 = tpu.memref_slice %arg8[%mul3A_2] : memref<16384xf32, #tpu.memory_space<hbm>> -> memref<512xf32, #tpu.memory_space<hbm>>
      %dma_wait3A_239 = tpu.memref_slice %arg8[%mul3A_2] : memref<16384xf32, #tpu.memory_space<hbm>> -> memref<512xf32, #tpu.memory_space<hbm>>
      tpu.wait_dma2 semaphore(%run_scoped3A : memref<!tpu.dma_semaphore, #tpu.memory_space<semaphore_mem>>) src(%arg15 : memref<512xf32, #tpu.memory_space<vmem>>) dst(%dma_wait3A_239 : memref<512xf32, #tpu.memory_space<hbm>>)
      tpu.yield
    }) : () -> ()
    return
  }
}

</mosaic_0001>

<sc_bundles>
// kernel: kernel.3.cloned.1.call-start
scs
__scs_entry_jumppad:
0x0: {  	(pc) =	sbr.rel $0x88, $3  }
0x1: {  	(tag) =	ssettag $0x0;
	lr =	simm.s32 $0x1  }
0x2: {  	[smem:$0x3F9C] =	sst lr;
	_ =	strace $0xD0000000  }
0x3: {  	_ = 	snop  }
0x4: {  	_ = 	snop  }
0x5: {  	_ = 	snop  }
0x6: {  	_ = 	snop  }
0x7: {  	_ = 	snop  }
__scs_overlays_trampoline_lowered:
0x8: {  	[smem:$0x3FAB] =	sst s0  }
0x9: {  	[smem:$0x3FAC] =	sst s1  }
0xa: {  	[smem:$0x3FAD] =	sst s2  }
0xb: {  	[smem:$0x3FAE] =	sst s3  }
0xc: {  	[smem:$0x3FAF] =	sst s4  }
0xd: {  	[smem:$0x3FB0] =	sst s5  }
0xe: {  	[smem:$0x3FB1] =	sst s6  }
0xf: {  	[smem:$0x3FB2] =	sst s7  }
0x10: {  	[smem:$0x3FB3] =	sst s8  }
0x11: {  	[smem:$0x3FB4] =	sst s9;
	s0 =	simm.s32 @!p0 $0x0  }
0x12: {  	s1 =	sld [smem:$0x3F9A];
	s0 =	simm.s32 @p0 $0x1  }
0x13: {  	[smem:$0x3FB5] =	sst s0;
	s0 =	simm.s32 @!p1 $0x0  }
0x14: {  	s2 =	sld [smem:$0x3F99];
	s0 =	simm.s32 @p1 $0x1  }
0x15: {  	[smem:$0x3FB6] =	sst s0;
	s0 =	simm.s32 @!p2 $0x0  }
0x16: {  	s3 =	sld [smem:$0x3FDB];
	s0 =	simm.s32 @p2 $0x1  }
0x17: {  	s4 =	simm.s32 $0x1BF5;
	[smem:$0x3FB8] =	sst s0  }
0x18: {  	s0 =	sld [smem:$0x3F9B];
	_ =	swait.ge [sflag:s4], $0x0  }
0x19: {  	s7 =	sld [smem:$0x3F9C]  }
0x1a: {  	s8 =	sadd.s32 $0xFFFFE003, lr  }
0x1b: {  	s9 =	sadd.s32 $0xFFFFFEF7, lr;
	s5 =	simm.s32 $0xFFFFFFFF;
	p2 =	slt.u32 s8, $0xFFFFF086  }
0x1c: {  	p1 =	slt.u32 s9, $0xF7A;
	s5 =	simm.s32 @!p2 $0x0  }
0x1d: {  	s5 =	simm.s32 @p1 $0x1;
	p0 =	seq.s32 s7, s2  }
0x1e: {  	s7 =	smul.u32 @!p0 $0xF7A, s2;
	p2 =	seq.s32 @!p0 s5, $0x0  }
0x1f: {  	s9 =	smul.u32 $0xF7A, s1;
	s8 =	simm.s32 @!p0 $0x1BF5;
	p2 =	por !p2, p0  }
0x20: {  	[sflag:s8] =	ssyncset.s32 @!p0 $0xFFFFF086;
	s6 =	sadd.s32 @!p0 s3, s7;
	s7 =	simm.s32 @!p0 $0x108  }
0x21: {  	s3 =	sadd.s32 s3, s9;
	s6 =	sadd.s32 @!p0 $0x88, s6;
	s7 =	simm.s32 @p2 $0x1082  }
0x22: {  	[simem:s7], [sflag:s8] =	dma.local @!p0 [hbm:s6], $0xF7A  }
0x23: {  	s9 =	sor.u32 $0xD0000000, s2;
	s6 =	simm.s32 $0x108;
	_ =	swait.ge @!p0 [sflag:s8], $0x0  }
0x24: {  	s3 =	sadd.s32 $0x88, s3;
	s6 =	simm.s32 @!p1 $0x1082;
	[sflag:s4] =	ssyncset.s32 $0xFFFFF086  }
0x25: {  	[simem:s6], [sflag:s4] =	dma.local [hbm:s3], $0xF7A  }
0x26: {  	[smem:$0x3F9C] =	sst s1;
	(tag) =	ssettag s2;
	_ =	strace s9  }
0x27: {  	s1 =	sld [smem:$0x3FAC]  }
0x28: {  	s2 =	sld [smem:$0x3FAD]  }
0x29: {  	s4 =	sld [smem:$0x3FAF]  }
0x2a: {  	p0 =	seq.s32 s5, $0x0;
	s5 =	sld [smem:$0x3FB0]  }
0x2b: {  	s6 =	sld [smem:$0x3FB1]  }
0x2c: {  	s7 =	sld [smem:$0x3FB2]  }
0x2d: {  	s3 =	simm.s32 $0x108;
	s8 =	sld [smem:$0x3FB3]  }
0x2e: {  	s3 =	simm.s32 @!p0 $0x1082;
	s9 =	sld [smem:$0x3FB4]  }
0x2f: {  	lr =	sadd.s32 s0, s3;
	s0 =	sld [smem:$0x3FAB]  }
0x30: {  	s3 =	sld [smem:$0x3FAE]  }
0x31: {  	[smem:$0x3FB7] =	sst s10  }
0x32: {  	s10 =	sld [smem:$0x3FB5];
	_ =	sdelay $0x3  }
0x33: {  	p0 =	seq.s32 s10, $0x1;
	s10 =	sld [smem:$0x3FB7];
	_ =	sdelay $0x3  }
0x34: {  	[smem:$0x3FB7] =	sst s10  }
0x35: {  	s10 =	sld [smem:$0x3FB6];
	_ =	sdelay $0x3  }
0x36: {  	p1 =	seq.s32 s10, $0x1;
	s10 =	sld [smem:$0x3FB7];
	_ =	sdelay $0x3  }
0x37: {  	[smem:$0x3FB7] =	sst s10  }
0x38: {  	s10 =	sld [smem:$0x3FB8]  }
0x39: {  	_ = 	snop;
	(pc) =	sbr.ind lr, $3  }
0x3a: {  	_ = 	snop  }
0x3b: {  	_ = 	snop  }
0x3c: {  	p2 =	seq.s32 s10, $0x1;
	s10 =	sld [smem:$0x3FB7]  }
0x3d: {  	_ =	shalt  }
0x3e: {  	_ =	shalt  }
0x3f: {  	_ =	shalt  }
0x40: {  	_ =	shalt  }
0x41: {  	_ =	shalt  }
0x42: {  	_ =	shalt  }
0x43: {  	_ =	shalt  }
0x44: {  	_ =	shalt  }
0x45: {  	_ =	shalt  }
0x46: {  	_ =	shalt  }
0x47: {  	_ =	shalt  }
0x48: {  	_ =	shalt  }
0x49: {  	_ =	shalt  }
0x4a: {  	_ =	shalt  }
0x4b: {  	_ =	shalt  }
0x4c: {  	_ =	shalt  }
0x4d: {  	_ =	shalt  }
0x4e: {  	_ =	shalt  }
0x4f: {  	_ =	shalt  }
0x50: {  	_ =	shalt  }
0x51: {  	_ =	shalt  }
0x52: {  	_ =	shalt  }
0x53: {  	_ =	shalt  }
0x54: {  	_ =	shalt  }
0x55: {  	_ =	shalt  }
0x56: {  	_ =	shalt  }
0x57: {  	_ =	shalt  }
0x58: {  	_ =	shalt  }
0x59: {  	_ =	shalt  }
0x5a: {  	_ =	shalt  }
0x5b: {  	_ =	shalt  }
0x5c: {  	_ =	shalt  }
0x5d: {  	_ =	shalt  }
0x5e: {  	_ =	shalt  }
0x5f: {  	_ =	shalt  }
0x60: {  	_ =	shalt  }
0x61: {  	_ =	shalt  }
0x62: {  	_ =	shalt  }
0x63: {  	_ =	shalt  }
0x64: {  	_ =	shalt  }
0x65: {  	_ =	shalt  }
0x66: {  	_ =	shalt  }
0x67: {  	_ =	shalt  }
0x68: {  	_ =	shalt  }
0x69: {  	_ =	shalt  }
0x6a: {  	_ =	shalt  }
0x6b: {  	_ =	shalt  }
0x6c: {  	_ =	shalt  }
0x6d: {  	_ =	shalt  }
0x6e: {  	_ =	shalt  }
0x6f: {  	_ =	shalt  }
0x70: {  	_ =	shalt  }
0x71: {  	_ =	shalt  }
0x72: {  	_ =	shalt  }
0x73: {  	_ =	shalt  }
0x74: {  	_ =	shalt  }
0x75: {  	_ =	shalt  }
0x76: {  	_ =	shalt  }
0x77: {  	_ =	shalt  }
0x78: {  	_ =	shalt  }
0x79: {  	_ =	shalt  }
0x7a: {  	_ =	shalt  }
0x7b: {  	_ =	shalt  }
0x7c: {  	_ =	shalt  }
0x7d: {  	_ =	shalt  }
0x7e: {  	_ =	shalt  }
0x7f: {  	_ =	shalt  }
0x80: {  	_ =	shalt  }
0x81: {  	_ =	shalt  }
0x82: {  	_ =	shalt  }
0x83: {  	_ =	shalt  }
0x84: {  	_ =	shalt  }
0x85: {  	_ =	shalt  }
0x86: {  	_ =	shalt  }
0x87: {  	_ =	shalt  }
.Lfunc_end0:
.L_simem_size_0:
called_computation_lowered:
.L_overlay_start_0:
0x88: {  	s2 =	sld [smem:$0x3FD9]  }
0x89: {  	s3 =	sld [smem:$0x3FFE];
	_ =	sdelay $0x1  }
0x8a: {  	s1 =	srdreg.scid  }
0x8b: {  	s0 =	sand.u32 $0x1, s1  }
0x8c: {  	s17 =	sshll.u32 s0, $0xA;
	s2 =	sadd.s32 s3, s2  }
0x8d: {  	s2 =	sadd.s32 s2, s17  }
0x8e: {  	[smem:$0x3FC3] =	sst s2  }
0x8f: {  	_ = 	snop  }
0x90: {  	s2 =	sld [smem:$0x3FD0];
	(tm) =	ssettm $0x1  }
0x91: {  	s18 =	sld [smem:$0x3FFB];
	_ =	sdelay $0x3  }
0x92: {  	_ =	strace s18  }
0x93: {  	s3 =	sld [smem:$0x3FFC];
	_ =	sdelay $0x3  }
0x94: {  	_ =	strace s3  }
0x95: {  	s3 =	sld [smem:$0x3FFD];
	_ =	sdelay $0x3  }
0x96: {  	_ =	strace s3  }
0x97: {  	_ =	strace $0x8FFFFFFF  }
0x98: {  	s19 =	sld [smem:$0x3FDB];
	_ =	sdelay $0x1  }
0x99: {  	s4 =	simm.s32 $_scs_section_size  }
0x9a: {  	s5 =	simm.s32 $_size__tile_overlayer_lowered;
	s6 =	simm.s32 $_tile_overlayer_lowered  }
0x9b: {  	s22 =	simm.s32 $0x1BFF;
	s21 =	sshll.u32 s6, $0x1;
	s3 =	sadd.s32 s4, s19  }
0x9c: {  	s7 =	simm.s32 $0x0;
	s20 =	sshll.u32 s5, $0x1;
	s5 =	sadd.s32 s21, s3  }
0x9d: {  	[timem:s7], [sflag:s22] =	dma.local [hbm:s5], s20  }
0x9e: {  	_ =	swait.ge [sflag:s22], s20  }
0x9f: {  	s4 =	ssub.s32 $0x0, s20;
	[sflag:s22] =	ssyncset.done $0x0  }
0xa0: {  	[sflag:s22] =	ssyncadd.s32 s4;
	_ =	sdelay $0x1  }
0xa1: {  	s23 =	simm.s32 $0x1B8B  }
0xa2: {  	_ =	swait.ge [sflag:s23], $0x1  }
0xa3: {  	[sflag:s23] =	ssyncset.done $0x0  }
0xa4: {  	s25 =	simm.s32 $0x1B8E;
	s24 =	sld [smem:$0x3FFE];
	[sflag:s23] =	ssyncadd.s32 $0xFFFFFFFF  }
0xa5: {  	s26 =	simm.s32 $execute0_lowered;
	[smem:$0x3FD2] =	sst s25  }
0xa6: {  	s5 =	sshll.u32 s26, $0x1;
	_ =	strace $0x80000046;
	[dreg:$0x1] =	wrdreg $0xFFFFFFFF  }
0xa7: {  	s28 =	simm.s32 $_size_execute0_lowered;
	s3 =	sadd.s32 s3, s5;
	[dreg:$0x0] =	wrdreg $0x0  }
0xa8: {  	s5 =	sshll.u32 s28, $0x1;
	[dreg:$0x2] =	wrdreg s3  }
0xa9: {  	[dreg:$0x3] =	wrdreg s5  }
0xaa: {  	[dreg:$0x4] =	wrdreg $0xC0  }
0xab: {  	_ =	task [dreg:s7], $0x5FFFF  }
0xac: {  	[dreg:$0x1] =	wrdreg $0xFFFFFFFF  }
0xad: {  	[dreg:$0x0] =	wrdreg $0x60  }
0xae: {  	[dreg:$0x2] =	wrdreg s24  }
0xaf: {  	[dreg:$0x3] =	wrdreg s2  }
0xb0: {  	[dreg:$0x4] =	wrdreg $0x9  }
0xb1: {  	_ =	task.clear_ibuf [dreg:s7], $0x5FFFF;
	_ =	strace $0x90000046  }
0xb2: {  	s29 =	simm.s32 $0x9;
	_ =	strace $0x80000048  }
0xb3: {  	_ =	swait.ge [sflag:s29], $0x1  }
0xb4: {  	[sflag:s29] =	ssyncadd.s32 $0xFFFFFFFF  }
0xb5: {  	_ =	strace $0x90000048  }
0xb6: {  	_ =	sfence  }
0xb7: {  	s30 =	sld [smem:$0x0];
	_ =	sdelay $0x2  }
0xb8: {  	s31 =	sshll.u32 s1, $0xD;
	s1 =	sshrl.u32 s1, $0x2  }
0xb9: {  	s3 =	sand.u32 $0x4000, s31;
	s1 =	sadd.s32 s1, s30  }
0xba: {  	s0 =	sor.u32 s3, s0;
	s1 =	sshll.u32 s1, $0x11  }
0xbb: {  	s0 =	sor.u32 s1, s0  }
0xbc: {  	s0 =	sadd.s32 $0x8F2B, s0  }
0xbd: {  	[sflag:s0] =	ssyncadd.remote.s32 $0x1  }
0xbe: {  	_ =	sfence.sel $0xFFFF  }
0xbf: {  	[dreg:$0x0] =	wrdreg $0xFFFFFFFF;
	(pc) =	sbr.abs _section_cstart, $3  }
0xc0: {  	[dreg:$0x1] =	wrdreg $0xFFFFFFFF  }
0xc1: {  	_ =	task.clear_ibuf [dreg:s7], $0x2FFFF;
	_ =	strace $0x9FFFFFFF  }
0xc2: {  	(tm) =	ssettm $0x7FFFFFFF  }
0xc3: {  	_ =	shalt  }
tec
execute0_lowered:
.L_overlay_start_1:
0x0: {  	(tag) =	ssettag $0x1  }
0x1: {  	v5 =	vlaneseq.u32;
	v55 =	vimm.s32 $0x34333231;
	v1 =	vimm.s32 $0x38373635  }
0x2: {  	v2 =	vimm.s32 $0x3C3B3A39;
	v3 =	vimm.s32 $0x3F3E3D;
	v0 =	vadd.s32 $0x2, v5  }
0x3: {  	vm0 =	vcmask $0x1F10;
	v56 =	vimm.s32 $0x35343332;
	v43 =	vadd.s32 $0x3, v5;
	[tilespmem:$0x1FCF0] =	vst v0  }
0x4: {  	v57 =	vimm.s32 $0x39383736;
	v37 =	vimm.s32 $0x3D3C3B3A;
	v44 =	vadd.s32 $0x4, v5;
	[tilespmem:$0x1FD00] =	vst v43  }
0x5: {  	v38 =	vimm.s32 $0x1003F3E;
	v60 =	vimm.s32 $0x36353433;
	v45 =	vadd.s32 $0x5, v5;
	[tilespmem:$0x1FD10] =	vst v44  }
0x6: {  	v61 =	vimm.s32 $0x3020100;
	v62 =	vimm.s32 $0x3A393837;
	v46 =	vadd.s32 $0x6, v5;
	[tilespmem:$0x1FD20] =	vst v45  }
0x7: {  	v40 =	vimm.s32 $0x201003F;
	v41 =	vimm.s32 $0x3F3E3D3C;
	v47 =	vadd.s32 $0x7, v5;
	[tilespmem:$0x1FD30] =	vst v46  }
0x8: {  	vm1 =	vcmask $0x2F10;
	vm2 =	vcmask $0x3F30;
	v48 =	vadd.s32 $0x8, v5;
	[tilespmem:$0x1FD40] =	vst v47  }
0x9: {  	v10 =	vimm.s32 $0x6543A987;
	v11 =	vimm.s32 $0x6050403;
	v49 =	vadd.s32 $0x9, v5;
	[tilespmem:$0x1FD50] =	vst v48  }
0xa: {  	v14 =	vmul.u32 $0x40, v5;
	v50 =	vadd.s32 $0xA, v5;
	v51 =	vadd.s32 $0xB, v5;
	[tilespmem:$0x1FD60] =	vst v49  }
0xb: {  	v52 =	vadd.s32 $0xC, v5;
	v53 =	vadd.s32 $0xD, v5;
	v54 =	vadd.s32 $0xE, v5;
	[tilespmem:$0x1FD70] =	vst v50  }
0xc: {  	v4 =	vunpack.c.0.s8.s32 v1;
	v6 =	vunpack.c.0.s8.s32 v2;
	v1 =	vunpack.c.0.s8.s32 v3;
	[tilespmem:$0x1FD80] =	vst v51  }
0xd: {  	v2 =	vunpack.c.0.s8.s32 v56;
	v58 =	vunpack.c.0.s8.s32 v57;
	v7 =	vunpack.c.0.s8.s32 v37;
	[tilespmem:$0x1FD90] =	vst v52  }
0xe: {  	v37 =	vunpack.c.0.s8.s32 v61;
	v63 =	vunpack.c.0.s8.s32 v41;
	v8 =	vunpack.c.0.s8.s32 v62;
	[tilespmem:$0x1FDA0] =	vst v53  }
0xf: {  	v9 =	vunpack.c.0.s8.s32 v40;
	[tilespmem:$0x1FDB0] =	vst v54;
	v46 =	vimm.s32 $0x37363534;
	v47 =	vimm.s32 $0x3B3A3938  }
0x10: {  	v0 =	vunpack.c.0.s8.s32 v55;
	v50 =	vimm.s32 $0x87654321;
	v52 =	vimm.s32 $0x4030201;
	[tilespmem:$0x1FDC0] =	vst v4  }
0x11: {  	v54 =	vimm.s32 $0x5040302;
	[tilespmem:$0x1FDD0] =	vst v6;
	v48 =	vunpack.c.0.s8.s32 v46;
	v49 =	vunpack.c.0.s8.s32 v47  }
0x12: {  	v53 =	vimm.s32 $0x32107654;
	[tilespmem:$0x1FDE0] =	vst v58;
	v37 =	vsel vm0, v37, v63;
	v41 =	vunpack.c.0.s8.s32 v54  }
0x13: {  	[tilespmem:$0x1FDF0] =	vst v7;
	v0 =	vsel vm0, v4, v0;
	v4 =	vunpack.c.0.s8.s32 v38;
	v51 =	vsel vm0, v49, v48  }
0x14: {  	[tilespmem:$0x1FE30] =	vst v63;
	v38 =	vunpack.c.l.s4.s8 v50;
	v50 =	vcombine.low v51, v37;
	v37 =	vunpack.c.0.s8.s32 v52  }
0x15: {  	s2 =	srdreg.scid;
	v3 =	vsel vm0, v1, v6;
	v40 =	vunpack.c.l.s4.s8 v53;
	[tilespmem:$0x1FE00] =	vst v49;
	v57 =	vsel vm0, v41, v4  }
0x16: {  	s0 =	rddreg [dreg:$0x0];
	s3 =	sand.u32 $0x1, s2;
	s2 =	simm.s32 $0x0;
	v44 =	vcombine.low v0, v3;
	v0 =	vunpack.c.0.s8.s32 v60;
	[tilespmem:$0x1FE20] =	vst v57;
	v56 =	vsel vm0, v37, v1  }
0x17: {  	v15 =	vadd.s32 $0x1, v5;
	[smem:$0x7FF] =	sst s2;
	v59 =	vsel vm0, v58, v2;
	v40 =	vunpack.c.0.s8.s32 v40;
	[tilespmem:$0x1FE10] =	vst v56  }
0x18: {  	s1 =	rddreg [dreg:$0x1];
	v2 =	vsel vm0, v4, v7;
	v51 =	vunpack.c.0.s8.s32 v11;
	v0 =	vsel vm0, v8, v0;
	_ =	strace $0x80000047;
	[tilespmem:$0x1FE40] =	vst v8  }
0x19: {  	v29 =	vadd.s32 $0xF, v5;
	v61 =	vimm.s32 $0xB0A0908;
	v45 =	vcombine.low v59, v2;
	[tilespmem:$0x1FE50] =	vst v0  }
0x1a: {  	v59 =	vand.u32 $0xF, v40;
	v40 =	vunpack.c.0.s8.s32 v61;
	v61 =	vsel vm0, v51, v9;
	[tilespmem:$0x1FE70] =	vst v9  }
0x1b: {  	v30 =	vor.u32 $0x10, v5;
	v16 =	vadd.s32 $0x11, v5;
	v31 =	vadd.s32 $0x12, v5;
	[tilespmem:$0x1FE80] =	vst v61  }
0x1c: {  	v17 =	vadd.s32 $0x13, v5;
	v32 =	vadd.s32 $0x14, v5;
	v18 =	vadd.s32 $0x15, v5;
	[tilespmem:$0x1FEB0] =	vst v30  }
0x1d: {  	v33 =	vadd.s32 $0x16, v5;
	v19 =	vadd.s32 $0x17, v5;
	v34 =	vadd.s32 $0x18, v5;
	[tilespmem:$0x1FEC0] =	vst v29  }
0x1e: {  	v20 =	vadd.s32 $0x19, v5;
	v21 =	vadd.s32 $0x1A, v5;
	v35 =	vadd.s32 $0x1B, v5;
	[tilespmem:$0x1FED0] =	vst v16  }
0x1f: {  	v22 =	vadd.s32 $0x1C, v5;
	v36 =	vadd.s32 $0x1D, v5;
	v23 =	vadd.s32 $0x1E, v5;
	[tilespmem:$0x1FEE0] =	vst v31  }
0x20: {  	v24 =	vadd.s32 $0x1F, v5;
	v25 =	vor.u32 $0x20, v5;
	v26 =	vadd.s32 $0x21, v5;
	[tilespmem:$0x1FEF0] =	vst v32  }
0x21: {  	v27 =	vadd.s32 $0x22, v5;
	v28 =	vadd.s32 $0x23, v5;
	v39 =	vadd.s32 $0x24, v5;
	[tilespmem:$0x1FF00] =	vst v17  }
0x22: {  	v42 =	vadd.s32 $0x25, v5;
	v62 =	vimm.s32 $0x54329876;
	v55 =	vimm.s32 $0x98765432;
	[tilespmem:$0x1FF10] =	vst v18  }
0x23: {  	v43 =	vadd.s32 $0x26, v5;
	v46 =	vunpack.c.l.s4.s8 v55;
	v60 =	vimm.s32 $0x43218765;
	[tilespmem:$0x1FF20] =	vst v33  }
0x24: {  	v48 =	vimm.s32 $0xD0C0B0A;
	v49 =	vimm.s32 $0xE0D0C0B;
	v38 =	vunpack.c.0.s8.s32 v38;
	[tilespmem:$0x1FF30] =	vst v34  }
0x25: {  	v58 =	vunpack.c.0.s8.s32 v46;
	v7 =	vimm.s32 $0xC0B0A09;
	v41 =	vimm.s32 $0xA9876543;
	[tilespmem:$0x1FF40] =	vst v19  }
0x26: {  	v52 =	vimm.s32 $0x76543210;
	v38 =	vand.u32 $0xF, v38;
	v37 =	vsel vm1, v59, v63;
	[tilespmem:$0x1FF50] =	vst v20  }
0x27: {  	v63 =	vunpack.c.l.s4.s8 v62;
	v53 =	vcombine.low v3, v38;
	v38 =	vunpack.c.l.s4.s8 v60;
	[tilespmem:$0x1FF60] =	vst v21  }
0x28: {  	s4 =	stileid.u32;
	v59 =	vimm.s32 $0x3E3D3C3B;
	v51 =	vadd.s32 $0x27, v5;
	v3 =	vand.u32 $0xF, v58;
	[tilespmem:$0x1FF70] =	vst v22  }
0x29: {  	s11 =	simm.s32 $0x4;
	s12 =	simm.s32 $0x200;
	s13 =	simm.s32 $0x80;
	v55 =	vsel vm2, v40, v37;
	v37 =	vunpack.c.0.s8.s32 v7;
	[tilespmem:$0x1FF80] =	vst v35;
	v38 =	vunpack.c.0.s8.s32 v38  }
0x2a: {  	s15 =	simm.s32 $0x280;
	s17 =	simm.s32 $0x100;
	s19 =	simm.s32 $0x300;
	v60 =	vunpack.c.0.s8.s32 v59;
	v54 =	vcombine.low v2, v3;
	v2 =	vunpack.c.0.s8.s32 v63;
	[tilespmem:$0x1FF90] =	vst v36  }
0x2b: {  	s21 =	simm.s32 $0x180;
	s23 =	simm.s32 $0x380;
	s24 =	simm.s32 $0x8780;
	v40 =	vadd.s32 $0x2B, v5;
	v3 =	vunpack.c.l.s4.s8 v41;
	[tilespmem:$0x1FFA0] =	vst v23;
	v6 =	vand.u32 $0xF, v38  }
0x2c: {  	s25 =	simm.s32 $0x400;
	s28 =	simm.s32 $0x2400;
	s29 =	simm.s32 $0x6400;
	[tilespmem:$0x1FFB0] =	vst v25;
	v46 =	vand.u32 $0xF, v2;
	v38 =	vunpack.c.l.s4.s8 v10;
	v1 =	vsel vm1, v6, v1  }
0x2d: {  	s30 =	simm.s32 $0x1;
	s31 =	simm.s32 $0x2;
	s14 =	simm.s32 $0x0;
	[tilespmem:$0x1FFC0] =	vst v24;
	v56 =	vsel vm2, v37, v1;
	v1 =	vsel vm1, v46, v4;
	v4 =	vunpack.c.0.s8.s32 v48  }
0x2e: {  	s4 =	sshll.u32 s4, $0x7;
	s6 =	sadd.s32 $0x4400, s0;
	s5 =	sshll.u32 s3, $0x6;
	v59 =	vadd.s32 $0x2F, v5;
	v41 =	vadd.s32 $0x2C, v5;
	[tilespmem:$0x1FFD0] =	vst v26;
	v3 =	vunpack.c.0.s8.s32 v3  }
0x2f: {  	s7 =	ssub.s32 $0x2, s3;
	s3 =	sadd.s32 $0x187C00, s0;
	s9 =	sor.u32 s5, s4;
	[tilespmem:$0x1FFE0] =	vst v27;
	v47 =	vunpack.c.0.s8.s32 v38;
	v57 =	vsel vm2, v4, v1;
	v1 =	vunpack.c.l.s4.s8 v52  }
0x30: {  	s4 =	sadd.s32 $0x24B200, s0;
	s10 =	sshrl.u32 s7, $0x1;
	s5 =	sadd.s32 $0x1200, s0;
	v61 =	vor.u32 $0x30, v5;
	[tilespmem:$0x1FFF0] =	vst v28;
	v63 =	vand.u32 $0xF, v3;
	v37 =	vunpack.c.0.s8.s32 v49  }
0x31: {  	s8 =	sadd.s32 s9, s0;
	s26 =	ssub.s32 s7, s10;
	s9 =	sadd.s32 s1, s9;
	[tilespmem:$0x1FE60] =	vst v60;
	v38 =	vadd.s32 $0x2A, v5;
	v2 =	vand.u32 $0xF, v47;
	v62 =	vunpack.c.0.s8.s32 v1  }
0x32: {  	s0 =	simm.s32 $0x3;
	s1 =	simm.s32 $0x8800;
	s7 =	sadd.s32 $0xA00, s8;
	[tilespmem:$0x1FEA0] =	vst v63;
	v48 =	vadd.s32 $0x2E, v5;
	v52 =	vadd.s32 $0x28, v5;
	v2 =	vsel vm1, v2, v9  }
0x33: {  	s8 =	sadd.s32 $0x200, s8;
	s10 =	smax.u32 s26, $0x1;
	s26 =	simm.s32 $0x4400;
	v47 =	vadd.s32 $0x2D, v5;
	v58 =	vsel vm2, v37, v2;
	v37 =	vadd.s32 $0x29, v5;
	[tilespmem:$0x1FE90] =	vst v62  }
.LBB2_1:
0x34: {  	[tilespmem:s2], [sflag:$0x4] =	stream.linear.gather [hbm4b:s7+s2], $0x200, $0x38;
	[tilespmem:$0x8A00] =	vst v63  }
0x35: {  	_ =	swait.ge [sflag:s11], $0x200  }
0x36: {  	[sflag:s11] =	ssyncset.done $0x0  }
0x37: {  	[sflag:s11] =	ssyncadd.s32 $0xFFFFFE00  }
0x38: {  	[tilespmem:s12], [sflag:$0x4] =	stream.linear.gather [hbm4b:s8+s2], $0x200, $0x38;
	[tilespmem:$0x8A00] =	vst v63  }
0x39: {  	_ =	swait.ge [sflag:s11], $0x200  }
0x3a: {  	[sflag:s11] =	ssyncset.done $0x0  }
0x3b: {  	s16 =	simm.s32 $0x8400;
	[sflag:s11] =	ssyncadd.s32 $0xFFFFFE00  }
0x3c: {  	[tilespmem:s16], [sflag:$0x3] =	stream.indirect.gather [hbm4b:s5+s13], $0x1, s2, s13, $0xb8;
	[tilespmem:$0x8A00] =	vst v63  }
0x3d: {  	s18 =	simm.s32 $0x8600  }
0x3e: {  	[tilespmem:s18], [sflag:$0x3] =	stream.indirect.gather [hbm4b:s6+s13], $0x1, s12, s13, $0xb8;
	[tilespmem:$0x8A00] =	vst v63  }
0x3f: {  	s20 =	simm.s32 $0x8480  }
0x40: {  	[tilespmem:s20], [sflag:$0x3] =	stream.indirect.gather [hbm4b:s5+s13], $0x1, s13, s13, $0xb8;
	[tilespmem:$0x8A00] =	vst v63  }
0x41: {  	s22 =	simm.s32 $0x8680  }
0x42: {  	[tilespmem:s22], [sflag:$0x3] =	stream.indirect.gather [hbm4b:s6+s13], $0x1, s15, s13, $0xb8;
	[tilespmem:$0x8A00] =	vst v63  }
0x43: {  	s22 =	simm.s32 $0x8500  }
0x44: {  	[tilespmem:s22], [sflag:$0x3] =	stream.indirect.gather [hbm4b:s5+s13], $0x1, s17, s13, $0xb8;
	[tilespmem:$0x8A00] =	vst v63  }
0x45: {  	s22 =	simm.s32 $0x8700  }
0x46: {  	[tilespmem:s22], [sflag:$0x3] =	stream.indirect.gather [hbm4b:s6+s13], $0x1, s19, s13, $0xb8;
	[tilespmem:$0x8A00] =	vst v63  }
0x47: {  	s22 =	simm.s32 $0x8580  }
0x48: {  	[tilespmem:s22], [sflag:$0x3] =	stream.indirect.gather [hbm4b:s5+s13], $0x1, s21, s13, $0xb8;
	[tilespmem:$0x8A00] =	vst v63  }
0x49: {  	_ = 	snop  }
0x4a: {  	[tilespmem:s24], [sflag:$0x3] =	stream.indirect.gather [hbm4b:s6+s13], $0x1, s23, s13, $0xb8;
	[tilespmem:$0x8A00] =	vst v63  }
0x4b: {  	_ = 	snop  }
0x4c: {  	[tilespmem:s25], [sflag:$0x1] =	stream.indirect.gather [hbm4b:s3+s13], $0x40, s2, s13, $0xb8;
	[tilespmem:$0x8A00] =	vst v63  }
0x4d: {  	_ = 	snop  }
0x4e: {  	[tilespmem:s26], [sflag:$0x2] =	stream.indirect.gather [hbm4b:s4+s13], $0x40, s12, s13, $0xb8;
	[tilespmem:$0x8A00] =	vst v63  }
0x4f: {  	_ = 	snop  }
0x50: {  	[tilespmem:s28], [sflag:$0x1] =	stream.indirect.gather [hbm4b:s3+s13], $0x40, s13, s13, $0xb8;
	[tilespmem:$0x8A00] =	vst v63  }
0x51: {  	_ = 	snop  }
0x52: {  	[tilespmem:s29], [sflag:$0x2] =	stream.indirect.gather [hbm4b:s4+s13], $0x40, s15, s13, $0xb8;
	[tilespmem:$0x8A00] =	vst v63  }
0x53: {  	_ =	swait.ge [sflag:s30], $0x2000  }
0x54: {  	[sflag:s30] =	ssyncset.done $0x0  }
0x55: {  	[sflag:s30] =	ssyncadd.s32 $0xFFFFE000  }
0x56: {  	_ =	swait.ge [sflag:s31], $0x2000  }
0x57: {  	[sflag:s31] =	ssyncset.done $0x0  }
0x58: {  	[sflag:s31] =	ssyncadd.s32 $0xFFFFE000  }
0x59: {  	_ =	swait.ge [sflag:s30], $0x2000  }
0x5a: {  	[sflag:s30] =	ssyncset.done $0x0  }
0x5b: {  	[sflag:s30] =	ssyncadd.s32 $0xFFFFE000  }
0x5c: {  	_ =	swait.ge [sflag:s31], $0x2000  }
0x5d: {  	[sflag:s31] =	ssyncset.done $0x0  }
0x5e: {  	[sflag:s31] =	ssyncadd.s32 $0xFFFFE000  }
0x5f: {  	_ =	swait.ge [sflag:s0], $0x80  }
0x60: {  	[sflag:s0] =	ssyncset.done $0x0  }
0x61: {  	[sflag:s0] =	ssyncadd.s32 $0xFFFFFF80  }
0x62: {  	_ =	swait.ge [sflag:s0], $0x80  }
0x63: {  	[sflag:s0] =	ssyncset.done $0x0  }
0x64: {  	[sflag:s0] =	ssyncadd.s32 $0xFFFFFF80  }
0x65: {  	_ =	swait.ge [sflag:s0], $0x80  }
0x66: {  	[sflag:s0] =	ssyncset.done $0x0  }
0x67: {  	[sflag:s0] =	ssyncadd.s32 $0xFFFFFF80  }
0x68: {  	_ =	swait.ge [sflag:s0], $0x80  }
0x69: {  	[sflag:s0] =	ssyncset.done $0x0  }
0x6a: {  	[sflag:s0] =	ssyncadd.s32 $0xFFFFFF80  }
0x6b: {  	_ =	swait.ge [sflag:s0], $0x80  }
0x6c: {  	[sflag:s0] =	ssyncset.done $0x0  }
0x6d: {  	[sflag:s0] =	ssyncadd.s32 $0xFFFFFF80  }
0x6e: {  	_ =	swait.ge [sflag:s0], $0x80  }
0x6f: {  	v0 =	vmov s2;
	[sflag:s0] =	ssyncset.done $0x0  }
0x70: {  	v0 =	vshll.u32 v0, $0x6;
	[sflag:s0] =	ssyncadd.s32 $0xFFFFFF80  }
0x71: {  	v1 =	vor.u32 v14, v0;
	v0 =	vlaneseq.u32;
	_ =	swait.ge [sflag:s0], $0x80  }
0x72: {  	v0 =	vor.u32 v0, v1;
	[sflag:s0] =	ssyncset.done $0x0  }
0x73: {  	[sflag:s0] =	ssyncadd.s32 $0xFFFFFF80  }
0x74: {  	_ =	swait.ge [sflag:s0], $0x80  }
0x75: {  	[sflag:s0] =	ssyncset.done $0x0  }
0x76: {  	v8 =	vld [tilespmem:$0x1FCF0];
	[sflag:s0] =	ssyncadd.s32 $0xFFFFFF80  }
0x77: {  	v46 =	vld.idx.msk [tilespmem:v0+s25+$0x0], $0xffff  }
0x78: {  	v2 =	vor.u32 v15, v1;
	v3 =	vld.idx.msk [tilespmem:v0+s26+$0x0], $0xffff  }
0x79: {  	v0 =	vld [tilespmem:$0x1FD00]  }
0x7a: {  	v6 =	vld [tilespmem:s18+$0x0]  }
0x7b: {  	v60 =	vld [tilespmem:s16+$0x0]  }
0x7c: {  	v9 =	vld [tilespmem:$0x1FD40];
	v4 =	vor.u32 v8, v1  }
0x7d: {  	v62 =	vld.idx.msk [tilespmem:v2+s25+$0x0], $0xffff  }
0x7e: {  	v49 =	vor.u32 v0, v1;
	v0 =	vld [tilespmem:$0x1FD10]  }
0x7f: {  	v2 =	vld.idx.msk [tilespmem:v2+s26+$0x0], $0xffff  }
0x80: {  	v60 =	vadd.f32 v6, v60;
	v6 =	vld [tilespmem:$0x1FD30]  }
0x81: {  	v7 =	vld.idx.msk [tilespmem:v4+s25+$0x0], $0xffff  }
0x82: {  	v4 =	vld.idx.msk [tilespmem:v4+s26+$0x0], $0xffff  }
0x83: {  	v10 =	vor.u32 v9, v1;
	v63 =	vor.u32 v0, v1;
	v0 =	vld [tilespmem:$0x1FD20]  }
0x84: {  	v3 =	vmul.f32 v3, v46;
	v5 =	vld.idx.msk [tilespmem:v49+s25+$0x0], $0xffff  }
0x85: {  	v46 =	vld.idx.msk [tilespmem:v49+s26+$0x0], $0xffff  }
0x86: {  	v12 =	vld [tilespmem:$0x1FD50];
	v2 =	vmul.f32 v2, v62;
	v3 =	vadd.f32 v3, v60  }
0x87: {  	v13 =	vld [tilespmem:$0x1FD60];
	v49 =	vor.u32 v6, v1  }
0x88: {  	v9 =	vld.idx.msk [tilespmem:v10+s26+$0x0], $0xffff;
	v2 =	vadd.f32 v2, v3;
	v3 =	vmul.f32 v4, v7;
	v0 =	vor.u32 v0, v1  }
0x89: {  	v6 =	vld.idx.msk [tilespmem:v63+s25+$0x0], $0xffff  }
0x8a: {  	v2 =	vadd.f32 v3, v2;
	v3 =	vmul.f32 v46, v5;
	v5 =	vld.idx.msk [tilespmem:v10+s25+$0x0], $0xffff  }
0x8b: {  	v60 =	vld.idx.msk [tilespmem:v63+s26+$0x0], $0xffff  }
0x8c: {  	v4 =	vor.u32 v12, v1;
	v7 =	vld.idx.msk [tilespmem:v49+s25+$0x0], $0xffff  }
0x8d: {  	v63 =	vld.idx.msk [tilespmem:v0+s25+$0x0], $0xffff  }
0x8e: {  	v0 =	vld.idx.msk [tilespmem:v0+s26+$0x0], $0xffff  }
0x8f: {  	[tilespmem:$0x1FAA0] =	vst v5;
	v5 =	vld [tilespmem:$0x1FD70]  }
0x90: {  	v46 =	vld.idx.msk [tilespmem:v49+s26+$0x0], $0xffff;
	v2 =	vadd.f32 v3, v2;
	v3 =	vmul.f32 v60, v6  }
0x91: {  	v11 =	vor.u32 v13, v1;
	v6 =	vld.idx.msk [tilespmem:v4+s25+$0x0], $0xffff  }
0x92: {  	v2 =	vadd.f32 v3, v2;
	v3 =	vld.idx.msk [tilespmem:v4+s26+$0x0], $0xffff  }
0x93: {  	v4 =	vld [tilespmem:$0x1FD80]  }
0x94: {  	v10 =	vor.u32 v5, v1;
	v0 =	vmul.f32 v0, v63;
	v5 =	vld [tilespmem:$0x1FD90];
	_ =	sdelay $0x1  }
0x95: {  	v63 =	vld.idx.msk [tilespmem:v11+s25+$0x0], $0xffff;
	v0 =	vadd.f32 v0, v2;
	v2 =	vmul.f32 v46, v7  }
0x96: {  	v46 =	vld.idx.msk [tilespmem:v11+s26+$0x0], $0xffff  }
0x97: {  	v0 =	vadd.f32 v2, v0;
	v2 =	vld [tilespmem:$0x1FAA0]  }
0x98: {  	v4 =	vor.u32 v4, v1;
	v11 =	vor.u32 v5, v1;
	v5 =	vld [tilespmem:$0x1FDA0];
	_ =	sdelay $0x2  }
0x99: {  	v7 =	vld.idx.msk [tilespmem:v10+s25+$0x0], $0xffff  }
0x9a: {  	v2 =	vmul.f32 v9, v2;
	v9 =	vld.idx.msk [tilespmem:v10+s26+$0x0], $0xffff  }
0x9b: {  	v10 =	vor.u32 v5, v1;
	v5 =	vld.idx.msk [tilespmem:v4+s25+$0x0], $0xffff  }
0x9c: {  	v0 =	vadd.f32 v2, v0;
	v2 =	vmul.f32 v3, v6;
	v3 =	vld.idx.msk [tilespmem:v4+s26+$0x0], $0xffff  }
0x9d: {  	v4 =	vld [tilespmem:$0x1FDB0]  }
0x9e: {  	v0 =	vadd.f32 v2, v0;
	v2 =	vmul.f32 v46, v63;
	_ =	sdelay $0x1  }
0x9f: {  	v0 =	vadd.f32 v2, v0;
	v2 =	vmul.f32 v9, v7  }
0xa0: {  	[tilespmem:$0x1FAB0] =	vst v5  }
0xa1: {  	v4 =	vor.u32 v4, v1;
	v0 =	vadd.f32 v2, v0;
	v2 =	vld [tilespmem:$0x1FAB0]  }
0xa2: {  	v6 =	vld.idx.msk [tilespmem:v11+s25+$0x0], $0xffff  }
0xa3: {  	v46 =	vld.idx.msk [tilespmem:v11+s26+$0x0], $0xffff;
	v11 =	vor.u32 v29, v1  }
0xa4: {  	v63 =	vld.idx.msk [tilespmem:v10+s25+$0x0], $0xffff  }
0xa5: {  	v9 =	vld.idx.msk [tilespmem:v10+s26+$0x0], $0xffff  }
0xa6: {  	v7 =	vld.idx.msk [tilespmem:v4+s25+$0x0], $0xffff;
	v2 =	vmul.f32 v3, v2  }
0xa7: {  	v3 =	vld.idx.msk [tilespmem:v4+s26+$0x0], $0xffff  }
0xa8: {  	v5 =	vld.idx.msk [tilespmem:v11+s25+$0x0], $0xffff;
	v0 =	vadd.f32 v2, v0;
	v2 =	vmul.f32 v46, v6;
	_ =	sdelay $0x1  }
0xa9: {  	v10 =	vor.u32 v30, v1;
	v0 =	vadd.f32 v2, v0;
	v2 =	vmul.f32 v9, v63;
	_ =	sdelay $0x1  }
0xaa: {  	v4 =	vor.u32 v16, v1;
	v0 =	vadd.f32 v2, v0;
	v2 =	vmul.f32 v3, v7  }
0xab: {  	[tilespmem:$0x1FAC0] =	vst v5;
	v46 =	vld.idx.msk [tilespmem:v11+s26+$0x0], $0xffff  }
0xac: {  	v11 =	vor.u32 v31, v1;
	v0 =	vadd.f32 v2, v0;
	v2 =	vld [tilespmem:$0x1FAC0]  }
0xad: {  	v6 =	vld.idx.msk [tilespmem:v10+s25+$0x0], $0xffff  }
0xae: {  	v9 =	vld.idx.msk [tilespmem:v10+s26+$0x0], $0xffff;
	v10 =	vor.u32 v17, v1  }
0xaf: {  	v63 =	vld.idx.msk [tilespmem:v4+s25+$0x0], $0xffff  }
0xb0: {  	v3 =	vld.idx.msk [tilespmem:v4+s26+$0x0], $0xffff  }
0xb1: {  	v7 =	vld.idx.msk [tilespmem:v11+s25+$0x0], $0xffff;
	v2 =	vmul.f32 v46, v2  }
0xb2: {  	v46 =	vld.idx.msk [tilespmem:v11+s26+$0x0], $0xffff  }
0xb3: {  	v5 =	vld.idx.msk [tilespmem:v10+s25+$0x0], $0xffff;
	v0 =	vadd.f32 v2, v0;
	v2 =	vmul.f32 v9, v6;
	_ =	sdelay $0x1  }
0xb4: {  	v4 =	vor.u32 v32, v1;
	v0 =	vadd.f32 v2, v0;
	v2 =	vmul.f32 v3, v63;
	_ =	sdelay $0x1  }
0xb5: {  	v11 =	vor.u32 v18, v1;
	v0 =	vadd.f32 v2, v0;
	v2 =	vmul.f32 v46, v7  }
0xb6: {  	[tilespmem:$0x1FAD0] =	vst v5;
	v9 =	vld.idx.msk [tilespmem:v10+s26+$0x0], $0xffff  }
0xb7: {  	v10 =	vor.u32 v33, v1;
	v0 =	vadd.f32 v2, v0;
	v2 =	vld [tilespmem:$0x1FAD0]  }
0xb8: {  	v6 =	vld.idx.msk [tilespmem:v4+s25+$0x0], $0xffff  }
0xb9: {  	v3 =	vld.idx.msk [tilespmem:v4+s26+$0x0], $0xffff;
	v4 =	vor.u32 v19, v1  }
0xba: {  	v63 =	vld.idx.msk [tilespmem:v11+s25+$0x0], $0xffff  }
0xbb: {  	v46 =	vld.idx.msk [tilespmem:v11+s26+$0x0], $0xffff  }
0xbc: {  	v7 =	vld.idx.msk [tilespmem:v10+s25+$0x0], $0xffff;
	v2 =	vmul.f32 v9, v2  }
0xbd: {  	v9 =	vld.idx.msk [tilespmem:v10+s26+$0x0], $0xffff  }
0xbe: {  	v5 =	vld.idx.msk [tilespmem:v4+s25+$0x0], $0xffff;
	v0 =	vadd.f32 v2, v0;
	v2 =	vmul.f32 v3, v6;
	_ =	sdelay $0x1  }
0xbf: {  	v11 =	vor.u32 v34, v1;
	v0 =	vadd.f32 v2, v0;
	v2 =	vmul.f32 v46, v63;
	_ =	sdelay $0x1  }
0xc0: {  	v10 =	vor.u32 v20, v1;
	v0 =	vadd.f32 v2, v0;
	v2 =	vmul.f32 v9, v7  }
0xc1: {  	[tilespmem:$0x1FAE0] =	vst v5;
	v3 =	vld.idx.msk [tilespmem:v4+s26+$0x0], $0xffff  }
0xc2: {  	v4 =	vor.u32 v21, v1;
	v0 =	vadd.f32 v2, v0;
	v2 =	vld [tilespmem:$0x1FAE0]  }
0xc3: {  	v6 =	vld.idx.msk [tilespmem:v11+s25+$0x0], $0xffff  }
0xc4: {  	v46 =	vld.idx.msk [tilespmem:v11+s26+$0x0], $0xffff;
	v11 =	vor.u32 v35, v1  }
0xc5: {  	v63 =	vld.idx.msk [tilespmem:v10+s25+$0x0], $0xffff  }
0xc6: {  	v9 =	vld.idx.msk [tilespmem:v10+s26+$0x0], $0xffff  }
0xc7: {  	v7 =	vld.idx.msk [tilespmem:v4+s25+$0x0], $0xffff;
	v2 =	vmul.f32 v3, v2  }
0xc8: {  	v10 =	vor.u32 v22, v1;
	v3 =	vld.idx.msk [tilespmem:v4+s26+$0x0], $0xffff  }
0xc9: {  	v5 =	vld.idx.msk [tilespmem:v11+s25+$0x0], $0xffff;
	v0 =	vadd.f32 v2, v0;
	v2 =	vmul.f32 v46, v6;
	_ =	sdelay $0x1  }
0xca: {  	v0 =	vadd.f32 v2, v0;
	v2 =	vmul.f32 v9, v63  }
0xcb: {  	v4 =	vor.u32 v36, v1;
	v46 =	vld.idx.msk [tilespmem:v11+s26+$0x0], $0xffff  }
0xcc: {  	v6 =	vld.idx.msk [tilespmem:v10+s25+$0x0], $0xffff;
	v0 =	vadd.f32 v2, v0;
	v2 =	vmul.f32 v3, v7  }
0xcd: {  	[tilespmem:$0x1FAF0] =	vst v5;
	v11 =	vor.u32 v23, v1;
	v9 =	vld.idx.msk [tilespmem:v10+s26+$0x0], $0xffff  }
0xce: {  	v10 =	vor.u32 v24, v1;
	v0 =	vadd.f32 v2, v0;
	v2 =	vld [tilespmem:$0x1FAF0];
	_ =	sdelay $0x1  }
0xcf: {  	v63 =	vld.idx.msk [tilespmem:v4+s25+$0x0], $0xffff  }
0xd0: {  	v3 =	vld.idx.msk [tilespmem:v4+s26+$0x0], $0xffff  }
0xd1: {  	v7 =	vld.idx.msk [tilespmem:v11+s25+$0x0], $0xffff  }
0xd2: {  	v5 =	vld.idx.msk [tilespmem:v10+s25+$0x0], $0xffff;
	v2 =	vmul.f32 v46, v2  }
0xd3: {  	v4 =	vor.u32 v25, v1;
	v46 =	vld.idx.msk [tilespmem:v11+s26+$0x0], $0xffff  }
0xd4: {  	v0 =	vadd.f32 v2, v0;
	v2 =	vmul.f32 v9, v6;
	_ =	sdelay $0x1  }
0xd5: {  	v0 =	vadd.f32 v2, v0;
	v2 =	vmul.f32 v3, v63  }
0xd6: {  	v11 =	vor.u32 v26, v1  }
0xd7: {  	[tilespmem:$0x1FB00] =	vst v5;
	v5 =	vld.idx.msk [tilespmem:v4+s25+$0x0], $0xffff;
	v0 =	vadd.f32 v2, v0;
	v2 =	vmul.f32 v46, v7  }
0xd8: {  	v9 =	vld.idx.msk [tilespmem:v10+s26+$0x0], $0xffff;
	v10 =	vor.u32 v27, v1  }
0xd9: {  	v0 =	vadd.f32 v2, v0;
	v2 =	vld [tilespmem:$0x1FB00]  }
0xda: {  	v3 =	vld.idx.msk [tilespmem:v4+s26+$0x0], $0xffff;
	v4 =	vor.u32 v28, v1  }
0xdb: {  	v63 =	vld.idx.msk [tilespmem:v11+s25+$0x0], $0xffff  }
0xdc: {  	v46 =	vld.idx.msk [tilespmem:v11+s26+$0x0], $0xffff;
	v11 =	vor.u32 v39, v1  }
0xdd: {  	v6 =	vld.idx.msk [tilespmem:v10+s25+$0x0], $0xffff  }
0xde: {  	v2 =	vmul.f32 v9, v2;
	v9 =	vld.idx.msk [tilespmem:v10+s26+$0x0], $0xffff;
	v10 =	vor.u32 v42, v1  }
0xdf: {  	v7 =	vld.idx.msk [tilespmem:v4+s25+$0x0], $0xffff  }
0xe0: {  	v0 =	vadd.f32 v2, v0;
	v2 =	vmul.f32 v3, v5;
	v3 =	vld.idx.msk [tilespmem:v4+s26+$0x0], $0xffff;
	v4 =	vor.u32 v43, v1  }
0xe1: {  	v5 =	vld.idx.msk [tilespmem:v11+s25+$0x0], $0xffff  }
0xe2: {  	v0 =	vadd.f32 v2, v0;
	v2 =	vmul.f32 v46, v63;
	v46 =	vld.idx.msk [tilespmem:v11+s26+$0x0], $0xffff;
	v11 =	vor.u32 v51, v1  }
0xe3: {  	v63 =	vld.idx.msk [tilespmem:v10+s25+$0x0], $0xffff  }
0xe4: {  	v0 =	vadd.f32 v2, v0;
	v2 =	vmul.f32 v9, v6;
	v9 =	vld.idx.msk [tilespmem:v10+s26+$0x0], $0xffff;
	v10 =	vor.u32 v52, v1  }
0xe5: {  	v6 =	vld.idx.msk [tilespmem:v4+s25+$0x0], $0xffff  }
0xe6: {  	v0 =	vadd.f32 v2, v0;
	v2 =	vmul.f32 v3, v7;
	v3 =	vld.idx.msk [tilespmem:v4+s26+$0x0], $0xffff;
	v4 =	vor.u32 v37, v1  }
0xe7: {  	v7 =	vld.idx.msk [tilespmem:v11+s25+$0x0], $0xffff  }
0xe8: {  	v0 =	vadd.f32 v2, v0;
	v2 =	vmul.f32 v46, v5;
	v46 =	vld.idx.msk [tilespmem:v11+s26+$0x0], $0xffff;
	v11 =	vor.u32 v38, v1  }
0xe9: {  	v5 =	vld.idx.msk [tilespmem:v10+s25+$0x0], $0xffff  }
0xea: {  	v60 =	vld.idx.msk [tilespmem:v10+s26+$0x0], $0xffff;
	v0 =	vadd.f32 v2, v0;
	v2 =	vmul.f32 v9, v63  }
0xeb: {  	v10 =	vld.idx.msk [tilespmem:v4+s25+$0x0], $0xffff  }
0xec: {  	v0 =	vadd.f32 v2, v0;
	v2 =	vmul.f32 v3, v6;
	v3 =	vld.idx.msk [tilespmem:v4+s26+$0x0], $0xffff  }
0xed: {  	v6 =	vld.idx.msk [tilespmem:v11+s25+$0x0], $0xffff  }
0xee: {  	v0 =	vadd.f32 v2, v0;
	v2 =	vmul.f32 v46, v7;
	v46 =	vld.idx.msk [tilespmem:v11+s26+$0x0], $0xffff;
	v11 =	vor.u32 v47, v1;
	_ =	sdelay $0x2  }
0xef: {  	v9 =	vor.u32 v40, v1;
	v0 =	vadd.f32 v2, v0;
	v2 =	vmul.f32 v60, v5;
	_ =	sdelay $0x1  }
0xf0: {  	v0 =	vadd.f32 v2, v0;
	v2 =	vmul.f32 v3, v10;
	v3 =	vld.idx.msk [tilespmem:v11+s25+$0x0], $0xffff;
	_ =	sdelay $0x2  }
0xf1: {  	v7 =	vld.idx.msk [tilespmem:v9+s25+$0x0], $0xffff  }
0xf2: {  	v60 =	vld.idx.msk [tilespmem:v9+s26+$0x0], $0xffff  }
0xf3: {  	v9 =	vor.u32 v48, v1;
	[tilespmem:$0x1FB20] =	vst v3;
	v3 =	vld.idx.msk [tilespmem:v11+s26+$0x0], $0xffff  }
0xf4: {  	v4 =	vor.u32 v41, v1;
	_ =	sdelay $0x3  }
0xf5: {  	[tilespmem:$0x1FB30] =	vst v3;
	v3 =	vld.idx.msk [tilespmem:v9+s25+$0x0], $0xffff  }
0xf6: {  	v5 =	vld.idx.msk [tilespmem:v4+s25+$0x0], $0xffff;
	_ =	sdelay $0x1  }
0xf7: {  	v0 =	vadd.f32 v2, v0;
	v2 =	vmul.f32 v46, v6;
	_ =	sdelay $0x1  }
0xf8: {  	v10 =	vld.idx.msk [tilespmem:v4+s26+$0x0], $0xffff;
	[tilespmem:$0x1FB40] =	vst v3;
	v3 =	vadd.f32 v2, v0;
	v2 =	vmul.f32 v60, v7  }
0xf9: {  	v4 =	vor.u32 v59, v1;
	[tilespmem:$0x1FB10] =	vst v5;
	v60 =	vld.idx.msk [tilespmem:v9+s26+$0x0], $0xffff  }
0xfa: {  	v9 =	vadd.f32 v2, v3;
	v2 =	vld [tilespmem:$0x1FB10];
	_ =	sdelay $0x1  }
0xfb: {  	v62 =	vld [tilespmem:$0x1FE70]  }
0xfc: {  	v6 =	vld [tilespmem:$0x1FE60]  }
0xfd: {  	v7 =	vld.idx.msk [tilespmem:v4+s25+$0x0], $0xffff  }
0xfe: {  	v3 =	vmul.f32 v10, v2;
	v2 =	vld [tilespmem:$0x1FE50];
	_ =	sdelay $0x3  }
0xff: {  	v0 =	vsel vm0, v62, v6  }
0x100: {  	v11 =	vor.u32 v61, v1;
	[tilespmem:$0x1FB50] =	vst v7;
	v7 =	vmov v0;
	v62 =	vcombine.low v2, v0;
	v0 =	vld.idx.msk [tilespmem:v4+s26+$0x0], $0xffff;
	_ =	sdelay $0x4  }
0x101: {  	[tilespmem:$0x1FB60] =	vst v0;
	v0 =	vld.idx.msk [tilespmem:v11+s25+$0x0], $0xffff;
	_ =	sdelay $0x3  }
0x102: {  	v63 =	vadd.f32 v3, v9;
	v3 =	vld [tilespmem:$0x1FB30]  }
0x103: {  	[tilespmem:$0x1FB70] =	vst v0;
	v0 =	vld [tilespmem:$0x1FB20];
	_ =	sdelay $0x4  }
0x104: {  	v5 =	vor.u32 v44, v1;
	v10 =	vmul.f32 v3, v0;
	v0 =	vld.idx.msk [tilespmem:v11+s26+$0x0], $0xffff;
	_ =	sdelay $0x4  }
0x105: {  	[tilespmem:$0x1FB80] =	vst v0;
	v0 =	vld.idx.msk [tilespmem:v5+s25+$0x0], $0xffff;
	_ =	sdelay $0x4  }
0x106: {  	[tilespmem:$0x1FB90] =	vst v0;
	v0 =	vld [tilespmem:$0x1FB40];
	_ =	sdelay $0x1  }
0x107: {  	v3 =	vld [tilespmem:$0x1FDC0]  }
0x108: {  	v11 =	vld [tilespmem:$0x1FDD0]  }
0x109: {  	v46 =	vadd.f32 v10, v63;
	v63 =	vld [tilespmem:$0x1FE10]  }
0x10a: {  	v60 =	vmul.f32 v60, v0;
	v0 =	vld.idx.msk [tilespmem:v5+s26+$0x0], $0xffff;
	_ =	sdelay $0x2  }
0x10b: {  	v3 =	vsel vm0, v11, v3  }
0x10c: {  	v63 =	vcombine.low v3, v63;
	v3 =	vld [tilespmem:$0x1FDF0]  }
0x10d: {  	v2 =	vor.u32 v45, v1;
	[tilespmem:$0x1FBA0] =	vst v0;
	v0 =	vld [tilespmem:$0x1FDE0];
	_ =	sdelay $0x4  }
0x10e: {  	v0 =	vsel vm0, v3, v0;
	v3 =	vld.idx.msk [tilespmem:v2+s25+$0x0], $0xffff;
	_ =	sdelay $0x3  }
0x10f: {  	v9 =	vld [tilespmem:$0x1FB60]  }
0x110: {  	[tilespmem:$0x1FBB0] =	vst v3;
	v3 =	vld [tilespmem:$0x1FB50];
	_ =	sdelay $0x4  }
0x111: {  	v10 =	vmul.f32 v9, v3;
	v3 =	vld [tilespmem:$0x1FE20];
	_ =	sdelay $0x4  }
0x112: {  	v60 =	vadd.f32 v60, v46;
	v46 =	vcombine.low v0, v3;
	v0 =	vld.idx.msk [tilespmem:v2+s26+$0x0], $0xffff;
	_ =	sdelay $0x4  }
0x113: {  	v4 =	vor.u32 v62, v1;
	[tilespmem:$0x1FBC0] =	vst v0;
	v0 =	vld [tilespmem:$0x1FE40];
	_ =	sdelay $0x4  }
0x114: {  	v2 =	vsel vm0, v6, v0;
	v0 =	vld.idx.msk [tilespmem:v4+s25+$0x0], $0xffff;
	_ =	sdelay $0x3  }
0x115: {  	v6 =	vld [tilespmem:$0x1FB80]  }
0x116: {  	[tilespmem:$0x1FBD0] =	vst v0;
	v0 =	vld [tilespmem:$0x1FB70];
	_ =	sdelay $0x4  }
0x117: {  	v11 =	vmul.f32 v6, v0;
	v0 =	vld [tilespmem:$0x1FE80];
	_ =	sdelay $0x4  }
0x118: {  	v49 =	vcombine.low v2, v0;
	v0 =	vld.idx.msk [tilespmem:v4+s26+$0x0], $0xffff;
	_ =	sdelay $0x3  }
0x119: {  	v2 =	vld [tilespmem:$0x1FE00]  }
0x11a: {  	v5 =	vor.u32 v50, v1;
	[tilespmem:$0x1FBE0] =	vst v0;
	v0 =	vld [tilespmem:$0x1FE30];
	_ =	sdelay $0x4  }
0x11b: {  	v2 =	vsel vm0, v0, v2;
	v0 =	vld.idx.msk [tilespmem:v5+s25+$0x0], $0xffff;
	_ =	sdelay $0x3  }
0x11c: {  	v6 =	vmov v5;
	v5 =	vld [tilespmem:$0x1FBA0]  }
0x11d: {  	[tilespmem:$0x1FBF0] =	vst v0;
	v0 =	vld [tilespmem:$0x1FB90];
	_ =	sdelay $0x4  }
0x11e: {  	v9 =	vadd.f32 v10, v60;
	v0 =	vmul.f32 v5, v0;
	v5 =	vld [tilespmem:$0x1FE90];
	_ =	sdelay $0x1  }
0x11f: {  	v9 =	vadd.f32 v11, v9;
	_ =	sdelay $0x1  }
0x120: {  	v9 =	vadd.f32 v0, v9;
	v0 =	vld [tilespmem:$0x1FBB0]  }
0x121: {  	v60 =	vcombine.low v2, v5;
	v5 =	vld [tilespmem:$0x1FBC0];
	_ =	sdelay $0x4  }
0x122: {  	v2 =	vld.idx.msk [tilespmem:v6+s26+$0x0], $0xffff;
	v0 =	vmul.f32 v5, v0;
	_ =	sdelay $0x1  }
0x123: {  	v10 =	vadd.f32 v0, v9;
	v0 =	vld [tilespmem:$0x1FBD0]  }
0x124: {  	v9 =	vld [tilespmem:$0x1FBE0];
	_ =	sdelay $0x1  }
0x125: {  	[tilespmem:$0x1FC00] =	vst v2;
	v2 =	vor.u32 v49, v1;
	_ =	sdelay $0x2  }
0x126: {  	v3 =	vor.u32 v63, v1;
	v0 =	vmul.f32 v9, v0;
	_ =	sdelay $0x1  }
0x127: {  	v10 =	vadd.f32 v0, v10;
	v0 =	vld.idx.msk [tilespmem:v2+s25+$0x0], $0xffff;
	_ =	sdelay $0x2  }
0x128: {  	v6 =	vld.idx.msk [tilespmem:v3+s25+$0x0], $0xffff  }
0x129: {  	v9 =	vld [tilespmem:$0x1FC00]  }
0x12a: {  	v4 =	vor.u32 v46, v1;
	[tilespmem:$0x1FC30] =	vst v0;
	v0 =	vld [tilespmem:$0x1FBF0]  }
0x12b: {  	v3 =	vld.idx.msk [tilespmem:v3+s26+$0x0], $0xffff;
	_ =	sdelay $0x3  }
0x12c: {  	v5 =	vld.idx.msk [tilespmem:v4+s25+$0x0], $0xffff;
	v9 =	vmul.f32 v9, v0  }
0x12d: {  	[tilespmem:$0x1FC10] =	vst v3;
	v4 =	vld.idx.msk [tilespmem:v4+s26+$0x0], $0xffff  }
0x12e: {  	v10 =	vadd.f32 v9, v10;
	v9 =	vld [tilespmem:$0x1FC10];
	_ =	sdelay $0x3  }
0x12f: {  	[tilespmem:$0x1FC20] =	vst v4;
	v0 =	vld [tilespmem:$0x1FEA0]  }
0x130: {  	v3 =	vor.u32 v60, v1;
	v6 =	vmul.f32 v9, v6;
	v9 =	vld [tilespmem:$0x1FC20];
	_ =	sdelay $0x1  }
0x131: {  	v2 =	vld.idx.msk [tilespmem:v2+s26+$0x0], $0xffff;
	_ =	sdelay $0x1  }
0x132: {  	v4 =	vor.u32 v53, v1  }
0x133: {  	v0 =	vcombine.low v7, v0;
	v7 =	vld.idx.msk [tilespmem:v3+s25+$0x0], $0xffff;
	v10 =	vadd.f32 v6, v10;
	v5 =	vmul.f32 v9, v5  }
0x134: {  	v3 =	vld.idx.msk [tilespmem:v3+s26+$0x0], $0xffff  }
0x135: {  	[tilespmem:$0x1FC40] =	vst v2;
	v2 =	vor.u32 v54, v1;
	v11 =	vadd.f32 v5, v10;
	v5 =	vld [tilespmem:$0x1FC30]  }
0x136: {  	v10 =	vld [tilespmem:$0x1FC40];
	_ =	sdelay $0x1  }
0x137: {  	v6 =	vld.idx.msk [tilespmem:v4+s25+$0x0], $0xffff;
	_ =	sdelay $0x1  }
0x138: {  	v9 =	vld.idx.msk [tilespmem:v2+s25+$0x0], $0xffff  }
0x139: {  	[tilespmem:$0x1FC50] =	vst v3;
	v3 =	vor.u32 v0, v1;
	v5 =	vmul.f32 v10, v5;
	v10 =	vld.idx.msk [tilespmem:v2+s26+$0x0], $0xffff  }
0x13a: {  	v2 =	vld [tilespmem:$0x1FC50]  }
0x13b: {  	[tilespmem:$0x1FC70] =	vst v6;
	v6 =	vor.u32 v55, v1;
	_ =	sdelay $0x1  }
0x13c: {  	v4 =	vld.idx.msk [tilespmem:v4+s26+$0x0], $0xffff  }
0x13d: {  	v11 =	vadd.f32 v5, v11;
	v5 =	vld.idx.msk [tilespmem:v3+s25+$0x0], $0xffff  }
0x13e: {  	v7 =	vmul.f32 v2, v7;
	v2 =	vld.idx.msk [tilespmem:v3+s26+$0x0], $0xffff  }
0x13f: {  	v3 =	vld.idx.msk [tilespmem:v6+s25+$0x0], $0xffff;
	_ =	sdelay $0x3  }
0x140: {  	[tilespmem:$0x1FC60] =	vst v4;
	v11 =	vadd.f32 v7, v11;
	v7 =	vld [tilespmem:$0x1FC70]  }
0x141: {  	[tilespmem:$0x1FC90] =	vst v3;
	v3 =	vld [tilespmem:$0x1FC60];
	_ =	sdelay $0x1  }
0x142: {  	v4 =	vor.u32 v56, v1;
	v6 =	vld.idx.msk [tilespmem:v6+s26+$0x0], $0xffff;
	_ =	sdelay $0x2  }
0x143: {  	v3 =	vmul.f32 v3, v7;
	_ =	sdelay $0x1  }
0x144: {  	[tilespmem:$0x1FCA0] =	vst v6;
	v6 =	vmov v4;
	v7 =	vld.idx.msk [tilespmem:v4+s25+$0x0], $0xffff;
	v4 =	vadd.f32 v3, v11;
	v3 =	vmul.f32 v10, v9  }
0x145: {  	[tilespmem:$0x1FC80] =	vst v2  }
0x146: {  	v3 =	vadd.f32 v3, v4;
	v4 =	vld [tilespmem:$0x1FC80];
	_ =	sdelay $0x4  }
0x147: {  	v2 =	vor.u32 v57, v1;
	v4 =	vmul.f32 v4, v5  }
0x148: {  	v9 =	vld [tilespmem:$0x1FCA0]  }
0x149: {  	v1 =	vor.u32 v58, v1;
	v3 =	vadd.f32 v4, v3;
	v4 =	vld [tilespmem:$0x1FC90];
	_ =	sdelay $0x1  }
0x14a: {  	v10 =	vld.idx.msk [tilespmem:v6+s26+$0x0], $0xffff  }
0x14b: {  	v6 =	vld.idx.msk [tilespmem:v2+s25+$0x0], $0xffff  }
0x14c: {  	v2 =	vld.idx.msk [tilespmem:v2+s26+$0x0], $0xffff  }
0x14d: {  	v5 =	vld.idx.msk [tilespmem:v1+s25+$0x0], $0xffff;
	v4 =	vmul.f32 v9, v4  }
0x14e: {  	v9 =	vld.idx.msk [tilespmem:v1+s26+$0x0], $0xffff  }
0x14f: {  	v1 =	vadd.f32 v4, v3;
	v3 =	vmul.f32 v10, v7  }
0x150: {  	s20 =	simm.s32 $0x10  }
0x151: {  	v2 =	vmul.f32 v2, v6;
	v4 =	vmov s20;
	v3 =	vadd.f32 v3, v1  }
0x152: {  	v1 =	vshll.u32 v4, $0x6;
	v4 =	vlaneseq.u32  }
0x153: {  	v1 =	vor.u32 v14, v1;
	v2 =	vadd.f32 v2, v3;
	v3 =	vmul.f32 v9, v5  }
0x154: {  	v4 =	vor.u32 v4, v1  }
0x155: {  	v2 =	vadd.f32 v3, v2;
	_ =	sdelay $0x1  }
0x156: {  	s16 =	simm.s32 $0x8610;
	v3 =	vor.u32 v15, v1;
	[tilespmem:s1+$0x0] =	vst v2  }
0x157: {  	v5 =	vld [tilespmem:s16+$0x0]  }
0x158: {  	v6 =	vld.idx.msk [tilespmem:v4+s25+$0x0], $0xffff  }
0x159: {  	s18 =	simm.s32 $0x8410;
	v10 =	vld.idx.msk [tilespmem:v4+s26+$0x0], $0xffff  }
0x15a: {  	v11 =	vld [tilespmem:s18+$0x0]  }
0x15b: {  	v7 =	vld.idx.msk [tilespmem:v3+s25+$0x0], $0xffff  }
0x15c: {  	v3 =	vld.idx.msk [tilespmem:v3+s26+$0x0], $0xffff;
	_ =	sdelay $0x4  }
0x15d: {  	v11 =	vadd.f32 v5, v11;
	v6 =	vmul.f32 v10, v6;
	[tilespmem:$0x1FCB0] =	vst v3;
	v3 =	vld [tilespmem:$0x1FD10]  }
0x15e: {  	v2 =	vor.u32 v8, v1;
	v4 =	vld [tilespmem:$0x1FD00]  }
0x15f: {  	v6 =	vadd.f32 v6, v11;
	v11 =	vld [tilespmem:$0x1FCB0];
	_ =	sdelay $0x2  }
0x160: {  	v3 =	vor.u32 v3, v1  }
0x161: {  	v8 =	vld.idx.msk [tilespmem:v2+s25+$0x0], $0xffff;
	[tilespmem:$0x1FCC0] =	vst v6  }
0x162: {  	v4 =	vor.u32 v4, v1;
	v11 =	vmul.f32 v11, v7;
	v7 =	vld [tilespmem:$0x1FCC0]  }
0x163: {  	v9 =	vld.idx.msk [tilespmem:v2+s26+$0x0], $0xffff  }
0x164: {  	v2 =	vld [tilespmem:$0x1FD20]  }
0x165: {  	v6 =	vld.idx.msk [tilespmem:v3+s25+$0x0], $0xffff  }
0x166: {  	v3 =	vld.idx.msk [tilespmem:v3+s26+$0x0], $0xffff  }
0x167: {  	v5 =	vld.idx.msk [tilespmem:v4+s25+$0x0], $0xffff;
	v7 =	vadd.f32 v11, v7  }
0x168: {  	v10 =	vld.idx.msk [tilespmem:v4+s26+$0x0], $0xffff  }
0x169: {  	v2 =	vor.u32 v2, v1;
	v4 =	vld [tilespmem:$0x1FD30];
	[tilespmem:$0x1FCD0] =	vst v7  }
0x16a: {  	v9 =	vmul.f32 v9, v8;
	v8 =	vld [tilespmem:$0x1FCD0]  }
0x16b: {  	[tilespmem:$0x1FCE0] =	vst v3;
	v3 =	vld [tilespmem:$0x1FD40];
	_ =	sdelay $0x2  }
0x16c: {  	v4 =	vor.u32 v4, v1;
	v11 =	vld.idx.msk [tilespmem:v2+s26+$0x0], $0xffff  }
0x16d: {  	v5 =	vmul.f32 v10, v5;
	v7 =	vld.idx.msk [tilespmem:v2+s25+$0x0], $0xffff;
	v2 =	vor.u32 v12, v1;
	v9 =	vadd.f32 v9, v8  }
0x16e: {  	v3 =	vor.u32 v3, v1  }
0x16f: {  	v12 =	vadd.f32 v5, v9;
	v9 =	vld [tilespmem:$0x1FCE0];
	_ =	sdelay $0x1  }
0x170: {  	v10 =	vld.idx.msk [tilespmem:v4+s26+$0x0], $0xffff  }
0x171: {  	v7 =	vmul.f32 v11, v7;
	v11 =	vld.idx.msk [tilespmem:v2+s26+$0x0], $0xffff  }
0x172: {  	v5 =	vld.idx.msk [tilespmem:v3+s25+$0x0], $0xffff  }
0x173: {  	v6 =	vmul.f32 v9, v6;
	v9 =	vld.idx.msk [tilespmem:v3+s26+$0x0], $0xffff  }
0x174: {  	v3 =	vld [tilespmem:$0x1FD70]  }
0x175: {  	v8 =	vld.idx.msk [tilespmem:v4+s25+$0x0], $0xffff  }
0x176: {  	v4 =	vor.u32 v13, v1;
	v12 =	vadd.f32 v6, v12;
	v6 =	vld.idx.msk [tilespmem:v2+s25+$0x0], $0xffff  }
0x177: {  	v2 =	vld [tilespmem:$0x1FD80];
	_ =	sdelay $0x1  }
0x178: {  	v3 =	vor.u32 v3, v1;
	_ =	sdelay $0x1  }
0x179: {  	v8 =	vmul.f32 v10, v8;
	v10 =	vld.idx.msk [tilespmem:v4+s26+$0x0], $0xffff  }
0x17a: {  	v12 =	vadd.f32 v7, v12;
	v7 =	vld.idx.msk [tilespmem:v4+s25+$0x0], $0xffff;
	v2 =	vor.u32 v2, v1  }
0x17b: {  	v4 =	vld [tilespmem:$0x1FD90]  }
0x17c: {  	v12 =	vadd.f32 v8, v12;
	v8 =	vld.idx.msk [tilespmem:v3+s25+$0x0], $0xffff  }
0x17d: {  	v5 =	vmul.f32 v9, v5;
	v9 =	vld.idx.msk [tilespmem:v3+s26+$0x0], $0xffff  }
0x17e: {  	v3 =	vld [tilespmem:$0x1FDA0]  }
0x17f: {  	v12 =	vadd.f32 v5, v12;
	v5 =	vld.idx.msk [tilespmem:v2+s25+$0x0], $0xffff  }
0x180: {  	v6 =	vmul.f32 v11, v6;
	v4 =	vor.u32 v4, v1;
	v11 =	vld.idx.msk [tilespmem:v2+s26+$0x0], $0xffff  }
0x181: {  	v2 =	vld [tilespmem:$0x1FDB0];
	_ =	sdelay $0x1  }
0x182: {  	v3 =	vor.u32 v3, v1;
	_ =	sdelay $0x1  }
0x183: {  	v12 =	vadd.f32 v6, v12;
	v6 =	vld.idx.msk [tilespmem:v4+s25+$0x0], $0xffff  }
0x184: {  	v7 =	vmul.f32 v10, v7;
	v10 =	vld.idx.msk [tilespmem:v4+s26+$0x0], $0xffff;
	v2 =	vor.u32 v2, v1  }
0x185: {  	v4 =	vld [tilespmem:$0x1FEC0]  }
0x186: {  	v12 =	vadd.f32 v7, v12;
	v7 =	vld.idx.msk [tilespmem:v3+s25+$0x0], $0xffff  }
0x187: {  	v8 =	vmul.f32 v9, v8;
	v9 =	vld.idx.msk [tilespmem:v3+s26+$0x0], $0xffff  }
0x188: {  	v3 =	vld [tilespmem:$0x1FEB0]  }
0x189: {  	v12 =	vadd.f32 v8, v12;
	v8 =	vld.idx.msk [tilespmem:v2+s25+$0x0], $0xffff  }
0x18a: {  	v5 =	vmul.f32 v11, v5;
	v4 =	vor.u32 v4, v1;
	v11 =	vld.idx.msk [tilespmem:v2+s26+$0x0], $0xffff  }
0x18b: {  	v2 =	vld [tilespmem:$0x1FED0];
	_ =	sdelay $0x1  }
0x18c: {  	v3 =	vor.u32 v3, v1;
	_ =	sdelay $0x1  }
0x18d: {  	v12 =	vadd.f32 v5, v12;
	v5 =	vld.idx.msk [tilespmem:v4+s25+$0x0], $0xffff  }
0x18e: {  	v6 =	vmul.f32 v10, v6;
	v10 =	vld.idx.msk [tilespmem:v4+s26+$0x0], $0xffff;
	v2 =	vor.u32 v2, v1  }
0x18f: {  	v4 =	vld [tilespmem:$0x1FEE0]  }
0x190: {  	v12 =	vadd.f32 v6, v12;
	v6 =	vld.idx.msk [tilespmem:v3+s25+$0x0], $0xffff  }
0x191: {  	v7 =	vmul.f32 v9, v7;
	v9 =	vld.idx.msk [tilespmem:v3+s26+$0x0], $0xffff  }
0x192: {  	v3 =	vld [tilespmem:$0x1FF00]  }
0x193: {  	v12 =	vadd.f32 v7, v12;
	v7 =	vld.idx.msk [tilespmem:v2+s25+$0x0], $0xffff  }
0x194: {  	v8 =	vmul.f32 v11, v8;
	v4 =	vor.u32 v4, v1;
	v11 =	vld.idx.msk [tilespmem:v2+s26+$0x0], $0xffff  }
0x195: {  	v2 =	vld [tilespmem:$0x1FEF0];
	_ =	sdelay $0x1  }
0x196: {  	v3 =	vor.u32 v3, v1;
	_ =	sdelay $0x1  }
0x197: {  	v12 =	vadd.f32 v8, v12;
	v8 =	vld.idx.msk [tilespmem:v4+s25+$0x0], $0xffff  }
0x198: {  	v5 =	vmul.f32 v10, v5;
	v10 =	vld.idx.msk [tilespmem:v4+s26+$0x0], $0xffff;
	v2 =	vor.u32 v2, v1  }
0x199: {  	v4 =	vld [tilespmem:$0x1FF10]  }
0x19a: {  	v12 =	vadd.f32 v5, v12;
	v5 =	vld.idx.msk [tilespmem:v3+s25+$0x0], $0xffff  }
0x19b: {  	v6 =	vmul.f32 v9, v6;
	v9 =	vld.idx.msk [tilespmem:v3+s26+$0x0], $0xffff  }
0x19c: {  	v3 =	vld [tilespmem:$0x1FF20]  }
0x19d: {  	v12 =	vadd.f32 v6, v12;
	v6 =	vld.idx.msk [tilespmem:v2+s25+$0x0], $0xffff  }
0x19e: {  	v7 =	vmul.f32 v11, v7;
	v4 =	vor.u32 v4, v1;
	v11 =	vld.idx.msk [tilespmem:v2+s26+$0x0], $0xffff  }
0x19f: {  	v2 =	vld [tilespmem:$0x1FF40];
	_ =	sdelay $0x1  }
0x1a0: {  	v3 =	vor.u32 v3, v1;
	_ =	sdelay $0x1  }
0x1a1: {  	v12 =	vadd.f32 v7, v12;
	v7 =	vld.idx.msk [tilespmem:v4+s25+$0x0], $0xffff  }
0x1a2: {  	v8 =	vmul.f32 v10, v8;
	v10 =	vld.idx.msk [tilespmem:v4+s26+$0x0], $0xffff;
	v2 =	vor.u32 v2, v1  }
0x1a3: {  	v4 =	vld [tilespmem:$0x1FF30]  }
0x1a4: {  	v12 =	vadd.f32 v8, v12;
	v8 =	vld.idx.msk [tilespmem:v3+s25+$0x0], $0xffff  }
0x1a5: {  	v5 =	vmul.f32 v9, v5;
	v9 =	vld.idx.msk [tilespmem:v3+s26+$0x0], $0xffff  }
0x1a6: {  	v3 =	vld [tilespmem:$0x1FF50]  }
0x1a7: {  	v12 =	vadd.f32 v5, v12;
	v5 =	vld.idx.msk [tilespmem:v2+s25+$0x0], $0xffff  }
0x1a8: {  	v6 =	vmul.f32 v11, v6;
	v4 =	vor.u32 v4, v1;
	v11 =	vld.idx.msk [tilespmem:v2+s26+$0x0], $0xffff  }
0x1a9: {  	v2 =	vld [tilespmem:$0x1FF60];
	_ =	sdelay $0x1  }
0x1aa: {  	v3 =	vor.u32 v3, v1;
	_ =	sdelay $0x1  }
0x1ab: {  	v12 =	vadd.f32 v6, v12;
	v6 =	vld.idx.msk [tilespmem:v4+s25+$0x0], $0xffff  }
0x1ac: {  	v7 =	vmul.f32 v10, v7;
	v10 =	vld.idx.msk [tilespmem:v4+s26+$0x0], $0xffff;
	v2 =	vor.u32 v2, v1  }
0x1ad: {  	v4 =	vld [tilespmem:$0x1FF80]  }
0x1ae: {  	v12 =	vadd.f32 v7, v12;
	v7 =	vld.idx.msk [tilespmem:v3+s25+$0x0], $0xffff  }
0x1af: {  	v8 =	vmul.f32 v9, v8;
	v9 =	vld.idx.msk [tilespmem:v3+s26+$0x0], $0xffff  }
0x1b0: {  	v3 =	vld [tilespmem:$0x1FF70]  }
0x1b1: {  	v12 =	vadd.f32 v8, v12;
	v8 =	vld.idx.msk [tilespmem:v2+s25+$0x0], $0xffff  }
0x1b2: {  	v5 =	vmul.f32 v11, v5;
	v4 =	vor.u32 v4, v1;
	v11 =	vld.idx.msk [tilespmem:v2+s26+$0x0], $0xffff  }
0x1b3: {  	v2 =	vld [tilespmem:$0x1FF90];
	_ =	sdelay $0x1  }
0x1b4: {  	v3 =	vor.u32 v3, v1;
	_ =	sdelay $0x1  }
0x1b5: {  	v12 =	vadd.f32 v5, v12;
	v5 =	vld.idx.msk [tilespmem:v4+s25+$0x0], $0xffff  }
0x1b6: {  	v6 =	vmul.f32 v10, v6;
	v10 =	vld.idx.msk [tilespmem:v4+s26+$0x0], $0xffff;
	v2 =	vor.u32 v2, v1  }
0x1b7: {  	v4 =	vld [tilespmem:$0x1FFA0]  }
0x1b8: {  	v12 =	vadd.f32 v6, v12;
	v6 =	vld.idx.msk [tilespmem:v3+s25+$0x0], $0xffff  }
0x1b9: {  	v7 =	vmul.f32 v9, v7;
	v9 =	vld.idx.msk [tilespmem:v3+s26+$0x0], $0xffff  }
0x1ba: {  	v3 =	vld [tilespmem:$0x1FFC0]  }
0x1bb: {  	v12 =	vadd.f32 v7, v12;
	v7 =	vld.idx.msk [tilespmem:v2+s25+$0x0], $0xffff  }
0x1bc: {  	v8 =	vmul.f32 v11, v8;
	v4 =	vor.u32 v4, v1;
	v11 =	vld.idx.msk [tilespmem:v2+s26+$0x0], $0xffff  }
0x1bd: {  	v2 =	vld [tilespmem:$0x1FFB0];
	_ =	sdelay $0x1  }
0x1be: {  	v3 =	vor.u32 v3, v1;
	_ =	sdelay $0x1  }
0x1bf: {  	v12 =	vadd.f32 v8, v12;
	v8 =	vld.idx.msk [tilespmem:v4+s25+$0x0], $0xffff  }
0x1c0: {  	v5 =	vmul.f32 v10, v5;
	v10 =	vld.idx.msk [tilespmem:v4+s26+$0x0], $0xffff;
	v2 =	vor.u32 v2, v1  }
0x1c1: {  	v4 =	vld [tilespmem:$0x1FFD0]  }
0x1c2: {  	v12 =	vadd.f32 v5, v12;
	v5 =	vld.idx.msk [tilespmem:v3+s25+$0x0], $0xffff  }
0x1c3: {  	v6 =	vmul.f32 v9, v6;
	v9 =	vld.idx.msk [tilespmem:v3+s26+$0x0], $0xffff  }
0x1c4: {  	v3 =	vld [tilespmem:$0x1FFE0]  }
0x1c5: {  	v12 =	vadd.f32 v6, v12;
	v6 =	vld.idx.msk [tilespmem:v2+s25+$0x0], $0xffff  }
0x1c6: {  	v7 =	vmul.f32 v11, v7;
	v11 =	vld.idx.msk [tilespmem:v2+s26+$0x0], $0xffff  }
0x1c7: {  	v2 =	vld [tilespmem:$0x1FFF0]  }
0x1c8: {  	v4 =	vor.u32 v4, v1;
	_ =	sdelay $0x1  }
0x1c9: {  	v3 =	vor.u32 v3, v1;
	_ =	sdelay $0x1  }
0x1ca: {  	v2 =	vor.u32 v2, v1  }
0x1cb: {  	v12 =	vadd.f32 v7, v12;
	v8 =	vmul.f32 v10, v8;
	v7 =	vld.idx.msk [tilespmem:v4+s25+$0x0], $0xffff  }
0x1cc: {  	v10 =	vld.idx.msk [tilespmem:v4+s26+$0x0], $0xffff;
	v4 =	vor.u32 v39, v1  }
0x1cd: {  	v12 =	vadd.f32 v8, v12;
	v5 =	vmul.f32 v9, v5;
	v8 =	vld.idx.msk [tilespmem:v3+s25+$0x0], $0xffff  }
0x1ce: {  	v9 =	vld.idx.msk [tilespmem:v3+s26+$0x0], $0xffff;
	v3 =	vor.u32 v42, v1  }
0x1cf: {  	v12 =	vadd.f32 v5, v12;
	v6 =	vmul.f32 v11, v6;
	v5 =	vld.idx.msk [tilespmem:v2+s25+$0x0], $0xffff  }
0x1d0: {  	v11 =	vld.idx.msk [tilespmem:v2+s26+$0x0], $0xffff;
	v2 =	vor.u32 v43, v1  }
0x1d1: {  	v12 =	vadd.f32 v6, v12;
	v6 =	vld.idx.msk [tilespmem:v4+s25+$0x0], $0xffff;
	v7 =	vmul.f32 v10, v7  }
0x1d2: {  	v10 =	vld.idx.msk [tilespmem:v4+s26+$0x0], $0xffff;
	v4 =	vor.u32 v51, v1  }
0x1d3: {  	v12 =	vadd.f32 v7, v12;
	v7 =	vld.idx.msk [tilespmem:v3+s25+$0x0], $0xffff;
	v8 =	vmul.f32 v9, v8  }
0x1d4: {  	v9 =	vld.idx.msk [tilespmem:v3+s26+$0x0], $0xffff;
	v3 =	vor.u32 v52, v1  }
0x1d5: {  	v12 =	vadd.f32 v8, v12;
	v8 =	vld.idx.msk [tilespmem:v2+s25+$0x0], $0xffff;
	v5 =	vmul.f32 v11, v5  }
0x1d6: {  	v11 =	vld.idx.msk [tilespmem:v2+s26+$0x0], $0xffff;
	v2 =	vor.u32 v37, v1  }
0x1d7: {  	v6 =	vmul.f32 v10, v6;
	v10 =	vld.idx.msk [tilespmem:v4+s26+$0x0], $0xffff;
	v12 =	vadd.f32 v5, v12  }
0x1d8: {  	v5 =	vld.idx.msk [tilespmem:v4+s25+$0x0], $0xffff;
	v4 =	vor.u32 v38, v1  }
0x1d9: {  	v7 =	vmul.f32 v9, v7;
	v9 =	vld.idx.msk [tilespmem:v3+s26+$0x0], $0xffff;
	v12 =	vadd.f32 v6, v12  }
0x1da: {  	v6 =	vld.idx.msk [tilespmem:v3+s25+$0x0], $0xffff;
	v3 =	vor.u32 v40, v1  }
0x1db: {  	v8 =	vmul.f32 v11, v8;
	v11 =	vld.idx.msk [tilespmem:v2+s26+$0x0], $0xffff;
	v12 =	vadd.f32 v7, v12  }
0x1dc: {  	v7 =	vld.idx.msk [tilespmem:v2+s25+$0x0], $0xffff;
	v2 =	vor.u32 v41, v1  }
0x1dd: {  	v5 =	vmul.f32 v10, v5;
	v10 =	vld.idx.msk [tilespmem:v4+s26+$0x0], $0xffff;
	v12 =	vadd.f32 v8, v12  }
0x1de: {  	v8 =	vld.idx.msk [tilespmem:v4+s25+$0x0], $0xffff;
	v4 =	vor.u32 v47, v1  }
0x1df: {  	v6 =	vmul.f32 v9, v6;
	v9 =	vld.idx.msk [tilespmem:v3+s26+$0x0], $0xffff;
	v12 =	vadd.f32 v5, v12  }
0x1e0: {  	v5 =	vld.idx.msk [tilespmem:v3+s25+$0x0], $0xffff;
	v3 =	vor.u32 v48, v1  }
0x1e1: {  	v7 =	vmul.f32 v11, v7;
	v11 =	vld.idx.msk [tilespmem:v2+s26+$0x0], $0xffff;
	v12 =	vadd.f32 v6, v12  }
0x1e2: {  	v6 =	vld.idx.msk [tilespmem:v2+s25+$0x0], $0xffff;
	v2 =	vor.u32 v59, v1  }
0x1e3: {  	v8 =	vmul.f32 v10, v8;
	v10 =	vld.idx.msk [tilespmem:v4+s26+$0x0], $0xffff;
	v12 =	vadd.f32 v7, v12  }
0x1e4: {  	v7 =	vld.idx.msk [tilespmem:v4+s25+$0x0], $0xffff;
	v4 =	vor.u32 v61, v1  }
0x1e5: {  	v5 =	vmul.f32 v9, v5;
	v9 =	vld.idx.msk [tilespmem:v3+s26+$0x0], $0xffff;
	v12 =	vadd.f32 v8, v12  }
0x1e6: {  	v8 =	vld.idx.msk [tilespmem:v3+s25+$0x0], $0xffff;
	v3 =	vor.u32 v44, v1  }
0x1e7: {  	v6 =	vmul.f32 v11, v6;
	v11 =	vld.idx.msk [tilespmem:v2+s26+$0x0], $0xffff;
	v12 =	vadd.f32 v5, v12  }
0x1e8: {  	v5 =	vld.idx.msk [tilespmem:v2+s25+$0x0], $0xffff;
	v2 =	vor.u32 v45, v1  }
0x1e9: {  	v7 =	vmul.f32 v10, v7;
	v10 =	vld.idx.msk [tilespmem:v4+s26+$0x0], $0xffff;
	v12 =	vadd.f32 v6, v12  }
0x1ea: {  	v6 =	vld.idx.msk [tilespmem:v4+s25+$0x0], $0xffff;
	v4 =	vor.u32 v62, v1  }
0x1eb: {  	v8 =	vmul.f32 v9, v8;
	v9 =	vld.idx.msk [tilespmem:v3+s26+$0x0], $0xffff;
	v12 =	vadd.f32 v7, v12  }
0x1ec: {  	v7 =	vld.idx.msk [tilespmem:v3+s25+$0x0], $0xffff;
	v3 =	vor.u32 v50, v1  }
0x1ed: {  	v5 =	vmul.f32 v11, v5;
	v11 =	vld.idx.msk [tilespmem:v2+s26+$0x0], $0xffff;
	v12 =	vadd.f32 v8, v12  }
0x1ee: {  	v8 =	vld.idx.msk [tilespmem:v2+s25+$0x0], $0xffff;
	v2 =	vor.u32 v63, v1  }
0x1ef: {  	v6 =	vmul.f32 v10, v6;
	v10 =	vld.idx.msk [tilespmem:v4+s26+$0x0], $0xffff;
	v12 =	vadd.f32 v5, v12  }
0x1f0: {  	v5 =	vld.idx.msk [tilespmem:v4+s25+$0x0], $0xffff;
	v4 =	vor.u32 v46, v1  }
0x1f1: {  	v7 =	vmul.f32 v9, v7;
	v9 =	vld.idx.msk [tilespmem:v3+s26+$0x0], $0xffff;
	v12 =	vadd.f32 v6, v12  }
0x1f2: {  	v6 =	vld.idx.msk [tilespmem:v3+s25+$0x0], $0xffff;
	v3 =	vor.u32 v49, v1  }
0x1f3: {  	v8 =	vmul.f32 v11, v8;
	v11 =	vld.idx.msk [tilespmem:v2+s26+$0x0], $0xffff;
	v12 =	vadd.f32 v7, v12  }
0x1f4: {  	v7 =	vld.idx.msk [tilespmem:v2+s25+$0x0], $0xffff;
	v2 =	vor.u32 v60, v1  }
0x1f5: {  	v5 =	vmul.f32 v10, v5;
	v10 =	vld.idx.msk [tilespmem:v4+s26+$0x0], $0xffff;
	v12 =	vadd.f32 v8, v12  }
0x1f6: {  	v8 =	vld.idx.msk [tilespmem:v4+s25+$0x0], $0xffff;
	v4 =	vor.u32 v53, v1  }
0x1f7: {  	v6 =	vmul.f32 v9, v6;
	v9 =	vld.idx.msk [tilespmem:v3+s26+$0x0], $0xffff;
	v12 =	vadd.f32 v5, v12  }
0x1f8: {  	v5 =	vld.idx.msk [tilespmem:v3+s25+$0x0], $0xffff;
	v3 =	vor.u32 v54, v1  }
0x1f9: {  	v7 =	vmul.f32 v11, v7;
	v11 =	vld.idx.msk [tilespmem:v2+s26+$0x0], $0xffff;
	v12 =	vadd.f32 v6, v12  }
0x1fa: {  	v6 =	vld.idx.msk [tilespmem:v2+s25+$0x0], $0xffff;
	v2 =	vor.u32 v0, v1  }
0x1fb: {  	v8 =	vmul.f32 v10, v8;
	v10 =	vld.idx.msk [tilespmem:v4+s26+$0x0], $0xffff;
	v12 =	vadd.f32 v7, v12  }
0x1fc: {  	v7 =	vld.idx.msk [tilespmem:v4+s25+$0x0], $0xffff;
	v4 =	vor.u32 v55, v1  }
0x1fd: {  	v5 =	vmul.f32 v9, v5;
	v9 =	vld.idx.msk [tilespmem:v3+s26+$0x0], $0xffff;
	v12 =	vadd.f32 v8, v12  }
0x1fe: {  	v8 =	vld.idx.msk [tilespmem:v3+s25+$0x0], $0xffff;
	v3 =	vor.u32 v56, v1  }
0x1ff: {  	v11 =	vmul.f32 v11, v6;
	v6 =	vld.idx.msk [tilespmem:v2+s26+$0x0], $0xffff;
	v12 =	vadd.f32 v5, v12  }
0x200: {  	v5 =	vld.idx.msk [tilespmem:v2+s25+$0x0], $0xffff;
	v2 =	vor.u32 v57, v1  }
0x201: {  	v11 =	vadd.f32 v11, v12;
	v12 =	vmul.f32 v10, v7;
	v7 =	vld.idx.msk [tilespmem:v4+s25+$0x0], $0xffff  }
0x202: {  	v1 =	vor.u32 v58, v1;
	v10 =	vld.idx.msk [tilespmem:v4+s26+$0x0], $0xffff  }
0x203: {  	v4 =	vmul.f32 v9, v8;
	v8 =	vld.idx.msk [tilespmem:v3+s25+$0x0], $0xffff;
	v11 =	vadd.f32 v12, v11  }
0x204: {  	v9 =	vld.idx.msk [tilespmem:v3+s26+$0x0], $0xffff  }
0x205: {  	v3 =	vmul.f32 v6, v5;
	v5 =	vld.idx.msk [tilespmem:v2+s25+$0x0], $0xffff;
	v4 =	vadd.f32 v4, v11  }
0x206: {  	v2 =	vld.idx.msk [tilespmem:v2+s26+$0x0], $0xffff  }
0x207: {  	v6 =	vld.idx.msk [tilespmem:v1+s25+$0x0], $0xffff;
	v3 =	vadd.f32 v3, v4;
	v4 =	vmul.f32 v10, v7  }
0x208: {  	v7 =	vld.idx.msk [tilespmem:v1+s26+$0x0], $0xffff  }
0x209: {  	s22 =	simm.s32 $0x20;
	v1 =	vadd.f32 v4, v3;
	v3 =	vmul.f32 v9, v8  }
0x20a: {  	v4 =	vmov s22  }
0x20b: {  	v2 =	vmul.f32 v2, v5;
	v3 =	vadd.f32 v3, v1;
	v1 =	vshll.u32 v4, $0x6  }
0x20c: {  	v1 =	vor.u32 v14, v1  }
0x20d: {  	s20 =	simm.s32 $0x8800;
	s22 =	simm.s32 $0x30;
	v4 =	vmul.f32 v7, v6;
	v3 =	vadd.f32 v2, v3;
	v2 =	vor.u32 v15, v1  }
.LBB2_2:
0x20e: {  	v5 =	vlaneseq.u32  }
0x20f: {  	v8 =	vld [tilespmem:$0x1FD00];
	v5 =	vor.u32 v5, v1  }
0x210: {  	v6 =	vld [tilespmem:$0x1FCF0];
	v3 =	vadd.f32 v4, v3  }
0x211: {  	s20 =	sadd.s32 $0x10, s20;
	v10 =	vld [tilespmem:$0x1FD10]  }
0x212: {  	v12 =	vld [tilespmem:$0x1FD20];
	[tilespmem:s20+$0x0] =	vst v3  }
0x213: {  	v3 =	vld.idx.msk [tilespmem:v2+s25+$0x0], $0xffff  }
0x214: {  	v8 =	vor.u32 v8, v1;
	v7 =	vld.idx.msk [tilespmem:v5+s25+$0x0], $0xffff  }
0x215: {  	s16 =	sadd.s32 $0x10, s16;
	v5 =	vld.idx.msk [tilespmem:v5+s26+$0x0], $0xffff  }
0x216: {  	s18 =	sadd.s32 $0x10, s18;
	v4 =	vld [tilespmem:s16+$0x0]  }
0x217: {  	v9 =	vld [tilespmem:s18+$0x0];
	v6 =	vor.u32 v6, v1  }
0x218: {  	v2 =	vld.idx.msk [tilespmem:v2+s26+$0x0], $0xffff  }
0x219: {  	v13 =	vld.idx.msk [tilespmem:v8+s25+$0x0], $0xffff  }
0x21a: {  	v5 =	vmul.f32 v5, v7;
	v7 =	vld.idx.msk [tilespmem:v8+s26+$0x0], $0xffff  }
0x21b: {  	v10 =	vor.u32 v10, v1;
	v8 =	vld [tilespmem:$0x1FD30]  }
0x21c: {  	v4 =	vadd.f32 v4, v9;
	v11 =	vld.idx.msk [tilespmem:v6+s25+$0x0], $0xffff  }
0x21d: {  	v12 =	vor.u32 v12, v1;
	v6 =	vld.idx.msk [tilespmem:v6+s26+$0x0], $0xffff  }
0x21e: {  	v4 =	vadd.f32 v5, v4;
	v5 =	vld [tilespmem:$0x1FD40];
	_ =	sdelay $0x1  }
0x21f: {  	v9 =	vld.idx.msk [tilespmem:v10+s25+$0x0], $0xffff;
	v8 =	vor.u32 v8, v1  }
0x220: {  	v2 =	vmul.f32 v2, v3;
	v3 =	vld.idx.msk [tilespmem:v10+s26+$0x0], $0xffff  }
0x221: {  	v10 =	vld.idx.msk [tilespmem:v12+s25+$0x0], $0xffff  }
0x222: {  	v2 =	vadd.f32 v2, v4;
	v4 =	vmul.f32 v6, v11;
	v6 =	vld.idx.msk [tilespmem:v12+s26+$0x0], $0xffff;
	v5 =	vor.u32 v5, v1  }
0x223: {  	v11 =	vld [tilespmem:$0x1FD50]  }
0x224: {  	v12 =	vld.idx.msk [tilespmem:v8+s25+$0x0], $0xffff  }
0x225: {  	v2 =	vadd.f32 v4, v2;
	v4 =	vmul.f32 v7, v13;
	v7 =	vld.idx.msk [tilespmem:v8+s26+$0x0], $0xffff  }
0x226: {  	v8 =	vld [tilespmem:$0x1FD60]  }
0x227: {  	v13 =	vld.idx.msk [tilespmem:v5+s25+$0x0], $0xffff  }
0x228: {  	v2 =	vadd.f32 v4, v2;
	v4 =	vld.idx.msk [tilespmem:v5+s26+$0x0], $0xffff  }
0x229: {  	v11 =	vor.u32 v11, v1;
	v5 =	vld [tilespmem:$0x1FD70];
	_ =	sdelay $0x1  }
0x22a: {  	v3 =	vmul.f32 v3, v9;
	v8 =	vor.u32 v8, v1;
	_ =	sdelay $0x1  }
0x22b: {  	v2 =	vadd.f32 v3, v2;
	v3 =	vmul.f32 v6, v10;
	v10 =	vld [tilespmem:$0x1FD80]  }
0x22c: {  	v9 =	vld.idx.msk [tilespmem:v11+s25+$0x0], $0xffff;
	v5 =	vor.u32 v5, v1  }
0x22d: {  	v6 =	vld.idx.msk [tilespmem:v11+s26+$0x0], $0xffff  }
0x22e: {  	v11 =	vld.idx.msk [tilespmem:v8+s25+$0x0], $0xffff  }
0x22f: {  	v2 =	vadd.f32 v3, v2;
	v3 =	vmul.f32 v7, v12;
	v7 =	vld.idx.msk [tilespmem:v8+s26+$0x0], $0xffff  }
0x230: {  	v8 =	vld [tilespmem:$0x1FD90]  }
0x231: {  	v12 =	vld.idx.msk [tilespmem:v5+s25+$0x0], $0xffff  }
0x232: {  	v2 =	vadd.f32 v3, v2;
	v3 =	vmul.f32 v4, v13;
	v4 =	vld.idx.msk [tilespmem:v5+s26+$0x0], $0xffff  }
0x233: {  	v5 =	vld [tilespmem:$0x1FDA0]  }
0x234: {  	v10 =	vor.u32 v10, v1  }
0x235: {  	v2 =	vadd.f32 v3, v2;
	v3 =	vmul.f32 v6, v9;
	v9 =	vld [tilespmem:$0x1FDB0]  }
0x236: {  	v8 =	vor.u32 v8, v1;
	_ =	sdelay $0x1  }
0x237: {  	v5 =	vor.u32 v5, v1  }
0x238: {  	v13 =	vld.idx.msk [tilespmem:v10+s25+$0x0], $0xffff  }
0x239: {  	v6 =	vld.idx.msk [tilespmem:v10+s26+$0x0], $0xffff;
	v9 =	vor.u32 v9, v1  }
0x23a: {  	v2 =	vadd.f32 v3, v2;
	v3 =	vmul.f32 v7, v11;
	v10 =	vld.idx.msk [tilespmem:v8+s25+$0x0], $0xffff  }
0x23b: {  	v7 =	vld.idx.msk [tilespmem:v8+s26+$0x0], $0xffff;
	v8 =	vor.u32 v29, v1  }
0x23c: {  	v2 =	vadd.f32 v3, v2;
	v3 =	vmul.f32 v4, v12;
	v11 =	vld.idx.msk [tilespmem:v5+s25+$0x0], $0xffff  }
0x23d: {  	v4 =	vld.idx.msk [tilespmem:v5+s26+$0x0], $0xffff;
	v5 =	vor.u32 v30, v1  }
0x23e: {  	v12 =	vld.idx.msk [tilespmem:v9+s25+$0x0], $0xffff;
	v2 =	vadd.f32 v3, v2;
	v3 =	vmul.f32 v6, v13  }
0x23f: {  	v6 =	vld.idx.msk [tilespmem:v9+s26+$0x0], $0xffff;
	v9 =	vor.u32 v16, v1  }
0x240: {  	v2 =	vadd.f32 v3, v2;
	v13 =	vld.idx.msk [tilespmem:v8+s25+$0x0], $0xffff;
	v3 =	vmul.f32 v7, v10  }
0x241: {  	v7 =	vld.idx.msk [tilespmem:v8+s26+$0x0], $0xffff;
	v8 =	vor.u32 v31, v1  }
0x242: {  	v10 =	vld.idx.msk [tilespmem:v5+s25+$0x0], $0xffff;
	v2 =	vadd.f32 v3, v2;
	v3 =	vmul.f32 v4, v11  }
0x243: {  	v4 =	vld.idx.msk [tilespmem:v5+s26+$0x0], $0xffff;
	v5 =	vor.u32 v17, v1  }
0x244: {  	v11 =	vld.idx.msk [tilespmem:v9+s25+$0x0], $0xffff;
	v2 =	vadd.f32 v3, v2;
	v3 =	vmul.f32 v6, v12  }
0x245: {  	v6 =	vld.idx.msk [tilespmem:v9+s26+$0x0], $0xffff;
	v9 =	vor.u32 v32, v1  }
0x246: {  	v12 =	vld.idx.msk [tilespmem:v8+s25+$0x0], $0xffff;
	v2 =	vadd.f32 v3, v2;
	v3 =	vmul.f32 v7, v13  }
0x247: {  	v7 =	vld.idx.msk [tilespmem:v8+s26+$0x0], $0xffff;
	v8 =	vor.u32 v18, v1  }
0x248: {  	v13 =	vld.idx.msk [tilespmem:v5+s25+$0x0], $0xffff;
	v2 =	vadd.f32 v3, v2;
	v3 =	vmul.f32 v4, v10  }
0x249: {  	v4 =	vld.idx.msk [tilespmem:v5+s26+$0x0], $0xffff;
	v5 =	vor.u32 v33, v1  }
0x24a: {  	v10 =	vld.idx.msk [tilespmem:v9+s25+$0x0], $0xffff;
	v2 =	vadd.f32 v3, v2;
	v3 =	vmul.f32 v6, v11  }
0x24b: {  	v6 =	vld.idx.msk [tilespmem:v9+s26+$0x0], $0xffff;
	v9 =	vor.u32 v19, v1  }
0x24c: {  	v11 =	vld.idx.msk [tilespmem:v8+s25+$0x0], $0xffff;
	v2 =	vadd.f32 v3, v2;
	v3 =	vmul.f32 v7, v12  }
0x24d: {  	v7 =	vld.idx.msk [tilespmem:v8+s26+$0x0], $0xffff;
	v8 =	vor.u32 v34, v1  }
0x24e: {  	v12 =	vld.idx.msk [tilespmem:v5+s25+$0x0], $0xffff;
	v2 =	vadd.f32 v3, v2;
	v3 =	vmul.f32 v4, v13  }
0x24f: {  	v4 =	vld.idx.msk [tilespmem:v5+s26+$0x0], $0xffff;
	v5 =	vor.u32 v20, v1  }
0x250: {  	v13 =	vld.idx.msk [tilespmem:v9+s25+$0x0], $0xffff;
	v2 =	vadd.f32 v3, v2;
	v3 =	vmul.f32 v6, v10  }
0x251: {  	v6 =	vld.idx.msk [tilespmem:v9+s26+$0x0], $0xffff;
	v9 =	vor.u32 v21, v1  }
0x252: {  	v10 =	vld.idx.msk [tilespmem:v8+s25+$0x0], $0xffff;
	v2 =	vadd.f32 v3, v2;
	v3 =	vmul.f32 v7, v11  }
0x253: {  	v7 =	vld.idx.msk [tilespmem:v8+s26+$0x0], $0xffff;
	v8 =	vor.u32 v35, v1  }
0x254: {  	v11 =	vld.idx.msk [tilespmem:v5+s25+$0x0], $0xffff;
	v2 =	vadd.f32 v3, v2;
	v3 =	vmul.f32 v4, v12  }
0x255: {  	v4 =	vld.idx.msk [tilespmem:v5+s26+$0x0], $0xffff;
	v5 =	vor.u32 v22, v1  }
0x256: {  	v12 =	vld.idx.msk [tilespmem:v9+s25+$0x0], $0xffff;
	v2 =	vadd.f32 v3, v2;
	v3 =	vmul.f32 v6, v13  }
0x257: {  	v6 =	vld.idx.msk [tilespmem:v9+s26+$0x0], $0xffff;
	v9 =	vor.u32 v36, v1  }
0x258: {  	v13 =	vld.idx.msk [tilespmem:v8+s25+$0x0], $0xffff;
	v2 =	vadd.f32 v3, v2;
	v3 =	vmul.f32 v7, v10  }
0x259: {  	v7 =	vld.idx.msk [tilespmem:v8+s26+$0x0], $0xffff;
	v8 =	vor.u32 v23, v1  }
0x25a: {  	v10 =	vld.idx.msk [tilespmem:v5+s25+$0x0], $0xffff;
	v2 =	vadd.f32 v3, v2;
	v3 =	vmul.f32 v4, v11  }
0x25b: {  	v4 =	vld.idx.msk [tilespmem:v5+s26+$0x0], $0xffff;
	v5 =	vor.u32 v24, v1  }
0x25c: {  	v11 =	vld.idx.msk [tilespmem:v9+s25+$0x0], $0xffff;
	v2 =	vadd.f32 v3, v2;
	v3 =	vmul.f32 v6, v12  }
0x25d: {  	v6 =	vld.idx.msk [tilespmem:v9+s26+$0x0], $0xffff;
	v9 =	vor.u32 v25, v1  }
0x25e: {  	v12 =	vld.idx.msk [tilespmem:v8+s25+$0x0], $0xffff;
	v2 =	vadd.f32 v3, v2;
	v3 =	vmul.f32 v7, v13  }
0x25f: {  	v7 =	vld.idx.msk [tilespmem:v8+s26+$0x0], $0xffff;
	v8 =	vor.u32 v26, v1  }
0x260: {  	v13 =	vld.idx.msk [tilespmem:v5+s25+$0x0], $0xffff;
	v2 =	vadd.f32 v3, v2;
	v3 =	vmul.f32 v4, v10  }
0x261: {  	v4 =	vld.idx.msk [tilespmem:v5+s26+$0x0], $0xffff;
	v5 =	vor.u32 v27, v1  }
0x262: {  	v10 =	vld.idx.msk [tilespmem:v9+s25+$0x0], $0xffff;
	v2 =	vadd.f32 v3, v2;
	v3 =	vmul.f32 v6, v11  }
0x263: {  	v6 =	vld.idx.msk [tilespmem:v9+s26+$0x0], $0xffff;
	v9 =	vor.u32 v28, v1  }
0x264: {  	v11 =	vld.idx.msk [tilespmem:v8+s25+$0x0], $0xffff;
	v2 =	vadd.f32 v3, v2;
	v3 =	vmul.f32 v7, v12  }
0x265: {  	v7 =	vld.idx.msk [tilespmem:v8+s26+$0x0], $0xffff;
	v8 =	vor.u32 v39, v1  }
0x266: {  	v12 =	vld.idx.msk [tilespmem:v5+s25+$0x0], $0xffff;
	v2 =	vadd.f32 v3, v2;
	v3 =	vmul.f32 v4, v13  }
0x267: {  	v4 =	vld.idx.msk [tilespmem:v5+s26+$0x0], $0xffff;
	v5 =	vor.u32 v42, v1  }
0x268: {  	v13 =	vld.idx.msk [tilespmem:v9+s25+$0x0], $0xffff;
	v2 =	vadd.f32 v3, v2;
	v3 =	vmul.f32 v6, v10  }
0x269: {  	v6 =	vld.idx.msk [tilespmem:v9+s26+$0x0], $0xffff;
	v9 =	vor.u32 v43, v1  }
0x26a: {  	v10 =	vld.idx.msk [tilespmem:v8+s25+$0x0], $0xffff;
	v2 =	vadd.f32 v3, v2;
	v3 =	vmul.f32 v7, v11  }
0x26b: {  	v7 =	vld.idx.msk [tilespmem:v8+s26+$0x0], $0xffff;
	v8 =	vor.u32 v51, v1  }
0x26c: {  	v11 =	vld.idx.msk [tilespmem:v5+s25+$0x0], $0xffff;
	v2 =	vadd.f32 v3, v2;
	v3 =	vmul.f32 v4, v12  }
0x26d: {  	v4 =	vld.idx.msk [tilespmem:v5+s26+$0x0], $0xffff;
	v5 =	vor.u32 v52, v1  }
0x26e: {  	v12 =	vld.idx.msk [tilespmem:v9+s25+$0x0], $0xffff;
	v2 =	vadd.f32 v3, v2;
	v3 =	vmul.f32 v6, v13  }
0x26f: {  	v6 =	vld.idx.msk [tilespmem:v9+s26+$0x0], $0xffff;
	v9 =	vor.u32 v37, v1  }
0x270: {  	v13 =	vld.idx.msk [tilespmem:v8+s25+$0x0], $0xffff;
	v2 =	vadd.f32 v3, v2;
	v3 =	vmul.f32 v7, v10  }
0x271: {  	v7 =	vld.idx.msk [tilespmem:v8+s26+$0x0], $0xffff;
	v8 =	vor.u32 v38, v1  }
0x272: {  	v10 =	vld.idx.msk [tilespmem:v5+s25+$0x0], $0xffff;
	v2 =	vadd.f32 v3, v2;
	v3 =	vmul.f32 v4, v11  }
0x273: {  	v4 =	vld.idx.msk [tilespmem:v5+s26+$0x0], $0xffff;
	v5 =	vor.u32 v40, v1  }
0x274: {  	v11 =	vld.idx.msk [tilespmem:v9+s25+$0x0], $0xffff;
	v2 =	vadd.f32 v3, v2;
	v3 =	vmul.f32 v6, v12  }
0x275: {  	v6 =	vld.idx.msk [tilespmem:v9+s26+$0x0], $0xffff;
	v9 =	vor.u32 v41, v1  }
0x276: {  	v12 =	vld.idx.msk [tilespmem:v8+s25+$0x0], $0xffff;
	v2 =	vadd.f32 v3, v2;
	v3 =	vmul.f32 v7, v13  }
0x277: {  	v7 =	vld.idx.msk [tilespmem:v8+s26+$0x0], $0xffff;
	v8 =	vor.u32 v47, v1  }
0x278: {  	v13 =	vld.idx.msk [tilespmem:v5+s25+$0x0], $0xffff;
	v2 =	vadd.f32 v3, v2;
	v3 =	vmul.f32 v4, v10  }
0x279: {  	v4 =	vld.idx.msk [tilespmem:v5+s26+$0x0], $0xffff;
	v5 =	vor.u32 v48, v1  }
0x27a: {  	v10 =	vld.idx.msk [tilespmem:v9+s25+$0x0], $0xffff;
	v2 =	vadd.f32 v3, v2;
	v3 =	vmul.f32 v6, v11  }
0x27b: {  	v6 =	vld.idx.msk [tilespmem:v9+s26+$0x0], $0xffff;
	v9 =	vor.u32 v59, v1  }
0x27c: {  	v11 =	vld.idx.msk [tilespmem:v8+s25+$0x0], $0xffff;
	v2 =	vadd.f32 v3, v2;
	v3 =	vmul.f32 v7, v12  }
0x27d: {  	v7 =	vld.idx.msk [tilespmem:v8+s26+$0x0], $0xffff;
	v8 =	vor.u32 v61, v1  }
0x27e: {  	v12 =	vld.idx.msk [tilespmem:v5+s25+$0x0], $0xffff;
	v2 =	vadd.f32 v3, v2;
	v3 =	vmul.f32 v4, v13  }
0x27f: {  	v4 =	vld.idx.msk [tilespmem:v5+s26+$0x0], $0xffff;
	v5 =	vor.u32 v44, v1  }
0x280: {  	v13 =	vld.idx.msk [tilespmem:v9+s25+$0x0], $0xffff;
	v2 =	vadd.f32 v3, v2;
	v3 =	vmul.f32 v6, v10  }
0x281: {  	v6 =	vld.idx.msk [tilespmem:v9+s26+$0x0], $0xffff;
	v9 =	vor.u32 v45, v1  }
0x282: {  	v10 =	vld.idx.msk [tilespmem:v8+s25+$0x0], $0xffff;
	v2 =	vadd.f32 v3, v2;
	v3 =	vmul.f32 v7, v11  }
0x283: {  	v7 =	vld.idx.msk [tilespmem:v8+s26+$0x0], $0xffff;
	v8 =	vor.u32 v62, v1  }
0x284: {  	v11 =	vld.idx.msk [tilespmem:v5+s25+$0x0], $0xffff;
	v2 =	vadd.f32 v3, v2;
	v3 =	vmul.f32 v4, v12  }
0x285: {  	v4 =	vld.idx.msk [tilespmem:v5+s26+$0x0], $0xffff;
	v5 =	vor.u32 v50, v1  }
0x286: {  	v12 =	vld.idx.msk [tilespmem:v9+s25+$0x0], $0xffff;
	v2 =	vadd.f32 v3, v2;
	v3 =	vmul.f32 v6, v13  }
0x287: {  	v6 =	vld.idx.msk [tilespmem:v9+s26+$0x0], $0xffff;
	v9 =	vor.u32 v63, v1  }
0x288: {  	v13 =	vld.idx.msk [tilespmem:v8+s25+$0x0], $0xffff;
	v2 =	vadd.f32 v3, v2;
	v3 =	vmul.f32 v7, v10  }
0x289: {  	v7 =	vld.idx.msk [tilespmem:v8+s26+$0x0], $0xffff;
	v8 =	vor.u32 v46, v1  }
0x28a: {  	v10 =	vld.idx.msk [tilespmem:v5+s25+$0x0], $0xffff;
	v2 =	vadd.f32 v3, v2;
	v3 =	vmul.f32 v4, v11  }
0x28b: {  	v4 =	vld.idx.msk [tilespmem:v5+s26+$0x0], $0xffff;
	v5 =	vor.u32 v49, v1  }
0x28c: {  	v11 =	vld.idx.msk [tilespmem:v9+s25+$0x0], $0xffff;
	v2 =	vadd.f32 v3, v2;
	v3 =	vmul.f32 v6, v12  }
0x28d: {  	v6 =	vld.idx.msk [tilespmem:v9+s26+$0x0], $0xffff;
	v9 =	vor.u32 v60, v1  }
0x28e: {  	v12 =	vld.idx.msk [tilespmem:v8+s25+$0x0], $0xffff;
	v2 =	vadd.f32 v3, v2;
	v3 =	vmul.f32 v7, v13  }
0x28f: {  	v7 =	vld.idx.msk [tilespmem:v8+s26+$0x0], $0xffff;
	v8 =	vor.u32 v53, v1  }
0x290: {  	v13 =	vld.idx.msk [tilespmem:v5+s25+$0x0], $0xffff;
	v2 =	vadd.f32 v3, v2;
	v3 =	vmul.f32 v4, v10  }
0x291: {  	v4 =	vld.idx.msk [tilespmem:v5+s26+$0x0], $0xffff;
	v5 =	vor.u32 v54, v1  }
0x292: {  	v10 =	vld.idx.msk [tilespmem:v9+s25+$0x0], $0xffff;
	v2 =	vadd.f32 v3, v2;
	v3 =	vmul.f32 v6, v11  }
0x293: {  	v6 =	vld.idx.msk [tilespmem:v9+s26+$0x0], $0xffff;
	v9 =	vor.u32 v0, v1  }
0x294: {  	v11 =	vld.idx.msk [tilespmem:v8+s25+$0x0], $0xffff;
	v2 =	vadd.f32 v3, v2;
	v3 =	vmul.f32 v7, v12  }
0x295: {  	v7 =	vld.idx.msk [tilespmem:v8+s26+$0x0], $0xffff;
	v8 =	vor.u32 v55, v1  }
0x296: {  	v12 =	vld.idx.msk [tilespmem:v5+s25+$0x0], $0xffff;
	v2 =	vadd.f32 v3, v2;
	v3 =	vmul.f32 v4, v13  }
0x297: {  	v4 =	vld.idx.msk [tilespmem:v5+s26+$0x0], $0xffff;
	v5 =	vor.u32 v56, v1  }
0x298: {  	v13 =	vld.idx.msk [tilespmem:v9+s25+$0x0], $0xffff;
	v2 =	vadd.f32 v3, v2;
	v3 =	vmul.f32 v6, v10  }
0x299: {  	v6 =	vld.idx.msk [tilespmem:v9+s26+$0x0], $0xffff;
	v9 =	vor.u32 v57, v1  }
0x29a: {  	v10 =	vld.idx.msk [tilespmem:v8+s25+$0x0], $0xffff;
	v2 =	vadd.f32 v3, v2;
	v3 =	vmul.f32 v7, v11  }
0x29b: {  	v1 =	vor.u32 v58, v1;
	v7 =	vld.idx.msk [tilespmem:v8+s26+$0x0], $0xffff  }
0x29c: {  	v8 =	vld.idx.msk [tilespmem:v5+s25+$0x0], $0xffff;
	v2 =	vadd.f32 v3, v2;
	v3 =	vmul.f32 v4, v12  }
0x29d: {  	v4 =	vld.idx.msk [tilespmem:v5+s26+$0x0], $0xffff  }
0x29e: {  	v5 =	vld.idx.msk [tilespmem:v9+s25+$0x0], $0xffff;
	v2 =	vadd.f32 v3, v2;
	v3 =	vmul.f32 v6, v13  }
0x29f: {  	v6 =	vld.idx.msk [tilespmem:v9+s26+$0x0], $0xffff  }
0x2a0: {  	v9 =	vld.idx.msk [tilespmem:v1+s25+$0x0], $0xffff;
	v2 =	vadd.f32 v3, v2;
	v3 =	vmul.f32 v7, v10  }
0x2a1: {  	p0 =	sne.s32 s22, $0xF0;
	v7 =	vld.idx.msk [tilespmem:v1+s26+$0x0], $0xffff  }
.Ltmp0:
0x2a2: {  	v1 =	vadd.f32 v3, v2;
	v2 =	vmul.f32 v4, v8;
	(pc) =	sbr.rel @p0 .LBB2_2-.Ltmp0, $4  }
0x2a3: {  	v3 =	vmov s22  }
0x2a4: {  	v3 =	vshll.u32 v3, $0x6;
	v5 =	vmul.f32 v6, v5;
	v4 =	vadd.f32 v2, v1  }
0x2a5: {  	v1 =	vor.u32 v14, v3  }
0x2a6: {  	s22 =	sadd.s32 $0x10, s22;
	v2 =	vor.u32 v15, v1;
	v3 =	vadd.f32 v5, v4;
	v4 =	vmul.f32 v7, v9  }
0x2a7: {  	v6 =	vld [tilespmem:$0x1FD00]  }
0x2a8: {  	v3 =	vadd.f32 v4, v3  }
0x2a9: {  	s20 =	sadd.s32 $0x10, s20  }
0x2aa: {  	[tilespmem:s20+$0x0] =	vst v3  }
0x2ab: {  	v9 =	vld.idx.msk [tilespmem:v2+s25+$0x0], $0xffff  }
0x2ac: {  	v7 =	vor.u32 v6, v1;
	v6 =	vld.idx.msk [tilespmem:v2+s26+$0x0], $0xffff  }
0x2ad: {  	v2 =	vld [tilespmem:$0x1FD10]  }
0x2ae: {  	v5 =	vlaneseq.u32  }
0x2af: {  	v5 =	vor.u32 v5, v1  }
0x2b0: {  	s16 =	sadd.s32 $0x10, s16  }
0x2b1: {  	v3 =	vld [tilespmem:s16+$0x0]  }
0x2b2: {  	s18 =	sadd.s32 $0x10, s18;
	v10 =	vor.u32 v2, v1;
	v2 =	vld [tilespmem:$0x1FD20]  }
0x2b3: {  	v8 =	vld [tilespmem:s18+$0x0]  }
0x2b4: {  	v13 =	vld.idx.msk [tilespmem:v5+s25+$0x0], $0xffff  }
0x2b5: {  	v5 =	vld.idx.msk [tilespmem:v5+s26+$0x0], $0xffff  }
0x2b6: {  	v4 =	vld [tilespmem:$0x1FCF0]  }
0x2b7: {  	v12 =	vor.u32 v2, v1;
	v2 =	vld [tilespmem:$0x1FD30];
	_ =	sdelay $0x2  }
0x2b8: {  	v3 =	vadd.f32 v3, v8;
	v5 =	vmul.f32 v5, v13  }
0x2b9: {  	v4 =	vor.u32 v4, v1;
	v8 =	vld.idx.msk [tilespmem:v7+s25+$0x0], $0xffff  }
0x2ba: {  	v13 =	vld.idx.msk [tilespmem:v7+s26+$0x0], $0xffff;
	v3 =	vadd.f32 v5, v3;
	v7 =	vor.u32 v2, v1;
	v2 =	vmul.f32 v6, v9;
	_ =	sdelay $0x1  }
0x2bb: {  	v2 =	vadd.f32 v2, v3;
	v3 =	vld.idx.msk [tilespmem:v12+s25+$0x0], $0xffff;
	_ =	sdelay $0x2  }
0x2bc: {  	v11 =	vld.idx.msk [tilespmem:v4+s25+$0x0], $0xffff  }
0x2bd: {  	v4 =	vld.idx.msk [tilespmem:v4+s26+$0x0], $0xffff  }
0x2be: {  	[tilespmem:$0x1FA80] =	vst v3;
	v3 =	vld [tilespmem:$0x1FD50];
	_ =	sdelay $0x3  }
0x2bf: {  	v4 =	vmul.f32 v4, v11;
	v11 =	vld.idx.msk [tilespmem:v12+s26+$0x0], $0xffff  }
0x2c0: {  	v12 =	vor.u32 v3, v1;
	v3 =	vld.idx.msk [tilespmem:v7+s25+$0x0], $0xffff;
	_ =	sdelay $0x2  }
0x2c1: {  	v6 =	vld [tilespmem:$0x1FD40];
	_ =	sdelay $0x1  }
0x2c2: {  	[tilespmem:$0x1FA90] =	vst v3;
	v3 =	vld [tilespmem:$0x1FD60];
	_ =	sdelay $0x1  }
0x2c3: {  	v5 =	vld.idx.msk [tilespmem:v10+s25+$0x0], $0xffff  }
0x2c4: {  	v9 =	vld.idx.msk [tilespmem:v10+s26+$0x0], $0xffff;
	v2 =	vadd.f32 v4, v2;
	v10 =	vor.u32 v6, v1;
	v6 =	vmul.f32 v13, v8;
	_ =	sdelay $0x1  }
0x2c5: {  	v8 =	vor.u32 v3, v1;
	v3 =	vadd.f32 v6, v2;
	v2 =	vld [tilespmem:$0x1FD70];
	_ =	sdelay $0x2  }
0x2c6: {  	v5 =	vmul.f32 v9, v5;
	v9 =	vld.idx.msk [tilespmem:v10+s26+$0x0], $0xffff  }
0x2c7: {  	v6 =	vld.idx.msk [tilespmem:v10+s25+$0x0], $0xffff  }
0x2c8: {  	v10 =	vor.u32 v2, v1;
	v2 =	vld [tilespmem:$0x1FA80];
	_ =	sdelay $0x4  }
0x2c9: {  	v4 =	vadd.f32 v5, v3;
	v3 =	vmul.f32 v11, v2;
	v2 =	vld [tilespmem:$0x1FD80];
	_ =	sdelay $0x1  }
0x2ca: {  	v7 =	vld.idx.msk [tilespmem:v7+s26+$0x0], $0xffff  }
0x2cb: {  	v5 =	vld.idx.msk [tilespmem:v12+s25+$0x0], $0xffff  }
0x2cc: {  	v11 =	vld.idx.msk [tilespmem:v12+s26+$0x0], $0xffff  }
0x2cd: {  	v12 =	vor.u32 v2, v1;
	v2 =	vld [tilespmem:$0x1FA90];
	_ =	sdelay $0x4  }
0x2ce: {  	v3 =	vadd.f32 v3, v4;
	v4 =	vmul.f32 v7, v2;
	v2 =	vld [tilespmem:$0x1FD90];
	_ =	sdelay $0x2  }
0x2cf: {  	v13 =	vld.idx.msk [tilespmem:v8+s25+$0x0], $0xffff  }
0x2d0: {  	v7 =	vld.idx.msk [tilespmem:v8+s26+$0x0], $0xffff  }
0x2d1: {  	v8 =	vor.u32 v2, v1;
	v2 =	vadd.f32 v4, v3;
	v3 =	vld [tilespmem:$0x1FDA0];
	_ =	sdelay $0x2  }
0x2d2: {  	v6 =	vmul.f32 v9, v6;
	v9 =	vld.idx.msk [tilespmem:v10+s26+$0x0], $0xffff  }
0x2d3: {  	v4 =	vld.idx.msk [tilespmem:v10+s25+$0x0], $0xffff  }
0x2d4: {  	v10 =	vor.u32 v3, v1;
	v3 =	vld [tilespmem:$0x1FDB0];
	_ =	sdelay $0x3  }
0x2d5: {  	v5 =	vmul.f32 v11, v5;
	v11 =	vld.idx.msk [tilespmem:v12+s26+$0x0], $0xffff;
	v2 =	vadd.f32 v6, v2  }
0x2d6: {  	v6 =	vld.idx.msk [tilespmem:v12+s25+$0x0], $0xffff;
	v12 =	vor.u32 v3, v1  }
0x2d7: {  	v2 =	vadd.f32 v5, v2;
	v5 =	vld.idx.msk [tilespmem:v8+s25+$0x0], $0xffff;
	v3 =	vmul.f32 v7, v13  }
0x2d8: {  	v7 =	vld.idx.msk [tilespmem:v8+s26+$0x0], $0xffff;
	v8 =	vor.u32 v29, v1  }
0x2d9: {  	v4 =	vmul.f32 v9, v4;
	v13 =	vld.idx.msk [tilespmem:v10+s25+$0x0], $0xffff;
	v3 =	vadd.f32 v3, v2  }
0x2da: {  	v9 =	vld.idx.msk [tilespmem:v10+s26+$0x0], $0xffff;
	v10 =	vor.u32 v30, v1  }
0x2db: {  	v6 =	vmul.f32 v11, v6;
	v2 =	vadd.f32 v4, v3;
	v4 =	vld.idx.msk [tilespmem:v12+s25+$0x0], $0xffff  }
0x2dc: {  	v11 =	vld.idx.msk [tilespmem:v12+s26+$0x0], $0xffff;
	v12 =	vor.u32 v16, v1  }
0x2dd: {  	v5 =	vmul.f32 v7, v5;
	v7 =	vld.idx.msk [tilespmem:v8+s26+$0x0], $0xffff;
	v2 =	vadd.f32 v6, v2  }
0x2de: {  	v6 =	vld.idx.msk [tilespmem:v8+s25+$0x0], $0xffff;
	v8 =	vor.u32 v31, v1  }
0x2df: {  	v3 =	vmul.f32 v9, v13;
	v9 =	vld.idx.msk [tilespmem:v10+s26+$0x0], $0xffff;
	v2 =	vadd.f32 v5, v2  }
0x2e0: {  	v5 =	vld.idx.msk [tilespmem:v10+s25+$0x0], $0xffff;
	v10 =	vor.u32 v17, v1  }
0x2e1: {  	v3 =	vadd.f32 v3, v2;
	v13 =	vld.idx.msk [tilespmem:v12+s25+$0x0], $0xffff;
	v4 =	vmul.f32 v11, v4  }
0x2e2: {  	v11 =	vld.idx.msk [tilespmem:v12+s26+$0x0], $0xffff;
	v12 =	vor.u32 v32, v1  }
0x2e3: {  	v6 =	vmul.f32 v7, v6;
	v7 =	vld.idx.msk [tilespmem:v8+s26+$0x0], $0xffff;
	v2 =	vadd.f32 v4, v3  }
0x2e4: {  	v4 =	vld.idx.msk [tilespmem:v8+s25+$0x0], $0xffff;
	v8 =	vor.u32 v18, v1  }
0x2e5: {  	v5 =	vmul.f32 v9, v5;
	v9 =	vld.idx.msk [tilespmem:v10+s26+$0x0], $0xffff;
	v2 =	vadd.f32 v6, v2  }
0x2e6: {  	v6 =	vld.idx.msk [tilespmem:v10+s25+$0x0], $0xffff;
	v10 =	vor.u32 v33, v1  }
0x2e7: {  	v3 =	vmul.f32 v11, v13;
	v11 =	vld.idx.msk [tilespmem:v12+s26+$0x0], $0xffff;
	v2 =	vadd.f32 v5, v2  }
0x2e8: {  	v5 =	vld.idx.msk [tilespmem:v12+s25+$0x0], $0xffff;
	v12 =	vor.u32 v19, v1  }
0x2e9: {  	v13 =	vld.idx.msk [tilespmem:v8+s25+$0x0], $0xffff;
	v4 =	vmul.f32 v7, v4;
	v3 =	vadd.f32 v3, v2  }
0x2ea: {  	v7 =	vld.idx.msk [tilespmem:v8+s26+$0x0], $0xffff;
	v8 =	vor.u32 v34, v1  }
0x2eb: {  	v6 =	vmul.f32 v9, v6;
	v9 =	vld.idx.msk [tilespmem:v10+s26+$0x0], $0xffff;
	v2 =	vadd.f32 v4, v3  }
0x2ec: {  	v4 =	vld.idx.msk [tilespmem:v10+s25+$0x0], $0xffff;
	v10 =	vor.u32 v20, v1  }
0x2ed: {  	v5 =	vmul.f32 v11, v5;
	v11 =	vld.idx.msk [tilespmem:v12+s26+$0x0], $0xffff;
	v2 =	vadd.f32 v6, v2  }
0x2ee: {  	v6 =	vld.idx.msk [tilespmem:v12+s25+$0x0], $0xffff;
	v12 =	vor.u32 v21, v1  }
0x2ef: {  	v3 =	vmul.f32 v7, v13;
	v7 =	vld.idx.msk [tilespmem:v8+s26+$0x0], $0xffff;
	v2 =	vadd.f32 v5, v2  }
0x2f0: {  	v5 =	vld.idx.msk [tilespmem:v8+s25+$0x0], $0xffff;
	v8 =	vor.u32 v35, v1  }
0x2f1: {  	v13 =	vld.idx.msk [tilespmem:v10+s25+$0x0], $0xffff;
	v4 =	vmul.f32 v9, v4;
	v3 =	vadd.f32 v3, v2  }
0x2f2: {  	v9 =	vld.idx.msk [tilespmem:v10+s26+$0x0], $0xffff;
	v10 =	vor.u32 v22, v1  }
0x2f3: {  	v6 =	vmul.f32 v11, v6;
	v11 =	vld.idx.msk [tilespmem:v12+s26+$0x0], $0xffff;
	v2 =	vadd.f32 v4, v3  }
0x2f4: {  	v4 =	vld.idx.msk [tilespmem:v12+s25+$0x0], $0xffff;
	v12 =	vor.u32 v36, v1  }
0x2f5: {  	v5 =	vmul.f32 v7, v5;
	v7 =	vld.idx.msk [tilespmem:v8+s26+$0x0], $0xffff;
	v2 =	vadd.f32 v6, v2  }
0x2f6: {  	v6 =	vld.idx.msk [tilespmem:v8+s25+$0x0], $0xffff;
	v8 =	vor.u32 v23, v1  }
0x2f7: {  	v3 =	vmul.f32 v9, v13;
	v9 =	vld.idx.msk [tilespmem:v10+s26+$0x0], $0xffff;
	v2 =	vadd.f32 v5, v2  }
0x2f8: {  	v5 =	vld.idx.msk [tilespmem:v10+s25+$0x0], $0xffff;
	v10 =	vor.u32 v24, v1  }
0x2f9: {  	v13 =	vld.idx.msk [tilespmem:v12+s25+$0x0], $0xffff;
	v4 =	vmul.f32 v11, v4;
	v3 =	vadd.f32 v3, v2  }
0x2fa: {  	v11 =	vld.idx.msk [tilespmem:v12+s26+$0x0], $0xffff;
	v12 =	vor.u32 v25, v1  }
0x2fb: {  	v6 =	vmul.f32 v7, v6;
	v7 =	vld.idx.msk [tilespmem:v8+s26+$0x0], $0xffff;
	v2 =	vadd.f32 v4, v3  }
0x2fc: {  	v4 =	vld.idx.msk [tilespmem:v8+s25+$0x0], $0xffff;
	v8 =	vor.u32 v26, v1  }
0x2fd: {  	v5 =	vmul.f32 v9, v5;
	v9 =	vld.idx.msk [tilespmem:v10+s26+$0x0], $0xffff;
	v2 =	vadd.f32 v6, v2  }
0x2fe: {  	v6 =	vld.idx.msk [tilespmem:v10+s25+$0x0], $0xffff;
	v10 =	vor.u32 v27, v1  }
0x2ff: {  	v3 =	vmul.f32 v11, v13;
	v11 =	vld.idx.msk [tilespmem:v12+s26+$0x0], $0xffff;
	v2 =	vadd.f32 v5, v2  }
0x300: {  	v5 =	vld.idx.msk [tilespmem:v12+s25+$0x0], $0xffff;
	v12 =	vor.u32 v28, v1  }
0x301: {  	v4 =	vmul.f32 v7, v4;
	v7 =	vld.idx.msk [tilespmem:v8+s26+$0x0], $0xffff;
	v2 =	vadd.f32 v3, v2  }
0x302: {  	v3 =	vld.idx.msk [tilespmem:v8+s25+$0x0], $0xffff;
	v8 =	vor.u32 v39, v1  }
0x303: {  	v6 =	vmul.f32 v9, v6;
	v9 =	vld.idx.msk [tilespmem:v10+s26+$0x0], $0xffff;
	v2 =	vadd.f32 v4, v2  }
0x304: {  	v4 =	vld.idx.msk [tilespmem:v10+s25+$0x0], $0xffff;
	v10 =	vor.u32 v42, v1  }
0x305: {  	v5 =	vmul.f32 v11, v5;
	v11 =	vld.idx.msk [tilespmem:v12+s26+$0x0], $0xffff;
	v2 =	vadd.f32 v6, v2  }
0x306: {  	v6 =	vld.idx.msk [tilespmem:v12+s25+$0x0], $0xffff;
	v12 =	vor.u32 v43, v1  }
0x307: {  	v3 =	vmul.f32 v7, v3;
	v7 =	vld.idx.msk [tilespmem:v8+s26+$0x0], $0xffff;
	v2 =	vadd.f32 v5, v2  }
0x308: {  	v5 =	vld.idx.msk [tilespmem:v8+s25+$0x0], $0xffff;
	v8 =	vor.u32 v51, v1  }
0x309: {  	v4 =	vmul.f32 v9, v4;
	v9 =	vld.idx.msk [tilespmem:v10+s26+$0x0], $0xffff;
	v2 =	vadd.f32 v3, v2  }
0x30a: {  	v3 =	vld.idx.msk [tilespmem:v10+s25+$0x0], $0xffff;
	v10 =	vor.u32 v52, v1  }
0x30b: {  	v6 =	vmul.f32 v11, v6;
	v11 =	vld.idx.msk [tilespmem:v12+s26+$0x0], $0xffff;
	v2 =	vadd.f32 v4, v2  }
0x30c: {  	v4 =	vld.idx.msk [tilespmem:v12+s25+$0x0], $0xffff;
	v12 =	vor.u32 v37, v1  }
0x30d: {  	v5 =	vmul.f32 v7, v5;
	v7 =	vld.idx.msk [tilespmem:v8+s26+$0x0], $0xffff;
	v2 =	vadd.f32 v6, v2  }
0x30e: {  	v6 =	vld.idx.msk [tilespmem:v8+s25+$0x0], $0xffff;
	v8 =	vor.u32 v38, v1  }
0x30f: {  	v3 =	vmul.f32 v9, v3;
	v9 =	vld.idx.msk [tilespmem:v10+s26+$0x0], $0xffff;
	v2 =	vadd.f32 v5, v2  }
0x310: {  	v5 =	vld.idx.msk [tilespmem:v10+s25+$0x0], $0xffff;
	v10 =	vor.u32 v40, v1  }
0x311: {  	v4 =	vmul.f32 v11, v4;
	v11 =	vld.idx.msk [tilespmem:v12+s26+$0x0], $0xffff;
	v2 =	vadd.f32 v3, v2  }
0x312: {  	v3 =	vld.idx.msk [tilespmem:v12+s25+$0x0], $0xffff;
	v12 =	vor.u32 v41, v1  }
0x313: {  	v6 =	vmul.f32 v7, v6;
	v7 =	vld.idx.msk [tilespmem:v8+s26+$0x0], $0xffff;
	v2 =	vadd.f32 v4, v2  }
0x314: {  	v4 =	vld.idx.msk [tilespmem:v8+s25+$0x0], $0xffff;
	v8 =	vor.u32 v47, v1  }
0x315: {  	v5 =	vmul.f32 v9, v5;
	v9 =	vld.idx.msk [tilespmem:v10+s26+$0x0], $0xffff;
	v2 =	vadd.f32 v6, v2  }
0x316: {  	v6 =	vld.idx.msk [tilespmem:v10+s25+$0x0], $0xffff;
	v10 =	vor.u32 v48, v1  }
0x317: {  	v3 =	vmul.f32 v11, v3;
	v11 =	vld.idx.msk [tilespmem:v12+s26+$0x0], $0xffff;
	v2 =	vadd.f32 v5, v2  }
0x318: {  	v5 =	vld.idx.msk [tilespmem:v12+s25+$0x0], $0xffff;
	v12 =	vor.u32 v59, v1  }
0x319: {  	v4 =	vmul.f32 v7, v4;
	v7 =	vld.idx.msk [tilespmem:v8+s26+$0x0], $0xffff;
	v2 =	vadd.f32 v3, v2  }
0x31a: {  	v3 =	vld.idx.msk [tilespmem:v8+s25+$0x0], $0xffff;
	v8 =	vor.u32 v61, v1  }
0x31b: {  	v6 =	vmul.f32 v9, v6;
	v9 =	vld.idx.msk [tilespmem:v10+s26+$0x0], $0xffff;
	v2 =	vadd.f32 v4, v2  }
0x31c: {  	v4 =	vld.idx.msk [tilespmem:v10+s25+$0x0], $0xffff;
	v10 =	vor.u32 v44, v1  }
0x31d: {  	v5 =	vmul.f32 v11, v5;
	v11 =	vld.idx.msk [tilespmem:v12+s26+$0x0], $0xffff;
	v2 =	vadd.f32 v6, v2  }
0x31e: {  	v6 =	vld.idx.msk [tilespmem:v12+s25+$0x0], $0xffff;
	v12 =	vor.u32 v45, v1  }
0x31f: {  	v3 =	vmul.f32 v7, v3;
	v7 =	vld.idx.msk [tilespmem:v8+s26+$0x0], $0xffff;
	v2 =	vadd.f32 v5, v2  }
0x320: {  	v5 =	vld.idx.msk [tilespmem:v8+s25+$0x0], $0xffff;
	v8 =	vor.u32 v62, v1  }
0x321: {  	v4 =	vmul.f32 v9, v4;
	v9 =	vld.idx.msk [tilespmem:v10+s26+$0x0], $0xffff;
	v2 =	vadd.f32 v3, v2  }
0x322: {  	v3 =	vld.idx.msk [tilespmem:v10+s25+$0x0], $0xffff;
	v10 =	vor.u32 v50, v1  }
0x323: {  	v6 =	vmul.f32 v11, v6;
	v11 =	vld.idx.msk [tilespmem:v12+s26+$0x0], $0xffff;
	v2 =	vadd.f32 v4, v2  }
0x324: {  	v4 =	vld.idx.msk [tilespmem:v12+s25+$0x0], $0xffff;
	v12 =	vor.u32 v63, v1  }
0x325: {  	v5 =	vmul.f32 v7, v5;
	v7 =	vld.idx.msk [tilespmem:v8+s26+$0x0], $0xffff;
	v2 =	vadd.f32 v6, v2  }
0x326: {  	v6 =	vld.idx.msk [tilespmem:v8+s25+$0x0], $0xffff;
	v8 =	vor.u32 v46, v1  }
0x327: {  	v3 =	vmul.f32 v9, v3;
	v9 =	vld.idx.msk [tilespmem:v10+s26+$0x0], $0xffff;
	v2 =	vadd.f32 v5, v2  }
0x328: {  	v5 =	vld.idx.msk [tilespmem:v10+s25+$0x0], $0xffff;
	v10 =	vor.u32 v49, v1  }
0x329: {  	v4 =	vmul.f32 v11, v4;
	v11 =	vld.idx.msk [tilespmem:v12+s26+$0x0], $0xffff;
	v2 =	vadd.f32 v3, v2  }
0x32a: {  	v3 =	vld.idx.msk [tilespmem:v12+s25+$0x0], $0xffff;
	v12 =	vor.u32 v60, v1  }
0x32b: {  	v6 =	vmul.f32 v7, v6;
	v7 =	vld.idx.msk [tilespmem:v8+s26+$0x0], $0xffff;
	v2 =	vadd.f32 v4, v2  }
0x32c: {  	v4 =	vld.idx.msk [tilespmem:v8+s25+$0x0], $0xffff;
	v8 =	vor.u32 v53, v1  }
0x32d: {  	v5 =	vmul.f32 v9, v5;
	v9 =	vld.idx.msk [tilespmem:v10+s26+$0x0], $0xffff;
	v2 =	vadd.f32 v6, v2  }
0x32e: {  	v6 =	vld.idx.msk [tilespmem:v10+s25+$0x0], $0xffff;
	v10 =	vor.u32 v54, v1  }
0x32f: {  	v3 =	vmul.f32 v11, v3;
	v11 =	vld.idx.msk [tilespmem:v12+s26+$0x0], $0xffff;
	v2 =	vadd.f32 v5, v2  }
0x330: {  	v5 =	vld.idx.msk [tilespmem:v12+s25+$0x0], $0xffff;
	v12 =	vor.u32 v0, v1  }
0x331: {  	v4 =	vmul.f32 v7, v4;
	v7 =	vld.idx.msk [tilespmem:v8+s26+$0x0], $0xffff;
	v2 =	vadd.f32 v3, v2  }
0x332: {  	v3 =	vld.idx.msk [tilespmem:v8+s25+$0x0], $0xffff;
	v8 =	vor.u32 v55, v1  }
0x333: {  	v6 =	vmul.f32 v9, v6;
	v9 =	vld.idx.msk [tilespmem:v10+s26+$0x0], $0xffff;
	v2 =	vadd.f32 v4, v2  }
0x334: {  	v4 =	vld.idx.msk [tilespmem:v10+s25+$0x0], $0xffff;
	v10 =	vor.u32 v56, v1  }
0x335: {  	v5 =	vmul.f32 v11, v5;
	v11 =	vld.idx.msk [tilespmem:v12+s26+$0x0], $0xffff;
	v2 =	vadd.f32 v6, v2  }
0x336: {  	v6 =	vld.idx.msk [tilespmem:v12+s25+$0x0], $0xffff;
	v12 =	vor.u32 v57, v1  }
0x337: {  	v3 =	vmul.f32 v7, v3;
	v7 =	vld.idx.msk [tilespmem:v8+s26+$0x0], $0xffff;
	v2 =	vadd.f32 v5, v2  }
0x338: {  	v1 =	vor.u32 v58, v1;
	v5 =	vld.idx.msk [tilespmem:v8+s25+$0x0], $0xffff  }
0x339: {  	v8 =	vld.idx.msk [tilespmem:v10+s25+$0x0], $0xffff;
	v2 =	vadd.f32 v3, v2;
	v3 =	vmul.f32 v9, v4  }
0x33a: {  	v4 =	vld.idx.msk [tilespmem:v10+s26+$0x0], $0xffff  }
0x33b: {  	v9 =	vld.idx.msk [tilespmem:v12+s25+$0x0], $0xffff;
	v2 =	vadd.f32 v3, v2;
	v3 =	vmul.f32 v11, v6  }
0x33c: {  	v6 =	vld.idx.msk [tilespmem:v12+s26+$0x0], $0xffff  }
0x33d: {  	v10 =	vld.idx.msk [tilespmem:v1+s25+$0x0], $0xffff;
	v2 =	vadd.f32 v3, v2;
	v3 =	vmul.f32 v7, v5  }
0x33e: {  	v1 =	vld.idx.msk [tilespmem:v1+s26+$0x0], $0xffff  }
0x33f: {  	v2 =	vadd.f32 v3, v2;
	v3 =	vmul.f32 v4, v8;
	_ =	sdelay $0x1  }
0x340: {  	v2 =	vadd.f32 v3, v2;
	v3 =	vmul.f32 v6, v9;
	_ =	sdelay $0x1  }
0x341: {  	v1 =	vmul.f32 v1, v10;
	v2 =	vadd.f32 v3, v2;
	_ =	sdelay $0x1  }
0x342: {  	v1 =	vadd.f32 v1, v2  }
0x343: {  	s20 =	sadd.s32 $0x10, s20  }
0x344: {  	[tilespmem:s20+$0x0] =	vst v1  }
0x345: {  	[tilespmem:s25], [sflag:$0x1] =	stream.indirect.gather [hbm4b:s3+s13], $0x40, s17, s13, $0xb8;
	[tilespmem:$0x8A00] =	vst v63  }
0x346: {  	_ = 	snop  }
0x347: {  	[tilespmem:s26], [sflag:$0x2] =	stream.indirect.gather [hbm4b:s4+s13], $0x40, s19, s13, $0xb8;
	[tilespmem:$0x8A00] =	vst v63  }
0x348: {  	_ = 	snop  }
0x349: {  	[tilespmem:s28], [sflag:$0x1] =	stream.indirect.gather [hbm4b:s3+s13], $0x40, s21, s13, $0xb8;
	[tilespmem:$0x8A00] =	vst v63  }
0x34a: {  	_ = 	snop  }
0x34b: {  	[tilespmem:s29], [sflag:$0x2] =	stream.indirect.gather [hbm4b:s4+s13], $0x40, s23, s13, $0xb8;
	[tilespmem:$0x8A00] =	vst v63  }
0x34c: {  	_ =	swait.ge [sflag:s30], $0x2000  }
0x34d: {  	[sflag:s30] =	ssyncset.done $0x0  }
0x34e: {  	[sflag:s30] =	ssyncadd.s32 $0xFFFFE000  }
0x34f: {  	_ =	swait.ge [sflag:s31], $0x2000  }
0x350: {  	[sflag:s31] =	ssyncset.done $0x0  }
0x351: {  	[sflag:s31] =	ssyncadd.s32 $0xFFFFE000  }
0x352: {  	s22 =	simm.s32 $0x0;
	_ =	swait.ge [sflag:s30], $0x2000  }
0x353: {  	v1 =	vmov s22;
	[sflag:s30] =	ssyncset.done $0x0  }
0x354: {  	v1 =	vshll.u32 v1, $0x6;
	[sflag:s30] =	ssyncadd.s32 $0xFFFFE000  }
0x355: {  	v2 =	vlaneseq.u32;
	v1 =	vor.u32 v14, v1;
	_ =	swait.ge [sflag:s31], $0x2000  }
0x356: {  	v2 =	vor.u32 v2, v1;
	v5 =	vld [tilespmem:$0x1FCF0]  }
0x357: {  	v13 =	vld [tilespmem:$0x1FD00]  }
0x358: {  	[sflag:s31] =	ssyncset.done $0x0;
	v10 =	vld [tilespmem:$0x1FD10]  }
0x359: {  	s18 =	simm.s32 $0x8700;
	v3 =	vor.u32 v15, v1;
	v12 =	vld [tilespmem:$0x1FD20];
	[sflag:s31] =	ssyncadd.s32 $0xFFFFE000  }
0x35a: {  	v4 =	vld [tilespmem:s18+$0x0]  }
0x35b: {  	v6 =	vld.idx.msk [tilespmem:v2+s25+$0x0], $0xffff;
	v5 =	vor.u32 v5, v1  }
0x35c: {  	s20 =	simm.s32 $0x8500;
	v2 =	vld.idx.msk [tilespmem:v2+s26+$0x0], $0xffff  }
0x35d: {  	v8 =	vld [tilespmem:s20+$0x0];
	v7 =	vor.u32 v13, v1  }
0x35e: {  	v9 =	vld.idx.msk [tilespmem:v3+s25+$0x0], $0xffff  }
0x35f: {  	v3 =	vld.idx.msk [tilespmem:v3+s26+$0x0], $0xffff  }
0x360: {  	v10 =	vor.u32 v10, v1;
	v11 =	vld.idx.msk [tilespmem:v5+s25+$0x0], $0xffff  }
0x361: {  	v5 =	vld.idx.msk [tilespmem:v5+s26+$0x0], $0xffff  }
0x362: {  	v4 =	vadd.f32 v4, v8;
	v8 =	vld.idx.msk [tilespmem:v7+s25+$0x0], $0xffff  }
0x363: {  	v12 =	vor.u32 v12, v1;
	v2 =	vmul.f32 v2, v6;
	v6 =	vld.idx.msk [tilespmem:v7+s26+$0x0], $0xffff  }
0x364: {  	v7 =	vld [tilespmem:$0x1FD30]  }
0x365: {  	v2 =	vadd.f32 v2, v4;
	v4 =	vld.idx.msk [tilespmem:v10+s25+$0x0], $0xffff  }
0x366: {  	v3 =	vmul.f32 v3, v9;
	v9 =	vld.idx.msk [tilespmem:v10+s26+$0x0], $0xffff  }
0x367: {  	v10 =	vld [tilespmem:$0x1FD40]  }
0x368: {  	v2 =	vadd.f32 v3, v2;
	v3 =	vld.idx.msk [tilespmem:v12+s25+$0x0], $0xffff  }
0x369: {  	v5 =	vmul.f32 v5, v11;
	v11 =	vld.idx.msk [tilespmem:v12+s26+$0x0], $0xffff  }
0x36a: {  	v7 =	vor.u32 v7, v1;
	v12 =	vld [tilespmem:$0x1FD50];
	_ =	sdelay $0x1  }
0x36b: {  	v10 =	vor.u32 v10, v1;
	_ =	sdelay $0x1  }
0x36c: {  	v6 =	vmul.f32 v6, v8;
	v8 =	vld [tilespmem:$0x1FD60]  }
0x36d: {  	v2 =	vadd.f32 v5, v2;
	v12 =	vor.u32 v12, v1;
	v5 =	vld.idx.msk [tilespmem:v7+s25+$0x0], $0xffff  }
0x36e: {  	v7 =	vld.idx.msk [tilespmem:v7+s26+$0x0], $0xffff  }
0x36f: {  	v2 =	vadd.f32 v6, v2;
	v6 =	vld.idx.msk [tilespmem:v10+s25+$0x0], $0xffff  }
0x370: {  	v4 =	vmul.f32 v9, v4;
	v9 =	vld.idx.msk [tilespmem:v10+s26+$0x0], $0xffff  }
0x371: {  	v10 =	vld [tilespmem:$0x1FD70]  }
0x372: {  	v2 =	vadd.f32 v4, v2;
	v4 =	vld.idx.msk [tilespmem:v12+s25+$0x0], $0xffff  }
0x373: {  	v8 =	vor.u32 v8, v1;
	v3 =	vmul.f32 v11, v3;
	v11 =	vld.idx.msk [tilespmem:v12+s26+$0x0], $0xffff  }
0x374: {  	v12 =	vld [tilespmem:$0x1FD80];
	_ =	sdelay $0x1  }
0x375: {  	v10 =	vor.u32 v10, v1;
	_ =	sdelay $0x1  }
0x376: {  	v2 =	vadd.f32 v3, v2;
	v3 =	vld.idx.msk [tilespmem:v8+s25+$0x0], $0xffff  }
0x377: {  	v5 =	vmul.f32 v7, v5;
	v7 =	vld.idx.msk [tilespmem:v8+s26+$0x0], $0xffff;
	v12 =	vor.u32 v12, v1  }
0x378: {  	v8 =	vld [tilespmem:$0x1FD90]  }
0x379: {  	v2 =	vadd.f32 v5, v2;
	v5 =	vld.idx.msk [tilespmem:v10+s25+$0x0], $0xffff  }
0x37a: {  	v6 =	vmul.f32 v9, v6;
	v9 =	vld.idx.msk [tilespmem:v10+s26+$0x0], $0xffff  }
0x37b: {  	v10 =	vld [tilespmem:$0x1FDA0]  }
0x37c: {  	v2 =	vadd.f32 v6, v2;
	v6 =	vld.idx.msk [tilespmem:v12+s25+$0x0], $0xffff  }
0x37d: {  	v8 =	vor.u32 v8, v1;
	v4 =	vmul.f32 v11, v4;
	v11 =	vld.idx.msk [tilespmem:v12+s26+$0x0], $0xffff  }
0x37e: {  	v12 =	vld [tilespmem:$0x1FDB0];
	_ =	sdelay $0x1  }
0x37f: {  	v10 =	vor.u32 v10, v1;
	_ =	sdelay $0x1  }
0x380: {  	v2 =	vadd.f32 v4, v2;
	v4 =	vld.idx.msk [tilespmem:v8+s25+$0x0], $0xffff  }
0x381: {  	v3 =	vmul.f32 v7, v3;
	v7 =	vld.idx.msk [tilespmem:v8+s26+$0x0], $0xffff;
	v12 =	vor.u32 v12, v1  }
0x382: {  	v8 =	vld [tilespmem:$0x1FEC0]  }
0x383: {  	v2 =	vadd.f32 v3, v2;
	v3 =	vld.idx.msk [tilespmem:v10+s25+$0x0], $0xffff  }
0x384: {  	v5 =	vmul.f32 v9, v5;
	v9 =	vld.idx.msk [tilespmem:v10+s26+$0x0], $0xffff  }
0x385: {  	v10 =	vld [tilespmem:$0x1FEB0]  }
0x386: {  	v2 =	vadd.f32 v5, v2;
	v5 =	vld.idx.msk [tilespmem:v12+s25+$0x0], $0xffff  }
0x387: {  	v8 =	vor.u32 v8, v1;
	v6 =	vmul.f32 v11, v6;
	v11 =	vld.idx.msk [tilespmem:v12+s26+$0x0], $0xffff  }
0x388: {  	v12 =	vld [tilespmem:$0x1FED0];
	_ =	sdelay $0x1  }
0x389: {  	v10 =	vor.u32 v10, v1;
	_ =	sdelay $0x1  }
0x38a: {  	v2 =	vadd.f32 v6, v2;
	v6 =	vld.idx.msk [tilespmem:v8+s25+$0x0], $0xffff  }
0x38b: {  	v4 =	vmul.f32 v7, v4;
	v7 =	vld.idx.msk [tilespmem:v8+s26+$0x0], $0xffff;
	v12 =	vor.u32 v12, v1  }
0x38c: {  	v8 =	vld [tilespmem:$0x1FEE0]  }
0x38d: {  	v2 =	vadd.f32 v4, v2;
	v4 =	vld.idx.msk [tilespmem:v10+s25+$0x0], $0xffff  }
0x38e: {  	v3 =	vmul.f32 v9, v3;
	v9 =	vld.idx.msk [tilespmem:v10+s26+$0x0], $0xffff  }
0x38f: {  	v10 =	vld [tilespmem:$0x1FF00]  }
0x390: {  	v2 =	vadd.f32 v3, v2;
	v3 =	vld.idx.msk [tilespmem:v12+s25+$0x0], $0xffff  }
0x391: {  	v8 =	vor.u32 v8, v1;
	v5 =	vmul.f32 v11, v5;
	v11 =	vld.idx.msk [tilespmem:v12+s26+$0x0], $0xffff  }
0x392: {  	v12 =	vld [tilespmem:$0x1FEF0];
	_ =	sdelay $0x1  }
0x393: {  	v10 =	vor.u32 v10, v1;
	_ =	sdelay $0x1  }
0x394: {  	v2 =	vadd.f32 v5, v2;
	v5 =	vld.idx.msk [tilespmem:v8+s25+$0x0], $0xffff  }
0x395: {  	v6 =	vmul.f32 v7, v6;
	v7 =	vld.idx.msk [tilespmem:v8+s26+$0x0], $0xffff;
	v12 =	vor.u32 v12, v1  }
0x396: {  	v8 =	vld [tilespmem:$0x1FF10]  }
0x397: {  	v2 =	vadd.f32 v6, v2;
	v6 =	vld.idx.msk [tilespmem:v10+s25+$0x0], $0xffff  }
0x398: {  	v4 =	vmul.f32 v9, v4;
	v9 =	vld.idx.msk [tilespmem:v10+s26+$0x0], $0xffff  }
0x399: {  	v10 =	vld [tilespmem:$0x1FF20]  }
0x39a: {  	v2 =	vadd.f32 v4, v2;
	v4 =	vld.idx.msk [tilespmem:v12+s25+$0x0], $0xffff  }
0x39b: {  	v8 =	vor.u32 v8, v1;
	v3 =	vmul.f32 v11, v3;
	v11 =	vld.idx.msk [tilespmem:v12+s26+$0x0], $0xffff  }
0x39c: {  	v12 =	vld [tilespmem:$0x1FF40];
	_ =	sdelay $0x1  }
0x39d: {  	v10 =	vor.u32 v10, v1;
	_ =	sdelay $0x1  }
0x39e: {  	v2 =	vadd.f32 v3, v2;
	v3 =	vld.idx.msk [tilespmem:v8+s25+$0x0], $0xffff  }
0x39f: {  	v5 =	vmul.f32 v7, v5;
	v7 =	vld.idx.msk [tilespmem:v8+s26+$0x0], $0xffff;
	v12 =	vor.u32 v12, v1  }
0x3a0: {  	v8 =	vld [tilespmem:$0x1FF30]  }
0x3a1: {  	v2 =	vadd.f32 v5, v2;
	v5 =	vld.idx.msk [tilespmem:v10+s25+$0x0], $0xffff  }
0x3a2: {  	v6 =	vmul.f32 v9, v6;
	v9 =	vld.idx.msk [tilespmem:v10+s26+$0x0], $0xffff  }
0x3a3: {  	v10 =	vld [tilespmem:$0x1FF50]  }
0x3a4: {  	v2 =	vadd.f32 v6, v2;
	v6 =	vld.idx.msk [tilespmem:v12+s25+$0x0], $0xffff  }
0x3a5: {  	v8 =	vor.u32 v8, v1;
	v4 =	vmul.f32 v11, v4;
	v11 =	vld.idx.msk [tilespmem:v12+s26+$0x0], $0xffff  }
0x3a6: {  	v12 =	vld [tilespmem:$0x1FF60];
	_ =	sdelay $0x1  }
0x3a7: {  	v10 =	vor.u32 v10, v1;
	_ =	sdelay $0x1  }
0x3a8: {  	v2 =	vadd.f32 v4, v2;
	v4 =	vld.idx.msk [tilespmem:v8+s25+$0x0], $0xffff  }
0x3a9: {  	v3 =	vmul.f32 v7, v3;
	v7 =	vld.idx.msk [tilespmem:v8+s26+$0x0], $0xffff;
	v12 =	vor.u32 v12, v1  }
0x3aa: {  	v8 =	vld [tilespmem:$0x1FF80]  }
0x3ab: {  	v2 =	vadd.f32 v3, v2;
	v3 =	vld.idx.msk [tilespmem:v10+s25+$0x0], $0xffff  }
0x3ac: {  	v5 =	vmul.f32 v9, v5;
	v9 =	vld.idx.msk [tilespmem:v10+s26+$0x0], $0xffff  }
0x3ad: {  	v10 =	vld [tilespmem:$0x1FF70]  }
0x3ae: {  	v2 =	vadd.f32 v5, v2;
	v5 =	vld.idx.msk [tilespmem:v12+s25+$0x0], $0xffff  }
0x3af: {  	v8 =	vor.u32 v8, v1;
	v6 =	vmul.f32 v11, v6;
	v11 =	vld.idx.msk [tilespmem:v12+s26+$0x0], $0xffff  }
0x3b0: {  	v12 =	vld [tilespmem:$0x1FF90];
	_ =	sdelay $0x1  }
0x3b1: {  	v10 =	vor.u32 v10, v1;
	_ =	sdelay $0x1  }
0x3b2: {  	v2 =	vadd.f32 v6, v2;
	v6 =	vld.idx.msk [tilespmem:v8+s25+$0x0], $0xffff  }
0x3b3: {  	v4 =	vmul.f32 v7, v4;
	v7 =	vld.idx.msk [tilespmem:v8+s26+$0x0], $0xffff;
	v12 =	vor.u32 v12, v1  }
0x3b4: {  	v8 =	vld [tilespmem:$0x1FFA0]  }
0x3b5: {  	v2 =	vadd.f32 v4, v2;
	v4 =	vld.idx.msk [tilespmem:v10+s25+$0x0], $0xffff  }
0x3b6: {  	v3 =	vmul.f32 v9, v3;
	v9 =	vld.idx.msk [tilespmem:v10+s26+$0x0], $0xffff  }
0x3b7: {  	v10 =	vld [tilespmem:$0x1FFC0]  }
0x3b8: {  	v2 =	vadd.f32 v3, v2;
	v3 =	vld.idx.msk [tilespmem:v12+s25+$0x0], $0xffff  }
0x3b9: {  	v8 =	vor.u32 v8, v1;
	v5 =	vmul.f32 v11, v5;
	v11 =	vld.idx.msk [tilespmem:v12+s26+$0x0], $0xffff  }
0x3ba: {  	v12 =	vld [tilespmem:$0x1FFB0];
	_ =	sdelay $0x1  }
0x3bb: {  	v10 =	vor.u32 v10, v1;
	_ =	sdelay $0x1  }
0x3bc: {  	v2 =	vadd.f32 v5, v2;
	v5 =	vld.idx.msk [tilespmem:v8+s25+$0x0], $0xffff  }
0x3bd: {  	v6 =	vmul.f32 v7, v6;
	v7 =	vld.idx.msk [tilespmem:v8+s26+$0x0], $0xffff;
	v12 =	vor.u32 v12, v1  }
0x3be: {  	v8 =	vld [tilespmem:$0x1FFD0]  }
0x3bf: {  	v2 =	vadd.f32 v6, v2;
	v6 =	vld.idx.msk [tilespmem:v10+s25+$0x0], $0xffff  }
0x3c0: {  	v4 =	vmul.f32 v9, v4;
	v9 =	vld.idx.msk [tilespmem:v10+s26+$0x0], $0xffff  }
0x3c1: {  	v10 =	vld [tilespmem:$0x1FFE0]  }
0x3c2: {  	v2 =	vadd.f32 v4, v2;
	v4 =	vld.idx.msk [tilespmem:v12+s25+$0x0], $0xffff  }
0x3c3: {  	v3 =	vmul.f32 v11, v3;
	v11 =	vld.idx.msk [tilespmem:v12+s26+$0x0], $0xffff  }
0x3c4: {  	v12 =	vld [tilespmem:$0x1FFF0]  }
0x3c5: {  	v8 =	vor.u32 v8, v1;
	_ =	sdelay $0x1  }
0x3c6: {  	v10 =	vor.u32 v10, v1;
	_ =	sdelay $0x1  }
0x3c7: {  	v12 =	vor.u32 v12, v1  }
0x3c8: {  	v5 =	vmul.f32 v7, v5;
	v2 =	vadd.f32 v3, v2;
	v3 =	vld.idx.msk [tilespmem:v8+s25+$0x0], $0xffff  }
0x3c9: {  	v7 =	vld.idx.msk [tilespmem:v8+s26+$0x0], $0xffff;
	v8 =	vor.u32 v39, v1  }
0x3ca: {  	v2 =	vadd.f32 v5, v2;
	v6 =	vmul.f32 v9, v6;
	v5 =	vld.idx.msk [tilespmem:v10+s25+$0x0], $0xffff  }
0x3cb: {  	v9 =	vld.idx.msk [tilespmem:v10+s26+$0x0], $0xffff;
	v10 =	vor.u32 v42, v1  }
0x3cc: {  	v2 =	vadd.f32 v6, v2;
	v4 =	vmul.f32 v11, v4;
	v6 =	vld.idx.msk [tilespmem:v12+s25+$0x0], $0xffff  }
0x3cd: {  	v11 =	vld.idx.msk [tilespmem:v12+s26+$0x0], $0xffff;
	v12 =	vor.u32 v43, v1  }
0x3ce: {  	v3 =	vmul.f32 v7, v3;
	v7 =	vld.idx.msk [tilespmem:v8+s26+$0x0], $0xffff;
	v2 =	vadd.f32 v4, v2  }
0x3cf: {  	v4 =	vld.idx.msk [tilespmem:v8+s25+$0x0], $0xffff;
	v8 =	vor.u32 v51, v1  }
0x3d0: {  	v2 =	vadd.f32 v3, v2;
	v3 =	vld.idx.msk [tilespmem:v10+s25+$0x0], $0xffff;
	v5 =	vmul.f32 v9, v5  }
0x3d1: {  	v9 =	vld.idx.msk [tilespmem:v10+s26+$0x0], $0xffff;
	v10 =	vor.u32 v52, v1  }
0x3d2: {  	v2 =	vadd.f32 v5, v2;
	v5 =	vld.idx.msk [tilespmem:v12+s25+$0x0], $0xffff;
	v6 =	vmul.f32 v11, v6  }
0x3d3: {  	v11 =	vld.idx.msk [tilespmem:v12+s26+$0x0], $0xffff;
	v12 =	vor.u32 v37, v1  }
0x3d4: {  	v4 =	vmul.f32 v7, v4;
	v7 =	vld.idx.msk [tilespmem:v8+s26+$0x0], $0xffff;
	v2 =	vadd.f32 v6, v2  }
0x3d5: {  	v6 =	vld.idx.msk [tilespmem:v8+s25+$0x0], $0xffff;
	v8 =	vor.u32 v38, v1  }
0x3d6: {  	v3 =	vmul.f32 v9, v3;
	v9 =	vld.idx.msk [tilespmem:v10+s26+$0x0], $0xffff;
	v2 =	vadd.f32 v4, v2  }
0x3d7: {  	v4 =	vld.idx.msk [tilespmem:v10+s25+$0x0], $0xffff;
	v10 =	vor.u32 v40, v1  }
0x3d8: {  	v5 =	vmul.f32 v11, v5;
	v11 =	vld.idx.msk [tilespmem:v12+s26+$0x0], $0xffff;
	v2 =	vadd.f32 v3, v2  }
0x3d9: {  	v3 =	vld.idx.msk [tilespmem:v12+s25+$0x0], $0xffff;
	v12 =	vor.u32 v41, v1  }
0x3da: {  	v6 =	vmul.f32 v7, v6;
	v7 =	vld.idx.msk [tilespmem:v8+s26+$0x0], $0xffff;
	v2 =	vadd.f32 v5, v2  }
0x3db: {  	v5 =	vld.idx.msk [tilespmem:v8+s25+$0x0], $0xffff;
	v8 =	vor.u32 v47, v1  }
0x3dc: {  	v4 =	vmul.f32 v9, v4;
	v9 =	vld.idx.msk [tilespmem:v10+s26+$0x0], $0xffff;
	v2 =	vadd.f32 v6, v2  }
0x3dd: {  	v6 =	vld.idx.msk [tilespmem:v10+s25+$0x0], $0xffff;
	v10 =	vor.u32 v48, v1  }
0x3de: {  	v3 =	vmul.f32 v11, v3;
	v11 =	vld.idx.msk [tilespmem:v12+s26+$0x0], $0xffff;
	v2 =	vadd.f32 v4, v2  }
0x3df: {  	v4 =	vld.idx.msk [tilespmem:v12+s25+$0x0], $0xffff;
	v12 =	vor.u32 v59, v1  }
0x3e0: {  	v5 =	vmul.f32 v7, v5;
	v7 =	vld.idx.msk [tilespmem:v8+s26+$0x0], $0xffff;
	v2 =	vadd.f32 v3, v2  }
0x3e1: {  	v3 =	vld.idx.msk [tilespmem:v8+s25+$0x0], $0xffff;
	v8 =	vor.u32 v61, v1  }
0x3e2: {  	v6 =	vmul.f32 v9, v6;
	v9 =	vld.idx.msk [tilespmem:v10+s26+$0x0], $0xffff;
	v2 =	vadd.f32 v5, v2  }
0x3e3: {  	v5 =	vld.idx.msk [tilespmem:v10+s25+$0x0], $0xffff;
	v10 =	vor.u32 v44, v1  }
0x3e4: {  	v4 =	vmul.f32 v11, v4;
	v11 =	vld.idx.msk [tilespmem:v12+s26+$0x0], $0xffff;
	v2 =	vadd.f32 v6, v2  }
0x3e5: {  	v6 =	vld.idx.msk [tilespmem:v12+s25+$0x0], $0xffff;
	v12 =	vor.u32 v45, v1  }
0x3e6: {  	v3 =	vmul.f32 v7, v3;
	v7 =	vld.idx.msk [tilespmem:v8+s26+$0x0], $0xffff;
	v2 =	vadd.f32 v4, v2  }
0x3e7: {  	v4 =	vld.idx.msk [tilespmem:v8+s25+$0x0], $0xffff;
	v8 =	vor.u32 v62, v1  }
0x3e8: {  	v5 =	vmul.f32 v9, v5;
	v9 =	vld.idx.msk [tilespmem:v10+s26+$0x0], $0xffff;
	v2 =	vadd.f32 v3, v2  }
0x3e9: {  	v3 =	vld.idx.msk [tilespmem:v10+s25+$0x0], $0xffff;
	v10 =	vor.u32 v50, v1  }
0x3ea: {  	v6 =	vmul.f32 v11, v6;
	v11 =	vld.idx.msk [tilespmem:v12+s26+$0x0], $0xffff;
	v2 =	vadd.f32 v5, v2  }
0x3eb: {  	v5 =	vld.idx.msk [tilespmem:v12+s25+$0x0], $0xffff;
	v12 =	vor.u32 v63, v1  }
0x3ec: {  	v4 =	vmul.f32 v7, v4;
	v7 =	vld.idx.msk [tilespmem:v8+s26+$0x0], $0xffff;
	v2 =	vadd.f32 v6, v2  }
0x3ed: {  	v6 =	vld.idx.msk [tilespmem:v8+s25+$0x0], $0xffff;
	v8 =	vor.u32 v46, v1  }
0x3ee: {  	v3 =	vmul.f32 v9, v3;
	v9 =	vld.idx.msk [tilespmem:v10+s26+$0x0], $0xffff;
	v2 =	vadd.f32 v4, v2  }
0x3ef: {  	v4 =	vld.idx.msk [tilespmem:v10+s25+$0x0], $0xffff;
	v10 =	vor.u32 v49, v1  }
0x3f0: {  	v5 =	vmul.f32 v11, v5;
	v11 =	vld.idx.msk [tilespmem:v12+s26+$0x0], $0xffff;
	v2 =	vadd.f32 v3, v2  }
0x3f1: {  	v3 =	vld.idx.msk [tilespmem:v12+s25+$0x0], $0xffff;
	v12 =	vor.u32 v60, v1  }
0x3f2: {  	v6 =	vmul.f32 v7, v6;
	v7 =	vld.idx.msk [tilespmem:v8+s26+$0x0], $0xffff;
	v2 =	vadd.f32 v5, v2  }
0x3f3: {  	v5 =	vld.idx.msk [tilespmem:v8+s25+$0x0], $0xffff;
	v8 =	vor.u32 v53, v1  }
0x3f4: {  	v4 =	vmul.f32 v9, v4;
	v9 =	vld.idx.msk [tilespmem:v10+s26+$0x0], $0xffff;
	v2 =	vadd.f32 v6, v2  }
0x3f5: {  	v6 =	vld.idx.msk [tilespmem:v10+s25+$0x0], $0xffff;
	v10 =	vor.u32 v54, v1  }
0x3f6: {  	v3 =	vmul.f32 v11, v3;
	v11 =	vld.idx.msk [tilespmem:v12+s26+$0x0], $0xffff;
	v2 =	vadd.f32 v4, v2  }
0x3f7: {  	v4 =	vld.idx.msk [tilespmem:v12+s25+$0x0], $0xffff;
	v12 =	vor.u32 v0, v1  }
0x3f8: {  	v5 =	vmul.f32 v7, v5;
	v7 =	vld.idx.msk [tilespmem:v8+s26+$0x0], $0xffff;
	v2 =	vadd.f32 v3, v2  }
0x3f9: {  	v3 =	vld.idx.msk [tilespmem:v8+s25+$0x0], $0xffff;
	v8 =	vor.u32 v55, v1  }
0x3fa: {  	v6 =	vmul.f32 v9, v6;
	v9 =	vld.idx.msk [tilespmem:v10+s26+$0x0], $0xffff;
	v2 =	vadd.f32 v5, v2  }
0x3fb: {  	v5 =	vld.idx.msk [tilespmem:v10+s25+$0x0], $0xffff;
	v10 =	vor.u32 v56, v1  }
0x3fc: {  	v4 =	vmul.f32 v11, v4;
	v11 =	vld.idx.msk [tilespmem:v12+s26+$0x0], $0xffff;
	v2 =	vadd.f32 v6, v2  }
0x3fd: {  	v6 =	vld.idx.msk [tilespmem:v12+s25+$0x0], $0xffff;
	v12 =	vor.u32 v57, v1  }
0x3fe: {  	v3 =	vmul.f32 v7, v3;
	v7 =	vld.idx.msk [tilespmem:v8+s26+$0x0], $0xffff;
	v2 =	vadd.f32 v4, v2  }
0x3ff: {  	v1 =	vor.u32 v58, v1;
	v4 =	vld.idx.msk [tilespmem:v8+s25+$0x0], $0xffff  }
0x400: {  	v8 =	vld.idx.msk [tilespmem:v10+s25+$0x0], $0xffff;
	v2 =	vadd.f32 v3, v2;
	v3 =	vmul.f32 v9, v5  }
0x401: {  	v5 =	vld.idx.msk [tilespmem:v10+s26+$0x0], $0xffff  }
0x402: {  	v9 =	vld.idx.msk [tilespmem:v12+s25+$0x0], $0xffff;
	v2 =	vadd.f32 v3, v2;
	v3 =	vmul.f32 v11, v6  }
0x403: {  	v6 =	vld.idx.msk [tilespmem:v12+s26+$0x0], $0xffff  }
0x404: {  	v10 =	vld.idx.msk [tilespmem:v1+s25+$0x0], $0xffff;
	v2 =	vadd.f32 v3, v2;
	v3 =	vmul.f32 v7, v4  }
0x405: {  	v4 =	vld.idx.msk [tilespmem:v1+s26+$0x0], $0xffff  }
0x406: {  	s22 =	simm.s32 $0x10;
	v1 =	vadd.f32 v3, v2;
	v2 =	vmul.f32 v5, v8  }
0x407: {  	v3 =	vmov s22  }
0x408: {  	v5 =	vmul.f32 v6, v9;
	v2 =	vadd.f32 v2, v1;
	v1 =	vshll.u32 v3, $0x6  }
0x409: {  	v1 =	vor.u32 v14, v1  }
0x40a: {  	v3 =	vmul.f32 v4, v10;
	v4 =	vlaneseq.u32;
	v2 =	vadd.f32 v5, v2  }
0x40b: {  	v4 =	vor.u32 v4, v1;
	v5 =	vld [tilespmem:$0x1FCF0]  }
0x40c: {  	v2 =	vadd.f32 v3, v2  }
0x40d: {  	s16 =	simm.s32 $0x8900;
	v12 =	vld [tilespmem:$0x1FD20]  }
0x40e: {  	s18 =	simm.s32 $0x8710;
	v10 =	vld [tilespmem:$0x1FD10];
	v3 =	vor.u32 v15, v1;
	[tilespmem:s16+$0x0] =	vst v2  }
0x40f: {  	v2 =	vld [tilespmem:s18+$0x0]  }
0x410: {  	v5 =	vor.u32 v5, v1;
	v6 =	vld.idx.msk [tilespmem:v4+s25+$0x0], $0xffff  }
0x411: {  	s20 =	simm.s32 $0x8510;
	v4 =	vld.idx.msk [tilespmem:v4+s26+$0x0], $0xffff  }
0x412: {  	v7 =	vor.u32 v13, v1;
	v8 =	vld [tilespmem:s20+$0x0]  }
0x413: {  	v9 =	vld.idx.msk [tilespmem:v3+s25+$0x0], $0xffff  }
0x414: {  	v3 =	vld.idx.msk [tilespmem:v3+s26+$0x0], $0xffff  }
0x415: {  	v10 =	vor.u32 v10, v1;
	v11 =	vld.idx.msk [tilespmem:v5+s25+$0x0], $0xffff  }
0x416: {  	v5 =	vld.idx.msk [tilespmem:v5+s26+$0x0], $0xffff  }
0x417: {  	v2 =	vadd.f32 v2, v8;
	v8 =	vld.idx.msk [tilespmem:v7+s25+$0x0], $0xffff  }
0x418: {  	v12 =	vor.u32 v12, v1;
	v4 =	vmul.f32 v4, v6;
	v6 =	vld.idx.msk [tilespmem:v7+s26+$0x0], $0xffff  }
0x419: {  	v7 =	vld [tilespmem:$0x1FD30]  }
0x41a: {  	v2 =	vadd.f32 v4, v2;
	v4 =	vld.idx.msk [tilespmem:v10+s25+$0x0], $0xffff  }
0x41b: {  	v3 =	vmul.f32 v3, v9;
	v9 =	vld.idx.msk [tilespmem:v10+s26+$0x0], $0xffff  }
0x41c: {  	v10 =	vld [tilespmem:$0x1FD40]  }
0x41d: {  	v2 =	vadd.f32 v3, v2;
	v3 =	vld.idx.msk [tilespmem:v12+s25+$0x0], $0xffff  }
0x41e: {  	v5 =	vmul.f32 v5, v11;
	v11 =	vld.idx.msk [tilespmem:v12+s26+$0x0], $0xffff  }
0x41f: {  	v7 =	vor.u32 v7, v1;
	v12 =	vld [tilespmem:$0x1FD50];
	_ =	sdelay $0x1  }
0x420: {  	v10 =	vor.u32 v10, v1;
	_ =	sdelay $0x1  }
0x421: {  	v6 =	vmul.f32 v6, v8;
	v8 =	vld [tilespmem:$0x1FD60]  }
0x422: {  	v2 =	vadd.f32 v5, v2;
	v12 =	vor.u32 v12, v1;
	v5 =	vld.idx.msk [tilespmem:v7+s25+$0x0], $0xffff  }
0x423: {  	v7 =	vld.idx.msk [tilespmem:v7+s26+$0x0], $0xffff  }
0x424: {  	v2 =	vadd.f32 v6, v2;
	v6 =	vld.idx.msk [tilespmem:v10+s25+$0x0], $0xffff  }
0x425: {  	v4 =	vmul.f32 v9, v4;
	v9 =	vld.idx.msk [tilespmem:v10+s26+$0x0], $0xffff  }
0x426: {  	v10 =	vld [tilespmem:$0x1FD70]  }
0x427: {  	v2 =	vadd.f32 v4, v2;
	v4 =	vld.idx.msk [tilespmem:v12+s25+$0x0], $0xffff  }
0x428: {  	v8 =	vor.u32 v8, v1;
	v3 =	vmul.f32 v11, v3;
	v11 =	vld.idx.msk [tilespmem:v12+s26+$0x0], $0xffff  }
0x429: {  	v12 =	vld [tilespmem:$0x1FD80];
	_ =	sdelay $0x1  }
0x42a: {  	v10 =	vor.u32 v10, v1;
	_ =	sdelay $0x1  }
0x42b: {  	v2 =	vadd.f32 v3, v2;
	v3 =	vld.idx.msk [tilespmem:v8+s25+$0x0], $0xffff  }
0x42c: {  	v5 =	vmul.f32 v7, v5;
	v7 =	vld.idx.msk [tilespmem:v8+s26+$0x0], $0xffff;
	v12 =	vor.u32 v12, v1  }
0x42d: {  	v8 =	vld [tilespmem:$0x1FD90]  }
0x42e: {  	v2 =	vadd.f32 v5, v2;
	v5 =	vld.idx.msk [tilespmem:v10+s25+$0x0], $0xffff  }
0x42f: {  	v6 =	vmul.f32 v9, v6;
	v9 =	vld.idx.msk [tilespmem:v10+s26+$0x0], $0xffff  }
0x430: {  	v10 =	vld [tilespmem:$0x1FDA0]  }
0x431: {  	v2 =	vadd.f32 v6, v2;
	v6 =	vld.idx.msk [tilespmem:v12+s25+$0x0], $0xffff  }
0x432: {  	v8 =	vor.u32 v8, v1;
	v4 =	vmul.f32 v11, v4;
	v11 =	vld.idx.msk [tilespmem:v12+s26+$0x0], $0xffff  }
0x433: {  	v12 =	vld [tilespmem:$0x1FDB0];
	_ =	sdelay $0x1  }
0x434: {  	v10 =	vor.u32 v10, v1;
	_ =	sdelay $0x1  }
0x435: {  	v2 =	vadd.f32 v4, v2;
	v4 =	vld.idx.msk [tilespmem:v8+s25+$0x0], $0xffff  }
0x436: {  	v3 =	vmul.f32 v7, v3;
	v7 =	vld.idx.msk [tilespmem:v8+s26+$0x0], $0xffff;
	v12 =	vor.u32 v12, v1  }
0x437: {  	v8 =	vld [tilespmem:$0x1FEC0]  }
0x438: {  	v2 =	vadd.f32 v3, v2;
	v3 =	vld.idx.msk [tilespmem:v10+s25+$0x0], $0xffff  }
0x439: {  	v5 =	vmul.f32 v9, v5;
	v9 =	vld.idx.msk [tilespmem:v10+s26+$0x0], $0xffff  }
0x43a: {  	v10 =	vld [tilespmem:$0x1FEB0]  }
0x43b: {  	v2 =	vadd.f32 v5, v2;
	v5 =	vld.idx.msk [tilespmem:v12+s25+$0x0], $0xffff  }
0x43c: {  	v8 =	vor.u32 v8, v1;
	v6 =	vmul.f32 v11, v6;
	v11 =	vld.idx.msk [tilespmem:v12+s26+$0x0], $0xffff  }
0x43d: {  	v12 =	vld [tilespmem:$0x1FED0];
	_ =	sdelay $0x1  }
0x43e: {  	v10 =	vor.u32 v10, v1;
	_ =	sdelay $0x1  }
0x43f: {  	v2 =	vadd.f32 v6, v2;
	v6 =	vld.idx.msk [tilespmem:v8+s25+$0x0], $0xffff  }
0x440: {  	v4 =	vmul.f32 v7, v4;
	v7 =	vld.idx.msk [tilespmem:v8+s26+$0x0], $0xffff;
	v12 =	vor.u32 v12, v1  }
0x441: {  	v8 =	vld [tilespmem:$0x1FEE0]  }
0x442: {  	v2 =	vadd.f32 v4, v2;
	v4 =	vld.idx.msk [tilespmem:v10+s25+$0x0], $0xffff  }
0x443: {  	v3 =	vmul.f32 v9, v3;
	v9 =	vld.idx.msk [tilespmem:v10+s26+$0x0], $0xffff  }
0x444: {  	v10 =	vld [tilespmem:$0x1FF00]  }
0x445: {  	v2 =	vadd.f32 v3, v2;
	v3 =	vld.idx.msk [tilespmem:v12+s25+$0x0], $0xffff  }
0x446: {  	v8 =	vor.u32 v8, v1;
	v5 =	vmul.f32 v11, v5;
	v11 =	vld.idx.msk [tilespmem:v12+s26+$0x0], $0xffff  }
0x447: {  	v12 =	vld [tilespmem:$0x1FEF0];
	_ =	sdelay $0x1  }
0x448: {  	v10 =	vor.u32 v10, v1;
	_ =	sdelay $0x1  }
0x449: {  	v2 =	vadd.f32 v5, v2;
	v5 =	vld.idx.msk [tilespmem:v8+s25+$0x0], $0xffff  }
0x44a: {  	v6 =	vmul.f32 v7, v6;
	v7 =	vld.idx.msk [tilespmem:v8+s26+$0x0], $0xffff;
	v12 =	vor.u32 v12, v1  }
0x44b: {  	v8 =	vld [tilespmem:$0x1FF10]  }
0x44c: {  	v2 =	vadd.f32 v6, v2;
	v6 =	vld.idx.msk [tilespmem:v10+s25+$0x0], $0xffff  }
0x44d: {  	v4 =	vmul.f32 v9, v4;
	v9 =	vld.idx.msk [tilespmem:v10+s26+$0x0], $0xffff  }
0x44e: {  	v10 =	vld [tilespmem:$0x1FF20]  }
0x44f: {  	v2 =	vadd.f32 v4, v2;
	v4 =	vld.idx.msk [tilespmem:v12+s25+$0x0], $0xffff  }
0x450: {  	v8 =	vor.u32 v8, v1;
	v3 =	vmul.f32 v11, v3;
	v11 =	vld.idx.msk [tilespmem:v12+s26+$0x0], $0xffff  }
0x451: {  	v12 =	vld [tilespmem:$0x1FF40];
	_ =	sdelay $0x1  }
0x452: {  	v10 =	vor.u32 v10, v1;
	_ =	sdelay $0x1  }
0x453: {  	v2 =	vadd.f32 v3, v2;
	v3 =	vld.idx.msk [tilespmem:v8+s25+$0x0], $0xffff  }
0x454: {  	v5 =	vmul.f32 v7, v5;
	v7 =	vld.idx.msk [tilespmem:v8+s26+$0x0], $0xffff;
	v12 =	vor.u32 v12, v1  }
0x455: {  	v8 =	vld [tilespmem:$0x1FF30]  }
0x456: {  	v2 =	vadd.f32 v5, v2;
	v5 =	vld.idx.msk [tilespmem:v10+s25+$0x0], $0xffff  }
0x457: {  	v6 =	vmul.f32 v9, v6;
	v9 =	vld.idx.msk [tilespmem:v10+s26+$0x0], $0xffff  }
0x458: {  	v10 =	vld [tilespmem:$0x1FF50]  }
0x459: {  	v2 =	vadd.f32 v6, v2;
	v6 =	vld.idx.msk [tilespmem:v12+s25+$0x0], $0xffff  }
0x45a: {  	v8 =	vor.u32 v8, v1;
	v4 =	vmul.f32 v11, v4;
	v11 =	vld.idx.msk [tilespmem:v12+s26+$0x0], $0xffff  }
0x45b: {  	v12 =	vld [tilespmem:$0x1FF60];
	_ =	sdelay $0x1  }
0x45c: {  	v10 =	vor.u32 v10, v1;
	_ =	sdelay $0x1  }
0x45d: {  	v2 =	vadd.f32 v4, v2;
	v4 =	vld.idx.msk [tilespmem:v8+s25+$0x0], $0xffff  }
0x45e: {  	v3 =	vmul.f32 v7, v3;
	v7 =	vld.idx.msk [tilespmem:v8+s26+$0x0], $0xffff;
	v12 =	vor.u32 v12, v1  }
0x45f: {  	v8 =	vld [tilespmem:$0x1FF80]  }
0x460: {  	v2 =	vadd.f32 v3, v2;
	v3 =	vld.idx.msk [tilespmem:v10+s25+$0x0], $0xffff  }
0x461: {  	v5 =	vmul.f32 v9, v5;
	v9 =	vld.idx.msk [tilespmem:v10+s26+$0x0], $0xffff  }
0x462: {  	v10 =	vld [tilespmem:$0x1FF70]  }
0x463: {  	v2 =	vadd.f32 v5, v2;
	v5 =	vld.idx.msk [tilespmem:v12+s25+$0x0], $0xffff  }
0x464: {  	v8 =	vor.u32 v8, v1;
	v6 =	vmul.f32 v11, v6;
	v11 =	vld.idx.msk [tilespmem:v12+s26+$0x0], $0xffff  }
0x465: {  	v12 =	vld [tilespmem:$0x1FF90];
	_ =	sdelay $0x1  }
0x466: {  	v10 =	vor.u32 v10, v1;
	_ =	sdelay $0x1  }
0x467: {  	v2 =	vadd.f32 v6, v2;
	v6 =	vld.idx.msk [tilespmem:v8+s25+$0x0], $0xffff  }
0x468: {  	v4 =	vmul.f32 v7, v4;
	v7 =	vld.idx.msk [tilespmem:v8+s26+$0x0], $0xffff;
	v12 =	vor.u32 v12, v1  }
0x469: {  	v8 =	vld [tilespmem:$0x1FFA0]  }
0x46a: {  	v2 =	vadd.f32 v4, v2;
	v4 =	vld.idx.msk [tilespmem:v10+s25+$0x0], $0xffff  }
0x46b: {  	v3 =	vmul.f32 v9, v3;
	v9 =	vld.idx.msk [tilespmem:v10+s26+$0x0], $0xffff  }
0x46c: {  	v10 =	vld [tilespmem:$0x1FFC0]  }
0x46d: {  	v2 =	vadd.f32 v3, v2;
	v3 =	vld.idx.msk [tilespmem:v12+s25+$0x0], $0xffff  }
0x46e: {  	v8 =	vor.u32 v8, v1;
	v5 =	vmul.f32 v11, v5;
	v11 =	vld.idx.msk [tilespmem:v12+s26+$0x0], $0xffff  }
0x46f: {  	v12 =	vld [tilespmem:$0x1FFB0];
	_ =	sdelay $0x1  }
0x470: {  	v10 =	vor.u32 v10, v1;
	_ =	sdelay $0x1  }
0x471: {  	v2 =	vadd.f32 v5, v2;
	v5 =	vld.idx.msk [tilespmem:v8+s25+$0x0], $0xffff  }
0x472: {  	v6 =	vmul.f32 v7, v6;
	v7 =	vld.idx.msk [tilespmem:v8+s26+$0x0], $0xffff;
	v12 =	vor.u32 v12, v1  }
0x473: {  	v8 =	vld [tilespmem:$0x1FFD0]  }
0x474: {  	v2 =	vadd.f32 v6, v2;
	v6 =	vld.idx.msk [tilespmem:v10+s25+$0x0], $0xffff  }
0x475: {  	v4 =	vmul.f32 v9, v4;
	v9 =	vld.idx.msk [tilespmem:v10+s26+$0x0], $0xffff  }
0x476: {  	v10 =	vld [tilespmem:$0x1FFE0]  }
0x477: {  	v2 =	vadd.f32 v4, v2;
	v4 =	vld.idx.msk [tilespmem:v12+s25+$0x0], $0xffff  }
0x478: {  	v3 =	vmul.f32 v11, v3;
	v11 =	vld.idx.msk [tilespmem:v12+s26+$0x0], $0xffff  }
0x479: {  	v12 =	vld [tilespmem:$0x1FFF0]  }
0x47a: {  	v8 =	vor.u32 v8, v1;
	_ =	sdelay $0x1  }
0x47b: {  	v10 =	vor.u32 v10, v1;
	_ =	sdelay $0x1  }
0x47c: {  	v12 =	vor.u32 v12, v1  }
0x47d: {  	v5 =	vmul.f32 v7, v5;
	v2 =	vadd.f32 v3, v2;
	v3 =	vld.idx.msk [tilespmem:v8+s25+$0x0], $0xffff  }
0x47e: {  	v7 =	vld.idx.msk [tilespmem:v8+s26+$0x0], $0xffff;
	v8 =	vor.u32 v39, v1  }
0x47f: {  	v2 =	vadd.f32 v5, v2;
	v6 =	vmul.f32 v9, v6;
	v5 =	vld.idx.msk [tilespmem:v10+s25+$0x0], $0xffff  }
0x480: {  	v9 =	vld.idx.msk [tilespmem:v10+s26+$0x0], $0xffff;
	v10 =	vor.u32 v42, v1  }
0x481: {  	v2 =	vadd.f32 v6, v2;
	v4 =	vmul.f32 v11, v4;
	v6 =	vld.idx.msk [tilespmem:v12+s25+$0x0], $0xffff  }
0x482: {  	v11 =	vld.idx.msk [tilespmem:v12+s26+$0x0], $0xffff;
	v12 =	vor.u32 v43, v1  }
0x483: {  	v3 =	vmul.f32 v7, v3;
	v7 =	vld.idx.msk [tilespmem:v8+s26+$0x0], $0xffff;
	v2 =	vadd.f32 v4, v2  }
0x484: {  	v4 =	vld.idx.msk [tilespmem:v8+s25+$0x0], $0xffff;
	v8 =	vor.u32 v51, v1  }
0x485: {  	v2 =	vadd.f32 v3, v2;
	v3 =	vld.idx.msk [tilespmem:v10+s25+$0x0], $0xffff;
	v5 =	vmul.f32 v9, v5  }
0x486: {  	v9 =	vld.idx.msk [tilespmem:v10+s26+$0x0], $0xffff;
	v10 =	vor.u32 v52, v1  }
0x487: {  	v2 =	vadd.f32 v5, v2;
	v5 =	vld.idx.msk [tilespmem:v12+s25+$0x0], $0xffff;
	v6 =	vmul.f32 v11, v6  }
0x488: {  	v11 =	vld.idx.msk [tilespmem:v12+s26+$0x0], $0xffff;
	v12 =	vor.u32 v37, v1  }
0x489: {  	v4 =	vmul.f32 v7, v4;
	v7 =	vld.idx.msk [tilespmem:v8+s26+$0x0], $0xffff;
	v2 =	vadd.f32 v6, v2  }
0x48a: {  	v6 =	vld.idx.msk [tilespmem:v8+s25+$0x0], $0xffff;
	v8 =	vor.u32 v38, v1  }
0x48b: {  	v3 =	vmul.f32 v9, v3;
	v9 =	vld.idx.msk [tilespmem:v10+s26+$0x0], $0xffff;
	v2 =	vadd.f32 v4, v2  }
0x48c: {  	v4 =	vld.idx.msk [tilespmem:v10+s25+$0x0], $0xffff;
	v10 =	vor.u32 v40, v1  }
0x48d: {  	v5 =	vmul.f32 v11, v5;
	v11 =	vld.idx.msk [tilespmem:v12+s26+$0x0], $0xffff;
	v2 =	vadd.f32 v3, v2  }
0x48e: {  	v3 =	vld.idx.msk [tilespmem:v12+s25+$0x0], $0xffff;
	v12 =	vor.u32 v41, v1  }
0x48f: {  	v6 =	vmul.f32 v7, v6;
	v7 =	vld.idx.msk [tilespmem:v8+s26+$0x0], $0xffff;
	v2 =	vadd.f32 v5, v2  }
0x490: {  	v5 =	vld.idx.msk [tilespmem:v8+s25+$0x0], $0xffff;
	v8 =	vor.u32 v47, v1  }
0x491: {  	v4 =	vmul.f32 v9, v4;
	v9 =	vld.idx.msk [tilespmem:v10+s26+$0x0], $0xffff;
	v2 =	vadd.f32 v6, v2  }
0x492: {  	v6 =	vld.idx.msk [tilespmem:v10+s25+$0x0], $0xffff;
	v10 =	vor.u32 v48, v1  }
0x493: {  	v3 =	vmul.f32 v11, v3;
	v11 =	vld.idx.msk [tilespmem:v12+s26+$0x0], $0xffff;
	v2 =	vadd.f32 v4, v2  }
0x494: {  	v4 =	vld.idx.msk [tilespmem:v12+s25+$0x0], $0xffff;
	v12 =	vor.u32 v59, v1  }
0x495: {  	v5 =	vmul.f32 v7, v5;
	v7 =	vld.idx.msk [tilespmem:v8+s26+$0x0], $0xffff;
	v2 =	vadd.f32 v3, v2  }
0x496: {  	v3 =	vld.idx.msk [tilespmem:v8+s25+$0x0], $0xffff;
	v8 =	vor.u32 v61, v1  }
0x497: {  	v6 =	vmul.f32 v9, v6;
	v9 =	vld.idx.msk [tilespmem:v10+s26+$0x0], $0xffff;
	v2 =	vadd.f32 v5, v2  }
0x498: {  	v5 =	vld.idx.msk [tilespmem:v10+s25+$0x0], $0xffff;
	v10 =	vor.u32 v44, v1  }
0x499: {  	v4 =	vmul.f32 v11, v4;
	v11 =	vld.idx.msk [tilespmem:v12+s26+$0x0], $0xffff;
	v2 =	vadd.f32 v6, v2  }
0x49a: {  	v6 =	vld.idx.msk [tilespmem:v12+s25+$0x0], $0xffff;
	v12 =	vor.u32 v45, v1  }
0x49b: {  	v3 =	vmul.f32 v7, v3;
	v7 =	vld.idx.msk [tilespmem:v8+s26+$0x0], $0xffff;
	v2 =	vadd.f32 v4, v2  }
0x49c: {  	v4 =	vld.idx.msk [tilespmem:v8+s25+$0x0], $0xffff;
	v8 =	vor.u32 v62, v1  }
0x49d: {  	v5 =	vmul.f32 v9, v5;
	v9 =	vld.idx.msk [tilespmem:v10+s26+$0x0], $0xffff;
	v2 =	vadd.f32 v3, v2  }
0x49e: {  	v3 =	vld.idx.msk [tilespmem:v10+s25+$0x0], $0xffff;
	v10 =	vor.u32 v50, v1  }
0x49f: {  	v6 =	vmul.f32 v11, v6;
	v11 =	vld.idx.msk [tilespmem:v12+s26+$0x0], $0xffff;
	v2 =	vadd.f32 v5, v2  }
0x4a0: {  	v5 =	vld.idx.msk [tilespmem:v12+s25+$0x0], $0xffff;
	v12 =	vor.u32 v63, v1  }
0x4a1: {  	v4 =	vmul.f32 v7, v4;
	v7 =	vld.idx.msk [tilespmem:v8+s26+$0x0], $0xffff;
	v2 =	vadd.f32 v6, v2  }
0x4a2: {  	v6 =	vld.idx.msk [tilespmem:v8+s25+$0x0], $0xffff;
	v8 =	vor.u32 v46, v1  }
0x4a3: {  	v3 =	vmul.f32 v9, v3;
	v9 =	vld.idx.msk [tilespmem:v10+s26+$0x0], $0xffff;
	v2 =	vadd.f32 v4, v2  }
0x4a4: {  	v4 =	vld.idx.msk [tilespmem:v10+s25+$0x0], $0xffff;
	v10 =	vor.u32 v49, v1  }
0x4a5: {  	v5 =	vmul.f32 v11, v5;
	v11 =	vld.idx.msk [tilespmem:v12+s26+$0x0], $0xffff;
	v2 =	vadd.f32 v3, v2  }
0x4a6: {  	v3 =	vld.idx.msk [tilespmem:v12+s25+$0x0], $0xffff;
	v12 =	vor.u32 v60, v1  }
0x4a7: {  	v6 =	vmul.f32 v7, v6;
	v7 =	vld.idx.msk [tilespmem:v8+s26+$0x0], $0xffff;
	v2 =	vadd.f32 v5, v2  }
0x4a8: {  	v5 =	vld.idx.msk [tilespmem:v8+s25+$0x0], $0xffff;
	v8 =	vor.u32 v53, v1  }
0x4a9: {  	v4 =	vmul.f32 v9, v4;
	v9 =	vld.idx.msk [tilespmem:v10+s26+$0x0], $0xffff;
	v2 =	vadd.f32 v6, v2  }
0x4aa: {  	v6 =	vld.idx.msk [tilespmem:v10+s25+$0x0], $0xffff;
	v10 =	vor.u32 v54, v1  }
0x4ab: {  	v3 =	vmul.f32 v11, v3;
	v11 =	vld.idx.msk [tilespmem:v12+s26+$0x0], $0xffff;
	v2 =	vadd.f32 v4, v2  }
0x4ac: {  	v4 =	vld.idx.msk [tilespmem:v12+s25+$0x0], $0xffff;
	v12 =	vor.u32 v0, v1  }
0x4ad: {  	v5 =	vmul.f32 v7, v5;
	v7 =	vld.idx.msk [tilespmem:v8+s26+$0x0], $0xffff;
	v2 =	vadd.f32 v3, v2  }
0x4ae: {  	v3 =	vld.idx.msk [tilespmem:v8+s25+$0x0], $0xffff;
	v8 =	vor.u32 v55, v1  }
0x4af: {  	v6 =	vmul.f32 v9, v6;
	v9 =	vld.idx.msk [tilespmem:v10+s26+$0x0], $0xffff;
	v2 =	vadd.f32 v5, v2  }
0x4b0: {  	v5 =	vld.idx.msk [tilespmem:v10+s25+$0x0], $0xffff;
	v10 =	vor.u32 v56, v1  }
0x4b1: {  	v4 =	vmul.f32 v11, v4;
	v11 =	vld.idx.msk [tilespmem:v12+s26+$0x0], $0xffff;
	v2 =	vadd.f32 v6, v2  }
0x4b2: {  	v6 =	vld.idx.msk [tilespmem:v12+s25+$0x0], $0xffff;
	v12 =	vor.u32 v57, v1  }
0x4b3: {  	v3 =	vmul.f32 v7, v3;
	v7 =	vld.idx.msk [tilespmem:v8+s26+$0x0], $0xffff;
	v2 =	vadd.f32 v4, v2  }
0x4b4: {  	v1 =	vor.u32 v58, v1;
	v4 =	vld.idx.msk [tilespmem:v8+s25+$0x0], $0xffff  }
0x4b5: {  	v8 =	vld.idx.msk [tilespmem:v10+s26+$0x0], $0xffff;
	v2 =	vadd.f32 v3, v2;
	v3 =	vmul.f32 v9, v5  }
0x4b6: {  	v5 =	vld.idx.msk [tilespmem:v10+s25+$0x0], $0xffff  }
0x4b7: {  	v9 =	vld.idx.msk [tilespmem:v12+s26+$0x0], $0xffff;
	v2 =	vadd.f32 v3, v2;
	v3 =	vmul.f32 v11, v6  }
0x4b8: {  	v6 =	vld.idx.msk [tilespmem:v12+s25+$0x0], $0xffff  }
0x4b9: {  	v2 =	vadd.f32 v3, v2;
	v3 =	vmul.f32 v7, v4;
	v4 =	vld.idx.msk [tilespmem:v1+s25+$0x0], $0xffff  }
0x4ba: {  	v7 =	vld.idx.msk [tilespmem:v1+s26+$0x0], $0xffff  }
0x4bb: {  	s22 =	simm.s32 $0x20;
	v1 =	vadd.f32 v3, v2;
	v2 =	vmul.f32 v8, v5  }
0x4bc: {  	v3 =	vmov s22  }
0x4bd: {  	v5 =	vmul.f32 v9, v6;
	v2 =	vadd.f32 v2, v1;
	v1 =	vshll.u32 v3, $0x6  }
0x4be: {  	v1 =	vor.u32 v14, v1  }
0x4bf: {  	s22 =	simm.s32 $0x30;
	v4 =	vmul.f32 v7, v4;
	v3 =	vadd.f32 v5, v2;
	v2 =	vor.u32 v15, v1  }
.LBB2_4:
0x4c0: {  	v5 =	vlaneseq.u32  }
0x4c1: {  	v8 =	vld [tilespmem:$0x1FD00];
	v5 =	vor.u32 v5, v1  }
0x4c2: {  	v6 =	vld [tilespmem:$0x1FCF0];
	v3 =	vadd.f32 v4, v3  }
0x4c3: {  	s16 =	sadd.s32 $0x10, s16;
	v10 =	vld [tilespmem:$0x1FD10]  }
0x4c4: {  	v12 =	vld [tilespmem:$0x1FD20];
	[tilespmem:s16+$0x0] =	vst v3  }
0x4c5: {  	v3 =	vld.idx.msk [tilespmem:v2+s25+$0x0], $0xffff  }
0x4c6: {  	v8 =	vor.u32 v8, v1;
	v7 =	vld.idx.msk [tilespmem:v5+s25+$0x0], $0xffff  }
0x4c7: {  	s18 =	sadd.s32 $0x10, s18;
	v5 =	vld.idx.msk [tilespmem:v5+s26+$0x0], $0xffff  }
0x4c8: {  	s20 =	sadd.s32 $0x10, s20;
	v4 =	vld [tilespmem:s18+$0x0]  }
0x4c9: {  	v9 =	vld [tilespmem:s20+$0x0];
	v6 =	vor.u32 v6, v1  }
0x4ca: {  	v2 =	vld.idx.msk [tilespmem:v2+s26+$0x0], $0xffff  }
0x4cb: {  	v13 =	vld.idx.msk [tilespmem:v8+s25+$0x0], $0xffff  }
0x4cc: {  	v5 =	vmul.f32 v5, v7;
	v7 =	vld.idx.msk [tilespmem:v8+s26+$0x0], $0xffff  }
0x4cd: {  	v10 =	vor.u32 v10, v1;
	v8 =	vld [tilespmem:$0x1FD30]  }
0x4ce: {  	v4 =	vadd.f32 v4, v9;
	v11 =	vld.idx.msk [tilespmem:v6+s25+$0x0], $0xffff  }
0x4cf: {  	v12 =	vor.u32 v12, v1;
	v6 =	vld.idx.msk [tilespmem:v6+s26+$0x0], $0xffff  }
0x4d0: {  	v4 =	vadd.f32 v5, v4;
	v5 =	vld [tilespmem:$0x1FD40];
	_ =	sdelay $0x1  }
0x4d1: {  	v9 =	vld.idx.msk [tilespmem:v10+s25+$0x0], $0xffff;
	v8 =	vor.u32 v8, v1  }
0x4d2: {  	v2 =	vmul.f32 v2, v3;
	v3 =	vld.idx.msk [tilespmem:v10+s26+$0x0], $0xffff  }
0x4d3: {  	v10 =	vld.idx.msk [tilespmem:v12+s25+$0x0], $0xffff  }
0x4d4: {  	v2 =	vadd.f32 v2, v4;
	v4 =	vmul.f32 v6, v11;
	v6 =	vld.idx.msk [tilespmem:v12+s26+$0x0], $0xffff;
	v5 =	vor.u32 v5, v1  }
0x4d5: {  	v11 =	vld [tilespmem:$0x1FD50]  }
0x4d6: {  	v12 =	vld.idx.msk [tilespmem:v8+s25+$0x0], $0xffff  }
0x4d7: {  	v2 =	vadd.f32 v4, v2;
	v4 =	vmul.f32 v7, v13;
	v7 =	vld.idx.msk [tilespmem:v8+s26+$0x0], $0xffff  }
0x4d8: {  	v8 =	vld [tilespmem:$0x1FD60]  }
0x4d9: {  	v13 =	vld.idx.msk [tilespmem:v5+s25+$0x0], $0xffff  }
0x4da: {  	v2 =	vadd.f32 v4, v2;
	v4 =	vld.idx.msk [tilespmem:v5+s26+$0x0], $0xffff  }
0x4db: {  	v11 =	vor.u32 v11, v1;
	v5 =	vld [tilespmem:$0x1FD70];
	_ =	sdelay $0x1  }
0x4dc: {  	v3 =	vmul.f32 v3, v9;
	v8 =	vor.u32 v8, v1;
	_ =	sdelay $0x1  }
0x4dd: {  	v2 =	vadd.f32 v3, v2;
	v3 =	vmul.f32 v6, v10;
	v10 =	vld [tilespmem:$0x1FD80]  }
0x4de: {  	v9 =	vld.idx.msk [tilespmem:v11+s25+$0x0], $0xffff;
	v5 =	vor.u32 v5, v1  }
0x4df: {  	v6 =	vld.idx.msk [tilespmem:v11+s26+$0x0], $0xffff  }
0x4e0: {  	v11 =	vld.idx.msk [tilespmem:v8+s25+$0x0], $0xffff  }
0x4e1: {  	v2 =	vadd.f32 v3, v2;
	v3 =	vmul.f32 v7, v12;
	v7 =	vld.idx.msk [tilespmem:v8+s26+$0x0], $0xffff  }
0x4e2: {  	v8 =	vld [tilespmem:$0x1FD90]  }
0x4e3: {  	v12 =	vld.idx.msk [tilespmem:v5+s25+$0x0], $0xffff  }
0x4e4: {  	v2 =	vadd.f32 v3, v2;
	v3 =	vmul.f32 v4, v13;
	v4 =	vld.idx.msk [tilespmem:v5+s26+$0x0], $0xffff  }
0x4e5: {  	v5 =	vld [tilespmem:$0x1FDA0]  }
0x4e6: {  	v10 =	vor.u32 v10, v1  }
0x4e7: {  	v2 =	vadd.f32 v3, v2;
	v3 =	vmul.f32 v6, v9;
	v9 =	vld [tilespmem:$0x1FDB0]  }
0x4e8: {  	v8 =	vor.u32 v8, v1;
	_ =	sdelay $0x1  }
0x4e9: {  	v5 =	vor.u32 v5, v1  }
0x4ea: {  	v13 =	vld.idx.msk [tilespmem:v10+s25+$0x0], $0xffff  }
0x4eb: {  	v6 =	vld.idx.msk [tilespmem:v10+s26+$0x0], $0xffff;
	v9 =	vor.u32 v9, v1  }
0x4ec: {  	v2 =	vadd.f32 v3, v2;
	v3 =	vmul.f32 v7, v11;
	v10 =	vld.idx.msk [tilespmem:v8+s25+$0x0], $0xffff  }
0x4ed: {  	v7 =	vld.idx.msk [tilespmem:v8+s26+$0x0], $0xffff;
	v8 =	vor.u32 v29, v1  }
0x4ee: {  	v2 =	vadd.f32 v3, v2;
	v3 =	vmul.f32 v4, v12;
	v11 =	vld.idx.msk [tilespmem:v5+s25+$0x0], $0xffff  }
0x4ef: {  	v4 =	vld.idx.msk [tilespmem:v5+s26+$0x0], $0xffff;
	v5 =	vor.u32 v30, v1  }
0x4f0: {  	v12 =	vld.idx.msk [tilespmem:v9+s25+$0x0], $0xffff;
	v2 =	vadd.f32 v3, v2;
	v3 =	vmul.f32 v6, v13  }
0x4f1: {  	v6 =	vld.idx.msk [tilespmem:v9+s26+$0x0], $0xffff;
	v9 =	vor.u32 v16, v1  }
0x4f2: {  	v2 =	vadd.f32 v3, v2;
	v13 =	vld.idx.msk [tilespmem:v8+s25+$0x0], $0xffff;
	v3 =	vmul.f32 v7, v10  }
0x4f3: {  	v7 =	vld.idx.msk [tilespmem:v8+s26+$0x0], $0xffff;
	v8 =	vor.u32 v31, v1  }
0x4f4: {  	v10 =	vld.idx.msk [tilespmem:v5+s25+$0x0], $0xffff;
	v2 =	vadd.f32 v3, v2;
	v3 =	vmul.f32 v4, v11  }
0x4f5: {  	v4 =	vld.idx.msk [tilespmem:v5+s26+$0x0], $0xffff;
	v5 =	vor.u32 v17, v1  }
0x4f6: {  	v11 =	vld.idx.msk [tilespmem:v9+s25+$0x0], $0xffff;
	v2 =	vadd.f32 v3, v2;
	v3 =	vmul.f32 v6, v12  }
0x4f7: {  	v6 =	vld.idx.msk [tilespmem:v9+s26+$0x0], $0xffff;
	v9 =	vor.u32 v32, v1  }
0x4f8: {  	v12 =	vld.idx.msk [tilespmem:v8+s25+$0x0], $0xffff;
	v2 =	vadd.f32 v3, v2;
	v3 =	vmul.f32 v7, v13  }
0x4f9: {  	v7 =	vld.idx.msk [tilespmem:v8+s26+$0x0], $0xffff;
	v8 =	vor.u32 v18, v1  }
0x4fa: {  	v13 =	vld.idx.msk [tilespmem:v5+s25+$0x0], $0xffff;
	v2 =	vadd.f32 v3, v2;
	v3 =	vmul.f32 v4, v10  }
0x4fb: {  	v4 =	vld.idx.msk [tilespmem:v5+s26+$0x0], $0xffff;
	v5 =	vor.u32 v33, v1  }
0x4fc: {  	v10 =	vld.idx.msk [tilespmem:v9+s25+$0x0], $0xffff;
	v2 =	vadd.f32 v3, v2;
	v3 =	vmul.f32 v6, v11  }
0x4fd: {  	v6 =	vld.idx.msk [tilespmem:v9+s26+$0x0], $0xffff;
	v9 =	vor.u32 v19, v1  }
0x4fe: {  	v11 =	vld.idx.msk [tilespmem:v8+s25+$0x0], $0xffff;
	v2 =	vadd.f32 v3, v2;
	v3 =	vmul.f32 v7, v12  }
0x4ff: {  	v7 =	vld.idx.msk [tilespmem:v8+s26+$0x0], $0xffff;
	v8 =	vor.u32 v34, v1  }
0x500: {  	v12 =	vld.idx.msk [tilespmem:v5+s25+$0x0], $0xffff;
	v2 =	vadd.f32 v3, v2;
	v3 =	vmul.f32 v4, v13  }
0x501: {  	v4 =	vld.idx.msk [tilespmem:v5+s26+$0x0], $0xffff;
	v5 =	vor.u32 v20, v1  }
0x502: {  	v13 =	vld.idx.msk [tilespmem:v9+s25+$0x0], $0xffff;
	v2 =	vadd.f32 v3, v2;
	v3 =	vmul.f32 v6, v10  }
0x503: {  	v6 =	vld.idx.msk [tilespmem:v9+s26+$0x0], $0xffff;
	v9 =	vor.u32 v21, v1  }
0x504: {  	v10 =	vld.idx.msk [tilespmem:v8+s25+$0x0], $0xffff;
	v2 =	vadd.f32 v3, v2;
	v3 =	vmul.f32 v7, v11  }
0x505: {  	v7 =	vld.idx.msk [tilespmem:v8+s26+$0x0], $0xffff;
	v8 =	vor.u32 v35, v1  }
0x506: {  	v11 =	vld.idx.msk [tilespmem:v5+s25+$0x0], $0xffff;
	v2 =	vadd.f32 v3, v2;
	v3 =	vmul.f32 v4, v12  }
0x507: {  	v4 =	vld.idx.msk [tilespmem:v5+s26+$0x0], $0xffff;
	v5 =	vor.u32 v22, v1  }
0x508: {  	v12 =	vld.idx.msk [tilespmem:v9+s25+$0x0], $0xffff;
	v2 =	vadd.f32 v3, v2;
	v3 =	vmul.f32 v6, v13  }
0x509: {  	v6 =	vld.idx.msk [tilespmem:v9+s26+$0x0], $0xffff;
	v9 =	vor.u32 v36, v1  }
0x50a: {  	v13 =	vld.idx.msk [tilespmem:v8+s25+$0x0], $0xffff;
	v2 =	vadd.f32 v3, v2;
	v3 =	vmul.f32 v7, v10  }
0x50b: {  	v7 =	vld.idx.msk [tilespmem:v8+s26+$0x0], $0xffff;
	v8 =	vor.u32 v23, v1  }
0x50c: {  	v10 =	vld.idx.msk [tilespmem:v5+s25+$0x0], $0xffff;
	v2 =	vadd.f32 v3, v2;
	v3 =	vmul.f32 v4, v11  }
0x50d: {  	v4 =	vld.idx.msk [tilespmem:v5+s26+$0x0], $0xffff;
	v5 =	vor.u32 v24, v1  }
0x50e: {  	v11 =	vld.idx.msk [tilespmem:v9+s25+$0x0], $0xffff;
	v2 =	vadd.f32 v3, v2;
	v3 =	vmul.f32 v6, v12  }
0x50f: {  	v6 =	vld.idx.msk [tilespmem:v9+s26+$0x0], $0xffff;
	v9 =	vor.u32 v25, v1  }
0x510: {  	v12 =	vld.idx.msk [tilespmem:v8+s25+$0x0], $0xffff;
	v2 =	vadd.f32 v3, v2;
	v3 =	vmul.f32 v7, v13  }
0x511: {  	v7 =	vld.idx.msk [tilespmem:v8+s26+$0x0], $0xffff;
	v8 =	vor.u32 v26, v1  }
0x512: {  	v13 =	vld.idx.msk [tilespmem:v5+s25+$0x0], $0xffff;
	v2 =	vadd.f32 v3, v2;
	v3 =	vmul.f32 v4, v10  }
0x513: {  	v4 =	vld.idx.msk [tilespmem:v5+s26+$0x0], $0xffff;
	v5 =	vor.u32 v27, v1  }
0x514: {  	v10 =	vld.idx.msk [tilespmem:v9+s25+$0x0], $0xffff;
	v2 =	vadd.f32 v3, v2;
	v3 =	vmul.f32 v6, v11  }
0x515: {  	v6 =	vld.idx.msk [tilespmem:v9+s26+$0x0], $0xffff;
	v9 =	vor.u32 v28, v1  }
0x516: {  	v11 =	vld.idx.msk [tilespmem:v8+s25+$0x0], $0xffff;
	v2 =	vadd.f32 v3, v2;
	v3 =	vmul.f32 v7, v12  }
0x517: {  	v7 =	vld.idx.msk [tilespmem:v8+s26+$0x0], $0xffff;
	v8 =	vor.u32 v39, v1  }
0x518: {  	v12 =	vld.idx.msk [tilespmem:v5+s25+$0x0], $0xffff;
	v2 =	vadd.f32 v3, v2;
	v3 =	vmul.f32 v4, v13  }
0x519: {  	v4 =	vld.idx.msk [tilespmem:v5+s26+$0x0], $0xffff;
	v5 =	vor.u32 v42, v1  }
0x51a: {  	v13 =	vld.idx.msk [tilespmem:v9+s25+$0x0], $0xffff;
	v2 =	vadd.f32 v3, v2;
	v3 =	vmul.f32 v6, v10  }
0x51b: {  	v6 =	vld.idx.msk [tilespmem:v9+s26+$0x0], $0xffff;
	v9 =	vor.u32 v43, v1  }
0x51c: {  	v10 =	vld.idx.msk [tilespmem:v8+s25+$0x0], $0xffff;
	v2 =	vadd.f32 v3, v2;
	v3 =	vmul.f32 v7, v11  }
0x51d: {  	v7 =	vld.idx.msk [tilespmem:v8+s26+$0x0], $0xffff;
	v8 =	vor.u32 v51, v1  }
0x51e: {  	v11 =	vld.idx.msk [tilespmem:v5+s25+$0x0], $0xffff;
	v2 =	vadd.f32 v3, v2;
	v3 =	vmul.f32 v4, v12  }
0x51f: {  	v4 =	vld.idx.msk [tilespmem:v5+s26+$0x0], $0xffff;
	v5 =	vor.u32 v52, v1  }
0x520: {  	v12 =	vld.idx.msk [tilespmem:v9+s25+$0x0], $0xffff;
	v2 =	vadd.f32 v3, v2;
	v3 =	vmul.f32 v6, v13  }
0x521: {  	v6 =	vld.idx.msk [tilespmem:v9+s26+$0x0], $0xffff;
	v9 =	vor.u32 v37, v1  }
0x522: {  	v13 =	vld.idx.msk [tilespmem:v8+s25+$0x0], $0xffff;
	v2 =	vadd.f32 v3, v2;
	v3 =	vmul.f32 v7, v10  }
0x523: {  	v7 =	vld.idx.msk [tilespmem:v8+s26+$0x0], $0xffff;
	v8 =	vor.u32 v38, v1  }
0x524: {  	v10 =	vld.idx.msk [tilespmem:v5+s25+$0x0], $0xffff;
	v2 =	vadd.f32 v3, v2;
	v3 =	vmul.f32 v4, v11  }
0x525: {  	v4 =	vld.idx.msk [tilespmem:v5+s26+$0x0], $0xffff;
	v5 =	vor.u32 v40, v1  }
0x526: {  	v11 =	vld.idx.msk [tilespmem:v9+s25+$0x0], $0xffff;
	v2 =	vadd.f32 v3, v2;
	v3 =	vmul.f32 v6, v12  }
0x527: {  	v6 =	vld.idx.msk [tilespmem:v9+s26+$0x0], $0xffff;
	v9 =	vor.u32 v41, v1  }
0x528: {  	v12 =	vld.idx.msk [tilespmem:v8+s25+$0x0], $0xffff;
	v2 =	vadd.f32 v3, v2;
	v3 =	vmul.f32 v7, v13  }
0x529: {  	v7 =	vld.idx.msk [tilespmem:v8+s26+$0x0], $0xffff;
	v8 =	vor.u32 v47, v1  }
0x52a: {  	v13 =	vld.idx.msk [tilespmem:v5+s25+$0x0], $0xffff;
	v2 =	vadd.f32 v3, v2;
	v3 =	vmul.f32 v4, v10  }
0x52b: {  	v4 =	vld.idx.msk [tilespmem:v5+s26+$0x0], $0xffff;
	v5 =	vor.u32 v48, v1  }
0x52c: {  	v10 =	vld.idx.msk [tilespmem:v9+s25+$0x0], $0xffff;
	v2 =	vadd.f32 v3, v2;
	v3 =	vmul.f32 v6, v11  }
0x52d: {  	v6 =	vld.idx.msk [tilespmem:v9+s26+$0x0], $0xffff;
	v9 =	vor.u32 v59, v1  }
0x52e: {  	v11 =	vld.idx.msk [tilespmem:v8+s25+$0x0], $0xffff;
	v2 =	vadd.f32 v3, v2;
	v3 =	vmul.f32 v7, v12  }
0x52f: {  	v7 =	vld.idx.msk [tilespmem:v8+s26+$0x0], $0xffff;
	v8 =	vor.u32 v61, v1  }
0x530: {  	v12 =	vld.idx.msk [tilespmem:v5+s25+$0x0], $0xffff;
	v2 =	vadd.f32 v3, v2;
	v3 =	vmul.f32 v4, v13  }
0x531: {  	v4 =	vld.idx.msk [tilespmem:v5+s26+$0x0], $0xffff;
	v5 =	vor.u32 v44, v1  }
0x532: {  	v13 =	vld.idx.msk [tilespmem:v9+s25+$0x0], $0xffff;
	v2 =	vadd.f32 v3, v2;
	v3 =	vmul.f32 v6, v10  }
0x533: {  	v6 =	vld.idx.msk [tilespmem:v9+s26+$0x0], $0xffff;
	v9 =	vor.u32 v45, v1  }
0x534: {  	v10 =	vld.idx.msk [tilespmem:v8+s25+$0x0], $0xffff;
	v2 =	vadd.f32 v3, v2;
	v3 =	vmul.f32 v7, v11  }
0x535: {  	v7 =	vld.idx.msk [tilespmem:v8+s26+$0x0], $0xffff;
	v8 =	vor.u32 v62, v1  }
0x536: {  	v11 =	vld.idx.msk [tilespmem:v5+s25+$0x0], $0xffff;
	v2 =	vadd.f32 v3, v2;
	v3 =	vmul.f32 v4, v12  }
0x537: {  	v4 =	vld.idx.msk [tilespmem:v5+s26+$0x0], $0xffff;
	v5 =	vor.u32 v50, v1  }
0x538: {  	v12 =	vld.idx.msk [tilespmem:v9+s25+$0x0], $0xffff;
	v2 =	vadd.f32 v3, v2;
	v3 =	vmul.f32 v6, v13  }
0x539: {  	v6 =	vld.idx.msk [tilespmem:v9+s26+$0x0], $0xffff;
	v9 =	vor.u32 v63, v1  }
0x53a: {  	v13 =	vld.idx.msk [tilespmem:v8+s25+$0x0], $0xffff;
	v2 =	vadd.f32 v3, v2;
	v3 =	vmul.f32 v7, v10  }
0x53b: {  	v7 =	vld.idx.msk [tilespmem:v8+s26+$0x0], $0xffff;
	v8 =	vor.u32 v46, v1  }
0x53c: {  	v10 =	vld.idx.msk [tilespmem:v5+s25+$0x0], $0xffff;
	v2 =	vadd.f32 v3, v2;
	v3 =	vmul.f32 v4, v11  }
0x53d: {  	v4 =	vld.idx.msk [tilespmem:v5+s26+$0x0], $0xffff;
	v5 =	vor.u32 v49, v1  }
0x53e: {  	v11 =	vld.idx.msk [tilespmem:v9+s25+$0x0], $0xffff;
	v2 =	vadd.f32 v3, v2;
	v3 =	vmul.f32 v6, v12  }
0x53f: {  	v6 =	vld.idx.msk [tilespmem:v9+s26+$0x0], $0xffff;
	v9 =	vor.u32 v60, v1  }
0x540: {  	v12 =	vld.idx.msk [tilespmem:v8+s25+$0x0], $0xffff;
	v2 =	vadd.f32 v3, v2;
	v3 =	vmul.f32 v7, v13  }
0x541: {  	v7 =	vld.idx.msk [tilespmem:v8+s26+$0x0], $0xffff;
	v8 =	vor.u32 v53, v1  }
0x542: {  	v13 =	vld.idx.msk [tilespmem:v5+s25+$0x0], $0xffff;
	v2 =	vadd.f32 v3, v2;
	v3 =	vmul.f32 v4, v10  }
0x543: {  	v4 =	vld.idx.msk [tilespmem:v5+s26+$0x0], $0xffff;
	v5 =	vor.u32 v54, v1  }
0x544: {  	v10 =	vld.idx.msk [tilespmem:v9+s25+$0x0], $0xffff;
	v2 =	vadd.f32 v3, v2;
	v3 =	vmul.f32 v6, v11  }
0x545: {  	v6 =	vld.idx.msk [tilespmem:v9+s26+$0x0], $0xffff;
	v9 =	vor.u32 v0, v1  }
0x546: {  	v11 =	vld.idx.msk [tilespmem:v8+s25+$0x0], $0xffff;
	v2 =	vadd.f32 v3, v2;
	v3 =	vmul.f32 v7, v12  }
0x547: {  	v7 =	vld.idx.msk [tilespmem:v8+s26+$0x0], $0xffff;
	v8 =	vor.u32 v55, v1  }
0x548: {  	v12 =	vld.idx.msk [tilespmem:v5+s25+$0x0], $0xffff;
	v2 =	vadd.f32 v3, v2;
	v3 =	vmul.f32 v4, v13  }
0x549: {  	v4 =	vld.idx.msk [tilespmem:v5+s26+$0x0], $0xffff;
	v5 =	vor.u32 v56, v1  }
0x54a: {  	v13 =	vld.idx.msk [tilespmem:v9+s25+$0x0], $0xffff;
	v2 =	vadd.f32 v3, v2;
	v3 =	vmul.f32 v6, v10  }
0x54b: {  	v6 =	vld.idx.msk [tilespmem:v9+s26+$0x0], $0xffff;
	v9 =	vor.u32 v57, v1  }
0x54c: {  	v10 =	vld.idx.msk [tilespmem:v8+s25+$0x0], $0xffff;
	v2 =	vadd.f32 v3, v2;
	v3 =	vmul.f32 v7, v11  }
0x54d: {  	v1 =	vor.u32 v58, v1;
	v7 =	vld.idx.msk [tilespmem:v8+s26+$0x0], $0xffff  }
0x54e: {  	v8 =	vld.idx.msk [tilespmem:v5+s25+$0x0], $0xffff;
	v2 =	vadd.f32 v3, v2;
	v3 =	vmul.f32 v4, v12  }
0x54f: {  	v4 =	vld.idx.msk [tilespmem:v5+s26+$0x0], $0xffff  }
0x550: {  	v5 =	vld.idx.msk [tilespmem:v9+s25+$0x0], $0xffff;
	v2 =	vadd.f32 v3, v2;
	v3 =	vmul.f32 v6, v13  }
0x551: {  	v6 =	vld.idx.msk [tilespmem:v9+s26+$0x0], $0xffff  }
0x552: {  	v9 =	vld.idx.msk [tilespmem:v1+s25+$0x0], $0xffff;
	v2 =	vadd.f32 v3, v2;
	v3 =	vmul.f32 v7, v10  }
0x553: {  	p0 =	sne.s32 s22, $0xF0;
	v7 =	vld.idx.msk [tilespmem:v1+s26+$0x0], $0xffff  }
.Ltmp1:
0x554: {  	v1 =	vadd.f32 v3, v2;
	v2 =	vmul.f32 v4, v8;
	(pc) =	sbr.rel @p0 .LBB2_4-.Ltmp1, $4  }
0x555: {  	v3 =	vmov s22  }
0x556: {  	v3 =	vshll.u32 v3, $0x6;
	v5 =	vmul.f32 v6, v5;
	v4 =	vadd.f32 v2, v1  }
0x557: {  	v1 =	vor.u32 v14, v3  }
0x558: {  	s22 =	sadd.s32 $0x10, s22;
	v2 =	vor.u32 v15, v1;
	v3 =	vadd.f32 v5, v4;
	v4 =	vmul.f32 v7, v9  }
0x559: {  	v11 =	vld [tilespmem:$0x1FCF0]  }
0x55a: {  	v7 =	vld [tilespmem:$0x1FD00];
	v3 =	vadd.f32 v4, v3  }
0x55b: {  	v5 =	vlaneseq.u32;
	s16 =	sadd.s32 $0x10, s16;
	v10 =	vld [tilespmem:$0x1FD10]  }
0x55c: {  	s18 =	sadd.s32 $0x10, s18;
	v12 =	vld [tilespmem:$0x1FD20];
	v5 =	vor.u32 v5, v1;
	[tilespmem:s16+$0x0] =	vst v3  }
0x55d: {  	s22 =	sadd.s32 $0x10, s20;
	v3 =	vld [tilespmem:s18+$0x0]  }
0x55e: {  	v8 =	vld [tilespmem:s22+$0x0];
	v4 =	vor.u32 v11, v1  }
0x55f: {  	v9 =	vld.idx.msk [tilespmem:v2+s25+$0x0], $0xffff  }
0x560: {  	v2 =	vld.idx.msk [tilespmem:v2+s26+$0x0], $0xffff;
	v7 =	vor.u32 v7, v1  }
0x561: {  	v10 =	vor.u32 v10, v1;
	v6 =	vld.idx.msk [tilespmem:v5+s25+$0x0], $0xffff  }
0x562: {  	v5 =	vld.idx.msk [tilespmem:v5+s26+$0x0], $0xffff  }
0x563: {  	v11 =	vld.idx.msk [tilespmem:v4+s25+$0x0], $0xffff  }
0x564: {  	v4 =	vld.idx.msk [tilespmem:v4+s26+$0x0], $0xffff  }
0x565: {  	v3 =	vadd.f32 v3, v8;
	v8 =	vld.idx.msk [tilespmem:v7+s25+$0x0], $0xffff  }
0x566: {  	v12 =	vor.u32 v12, v1;
	v2 =	vmul.f32 v2, v9;
	v9 =	vld.idx.msk [tilespmem:v10+s26+$0x0], $0xffff  }
0x567: {  	v5 =	vmul.f32 v5, v6;
	v6 =	vld.idx.msk [tilespmem:v7+s26+$0x0], $0xffff  }
0x568: {  	v7 =	vld [tilespmem:$0x1FD30]  }
0x569: {  	v3 =	vadd.f32 v5, v3;
	v5 =	vld.idx.msk [tilespmem:v10+s25+$0x0], $0xffff  }
0x56a: {  	v10 =	vld [tilespmem:$0x1FD40]  }
0x56b: {  	v2 =	vadd.f32 v2, v3;
	v3 =	vld.idx.msk [tilespmem:v12+s25+$0x0], $0xffff  }
0x56c: {  	v4 =	vmul.f32 v4, v11;
	v11 =	vld.idx.msk [tilespmem:v12+s26+$0x0], $0xffff  }
0x56d: {  	v12 =	vld [tilespmem:$0x1FD50];
	v7 =	vor.u32 v7, v1;
	_ =	sdelay $0x1  }
0x56e: {  	v10 =	vor.u32 v10, v1;
	_ =	sdelay $0x1  }
0x56f: {  	v6 =	vmul.f32 v6, v8;
	v8 =	vld [tilespmem:$0x1FD60]  }
0x570: {  	v2 =	vadd.f32 v4, v2;
	v12 =	vor.u32 v12, v1;
	v4 =	vld.idx.msk [tilespmem:v7+s25+$0x0], $0xffff  }
0x571: {  	v7 =	vld.idx.msk [tilespmem:v7+s26+$0x0], $0xffff  }
0x572: {  	v2 =	vadd.f32 v6, v2;
	v6 =	vld.idx.msk [tilespmem:v10+s25+$0x0], $0xffff  }
0x573: {  	v5 =	vmul.f32 v9, v5;
	v9 =	vld.idx.msk [tilespmem:v10+s26+$0x0], $0xffff  }
0x574: {  	v10 =	vld [tilespmem:$0x1FD70]  }
0x575: {  	v2 =	vadd.f32 v5, v2;
	v5 =	vld.idx.msk [tilespmem:v12+s25+$0x0], $0xffff  }
0x576: {  	v3 =	vmul.f32 v11, v3;
	v8 =	vor.u32 v8, v1;
	v11 =	vld.idx.msk [tilespmem:v12+s26+$0x0], $0xffff  }
0x577: {  	v12 =	vld [tilespmem:$0x1FD80];
	_ =	sdelay $0x1  }
0x578: {  	v10 =	vor.u32 v10, v1;
	_ =	sdelay $0x1  }
0x579: {  	v2 =	vadd.f32 v3, v2;
	v3 =	vld.idx.msk [tilespmem:v8+s25+$0x0], $0xffff  }
0x57a: {  	v4 =	vmul.f32 v7, v4;
	v7 =	vld.idx.msk [tilespmem:v8+s26+$0x0], $0xffff;
	v12 =	vor.u32 v12, v1  }
0x57b: {  	v8 =	vld [tilespmem:$0x1FD90]  }
0x57c: {  	v2 =	vadd.f32 v4, v2;
	v4 =	vld.idx.msk [tilespmem:v10+s25+$0x0], $0xffff  }
0x57d: {  	v6 =	vmul.f32 v9, v6;
	v9 =	vld.idx.msk [tilespmem:v10+s26+$0x0], $0xffff  }
0x57e: {  	v10 =	vld [tilespmem:$0x1FDA0]  }
0x57f: {  	v2 =	vadd.f32 v6, v2;
	v6 =	vld.idx.msk [tilespmem:v12+s25+$0x0], $0xffff  }
0x580: {  	v5 =	vmul.f32 v11, v5;
	v11 =	vld.idx.msk [tilespmem:v12+s26+$0x0], $0xffff  }
0x581: {  	v12 =	vld [tilespmem:$0x1FDB0]  }
0x582: {  	v8 =	vor.u32 v8, v1;
	_ =	sdelay $0x1  }
0x583: {  	v10 =	vor.u32 v10, v1;
	_ =	sdelay $0x1  }
0x584: {  	v12 =	vor.u32 v12, v1  }
0x585: {  	v3 =	vmul.f32 v7, v3;
	v2 =	vadd.f32 v5, v2;
	v5 =	vld.idx.msk [tilespmem:v8+s25+$0x0], $0xffff  }
0x586: {  	v7 =	vld.idx.msk [tilespmem:v8+s26+$0x0], $0xffff;
	v8 =	vor.u32 v29, v1  }
0x587: {  	v2 =	vadd.f32 v3, v2;
	v4 =	vmul.f32 v9, v4;
	v3 =	vld.idx.msk [tilespmem:v10+s25+$0x0], $0xffff  }
0x588: {  	v9 =	vld.idx.msk [tilespmem:v10+s26+$0x0], $0xffff;
	v10 =	vor.u32 v30, v1  }
0x589: {  	v2 =	vadd.f32 v4, v2;
	v6 =	vmul.f32 v11, v6;
	v4 =	vld.idx.msk [tilespmem:v12+s25+$0x0], $0xffff  }
0x58a: {  	v11 =	vld.idx.msk [tilespmem:v12+s26+$0x0], $0xffff;
	v12 =	vor.u32 v16, v1  }
0x58b: {  	v5 =	vmul.f32 v7, v5;
	v7 =	vld.idx.msk [tilespmem:v8+s26+$0x0], $0xffff;
	v2 =	vadd.f32 v6, v2  }
0x58c: {  	v6 =	vld.idx.msk [tilespmem:v8+s25+$0x0], $0xffff;
	v8 =	vor.u32 v31, v1  }
0x58d: {  	v2 =	vadd.f32 v5, v2;
	v5 =	vld.idx.msk [tilespmem:v10+s25+$0x0], $0xffff;
	v3 =	vmul.f32 v9, v3  }
0x58e: {  	v9 =	vld.idx.msk [tilespmem:v10+s26+$0x0], $0xffff;
	v10 =	vor.u32 v17, v1  }
0x58f: {  	v2 =	vadd.f32 v3, v2;
	v3 =	vld.idx.msk [tilespmem:v12+s25+$0x0], $0xffff;
	v4 =	vmul.f32 v11, v4  }
0x590: {  	v11 =	vld.idx.msk [tilespmem:v12+s26+$0x0], $0xffff;
	v12 =	vor.u32 v32, v1  }
0x591: {  	v6 =	vmul.f32 v7, v6;
	v7 =	vld.idx.msk [tilespmem:v8+s26+$0x0], $0xffff;
	v2 =	vadd.f32 v4, v2  }
0x592: {  	v4 =	vld.idx.msk [tilespmem:v8+s25+$0x0], $0xffff;
	v8 =	vor.u32 v18, v1  }
0x593: {  	v5 =	vmul.f32 v9, v5;
	v9 =	vld.idx.msk [tilespmem:v10+s26+$0x0], $0xffff;
	v2 =	vadd.f32 v6, v2  }
0x594: {  	v6 =	vld.idx.msk [tilespmem:v10+s25+$0x0], $0xffff;
	v10 =	vor.u32 v33, v1  }
0x595: {  	v3 =	vmul.f32 v11, v3;
	v11 =	vld.idx.msk [tilespmem:v12+s26+$0x0], $0xffff;
	v2 =	vadd.f32 v5, v2  }
0x596: {  	v5 =	vld.idx.msk [tilespmem:v12+s25+$0x0], $0xffff;
	v12 =	vor.u32 v19, v1  }
0x597: {  	v4 =	vmul.f32 v7, v4;
	v7 =	vld.idx.msk [tilespmem:v8+s26+$0x0], $0xffff;
	v2 =	vadd.f32 v3, v2  }
0x598: {  	v3 =	vld.idx.msk [tilespmem:v8+s25+$0x0], $0xffff;
	v8 =	vor.u32 v34, v1  }
0x599: {  	v6 =	vmul.f32 v9, v6;
	v9 =	vld.idx.msk [tilespmem:v10+s26+$0x0], $0xffff;
	v2 =	vadd.f32 v4, v2  }
0x59a: {  	v4 =	vld.idx.msk [tilespmem:v10+s25+$0x0], $0xffff;
	v10 =	vor.u32 v20, v1  }
0x59b: {  	v5 =	vmul.f32 v11, v5;
	v11 =	vld.idx.msk [tilespmem:v12+s26+$0x0], $0xffff;
	v2 =	vadd.f32 v6, v2  }
0x59c: {  	v6 =	vld.idx.msk [tilespmem:v12+s25+$0x0], $0xffff;
	v12 =	vor.u32 v21, v1  }
0x59d: {  	v3 =	vmul.f32 v7, v3;
	v7 =	vld.idx.msk [tilespmem:v8+s26+$0x0], $0xffff;
	v2 =	vadd.f32 v5, v2  }
0x59e: {  	v5 =	vld.idx.msk [tilespmem:v8+s25+$0x0], $0xffff;
	v8 =	vor.u32 v35, v1  }
0x59f: {  	v4 =	vmul.f32 v9, v4;
	v9 =	vld.idx.msk [tilespmem:v10+s26+$0x0], $0xffff;
	v2 =	vadd.f32 v3, v2  }
0x5a0: {  	v3 =	vld.idx.msk [tilespmem:v10+s25+$0x0], $0xffff;
	v10 =	vor.u32 v22, v1  }
0x5a1: {  	v6 =	vmul.f32 v11, v6;
	v11 =	vld.idx.msk [tilespmem:v12+s26+$0x0], $0xffff;
	v2 =	vadd.f32 v4, v2  }
0x5a2: {  	v4 =	vld.idx.msk [tilespmem:v12+s25+$0x0], $0xffff;
	v12 =	vor.u32 v36, v1  }
0x5a3: {  	v5 =	vmul.f32 v7, v5;
	v7 =	vld.idx.msk [tilespmem:v8+s26+$0x0], $0xffff;
	v2 =	vadd.f32 v6, v2  }
0x5a4: {  	v6 =	vld.idx.msk [tilespmem:v8+s25+$0x0], $0xffff;
	v8 =	vor.u32 v23, v1  }
0x5a5: {  	v3 =	vmul.f32 v9, v3;
	v9 =	vld.idx.msk [tilespmem:v10+s26+$0x0], $0xffff;
	v2 =	vadd.f32 v5, v2  }
0x5a6: {  	v5 =	vld.idx.msk [tilespmem:v10+s25+$0x0], $0xffff;
	v10 =	vor.u32 v24, v1  }
0x5a7: {  	v4 =	vmul.f32 v11, v4;
	v11 =	vld.idx.msk [tilespmem:v12+s26+$0x0], $0xffff;
	v2 =	vadd.f32 v3, v2  }
0x5a8: {  	v3 =	vld.idx.msk [tilespmem:v12+s25+$0x0], $0xffff;
	v12 =	vor.u32 v25, v1  }
0x5a9: {  	v6 =	vmul.f32 v7, v6;
	v7 =	vld.idx.msk [tilespmem:v8+s26+$0x0], $0xffff;
	v2 =	vadd.f32 v4, v2  }
0x5aa: {  	v4 =	vld.idx.msk [tilespmem:v8+s25+$0x0], $0xffff;
	v8 =	vor.u32 v26, v1  }
0x5ab: {  	v5 =	vmul.f32 v9, v5;
	v9 =	vld.idx.msk [tilespmem:v10+s26+$0x0], $0xffff;
	v2 =	vadd.f32 v6, v2  }
0x5ac: {  	v6 =	vld.idx.msk [tilespmem:v10+s25+$0x0], $0xffff;
	v10 =	vor.u32 v27, v1  }
0x5ad: {  	v3 =	vmul.f32 v11, v3;
	v11 =	vld.idx.msk [tilespmem:v12+s26+$0x0], $0xffff;
	v2 =	vadd.f32 v5, v2  }
0x5ae: {  	v5 =	vld.idx.msk [tilespmem:v12+s25+$0x0], $0xffff;
	v12 =	vor.u32 v28, v1  }
0x5af: {  	v4 =	vmul.f32 v7, v4;
	v7 =	vld.idx.msk [tilespmem:v8+s26+$0x0], $0xffff;
	v2 =	vadd.f32 v3, v2  }
0x5b0: {  	v3 =	vld.idx.msk [tilespmem:v8+s25+$0x0], $0xffff;
	v8 =	vor.u32 v39, v1  }
0x5b1: {  	v6 =	vmul.f32 v9, v6;
	v9 =	vld.idx.msk [tilespmem:v10+s26+$0x0], $0xffff;
	v2 =	vadd.f32 v4, v2  }
0x5b2: {  	v4 =	vld.idx.msk [tilespmem:v10+s25+$0x0], $0xffff;
	v10 =	vor.u32 v42, v1  }
0x5b3: {  	v5 =	vmul.f32 v11, v5;
	v11 =	vld.idx.msk [tilespmem:v12+s26+$0x0], $0xffff;
	v2 =	vadd.f32 v6, v2  }
0x5b4: {  	v6 =	vld.idx.msk [tilespmem:v12+s25+$0x0], $0xffff;
	v12 =	vor.u32 v43, v1  }
0x5b5: {  	v3 =	vmul.f32 v7, v3;
	v7 =	vld.idx.msk [tilespmem:v8+s26+$0x0], $0xffff;
	v2 =	vadd.f32 v5, v2  }
0x5b6: {  	v5 =	vld.idx.msk [tilespmem:v8+s25+$0x0], $0xffff;
	v8 =	vor.u32 v51, v1  }
0x5b7: {  	v4 =	vmul.f32 v9, v4;
	v9 =	vld.idx.msk [tilespmem:v10+s26+$0x0], $0xffff;
	v2 =	vadd.f32 v3, v2  }
0x5b8: {  	v3 =	vld.idx.msk [tilespmem:v10+s25+$0x0], $0xffff;
	v10 =	vor.u32 v52, v1  }
0x5b9: {  	v6 =	vmul.f32 v11, v6;
	v11 =	vld.idx.msk [tilespmem:v12+s26+$0x0], $0xffff;
	v2 =	vadd.f32 v4, v2  }
0x5ba: {  	v4 =	vld.idx.msk [tilespmem:v12+s25+$0x0], $0xffff;
	v12 =	vor.u32 v37, v1  }
0x5bb: {  	v5 =	vmul.f32 v7, v5;
	v7 =	vld.idx.msk [tilespmem:v8+s26+$0x0], $0xffff;
	v2 =	vadd.f32 v6, v2  }
0x5bc: {  	v6 =	vld.idx.msk [tilespmem:v8+s25+$0x0], $0xffff;
	v8 =	vor.u32 v38, v1  }
0x5bd: {  	v3 =	vmul.f32 v9, v3;
	v9 =	vld.idx.msk [tilespmem:v10+s26+$0x0], $0xffff;
	v2 =	vadd.f32 v5, v2  }
0x5be: {  	v5 =	vld.idx.msk [tilespmem:v10+s25+$0x0], $0xffff;
	v10 =	vor.u32 v40, v1  }
0x5bf: {  	v4 =	vmul.f32 v11, v4;
	v11 =	vld.idx.msk [tilespmem:v12+s26+$0x0], $0xffff;
	v2 =	vadd.f32 v3, v2  }
0x5c0: {  	v3 =	vld.idx.msk [tilespmem:v12+s25+$0x0], $0xffff;
	v12 =	vor.u32 v41, v1  }
0x5c1: {  	v6 =	vmul.f32 v7, v6;
	v7 =	vld.idx.msk [tilespmem:v8+s26+$0x0], $0xffff;
	v2 =	vadd.f32 v4, v2  }
0x5c2: {  	v4 =	vld.idx.msk [tilespmem:v8+s25+$0x0], $0xffff;
	v8 =	vor.u32 v47, v1  }
0x5c3: {  	v5 =	vmul.f32 v9, v5;
	v9 =	vld.idx.msk [tilespmem:v10+s26+$0x0], $0xffff;
	v2 =	vadd.f32 v6, v2  }
0x5c4: {  	v6 =	vld.idx.msk [tilespmem:v10+s25+$0x0], $0xffff;
	v10 =	vor.u32 v48, v1  }
0x5c5: {  	v3 =	vmul.f32 v11, v3;
	v11 =	vld.idx.msk [tilespmem:v12+s26+$0x0], $0xffff;
	v2 =	vadd.f32 v5, v2  }
0x5c6: {  	v5 =	vld.idx.msk [tilespmem:v12+s25+$0x0], $0xffff;
	v12 =	vor.u32 v59, v1  }
0x5c7: {  	v4 =	vmul.f32 v7, v4;
	v7 =	vld.idx.msk [tilespmem:v8+s26+$0x0], $0xffff;
	v2 =	vadd.f32 v3, v2  }
0x5c8: {  	v3 =	vld.idx.msk [tilespmem:v8+s25+$0x0], $0xffff;
	v8 =	vor.u32 v61, v1  }
0x5c9: {  	v6 =	vmul.f32 v9, v6;
	v9 =	vld.idx.msk [tilespmem:v10+s26+$0x0], $0xffff;
	v2 =	vadd.f32 v4, v2  }
0x5ca: {  	v4 =	vld.idx.msk [tilespmem:v10+s25+$0x0], $0xffff;
	v10 =	vor.u32 v44, v1  }
0x5cb: {  	v5 =	vmul.f32 v11, v5;
	v11 =	vld.idx.msk [tilespmem:v12+s26+$0x0], $0xffff;
	v2 =	vadd.f32 v6, v2  }
0x5cc: {  	v6 =	vld.idx.msk [tilespmem:v12+s25+$0x0], $0xffff;
	v12 =	vor.u32 v45, v1  }
0x5cd: {  	v3 =	vmul.f32 v7, v3;
	v7 =	vld.idx.msk [tilespmem:v8+s26+$0x0], $0xffff;
	v2 =	vadd.f32 v5, v2  }
0x5ce: {  	v5 =	vld.idx.msk [tilespmem:v8+s25+$0x0], $0xffff;
	v8 =	vor.u32 v62, v1  }
0x5cf: {  	v4 =	vmul.f32 v9, v4;
	v9 =	vld.idx.msk [tilespmem:v10+s26+$0x0], $0xffff;
	v2 =	vadd.f32 v3, v2  }
0x5d0: {  	v3 =	vld.idx.msk [tilespmem:v10+s25+$0x0], $0xffff;
	v10 =	vor.u32 v50, v1  }
0x5d1: {  	v62 =	vld.idx.msk [tilespmem:v12+s26+$0x0], $0xffff;
	v2 =	vadd.f32 v4, v2;
	v4 =	vmul.f32 v11, v6  }
0x5d2: {  	v6 =	vld.idx.msk [tilespmem:v12+s25+$0x0], $0xffff;
	v12 =	vor.u32 v63, v1  }
0x5d3: {  	v63 =	vmul.f32 v7, v5;
	v5 =	vld.idx.msk [tilespmem:v8+s25+$0x0], $0xffff;
	v2 =	vadd.f32 v4, v2  }
0x5d4: {  	v7 =	vld.idx.msk [tilespmem:v8+s26+$0x0], $0xffff;
	v8 =	vor.u32 v46, v1  }
0x5d5: {  	v3 =	vmul.f32 v9, v3;
	v4 =	vld.idx.msk [tilespmem:v10+s25+$0x0], $0xffff;
	v2 =	vadd.f32 v63, v2  }
0x5d6: {  	v9 =	vld.idx.msk [tilespmem:v10+s26+$0x0], $0xffff;
	v10 =	vor.u32 v49, v1  }
0x5d7: {  	v62 =	vmul.f32 v62, v6;
	v63 =	vld.idx.msk [tilespmem:v12+s25+$0x0], $0xffff;
	v2 =	vadd.f32 v3, v2  }
0x5d8: {  	v46 =	vld.idx.msk [tilespmem:v12+s26+$0x0], $0xffff;
	v12 =	vor.u32 v60, v1  }
0x5d9: {  	v3 =	vld.idx.msk [tilespmem:v8+s25+$0x0], $0xffff;
	v5 =	vmul.f32 v7, v5;
	v2 =	vadd.f32 v62, v2  }
0x5da: {  	v60 =	vor.u32 v53, v1;
	v49 =	vld.idx.msk [tilespmem:v8+s26+$0x0], $0xffff  }
0x5db: {  	v4 =	vmul.f32 v9, v4;
	v9 =	vld.idx.msk [tilespmem:v10+s26+$0x0], $0xffff;
	v2 =	vadd.f32 v5, v2  }
0x5dc: {  	v62 =	vor.u32 v54, v1;
	v5 =	vld.idx.msk [tilespmem:v10+s25+$0x0], $0xffff  }
0x5dd: {  	v63 =	vmul.f32 v46, v63;
	v6 =	vld.idx.msk [tilespmem:v12+s25+$0x0], $0xffff;
	v2 =	vadd.f32 v4, v2  }
0x5de: {  	v0 =	vor.u32 v0, v1;
	v46 =	vld.idx.msk [tilespmem:v12+s26+$0x0], $0xffff  }
0x5df: {  	v3 =	vmul.f32 v49, v3;
	v49 =	vld.idx.msk [tilespmem:v60+s26+$0x0], $0xffff;
	v2 =	vadd.f32 v63, v2  }
0x5e0: {  	v4 =	vld.idx.msk [tilespmem:v60+s25+$0x0], $0xffff;
	v60 =	vor.u32 v55, v1  }
0x5e1: {  	v5 =	vmul.f32 v9, v5;
	v2 =	vadd.f32 v3, v2;
	v3 =	vld.idx.msk [tilespmem:v62+s25+$0x0], $0xffff  }
0x5e2: {  	v63 =	vor.u32 v56, v1;
	v62 =	vld.idx.msk [tilespmem:v62+s26+$0x0], $0xffff  }
0x5e3: {  	v6 =	vmul.f32 v46, v6;
	v2 =	vadd.f32 v5, v2;
	v5 =	vld.idx.msk [tilespmem:v0+s25+$0x0], $0xffff  }
0x5e4: {  	v46 =	vor.u32 v57, v1;
	v0 =	vld.idx.msk [tilespmem:v0+s26+$0x0], $0xffff  }
0x5e5: {  	v4 =	vmul.f32 v49, v4;
	v49 =	vld.idx.msk [tilespmem:v60+s25+$0x0], $0xffff;
	v2 =	vadd.f32 v6, v2  }
0x5e6: {  	v1 =	vor.u32 v58, v1;
	v60 =	vld.idx.msk [tilespmem:v60+s26+$0x0], $0xffff  }
0x5e7: {  	v3 =	vmul.f32 v62, v3;
	v62 =	vld.idx.msk [tilespmem:v63+s25+$0x0], $0xffff;
	v2 =	vadd.f32 v4, v2  }
0x5e8: {  	v63 =	vld.idx.msk [tilespmem:v63+s26+$0x0], $0xffff  }
0x5e9: {  	v10 =	vld.idx.msk [tilespmem:v46+s25+$0x0], $0xffff;
	v0 =	vmul.f32 v0, v5;
	v2 =	vadd.f32 v3, v2  }
0x5ea: {  	v46 =	vld.idx.msk [tilespmem:v46+s26+$0x0], $0xffff  }
0x5eb: {  	v49 =	vmul.f32 v60, v49;
	v60 =	vld.idx.msk [tilespmem:v1+s25+$0x0], $0xffff;
	v0 =	vadd.f32 v0, v2  }
0x5ec: {  	v1 =	vld.idx.msk [tilespmem:v1+s26+$0x0], $0xffff  }
0x5ed: {  	v62 =	vmul.f32 v63, v62;
	v0 =	vadd.f32 v49, v0;
	_ =	sdelay $0x1  }
0x5ee: {  	v63 =	vmul.f32 v46, v10;
	v0 =	vadd.f32 v62, v0;
	_ =	sdelay $0x1  }
0x5ef: {  	v1 =	vmul.f32 v1, v60;
	v0 =	vadd.f32 v63, v0;
	_ =	sdelay $0x1  }
0x5f0: {  	s14 =	sadd.s32 $0x1, s14;
	v0 =	vadd.f32 v1, v0  }
0x5f1: {  	p0 =	sne.s32 s14, s10;
	s16 =	sadd.s32 $0x10, s16  }
.Ltmp2:
0x5f2: {  	[tilespmem:s16+$0x0] =	vst v0;
	(pc) =	sbr.rel @p0 .LBB2_1-.Ltmp2, $4  }
0x5f3: {  	[hbm4b:s9+s2] =	stream.linear.scatter [tilespmem:s1], [sflag:$0x4], $0x200, $0x38;
	[tilespmem:$0x8A00] =	vst v63  }
0x5f4: {  	_ =	swait.ge [sflag:s11], $0x200  }
0x5f5: {  	[sflag:s11] =	ssyncset.done $0x0  }
0x5f6: {  	[sflag:s11] =	ssyncadd.s32 $0xFFFFFE00  }
0x5f7: {  	_ =	sfence.sel $0x180000  }
0x5f8: {  	[bflag:$0x0] =	sbarrier.arrive $0xFFFF  }
0x5f9: {  	_ =	strace $0x90000047  }
0x5fa: {  	s0 =	stileid.u32;
	[bflag:$0x2] =	sbarrier.arrive $0xFFFF  }
0x5fb: {  	p0 =	sne.s32 s0, $0x0;
	s0 =	rddreg [dreg:$0x2]  }
0x5fc: {  	s0 =	sadd.s32 @!p0 $0x100000, s0  }
0x5fd: {  	[sflag:s0] =	ssyncadd.tile.s32 @!p0 $0x1;
	_ =	shalt  }
.Lfunc_end2:
_tile_overlayer_lowered:
.L_overlay_start_2:
0x5fe: {  	(tag) =	ssettag $0x2  }
0x5ff: {  	s0 =	rddreg [dreg:$0x0];
	s2 =	stileid.u32  }
0x600: {  	s1 =	rddreg [dreg:$0x1];
	p0 =	sne.s32 s2, $0x0  }
0x601: {  	s3 =	rddreg [dreg:$0x2];
	[bflag:$0x3] =	sbarrier.arrive $0xFFFF;
	s2 =	simm.s32 @!p0 $0x1C04  }
0x602: {  	[timem:s3], [sflag:s2] =	dma.local @!p0 [hbm:s0], s1  }
0x603: {  	s0 =	simm.s32 @!p0 $0x4  }
0x604: {  	_ =	swait.ge @!p0 [sflag:s0], s1  }
0x605: {  	s1 =	ssub.s32 @!p0 $0x0, s1;
	[sflag:s0] =	ssyncset.done @!p0 $0x0  }
0x606: {  	[sflag:s0] =	ssyncadd.s32 @!p0 s1  }
0x607: {  	[bflag:$0x3] =	sbarrier.arrive $0xFFFF  }
0x608: {  	_ =	shalt  }

</sc_bundles>
